<compile_context>
chip_gen: v7x
topology: tpu7x:2x2x1
jax: 0.10.2.dev20260603
libtpu: 0.0.44.dev20260713+nightly
codegen_flags: <defaults>
</compile_context>

<pallas_src>
import functools

import jax
import jax.numpy as jnp
from jax import lax
from jax.experimental import pallas as pl
from jax.experimental.pallas import tpu as pltpu
from jax.experimental.pallas import tpu_sc as plsc

M, C, F, K = 2, 128, 10000, 16
R = M * F

NC, NS = 2, 16
NW = NC * NS
LANES = 16
CG = C // LANES

FACES_PER_W = R // NW
CHUNK_FACES = 25
NCHUNK = FACES_PER_W // CHUNK_FACES
ROWS_PER_CHUNK = CHUNK_FACES * K
GATHER_ROWS = 100
NGATHER = ROWS_PER_CHUNK // GATHER_ROWS

RB = 2000
NB = R // RB


def _sc_gather_sum(table, idx2d):
    mesh = plsc.VectorSubcoreMesh(core_axis_name="c", subcore_axis_name="s")

    @functools.partial(
        pl.kernel,
        out_type=jax.ShapeDtypeStruct((R, C), jnp.float32),
        mesh=mesh,
        scratch_types=[
            pltpu.VMEM((2, NGATHER, GATHER_ROWS), jnp.int32),
            pltpu.VMEM((2, ROWS_PER_CHUNK, C), jnp.float32),
            pltpu.VMEM((2, CHUNK_FACES, C), jnp.float32),
            pltpu.SemaphoreType.DMA((2,)),
            pltpu.SemaphoreType.DMA((2,)),
            pltpu.SemaphoreType.DMA((2,)),
        ],
        compiler_params=pltpu.CompilerParams(use_tc_tiling_on_sc=False),
    )
    def gather_sum(table_hbm, idx_hbm, out_hbm, idx_v, rows_v, acc_v,
                   isem, gsem, wsem):
        cid = lax.axis_index("c")
        wid = cid * NS + lax.axis_index("s")

        def fire_idx(ch, slot):
            irow0 = (wid * NCHUNK + ch) * NGATHER
            pltpu.async_copy(idx_hbm.at[pl.ds(irow0, NGATHER)],
                             idx_v.at[slot], isem.at[slot])

        def wait_idx(slot):
            pltpu.make_async_copy(idx_hbm.at[pl.ds(0, NGATHER)],
                                  idx_v.at[slot], isem.at[slot]).wait()

        def fire_gathers(slot):
            for j in range(NGATHER):
                pltpu.async_copy(
                    table_hbm.at[cid].at[idx_v.at[slot].at[j]],
                    rows_v.at[slot].at[pl.ds(j * GATHER_ROWS, GATHER_ROWS)],
                    gsem.at[slot],
                )

        def wait_gathers(slot):
            for j in range(NGATHER):
                pltpu.make_async_copy(
                    table_hbm.at[0].at[pl.ds(0, GATHER_ROWS)],
                    rows_v.at[slot].at[pl.ds(j * GATHER_ROWS, GATHER_ROWS)],
                    gsem.at[slot],
                ).wait()

        def fire_write(ch, slot):
            face0 = wid * FACES_PER_W + ch * CHUNK_FACES
            pltpu.async_copy(acc_v.at[slot],
                             out_hbm.at[pl.ds(face0, CHUNK_FACES)],
                             wsem.at[slot])

        def wait_write(slot):
            pltpu.make_async_copy(acc_v.at[slot],
                                  out_hbm.at[pl.ds(0, CHUNK_FACES)],
                                  wsem.at[slot]).wait()

        def compute(slot):
            rows = rows_v.at[slot]
            acc_s = acc_v.at[slot]

            @plsc.parallel_loop(0, CHUNK_FACES, unroll=4)
            def face_body(f):
                base = f * K
                for g in range(CG):
                    acc = rows[base, pl.ds(g * LANES, LANES)]
                    for r_ in range(1, K):
                        acc = acc + rows[base + r_, pl.ds(g * LANES, LANES)]
                    acc_s[f, pl.ds(g * LANES, LANES)] = acc

        fire_idx(0, 0)
        wait_idx(0)
        fire_gathers(0)
        fire_idx(1, 1)

        def chunk_body(ch, carry):
            slot = lax.rem(ch, 2)
            nslot = 1 - slot
            wait_gathers(slot)

            @pl.when(ch + 1 < NCHUNK)
            def _():
                wait_idx(nslot)
                fire_gathers(nslot)

            @pl.when(ch + 2 < NCHUNK)
            def _():
                fire_idx(ch + 2, slot)

            @pl.when(ch >= 2)
            def _():
                wait_write(slot)

            compute(slot)
            fire_write(ch, slot)
            return carry

        lax.fori_loop(0, NCHUNK, chunk_body, 0)
        wait_write(0)
        wait_write(1)

    return gather_sum(table, idx2d)


def _tc_fused_bn(summed, w, b_col, gamma_col, beta_col):

    def body(s_ref, w_ref, b_ref, g_ref, be_ref, o_ref, u_s, s2_s):
        p = pl.program_id(0)
        m_ = pl.program_id(1)
        blk = s_ref[...]

        @pl.when(p == 0)
        def _():
            pu = jnp.sum(blk, axis=0, keepdims=True)
            ps = lax.dot_general(blk, blk, (((0,), (0,)), ((), ())),
                                 preferred_element_type=jnp.float32)

            @pl.when(m_ == 0)
            def _():
                u_s[...] = pu
                s2_s[...] = ps

            @pl.when(m_ != 0)
            def _():
                u_s[...] = u_s[...] + pu
                s2_s[...] = s2_s[...] + ps

        @pl.when(p == 1)
        def _():
            wm = w_ref[...]
            bv = b_ref[...]
            ninv = 1.0 / R
            wu = lax.dot_general(wm, u_s[...], (((1,), (1,)), ((), ())),
                                 preferred_element_type=jnp.float32)
            mean = wu * ninv + bv
            t = jnp.dot(wm, s2_s[...], preferred_element_type=jnp.float32)
            d = jnp.sum(t * wm, axis=1, keepdims=True)
            ey2 = d * ninv + 2.0 * bv * wu * ninv + bv * bv
            var = ey2 - mean * mean
            a = g_ref[...] * lax.rsqrt(var + 1e-5)
            what = a * wm
            bhat = a * bv + be_ref[...] - a * mean
            y = lax.dot_general(what, blk, (((1,), (1,)), ((), ())),
                                preferred_element_type=jnp.float32)
            o_ref[...] = jnp.maximum(y + bhat, 0.0)[None]

    return pl.pallas_call(
        body,
        grid=(2, M),
        in_specs=[
            pl.BlockSpec((F, C), lambda p, m_: (m_, 0)),
            pl.BlockSpec((C, C), lambda p, m_: (0, 0)),
            pl.BlockSpec((C, 1), lambda p, m_: (0, 0)),
            pl.BlockSpec((C, 1), lambda p, m_: (0, 0)),
            pl.BlockSpec((C, 1), lambda p, m_: (0, 0)),
        ],
        out_specs=pl.BlockSpec((1, C, F), lambda p, m_: (m_, 0, 0)),
        out_shape=jax.ShapeDtypeStruct((M, C, F), jnp.float32),
        scratch_shapes=[
            pltpu.VMEM((1, C), jnp.float32),
            pltpu.VMEM((C, C), jnp.float32),
        ],
    )(summed, w, b_col, gamma_col, beta_col)


def kernel(fea, ring_n, W, b, gamma, beta):
    table = fea.transpose(0, 2, 1)
    idx2d = ring_n.reshape(-1, GATHER_ROWS)
    summed = _sc_gather_sum(table, idx2d)
    return _tc_fused_bn(
        summed, W,
        b.reshape(C, 1), gamma.reshape(C, 1), beta.reshape(C, 1),
    )

# --- scband reference (transcript-rebuilt; emitter-appended) ---
"""Pipeline reference for scband-conv-face-43748536877375 (READ-ONLY COPY).

The authoritative reference and input builder live on the scoring server;
editing this copy changes nothing except your own understanding.
"""

import jax, jax.numpy as jnp
import numpy as np


def setup_inputs(seed: int = 0) -> dict:
    key = jax.random.key(seed)
    k1, k2, k3 = jax.random.split(key, 3)
    M, C_in, C_out, F, K = 2, 128, 128, 10000, 16
    fea = jax.random.normal(k1, (M, C_in, F), dtype=jnp.float32)
    ring_n = jax.random.randint(k2, (M, F, K), 0, F, dtype=jnp.int32)
    # Conv1d(kernel_size=1) weight squeezed to [out, in], bias [out]
    W = jax.random.normal(k3, (C_out, C_in), dtype=jnp.float32) * 0.05
    b = jnp.zeros((C_out,), dtype=jnp.float32)
    # BatchNorm1d affine params (fresh init: gamma=1, beta=0)
    gamma = jnp.ones((C_out,), dtype=jnp.float32)
    beta = jnp.zeros((C_out,), dtype=jnp.float32)
    return {"fea": fea, "ring_n": ring_n, "W": W, "b": b, "gamma": gamma, "beta": beta}


def reference(fea, ring_n, W, b, gamma, beta):
    # fea: [M, C, F]; ring_n: [M, F, K]
    M, C, F = fea.shape
    # Gather neighbor features: result [M, C, F, K]
    neighbor_fea = fea[
        jnp.arange(M)[:, None, None, None],
        jnp.arange(C)[None, :, None, None],
        ring_n[:, None, :, :],
    ]
    # NOTE: faithful to torch code -- the cat with self is discarded;
    # only the neighbor sum feeds the conv.
    summed = jnp.sum(neighbor_fea, axis=3)  # [M, C, F]
    # Conv1d kernel_size=1 == per-position linear over channels
    y = jnp.einsum('oi,mif->mof', W, summed) + b[None, :, None]  # [M, C_out, F]
    # BatchNorm1d (training mode): stats over batch and spatial dims, biased var
    mean = jnp.mean(y, axis=(0, 2), keepdims=True)
    var = jnp.var(y, axis=(0, 2), keepdims=True)
    y_hat = (y - mean) / jnp.sqrt(var + 1e-5)
    out = y_hat * gamma[None, :, None] + beta[None, :, None]
    # ReLU
    return jnp.maximum(out, 0.0)

if __name__ == "__main__":
    import jax
    _d = setup_inputs()
    print(jax.jit(kernel)(*tuple(_d.values())))

</pallas_src>

<mosaic_0001>
#map = affine_map<(d0, d1) -> (0, 0, 0)>
#map1 = affine_map<(d0, d1) -> (0, 0)>
module attributes {stable_mosaic.version = 14 : i64} {
  func.func @gather_sum(%arg0: i32, %arg1: i32, %arg2: memref<2x10000x128xf32, #tpu.memory_space<hbm>>, %arg3: memref<3200x100xi32, #tpu.memory_space<hbm>>, %arg4: memref<20000x128xf32, #tpu.memory_space<hbm>>, %arg5: memref<2x4x100xi32, #tpu.memory_space<vmem>>, %arg6: memref<2x400x128xf32, #tpu.memory_space<vmem>>, %arg7: memref<2x25x128xf32, #tpu.memory_space<vmem>>, %arg8: memref<2x!tpu.dma_semaphore, #tpu.memory_space<semaphore_mem>>, %arg9: memref<2x!tpu.dma_semaphore, #tpu.memory_space<semaphore_mem>>, %arg10: memref<2x!tpu.dma_semaphore, #tpu.memory_space<semaphore_mem>>) attributes {dimension_semantics = [#tpu.dimension_semantics<core_parallel>, #tpu.dimension_semantics<subcore_parallel>], iteration_bounds = array<i64: 2, 16>, scalar_prefetch = 0 : i64, scratch_operands = 6 : i64, tpu.core_type = #tpu.core_type<sc_vector_subcore>, window_params = [{transform_indices = #map}, {transform_indices = #map1}, {transform_indices = #map1}]} {
    %mul3A = arith.constant 16 : i32
    %mul3A_0 = arith.muli %arg0, %mul3A : i32
    %add3A = arith.addi %mul3A_0, %arg1 : i32
    %mul3A_1 = arith.constant 25 : i32
    %mul3A_2 = arith.muli %add3A, %mul3A_1 : i32
    %add3A_3 = arith.constant 0 : i32
    %add3A_4 = arith.addi %mul3A_2, %add3A_3 : i32
    %mul3A_5 = arith.constant 4 : i32
    %mul3A_6 = arith.muli %add3A_4, %mul3A_5 : i32
    %dma_start3A = arith.constant 0 : i32
    %dma_start3A_7 = arith.constant 0 : i32
    %dma_start3A_8 = arith.constant 0 : i32
    %dma_start3A_9 = arith.constant 0 : i32
    %dma_start3A_10 = tpu.memref_slice %arg5[%dma_start3A, %dma_start3A_8, %dma_start3A_9] : memref<2x4x100xi32, #tpu.memory_space<vmem>> -> memref<1x4x100xi32, #tpu.memory_space<vmem>>
    %dma_start3A_11 = tpu.memref_squeeze %dma_start3A_10 : memref<1x4x100xi32, #tpu.memory_space<vmem>> -> memref<4x100xi32, #tpu.memory_space<vmem>>
    %dma_start3A_12 = arith.constant 0 : i32
    %dma_start3A_13 = tpu.memref_slice %arg3[%mul3A_6, %dma_start3A_12] : memref<3200x100xi32, #tpu.memory_space<hbm>> -> memref<4x100xi32, #tpu.memory_space<hbm>>
    %dma_start3A_14 = tpu.memref_slice %arg8[%dma_start3A_7] : memref<2x!tpu.dma_semaphore, #tpu.memory_space<semaphore_mem>> -> memref<1x!tpu.dma_semaphore, #tpu.memory_space<semaphore_mem>>
    %dma_start3A_15 = tpu.memref_squeeze %dma_start3A_14 : memref<1x!tpu.dma_semaphore, #tpu.memory_space<semaphore_mem>> -> memref<!tpu.dma_semaphore, #tpu.memory_space<semaphore_mem>>
    %dma_start3A_16 = arith.constant 0 : i32
    %dma_start3A_17 = arith.constant 0 : i32
    %dma_start3A_18 = tpu.memref_slice %arg5[%dma_start3A, %dma_start3A_16, %dma_start3A_17] : memref<2x4x100xi32, #tpu.memory_space<vmem>> -> memref<1x4x100xi32, #tpu.memory_space<vmem>>
    %dma_start3A_19 = tpu.memref_squeeze %dma_start3A_18 : memref<1x4x100xi32, #tpu.memory_space<vmem>> -> memref<4x100xi32, #tpu.memory_space<vmem>>
    %dma_start3A_20 = arith.constant 0 : i32
    %dma_start3A_21 = tpu.memref_slice %arg3[%mul3A_6, %dma_start3A_20] : memref<3200x100xi32, #tpu.memory_space<hbm>> -> memref<4x100xi32, #tpu.memory_space<hbm>>
    tpu.enqueue_dma source(%dma_start3A_21 : memref<4x100xi32, #tpu.memory_space<hbm>>) target(%dma_start3A_19 : memref<4x100xi32, #tpu.memory_space<vmem>>) target_semaphore(%dma_start3A_15 : memref<!tpu.dma_semaphore, #tpu.memory_space<semaphore_mem>>)
    %dma_wait3A = arith.constant 0 : i32
    %dma_wait3A_22 = arith.constant 0 : i32
    %dma_wait3A_23 = arith.constant 0 : i32
    %dma_wait3A_24 = arith.constant 0 : i32
    %dma_wait3A_25 = tpu.memref_slice %arg5[%dma_wait3A, %dma_wait3A_23, %dma_wait3A_24] : memref<2x4x100xi32, #tpu.memory_space<vmem>> -> memref<1x4x100xi32, #tpu.memory_space<vmem>>
    %dma_wait3A_26 = tpu.memref_squeeze %dma_wait3A_25 : memref<1x4x100xi32, #tpu.memory_space<vmem>> -> memref<4x100xi32, #tpu.memory_space<vmem>>
    %dma_wait3A_27 = arith.constant 0 : i32
    %dma_wait3A_28 = arith.constant 0 : i32
    %dma_wait3A_29 = tpu.memref_slice %arg3[%dma_wait3A_27, %dma_wait3A_28] : memref<3200x100xi32, #tpu.memory_space<hbm>> -> memref<4x100xi32, #tpu.memory_space<hbm>>
    %dma_wait3A_30 = tpu.memref_slice %arg8[%dma_wait3A_22] : memref<2x!tpu.dma_semaphore, #tpu.memory_space<semaphore_mem>> -> memref<1x!tpu.dma_semaphore, #tpu.memory_space<semaphore_mem>>
    %dma_wait3A_31 = tpu.memref_squeeze %dma_wait3A_30 : memref<1x!tpu.dma_semaphore, #tpu.memory_space<semaphore_mem>> -> memref<!tpu.dma_semaphore, #tpu.memory_space<semaphore_mem>>
    %dma_wait3A_32 = arith.constant 0 : i32
    %dma_wait3A_33 = arith.constant 0 : i32
    %dma_wait3A_34 = tpu.memref_slice %arg5[%dma_wait3A, %dma_wait3A_32, %dma_wait3A_33] : memref<2x4x100xi32, #tpu.memory_space<vmem>> -> memref<1x4x100xi32, #tpu.memory_space<vmem>>
    %dma_wait3A_35 = tpu.memref_squeeze %dma_wait3A_34 : memref<1x4x100xi32, #tpu.memory_space<vmem>> -> memref<4x100xi32, #tpu.memory_space<vmem>>
    %dma_wait3A_36 = arith.constant 0 : i32
    %dma_wait3A_37 = arith.constant 0 : i32
    %dma_wait3A_38 = tpu.memref_slice %arg3[%dma_wait3A_36, %dma_wait3A_37] : memref<3200x100xi32, #tpu.memory_space<hbm>> -> memref<4x100xi32, #tpu.memory_space<hbm>>
    tpu.wait_dma2 semaphore(%dma_wait3A_31 : memref<!tpu.dma_semaphore, #tpu.memory_space<semaphore_mem>>) src(%dma_wait3A_38 : memref<4x100xi32, #tpu.memory_space<hbm>>) dst(%dma_wait3A_35 : memref<4x100xi32, #tpu.memory_space<vmem>>)
    %dma_start3A_39 = arith.constant 0 : i32
    %dma_start3A_40 = arith.constant 0 : i32
    %dma_start3A_41 = arith.constant 0 : i32
    %dma_start3A_42 = arith.constant 0 : i32
    %dma_start3A_43 = arith.constant 0 : i32
    %dma_start3A_44 = arith.constant 0 : i32
    %dma_start3A_45 = tpu.memref_slice %arg6[%dma_start3A_41, %dma_start3A_43, %dma_start3A_44] : memref<2x400x128xf32, #tpu.memory_space<vmem>> -> memref<1x400x128xf32, #tpu.memory_space<vmem>>
    %dma_start3A_46 = tpu.memref_squeeze %dma_start3A_45 : memref<1x400x128xf32, #tpu.memory_space<vmem>> -> memref<400x128xf32, #tpu.memory_space<vmem>>
    %dma_start3A_47 = arith.constant 0 : i32
    %dma_start3A_48 = arith.constant 0 : i32
    %dma_start3A_49 = tpu.memref_slice %dma_start3A_46[%dma_start3A_47, %dma_start3A_48] : memref<400x128xf32, #tpu.memory_space<vmem>> -> memref<100x128xf32, #tpu.memory_space<vmem>>
    %dma_start3A_50 = arith.constant 0 : i32
    %dma_start3A_51 = arith.constant 0 : i32
    %dma_start3A_52 = tpu.memref_slice %arg5[%dma_start3A_39, %dma_start3A_50, %dma_start3A_51] : memref<2x4x100xi32, #tpu.memory_space<vmem>> -> memref<1x4x100xi32, #tpu.memory_space<vmem>>
    %dma_start3A_53 = tpu.memref_squeeze %dma_start3A_52 : memref<1x4x100xi32, #tpu.memory_space<vmem>> -> memref<4x100xi32, #tpu.memory_space<vmem>>
    %dma_start3A_54 = arith.constant 0 : i32
    %dma_start3A_55 = tpu.memref_slice %dma_start3A_53[%dma_start3A_40, %dma_start3A_54] : memref<4x100xi32, #tpu.memory_space<vmem>> -> memref<1x100xi32, #tpu.memory_space<vmem>>
    %dma_start3A_56 = tpu.memref_squeeze %dma_start3A_55 : memref<1x100xi32, #tpu.memory_space<vmem>> -> memref<100xi32, #tpu.memory_space<vmem>>
    %dma_start3A_57 = arith.constant 0 : i32
    %dma_start3A_58 = arith.constant 0 : i32
    %dma_start3A_59 = tpu.memref_slice %arg2[%arg0, %dma_start3A_57, %dma_start3A_58] : memref<2x10000x128xf32, #tpu.memory_space<hbm>> -> memref<1x10000x128xf32, #tpu.memory_space<hbm>>
    %dma_start3A_60 = tpu.memref_squeeze %dma_start3A_59 : memref<1x10000x128xf32, #tpu.memory_space<hbm>> -> memref<10000x128xf32, #tpu.memory_space<hbm>>
    %dma_start3A_61 = arith.constant 0 : i32
    %dma_start3A_62 = arith.constant 0 : i32
    %dma_start3A_63 = tpu.memref_slice %dma_start3A_60[%dma_start3A_61, %dma_start3A_62] : memref<10000x128xf32, #tpu.memory_space<hbm>> -> memref<10000x128xf32, #tpu.memory_space<hbm>>
    %dma_start3A_64 = tpu.memref_slice %arg9[%dma_start3A_42] : memref<2x!tpu.dma_semaphore, #tpu.memory_space<semaphore_mem>> -> memref<1x!tpu.dma_semaphore, #tpu.memory_space<semaphore_mem>>
    %dma_start3A_65 = tpu.memref_squeeze %dma_start3A_64 : memref<1x!tpu.dma_semaphore, #tpu.memory_space<semaphore_mem>> -> memref<!tpu.dma_semaphore, #tpu.memory_space<semaphore_mem>>
    tpu.enqueue_indirect_dma source(%dma_start3A_63 : memref<10000x128xf32, #tpu.memory_space<hbm>>) target(%dma_start3A_49 : memref<100x128xf32, #tpu.memory_space<vmem>>) offsets(%dma_start3A_56 : memref<100xi32, #tpu.memory_space<vmem>>) semaphore(%dma_start3A_65 : memref<!tpu.dma_semaphore, #tpu.memory_space<semaphore_mem>>)
    %dma_start3A_66 = arith.constant 0 : i32
    %dma_start3A_67 = arith.constant 1 : i32
    %dma_start3A_68 = arith.constant 0 : i32
    %dma_start3A_69 = arith.constant 0 : i32
    %dma_start3A_70 = arith.constant 0 : i32
    %dma_start3A_71 = arith.constant 0 : i32
    %dma_start3A_72 = tpu.memref_slice %arg6[%dma_start3A_68, %dma_start3A_70, %dma_start3A_71] : memref<2x400x128xf32, #tpu.memory_space<vmem>> -> memref<1x400x128xf32, #tpu.memory_space<vmem>>
    %dma_start3A_73 = tpu.memref_squeeze %dma_start3A_72 : memref<1x400x128xf32, #tpu.memory_space<vmem>> -> memref<400x128xf32, #tpu.memory_space<vmem>>
    %dma_start3A_74 = arith.constant 100 : i32
    %dma_start3A_75 = arith.constant 0 : i32
    %dma_start3A_76 = tpu.memref_slice %dma_start3A_73[%dma_start3A_74, %dma_start3A_75] : memref<400x128xf32, #tpu.memory_space<vmem>> -> memref<100x128xf32, #tpu.memory_space<vmem>>
    %dma_start3A_77 = arith.constant 0 : i32
    %dma_start3A_78 = arith.constant 0 : i32
    %dma_start3A_79 = tpu.memref_slice %arg5[%dma_start3A_66, %dma_start3A_77, %dma_start3A_78] : memref<2x4x100xi32, #tpu.memory_space<vmem>> -> memref<1x4x100xi32, #tpu.memory_space<vmem>>
    %dma_start3A_80 = tpu.memref_squeeze %dma_start3A_79 : memref<1x4x100xi32, #tpu.memory_space<vmem>> -> memref<4x100xi32, #tpu.memory_space<vmem>>
    %dma_start3A_81 = arith.constant 0 : i32
    %dma_start3A_82 = tpu.memref_slice %dma_start3A_80[%dma_start3A_67, %dma_start3A_81] : memref<4x100xi32, #tpu.memory_space<vmem>> -> memref<1x100xi32, #tpu.memory_space<vmem>>
    %dma_start3A_83 = tpu.memref_squeeze %dma_start3A_82 : memref<1x100xi32, #tpu.memory_space<vmem>> -> memref<100xi32, #tpu.memory_space<vmem>>
    %dma_start3A_84 = arith.constant 0 : i32
    %dma_start3A_85 = arith.constant 0 : i32
    %dma_start3A_86 = tpu.memref_slice %arg2[%arg0, %dma_start3A_84, %dma_start3A_85] : memref<2x10000x128xf32, #tpu.memory_space<hbm>> -> memref<1x10000x128xf32, #tpu.memory_space<hbm>>
    %dma_start3A_87 = tpu.memref_squeeze %dma_start3A_86 : memref<1x10000x128xf32, #tpu.memory_space<hbm>> -> memref<10000x128xf32, #tpu.memory_space<hbm>>
    %dma_start3A_88 = arith.constant 0 : i32
    %dma_start3A_89 = arith.constant 0 : i32
    %dma_start3A_90 = tpu.memref_slice %dma_start3A_87[%dma_start3A_88, %dma_start3A_89] : memref<10000x128xf32, #tpu.memory_space<hbm>> -> memref<10000x128xf32, #tpu.memory_space<hbm>>
    %dma_start3A_91 = tpu.memref_slice %arg9[%dma_start3A_69] : memref<2x!tpu.dma_semaphore, #tpu.memory_space<semaphore_mem>> -> memref<1x!tpu.dma_semaphore, #tpu.memory_space<semaphore_mem>>
    %dma_start3A_92 = tpu.memref_squeeze %dma_start3A_91 : memref<1x!tpu.dma_semaphore, #tpu.memory_space<semaphore_mem>> -> memref<!tpu.dma_semaphore, #tpu.memory_space<semaphore_mem>>
    tpu.enqueue_indirect_dma source(%dma_start3A_90 : memref<10000x128xf32, #tpu.memory_space<hbm>>) target(%dma_start3A_76 : memref<100x128xf32, #tpu.memory_space<vmem>>) offsets(%dma_start3A_83 : memref<100xi32, #tpu.memory_space<vmem>>) semaphore(%dma_start3A_92 : memref<!tpu.dma_semaphore, #tpu.memory_space<semaphore_mem>>)
    %dma_start3A_93 = arith.constant 0 : i32
    %dma_start3A_94 = arith.constant 2 : i32
    %dma_start3A_95 = arith.constant 0 : i32
    %dma_start3A_96 = arith.constant 0 : i32
    %dma_start3A_97 = arith.constant 0 : i32
    %dma_start3A_98 = arith.constant 0 : i32
    %dma_start3A_99 = tpu.memref_slice %arg6[%dma_start3A_95, %dma_start3A_97, %dma_start3A_98] : memref<2x400x128xf32, #tpu.memory_space<vmem>> -> memref<1x400x128xf32, #tpu.memory_space<vmem>>
    %dma_start3A_100 = tpu.memref_squeeze %dma_start3A_99 : memref<1x400x128xf32, #tpu.memory_space<vmem>> -> memref<400x128xf32, #tpu.memory_space<vmem>>
    %dma_start3A_101 = arith.constant 200 : i32
    %dma_start3A_102 = arith.constant 0 : i32
    %dma_start3A_103 = tpu.memref_slice %dma_start3A_100[%dma_start3A_101, %dma_start3A_102] : memref<400x128xf32, #tpu.memory_space<vmem>> -> memref<100x128xf32, #tpu.memory_space<vmem>>
    %dma_start3A_104 = arith.constant 0 : i32
    %dma_start3A_105 = arith.constant 0 : i32
    %dma_start3A_106 = tpu.memref_slice %arg5[%dma_start3A_93, %dma_start3A_104, %dma_start3A_105] : memref<2x4x100xi32, #tpu.memory_space<vmem>> -> memref<1x4x100xi32, #tpu.memory_space<vmem>>
    %dma_start3A_107 = tpu.memref_squeeze %dma_start3A_106 : memref<1x4x100xi32, #tpu.memory_space<vmem>> -> memref<4x100xi32, #tpu.memory_space<vmem>>
    %dma_start3A_108 = arith.constant 0 : i32
    %dma_start3A_109 = tpu.memref_slice %dma_start3A_107[%dma_start3A_94, %dma_start3A_108] : memref<4x100xi32, #tpu.memory_space<vmem>> -> memref<1x100xi32, #tpu.memory_space<vmem>>
    %dma_start3A_110 = tpu.memref_squeeze %dma_start3A_109 : memref<1x100xi32, #tpu.memory_space<vmem>> -> memref<100xi32, #tpu.memory_space<vmem>>
    %dma_start3A_111 = arith.constant 0 : i32
    %dma_start3A_112 = arith.constant 0 : i32
    %dma_start3A_113 = tpu.memref_slice %arg2[%arg0, %dma_start3A_111, %dma_start3A_112] : memref<2x10000x128xf32, #tpu.memory_space<hbm>> -> memref<1x10000x128xf32, #tpu.memory_space<hbm>>
    %dma_start3A_114 = tpu.memref_squeeze %dma_start3A_113 : memref<1x10000x128xf32, #tpu.memory_space<hbm>> -> memref<10000x128xf32, #tpu.memory_space<hbm>>
    %dma_start3A_115 = arith.constant 0 : i32
    %dma_start3A_116 = arith.constant 0 : i32
    %dma_start3A_117 = tpu.memref_slice %dma_start3A_114[%dma_start3A_115, %dma_start3A_116] : memref<10000x128xf32, #tpu.memory_space<hbm>> -> memref<10000x128xf32, #tpu.memory_space<hbm>>
    %dma_start3A_118 = tpu.memref_slice %arg9[%dma_start3A_96] : memref<2x!tpu.dma_semaphore, #tpu.memory_space<semaphore_mem>> -> memref<1x!tpu.dma_semaphore, #tpu.memory_space<semaphore_mem>>
    %dma_start3A_119 = tpu.memref_squeeze %dma_start3A_118 : memref<1x!tpu.dma_semaphore, #tpu.memory_space<semaphore_mem>> -> memref<!tpu.dma_semaphore, #tpu.memory_space<semaphore_mem>>
    tpu.enqueue_indirect_dma source(%dma_start3A_117 : memref<10000x128xf32, #tpu.memory_space<hbm>>) target(%dma_start3A_103 : memref<100x128xf32, #tpu.memory_space<vmem>>) offsets(%dma_start3A_110 : memref<100xi32, #tpu.memory_space<vmem>>) semaphore(%dma_start3A_119 : memref<!tpu.dma_semaphore, #tpu.memory_space<semaphore_mem>>)
    %dma_start3A_120 = arith.constant 0 : i32
    %dma_start3A_121 = arith.constant 3 : i32
    %dma_start3A_122 = arith.constant 0 : i32
    %dma_start3A_123 = arith.constant 0 : i32
    %dma_start3A_124 = arith.constant 0 : i32
    %dma_start3A_125 = arith.constant 0 : i32
    %dma_start3A_126 = tpu.memref_slice %arg6[%dma_start3A_122, %dma_start3A_124, %dma_start3A_125] : memref<2x400x128xf32, #tpu.memory_space<vmem>> -> memref<1x400x128xf32, #tpu.memory_space<vmem>>
    %dma_start3A_127 = tpu.memref_squeeze %dma_start3A_126 : memref<1x400x128xf32, #tpu.memory_space<vmem>> -> memref<400x128xf32, #tpu.memory_space<vmem>>
    %dma_start3A_128 = arith.constant 300 : i32
    %dma_start3A_129 = arith.constant 0 : i32
    %dma_start3A_130 = tpu.memref_slice %dma_start3A_127[%dma_start3A_128, %dma_start3A_129] : memref<400x128xf32, #tpu.memory_space<vmem>> -> memref<100x128xf32, #tpu.memory_space<vmem>>
    %dma_start3A_131 = arith.constant 0 : i32
    %dma_start3A_132 = arith.constant 0 : i32
    %dma_start3A_133 = tpu.memref_slice %arg5[%dma_start3A_120, %dma_start3A_131, %dma_start3A_132] : memref<2x4x100xi32, #tpu.memory_space<vmem>> -> memref<1x4x100xi32, #tpu.memory_space<vmem>>
    %dma_start3A_134 = tpu.memref_squeeze %dma_start3A_133 : memref<1x4x100xi32, #tpu.memory_space<vmem>> -> memref<4x100xi32, #tpu.memory_space<vmem>>
    %dma_start3A_135 = arith.constant 0 : i32
    %dma_start3A_136 = tpu.memref_slice %dma_start3A_134[%dma_start3A_121, %dma_start3A_135] : memref<4x100xi32, #tpu.memory_space<vmem>> -> memref<1x100xi32, #tpu.memory_space<vmem>>
    %dma_start3A_137 = tpu.memref_squeeze %dma_start3A_136 : memref<1x100xi32, #tpu.memory_space<vmem>> -> memref<100xi32, #tpu.memory_space<vmem>>
    %dma_start3A_138 = arith.constant 0 : i32
    %dma_start3A_139 = arith.constant 0 : i32
    %dma_start3A_140 = tpu.memref_slice %arg2[%arg0, %dma_start3A_138, %dma_start3A_139] : memref<2x10000x128xf32, #tpu.memory_space<hbm>> -> memref<1x10000x128xf32, #tpu.memory_space<hbm>>
    %dma_start3A_141 = tpu.memref_squeeze %dma_start3A_140 : memref<1x10000x128xf32, #tpu.memory_space<hbm>> -> memref<10000x128xf32, #tpu.memory_space<hbm>>
    %dma_start3A_142 = arith.constant 0 : i32
    %dma_start3A_143 = arith.constant 0 : i32
    %dma_start3A_144 = tpu.memref_slice %dma_start3A_141[%dma_start3A_142, %dma_start3A_143] : memref<10000x128xf32, #tpu.memory_space<hbm>> -> memref<10000x128xf32, #tpu.memory_space<hbm>>
    %dma_start3A_145 = tpu.memref_slice %arg9[%dma_start3A_123] : memref<2x!tpu.dma_semaphore, #tpu.memory_space<semaphore_mem>> -> memref<1x!tpu.dma_semaphore, #tpu.memory_space<semaphore_mem>>
    %dma_start3A_146 = tpu.memref_squeeze %dma_start3A_145 : memref<1x!tpu.dma_semaphore, #tpu.memory_space<semaphore_mem>> -> memref<!tpu.dma_semaphore, #tpu.memory_space<semaphore_mem>>
    tpu.enqueue_indirect_dma source(%dma_start3A_144 : memref<10000x128xf32, #tpu.memory_space<hbm>>) target(%dma_start3A_130 : memref<100x128xf32, #tpu.memory_space<vmem>>) offsets(%dma_start3A_137 : memref<100xi32, #tpu.memory_space<vmem>>) semaphore(%dma_start3A_146 : memref<!tpu.dma_semaphore, #tpu.memory_space<semaphore_mem>>)
    %mul3A_147 = arith.constant 25 : i32
    %mul3A_148 = arith.muli %add3A, %mul3A_147 : i32
    %add3A_149 = arith.constant 1 : i32
    %add3A_150 = arith.addi %mul3A_148, %add3A_149 : i32
    %mul3A_151 = arith.constant 4 : i32
    %mul3A_152 = arith.muli %add3A_150, %mul3A_151 : i32
    %dma_start3A_153 = arith.constant 1 : i32
    %dma_start3A_154 = arith.constant 1 : i32
    %dma_start3A_155 = arith.constant 0 : i32
    %dma_start3A_156 = arith.constant 0 : i32
    %dma_start3A_157 = tpu.memref_slice %arg5[%dma_start3A_153, %dma_start3A_155, %dma_start3A_156] : memref<2x4x100xi32, #tpu.memory_space<vmem>> -> memref<1x4x100xi32, #tpu.memory_space<vmem>>
    %dma_start3A_158 = tpu.memref_squeeze %dma_start3A_157 : memref<1x4x100xi32, #tpu.memory_space<vmem>> -> memref<4x100xi32, #tpu.memory_space<vmem>>
    %dma_start3A_159 = arith.constant 0 : i32
    %dma_start3A_160 = tpu.memref_slice %arg3[%mul3A_152, %dma_start3A_159] : memref<3200x100xi32, #tpu.memory_space<hbm>> -> memref<4x100xi32, #tpu.memory_space<hbm>>
    %dma_start3A_161 = tpu.memref_slice %arg8[%dma_start3A_154] : memref<2x!tpu.dma_semaphore, #tpu.memory_space<semaphore_mem>> -> memref<1x!tpu.dma_semaphore, #tpu.memory_space<semaphore_mem>>
    %dma_start3A_162 = tpu.memref_squeeze %dma_start3A_161 : memref<1x!tpu.dma_semaphore, #tpu.memory_space<semaphore_mem>> -> memref<!tpu.dma_semaphore, #tpu.memory_space<semaphore_mem>>
    %dma_start3A_163 = arith.constant 0 : i32
    %dma_start3A_164 = arith.constant 0 : i32
    %dma_start3A_165 = tpu.memref_slice %arg5[%dma_start3A_153, %dma_start3A_163, %dma_start3A_164] : memref<2x4x100xi32, #tpu.memory_space<vmem>> -> memref<1x4x100xi32, #tpu.memory_space<vmem>>
    %dma_start3A_166 = tpu.memref_squeeze %dma_start3A_165 : memref<1x4x100xi32, #tpu.memory_space<vmem>> -> memref<4x100xi32, #tpu.memory_space<vmem>>
    %dma_start3A_167 = arith.constant 0 : i32
    %dma_start3A_168 = tpu.memref_slice %arg3[%mul3A_152, %dma_start3A_167] : memref<3200x100xi32, #tpu.memory_space<hbm>> -> memref<4x100xi32, #tpu.memory_space<hbm>>
    tpu.enqueue_dma source(%dma_start3A_168 : memref<4x100xi32, #tpu.memory_space<hbm>>) target(%dma_start3A_166 : memref<4x100xi32, #tpu.memory_space<vmem>>) target_semaphore(%dma_start3A_162 : memref<!tpu.dma_semaphore, #tpu.memory_space<semaphore_mem>>)
    %scan3A = arith.constant 0 : i32
    %scan3A_169 = arith.constant 0 : i32
    %scan3A_170 = arith.constant 25 : i32
    %scan3A_171 = arith.addi %scan3A_169, %scan3A_170 : i32
    %scan3A_172 = arith.constant 1 : i32
    scf.for %scan3A_210 = %scan3A_169 to %scan3A_171 step %scan3A_172  : i32 {
      %rem3A = arith.constant 2 : i32
      %rem3A_211 = arith.remsi %scan3A_210, %rem3A : i32
      %sub3A = arith.constant 1 : i32
      %sub3A_212 = arith.subi %sub3A, %rem3A_211 : i32
      %dma_wait3A_213 = arith.constant 0 : i32
      %dma_wait3A_214 = arith.constant 0 : i32
      %dma_wait3A_215 = arith.constant 0 : i32
      %dma_wait3A_216 = tpu.memref_slice %arg6[%rem3A_211, %dma_wait3A_214, %dma_wait3A_215] : memref<2x400x128xf32, #tpu.memory_space<vmem>> -> memref<1x400x128xf32, #tpu.memory_space<vmem>>
      %dma_wait3A_217 = tpu.memref_squeeze %dma_wait3A_216 : memref<1x400x128xf32, #tpu.memory_space<vmem>> -> memref<400x128xf32, #tpu.memory_space<vmem>>
      %dma_wait3A_218 = arith.constant 0 : i32
      %dma_wait3A_219 = arith.constant 0 : i32
      %dma_wait3A_220 = tpu.memref_slice %dma_wait3A_217[%dma_wait3A_218, %dma_wait3A_219] : memref<400x128xf32, #tpu.memory_space<vmem>> -> memref<100x128xf32, #tpu.memory_space<vmem>>
      %dma_wait3A_221 = arith.constant 0 : i32
      %dma_wait3A_222 = arith.constant 0 : i32
      %dma_wait3A_223 = tpu.memref_slice %arg2[%dma_wait3A_213, %dma_wait3A_221, %dma_wait3A_222] : memref<2x10000x128xf32, #tpu.memory_space<hbm>> -> memref<1x10000x128xf32, #tpu.memory_space<hbm>>
      %dma_wait3A_224 = tpu.memref_squeeze %dma_wait3A_223 : memref<1x10000x128xf32, #tpu.memory_space<hbm>> -> memref<10000x128xf32, #tpu.memory_space<hbm>>
      %dma_wait3A_225 = arith.constant 0 : i32
      %dma_wait3A_226 = arith.constant 0 : i32
      %dma_wait3A_227 = tpu.memref_slice %dma_wait3A_224[%dma_wait3A_225, %dma_wait3A_226] : memref<10000x128xf32, #tpu.memory_space<hbm>> -> memref<100x128xf32, #tpu.memory_space<hbm>>
      %dma_wait3A_228 = tpu.memref_slice %arg9[%rem3A_211] : memref<2x!tpu.dma_semaphore, #tpu.memory_space<semaphore_mem>> -> memref<1x!tpu.dma_semaphore, #tpu.memory_space<semaphore_mem>>
      %dma_wait3A_229 = tpu.memref_squeeze %dma_wait3A_228 : memref<1x!tpu.dma_semaphore, #tpu.memory_space<semaphore_mem>> -> memref<!tpu.dma_semaphore, #tpu.memory_space<semaphore_mem>>
      %dma_wait3A_230 = arith.constant 0 : i32
      %dma_wait3A_231 = arith.constant 0 : i32
      %dma_wait3A_232 = tpu.memref_slice %arg6[%rem3A_211, %dma_wait3A_230, %dma_wait3A_231] : memref<2x400x128xf32, #tpu.memory_space<vmem>> -> memref<1x400x128xf32, #tpu.memory_space<vmem>>
      %dma_wait3A_233 = tpu.memref_squeeze %dma_wait3A_232 : memref<1x400x128xf32, #tpu.memory_space<vmem>> -> memref<400x128xf32, #tpu.memory_space<vmem>>
      %dma_wait3A_234 = arith.constant 0 : i32
      %dma_wait3A_235 = arith.constant 0 : i32
      %dma_wait3A_236 = tpu.memref_slice %dma_wait3A_233[%dma_wait3A_234, %dma_wait3A_235] : memref<400x128xf32, #tpu.memory_space<vmem>> -> memref<100x128xf32, #tpu.memory_space<vmem>>
      %dma_wait3A_237 = arith.constant 0 : i32
      %dma_wait3A_238 = arith.constant 0 : i32
      %dma_wait3A_239 = tpu.memref_slice %arg2[%dma_wait3A_213, %dma_wait3A_237, %dma_wait3A_238] : memref<2x10000x128xf32, #tpu.memory_space<hbm>> -> memref<1x10000x128xf32, #tpu.memory_space<hbm>>
      %dma_wait3A_240 = tpu.memref_squeeze %dma_wait3A_239 : memref<1x10000x128xf32, #tpu.memory_space<hbm>> -> memref<10000x128xf32, #tpu.memory_space<hbm>>
      %dma_wait3A_241 = arith.constant 0 : i32
      %dma_wait3A_242 = arith.constant 0 : i32
      %dma_wait3A_243 = tpu.memref_slice %dma_wait3A_240[%dma_wait3A_241, %dma_wait3A_242] : memref<10000x128xf32, #tpu.memory_space<hbm>> -> memref<100x128xf32, #tpu.memory_space<hbm>>
      tpu.wait_dma2 semaphore(%dma_wait3A_229 : memref<!tpu.dma_semaphore, #tpu.memory_space<semaphore_mem>>) src(%dma_wait3A_243 : memref<100x128xf32, #tpu.memory_space<hbm>>) dst(%dma_wait3A_236 : memref<100x128xf32, #tpu.memory_space<vmem>>)
      %dma_wait3A_244 = arith.constant 0 : i32
      %dma_wait3A_245 = arith.constant 0 : i32
      %dma_wait3A_246 = arith.constant 0 : i32
      %dma_wait3A_247 = tpu.memref_slice %arg6[%rem3A_211, %dma_wait3A_245, %dma_wait3A_246] : memref<2x400x128xf32, #tpu.memory_space<vmem>> -> memref<1x400x128xf32, #tpu.memory_space<vmem>>
      %dma_wait3A_248 = tpu.memref_squeeze %dma_wait3A_247 : memref<1x400x128xf32, #tpu.memory_space<vmem>> -> memref<400x128xf32, #tpu.memory_space<vmem>>
      %dma_wait3A_249 = arith.constant 100 : i32
      %dma_wait3A_250 = arith.constant 0 : i32
      %dma_wait3A_251 = tpu.memref_slice %dma_wait3A_248[%dma_wait3A_249, %dma_wait3A_250] : memref<400x128xf32, #tpu.memory_space<vmem>> -> memref<100x128xf32, #tpu.memory_space<vmem>>
      %dma_wait3A_252 = arith.constant 0 : i32
      %dma_wait3A_253 = arith.constant 0 : i32
      %dma_wait3A_254 = tpu.memref_slice %arg2[%dma_wait3A_244, %dma_wait3A_252, %dma_wait3A_253] : memref<2x10000x128xf32, #tpu.memory_space<hbm>> -> memref<1x10000x128xf32, #tpu.memory_space<hbm>>
      %dma_wait3A_255 = tpu.memref_squeeze %dma_wait3A_254 : memref<1x10000x128xf32, #tpu.memory_space<hbm>> -> memref<10000x128xf32, #tpu.memory_space<hbm>>
      %dma_wait3A_256 = arith.constant 0 : i32
      %dma_wait3A_257 = arith.constant 0 : i32
      %dma_wait3A_258 = tpu.memref_slice %dma_wait3A_255[%dma_wait3A_256, %dma_wait3A_257] : memref<10000x128xf32, #tpu.memory_space<hbm>> -> memref<100x128xf32, #tpu.memory_space<hbm>>
      %dma_wait3A_259 = tpu.memref_slice %arg9[%rem3A_211] : memref<2x!tpu.dma_semaphore, #tpu.memory_space<semaphore_mem>> -> memref<1x!tpu.dma_semaphore, #tpu.memory_space<semaphore_mem>>
      %dma_wait3A_260 = tpu.memref_squeeze %dma_wait3A_259 : memref<1x!tpu.dma_semaphore, #tpu.memory_space<semaphore_mem>> -> memref<!tpu.dma_semaphore, #tpu.memory_space<semaphore_mem>>
      %dma_wait3A_261 = arith.constant 0 : i32
      %dma_wait3A_262 = arith.constant 0 : i32
      %dma_wait3A_263 = tpu.memref_slice %arg6[%rem3A_211, %dma_wait3A_261, %dma_wait3A_262] : memref<2x400x128xf32, #tpu.memory_space<vmem>> -> memref<1x400x128xf32, #tpu.memory_space<vmem>>
      %dma_wait3A_264 = tpu.memref_squeeze %dma_wait3A_263 : memref<1x400x128xf32, #tpu.memory_space<vmem>> -> memref<400x128xf32, #tpu.memory_space<vmem>>
      %dma_wait3A_265 = arith.constant 100 : i32
      %dma_wait3A_266 = arith.constant 0 : i32
      %dma_wait3A_267 = tpu.memref_slice %dma_wait3A_264[%dma_wait3A_265, %dma_wait3A_266] : memref<400x128xf32, #tpu.memory_space<vmem>> -> memref<100x128xf32, #tpu.memory_space<vmem>>
      %dma_wait3A_268 = arith.constant 0 : i32
      %dma_wait3A_269 = arith.constant 0 : i32
      %dma_wait3A_270 = tpu.memref_slice %arg2[%dma_wait3A_244, %dma_wait3A_268, %dma_wait3A_269] : memref<2x10000x128xf32, #tpu.memory_space<hbm>> -> memref<1x10000x128xf32, #tpu.memory_space<hbm>>
      %dma_wait3A_271 = tpu.memref_squeeze %dma_wait3A_270 : memref<1x10000x128xf32, #tpu.memory_space<hbm>> -> memref<10000x128xf32, #tpu.memory_space<hbm>>
      %dma_wait3A_272 = arith.constant 0 : i32
      %dma_wait3A_273 = arith.constant 0 : i32
      %dma_wait3A_274 = tpu.memref_slice %dma_wait3A_271[%dma_wait3A_272, %dma_wait3A_273] : memref<10000x128xf32, #tpu.memory_space<hbm>> -> memref<100x128xf32, #tpu.memory_space<hbm>>
      tpu.wait_dma2 semaphore(%dma_wait3A_260 : memref<!tpu.dma_semaphore, #tpu.memory_space<semaphore_mem>>) src(%dma_wait3A_274 : memref<100x128xf32, #tpu.memory_space<hbm>>) dst(%dma_wait3A_267 : memref<100x128xf32, #tpu.memory_space<vmem>>)
      %dma_wait3A_275 = arith.constant 0 : i32
      %dma_wait3A_276 = arith.constant 0 : i32
      %dma_wait3A_277 = arith.constant 0 : i32
      %dma_wait3A_278 = tpu.memref_slice %arg6[%rem3A_211, %dma_wait3A_276, %dma_wait3A_277] : memref<2x400x128xf32, #tpu.memory_space<vmem>> -> memref<1x400x128xf32, #tpu.memory_space<vmem>>
      %dma_wait3A_279 = tpu.memref_squeeze %dma_wait3A_278 : memref<1x400x128xf32, #tpu.memory_space<vmem>> -> memref<400x128xf32, #tpu.memory_space<vmem>>
      %dma_wait3A_280 = arith.constant 200 : i32
      %dma_wait3A_281 = arith.constant 0 : i32
      %dma_wait3A_282 = tpu.memref_slice %dma_wait3A_279[%dma_wait3A_280, %dma_wait3A_281] : memref<400x128xf32, #tpu.memory_space<vmem>> -> memref<100x128xf32, #tpu.memory_space<vmem>>
      %dma_wait3A_283 = arith.constant 0 : i32
      %dma_wait3A_284 = arith.constant 0 : i32
      %dma_wait3A_285 = tpu.memref_slice %arg2[%dma_wait3A_275, %dma_wait3A_283, %dma_wait3A_284] : memref<2x10000x128xf32, #tpu.memory_space<hbm>> -> memref<1x10000x128xf32, #tpu.memory_space<hbm>>
      %dma_wait3A_286 = tpu.memref_squeeze %dma_wait3A_285 : memref<1x10000x128xf32, #tpu.memory_space<hbm>> -> memref<10000x128xf32, #tpu.memory_space<hbm>>
      %dma_wait3A_287 = arith.constant 0 : i32
      %dma_wait3A_288 = arith.constant 0 : i32
      %dma_wait3A_289 = tpu.memref_slice %dma_wait3A_286[%dma_wait3A_287, %dma_wait3A_288] : memref<10000x128xf32, #tpu.memory_space<hbm>> -> memref<100x128xf32, #tpu.memory_space<hbm>>
      %dma_wait3A_290 = tpu.memref_slice %arg9[%rem3A_211] : memref<2x!tpu.dma_semaphore, #tpu.memory_space<semaphore_mem>> -> memref<1x!tpu.dma_semaphore, #tpu.memory_space<semaphore_mem>>
      %dma_wait3A_291 = tpu.memref_squeeze %dma_wait3A_290 : memref<1x!tpu.dma_semaphore, #tpu.memory_space<semaphore_mem>> -> memref<!tpu.dma_semaphore, #tpu.memory_space<semaphore_mem>>
      %dma_wait3A_292 = arith.constant 0 : i32
      %dma_wait3A_293 = arith.constant 0 : i32
      %dma_wait3A_294 = tpu.memref_slice %arg6[%rem3A_211, %dma_wait3A_292, %dma_wait3A_293] : memref<2x400x128xf32, #tpu.memory_space<vmem>> -> memref<1x400x128xf32, #tpu.memory_space<vmem>>
      %dma_wait3A_295 = tpu.memref_squeeze %dma_wait3A_294 : memref<1x400x128xf32, #tpu.memory_space<vmem>> -> memref<400x128xf32, #tpu.memory_space<vmem>>
      %dma_wait3A_296 = arith.constant 200 : i32
      %dma_wait3A_297 = arith.constant 0 : i32
      %dma_wait3A_298 = tpu.memref_slice %dma_wait3A_295[%dma_wait3A_296, %dma_wait3A_297] : memref<400x128xf32, #tpu.memory_space<vmem>> -> memref<100x128xf32, #tpu.memory_space<vmem>>
      %dma_wait3A_299 = arith.constant 0 : i32
      %dma_wait3A_300 = arith.constant 0 : i32
      %dma_wait3A_301 = tpu.memref_slice %arg2[%dma_wait3A_275, %dma_wait3A_299, %dma_wait3A_300] : memref<2x10000x128xf32, #tpu.memory_space<hbm>> -> memref<1x10000x128xf32, #tpu.memory_space<hbm>>
      %dma_wait3A_302 = tpu.memref_squeeze %dma_wait3A_301 : memref<1x10000x128xf32, #tpu.memory_space<hbm>> -> memref<10000x128xf32, #tpu.memory_space<hbm>>
      %dma_wait3A_303 = arith.constant 0 : i32
      %dma_wait3A_304 = arith.constant 0 : i32
      %dma_wait3A_305 = tpu.memref_slice %dma_wait3A_302[%dma_wait3A_303, %dma_wait3A_304] : memref<10000x128xf32, #tpu.memory_space<hbm>> -> memref<100x128xf32, #tpu.memory_space<hbm>>
      tpu.wait_dma2 semaphore(%dma_wait3A_291 : memref<!tpu.dma_semaphore, #tpu.memory_space<semaphore_mem>>) src(%dma_wait3A_305 : memref<100x128xf32, #tpu.memory_space<hbm>>) dst(%dma_wait3A_298 : memref<100x128xf32, #tpu.memory_space<vmem>>)
      %dma_wait3A_306 = arith.constant 0 : i32
      %dma_wait3A_307 = arith.constant 0 : i32
      %dma_wait3A_308 = arith.constant 0 : i32
      %dma_wait3A_309 = tpu.memref_slice %arg6[%rem3A_211, %dma_wait3A_307, %dma_wait3A_308] : memref<2x400x128xf32, #tpu.memory_space<vmem>> -> memref<1x400x128xf32, #tpu.memory_space<vmem>>
      %dma_wait3A_310 = tpu.memref_squeeze %dma_wait3A_309 : memref<1x400x128xf32, #tpu.memory_space<vmem>> -> memref<400x128xf32, #tpu.memory_space<vmem>>
      %dma_wait3A_311 = arith.constant 300 : i32
      %dma_wait3A_312 = arith.constant 0 : i32
      %dma_wait3A_313 = tpu.memref_slice %dma_wait3A_310[%dma_wait3A_311, %dma_wait3A_312] : memref<400x128xf32, #tpu.memory_space<vmem>> -> memref<100x128xf32, #tpu.memory_space<vmem>>
      %dma_wait3A_314 = arith.constant 0 : i32
      %dma_wait3A_315 = arith.constant 0 : i32
      %dma_wait3A_316 = tpu.memref_slice %arg2[%dma_wait3A_306, %dma_wait3A_314, %dma_wait3A_315] : memref<2x10000x128xf32, #tpu.memory_space<hbm>> -> memref<1x10000x128xf32, #tpu.memory_space<hbm>>
      %dma_wait3A_317 = tpu.memref_squeeze %dma_wait3A_316 : memref<1x10000x128xf32, #tpu.memory_space<hbm>> -> memref<10000x128xf32, #tpu.memory_space<hbm>>
      %dma_wait3A_318 = arith.constant 0 : i32
      %dma_wait3A_319 = arith.constant 0 : i32
      %dma_wait3A_320 = tpu.memref_slice %dma_wait3A_317[%dma_wait3A_318, %dma_wait3A_319] : memref<10000x128xf32, #tpu.memory_space<hbm>> -> memref<100x128xf32, #tpu.memory_space<hbm>>
      %dma_wait3A_321 = tpu.memref_slice %arg9[%rem3A_211] : memref<2x!tpu.dma_semaphore, #tpu.memory_space<semaphore_mem>> -> memref<1x!tpu.dma_semaphore, #tpu.memory_space<semaphore_mem>>
      %dma_wait3A_322 = tpu.memref_squeeze %dma_wait3A_321 : memref<1x!tpu.dma_semaphore, #tpu.memory_space<semaphore_mem>> -> memref<!tpu.dma_semaphore, #tpu.memory_space<semaphore_mem>>
      %dma_wait3A_323 = arith.constant 0 : i32
      %dma_wait3A_324 = arith.constant 0 : i32
      %dma_wait3A_325 = tpu.memref_slice %arg6[%rem3A_211, %dma_wait3A_323, %dma_wait3A_324] : memref<2x400x128xf32, #tpu.memory_space<vmem>> -> memref<1x400x128xf32, #tpu.memory_space<vmem>>
      %dma_wait3A_326 = tpu.memref_squeeze %dma_wait3A_325 : memref<1x400x128xf32, #tpu.memory_space<vmem>> -> memref<400x128xf32, #tpu.memory_space<vmem>>
      %dma_wait3A_327 = arith.constant 300 : i32
      %dma_wait3A_328 = arith.constant 0 : i32
      %dma_wait3A_329 = tpu.memref_slice %dma_wait3A_326[%dma_wait3A_327, %dma_wait3A_328] : memref<400x128xf32, #tpu.memory_space<vmem>> -> memref<100x128xf32, #tpu.memory_space<vmem>>
      %dma_wait3A_330 = arith.constant 0 : i32
      %dma_wait3A_331 = arith.constant 0 : i32
      %dma_wait3A_332 = tpu.memref_slice %arg2[%dma_wait3A_306, %dma_wait3A_330, %dma_wait3A_331] : memref<2x10000x128xf32, #tpu.memory_space<hbm>> -> memref<1x10000x128xf32, #tpu.memory_space<hbm>>
      %dma_wait3A_333 = tpu.memref_squeeze %dma_wait3A_332 : memref<1x10000x128xf32, #tpu.memory_space<hbm>> -> memref<10000x128xf32, #tpu.memory_space<hbm>>
      %dma_wait3A_334 = arith.constant 0 : i32
      %dma_wait3A_335 = arith.constant 0 : i32
      %dma_wait3A_336 = tpu.memref_slice %dma_wait3A_333[%dma_wait3A_334, %dma_wait3A_335] : memref<10000x128xf32, #tpu.memory_space<hbm>> -> memref<100x128xf32, #tpu.memory_space<hbm>>
      tpu.wait_dma2 semaphore(%dma_wait3A_322 : memref<!tpu.dma_semaphore, #tpu.memory_space<semaphore_mem>>) src(%dma_wait3A_336 : memref<100x128xf32, #tpu.memory_space<hbm>>) dst(%dma_wait3A_329 : memref<100x128xf32, #tpu.memory_space<vmem>>)
      %add3A_337 = arith.constant 1 : i32
      %add3A_338 = arith.addi %scan3A_210, %add3A_337 : i32
      %lt3A = arith.constant 25 : i32
      %lt3A_339 = arith.cmpi slt, %add3A_338, %lt3A : i32
      %convert_element_type3A = arith.extui %lt3A_339 : i1 to i32
      %cond3A = arith.constant 0 : i32
      %cond3A_340 = arith.cmpi ne, %convert_element_type3A, %cond3A : i32
      scf.if %cond3A_340 {
        %dma_wait3A_373 = arith.constant 0 : i32
        %dma_wait3A_374 = arith.constant 0 : i32
        %dma_wait3A_375 = tpu.memref_slice %arg5[%sub3A_212, %dma_wait3A_373, %dma_wait3A_374] : memref<2x4x100xi32, #tpu.memory_space<vmem>> -> memref<1x4x100xi32, #tpu.memory_space<vmem>>
        %dma_wait3A_376 = tpu.memref_squeeze %dma_wait3A_375 : memref<1x4x100xi32, #tpu.memory_space<vmem>> -> memref<4x100xi32, #tpu.memory_space<vmem>>
        %dma_wait3A_377 = arith.constant 0 : i32
        %dma_wait3A_378 = arith.constant 0 : i32
        %dma_wait3A_379 = tpu.memref_slice %arg3[%dma_wait3A_377, %dma_wait3A_378] : memref<3200x100xi32, #tpu.memory_space<hbm>> -> memref<4x100xi32, #tpu.memory_space<hbm>>
        %dma_wait3A_380 = tpu.memref_slice %arg8[%sub3A_212] : memref<2x!tpu.dma_semaphore, #tpu.memory_space<semaphore_mem>> -> memref<1x!tpu.dma_semaphore, #tpu.memory_space<semaphore_mem>>
        %dma_wait3A_381 = tpu.memref_squeeze %dma_wait3A_380 : memref<1x!tpu.dma_semaphore, #tpu.memory_space<semaphore_mem>> -> memref<!tpu.dma_semaphore, #tpu.memory_space<semaphore_mem>>
        %dma_wait3A_382 = arith.constant 0 : i32
        %dma_wait3A_383 = arith.constant 0 : i32
        %dma_wait3A_384 = tpu.memref_slice %arg5[%sub3A_212, %dma_wait3A_382, %dma_wait3A_383] : memref<2x4x100xi32, #tpu.memory_space<vmem>> -> memref<1x4x100xi32, #tpu.memory_space<vmem>>
        %dma_wait3A_385 = tpu.memref_squeeze %dma_wait3A_384 : memref<1x4x100xi32, #tpu.memory_space<vmem>> -> memref<4x100xi32, #tpu.memory_space<vmem>>
        %dma_wait3A_386 = arith.constant 0 : i32
        %dma_wait3A_387 = arith.constant 0 : i32
        %dma_wait3A_388 = tpu.memref_slice %arg3[%dma_wait3A_386, %dma_wait3A_387] : memref<3200x100xi32, #tpu.memory_space<hbm>> -> memref<4x100xi32, #tpu.memory_space<hbm>>
        tpu.wait_dma2 semaphore(%dma_wait3A_381 : memref<!tpu.dma_semaphore, #tpu.memory_space<semaphore_mem>>) src(%dma_wait3A_388 : memref<4x100xi32, #tpu.memory_space<hbm>>) dst(%dma_wait3A_385 : memref<4x100xi32, #tpu.memory_space<vmem>>)
        %dma_start3A_389 = arith.constant 0 : i32
        %dma_start3A_390 = arith.constant 0 : i32
        %dma_start3A_391 = arith.constant 0 : i32
        %dma_start3A_392 = tpu.memref_slice %arg6[%sub3A_212, %dma_start3A_390, %dma_start3A_391] : memref<2x400x128xf32, #tpu.memory_space<vmem>> -> memref<1x400x128xf32, #tpu.memory_space<vmem>>
        %dma_start3A_393 = tpu.memref_squeeze %dma_start3A_392 : memref<1x400x128xf32, #tpu.memory_space<vmem>> -> memref<400x128xf32, #tpu.memory_space<vmem>>
        %dma_start3A_394 = arith.constant 0 : i32
        %dma_start3A_395 = arith.constant 0 : i32
        %dma_start3A_396 = tpu.memref_slice %dma_start3A_393[%dma_start3A_394, %dma_start3A_395] : memref<400x128xf32, #tpu.memory_space<vmem>> -> memref<100x128xf32, #tpu.memory_space<vmem>>
        %dma_start3A_397 = arith.constant 0 : i32
        %dma_start3A_398 = arith.constant 0 : i32
        %dma_start3A_399 = tpu.memref_slice %arg5[%sub3A_212, %dma_start3A_397, %dma_start3A_398] : memref<2x4x100xi32, #tpu.memory_space<vmem>> -> memref<1x4x100xi32, #tpu.memory_space<vmem>>
        %dma_start3A_400 = tpu.memref_squeeze %dma_start3A_399 : memref<1x4x100xi32, #tpu.memory_space<vmem>> -> memref<4x100xi32, #tpu.memory_space<vmem>>
        %dma_start3A_401 = arith.constant 0 : i32
        %dma_start3A_402 = tpu.memref_slice %dma_start3A_400[%dma_start3A_389, %dma_start3A_401] : memref<4x100xi32, #tpu.memory_space<vmem>> -> memref<1x100xi32, #tpu.memory_space<vmem>>
        %dma_start3A_403 = tpu.memref_squeeze %dma_start3A_402 : memref<1x100xi32, #tpu.memory_space<vmem>> -> memref<100xi32, #tpu.memory_space<vmem>>
        %dma_start3A_404 = arith.constant 0 : i32
        %dma_start3A_405 = arith.constant 0 : i32
        %dma_start3A_406 = tpu.memref_slice %arg2[%arg0, %dma_start3A_404, %dma_start3A_405] : memref<2x10000x128xf32, #tpu.memory_space<hbm>> -> memref<1x10000x128xf32, #tpu.memory_space<hbm>>
        %dma_start3A_407 = tpu.memref_squeeze %dma_start3A_406 : memref<1x10000x128xf32, #tpu.memory_space<hbm>> -> memref<10000x128xf32, #tpu.memory_space<hbm>>
        %dma_start3A_408 = arith.constant 0 : i32
        %dma_start3A_409 = arith.constant 0 : i32
        %dma_start3A_410 = tpu.memref_slice %dma_start3A_407[%dma_start3A_408, %dma_start3A_409] : memref<10000x128xf32, #tpu.memory_space<hbm>> -> memref<10000x128xf32, #tpu.memory_space<hbm>>
        %dma_start3A_411 = tpu.memref_slice %arg9[%sub3A_212] : memref<2x!tpu.dma_semaphore, #tpu.memory_space<semaphore_mem>> -> memref<1x!tpu.dma_semaphore, #tpu.memory_space<semaphore_mem>>
        %dma_start3A_412 = tpu.memref_squeeze %dma_start3A_411 : memref<1x!tpu.dma_semaphore, #tpu.memory_space<semaphore_mem>> -> memref<!tpu.dma_semaphore, #tpu.memory_space<semaphore_mem>>
        tpu.enqueue_indirect_dma source(%dma_start3A_410 : memref<10000x128xf32, #tpu.memory_space<hbm>>) target(%dma_start3A_396 : memref<100x128xf32, #tpu.memory_space<vmem>>) offsets(%dma_start3A_403 : memref<100xi32, #tpu.memory_space<vmem>>) semaphore(%dma_start3A_412 : memref<!tpu.dma_semaphore, #tpu.memory_space<semaphore_mem>>)
        %dma_start3A_413 = arith.constant 1 : i32
        %dma_start3A_414 = arith.constant 0 : i32
        %dma_start3A_415 = arith.constant 0 : i32
        %dma_start3A_416 = tpu.memref_slice %arg6[%sub3A_212, %dma_start3A_414, %dma_start3A_415] : memref<2x400x128xf32, #tpu.memory_space<vmem>> -> memref<1x400x128xf32, #tpu.memory_space<vmem>>
        %dma_start3A_417 = tpu.memref_squeeze %dma_start3A_416 : memref<1x400x128xf32, #tpu.memory_space<vmem>> -> memref<400x128xf32, #tpu.memory_space<vmem>>
        %dma_start3A_418 = arith.constant 100 : i32
        %dma_start3A_419 = arith.constant 0 : i32
        %dma_start3A_420 = tpu.memref_slice %dma_start3A_417[%dma_start3A_418, %dma_start3A_419] : memref<400x128xf32, #tpu.memory_space<vmem>> -> memref<100x128xf32, #tpu.memory_space<vmem>>
        %dma_start3A_421 = arith.constant 0 : i32
        %dma_start3A_422 = arith.constant 0 : i32
        %dma_start3A_423 = tpu.memref_slice %arg5[%sub3A_212, %dma_start3A_421, %dma_start3A_422] : memref<2x4x100xi32, #tpu.memory_space<vmem>> -> memref<1x4x100xi32, #tpu.memory_space<vmem>>
        %dma_start3A_424 = tpu.memref_squeeze %dma_start3A_423 : memref<1x4x100xi32, #tpu.memory_space<vmem>> -> memref<4x100xi32, #tpu.memory_space<vmem>>
        %dma_start3A_425 = arith.constant 0 : i32
        %dma_start3A_426 = tpu.memref_slice %dma_start3A_424[%dma_start3A_413, %dma_start3A_425] : memref<4x100xi32, #tpu.memory_space<vmem>> -> memref<1x100xi32, #tpu.memory_space<vmem>>
        %dma_start3A_427 = tpu.memref_squeeze %dma_start3A_426 : memref<1x100xi32, #tpu.memory_space<vmem>> -> memref<100xi32, #tpu.memory_space<vmem>>
        %dma_start3A_428 = arith.constant 0 : i32
        %dma_start3A_429 = arith.constant 0 : i32
        %dma_start3A_430 = tpu.memref_slice %arg2[%arg0, %dma_start3A_428, %dma_start3A_429] : memref<2x10000x128xf32, #tpu.memory_space<hbm>> -> memref<1x10000x128xf32, #tpu.memory_space<hbm>>
        %dma_start3A_431 = tpu.memref_squeeze %dma_start3A_430 : memref<1x10000x128xf32, #tpu.memory_space<hbm>> -> memref<10000x128xf32, #tpu.memory_space<hbm>>
        %dma_start3A_432 = arith.constant 0 : i32
        %dma_start3A_433 = arith.constant 0 : i32
        %dma_start3A_434 = tpu.memref_slice %dma_start3A_431[%dma_start3A_432, %dma_start3A_433] : memref<10000x128xf32, #tpu.memory_space<hbm>> -> memref<10000x128xf32, #tpu.memory_space<hbm>>
        %dma_start3A_435 = tpu.memref_slice %arg9[%sub3A_212] : memref<2x!tpu.dma_semaphore, #tpu.memory_space<semaphore_mem>> -> memref<1x!tpu.dma_semaphore, #tpu.memory_space<semaphore_mem>>
        %dma_start3A_436 = tpu.memref_squeeze %dma_start3A_435 : memref<1x!tpu.dma_semaphore, #tpu.memory_space<semaphore_mem>> -> memref<!tpu.dma_semaphore, #tpu.memory_space<semaphore_mem>>
        tpu.enqueue_indirect_dma source(%dma_start3A_434 : memref<10000x128xf32, #tpu.memory_space<hbm>>) target(%dma_start3A_420 : memref<100x128xf32, #tpu.memory_space<vmem>>) offsets(%dma_start3A_427 : memref<100xi32, #tpu.memory_space<vmem>>) semaphore(%dma_start3A_436 : memref<!tpu.dma_semaphore, #tpu.memory_space<semaphore_mem>>)
        %dma_start3A_437 = arith.constant 2 : i32
        %dma_start3A_438 = arith.constant 0 : i32
        %dma_start3A_439 = arith.constant 0 : i32
        %dma_start3A_440 = tpu.memref_slice %arg6[%sub3A_212, %dma_start3A_438, %dma_start3A_439] : memref<2x400x128xf32, #tpu.memory_space<vmem>> -> memref<1x400x128xf32, #tpu.memory_space<vmem>>
        %dma_start3A_441 = tpu.memref_squeeze %dma_start3A_440 : memref<1x400x128xf32, #tpu.memory_space<vmem>> -> memref<400x128xf32, #tpu.memory_space<vmem>>
        %dma_start3A_442 = arith.constant 200 : i32
        %dma_start3A_443 = arith.constant 0 : i32
        %dma_start3A_444 = tpu.memref_slice %dma_start3A_441[%dma_start3A_442, %dma_start3A_443] : memref<400x128xf32, #tpu.memory_space<vmem>> -> memref<100x128xf32, #tpu.memory_space<vmem>>
        %dma_start3A_445 = arith.constant 0 : i32
        %dma_start3A_446 = arith.constant 0 : i32
        %dma_start3A_447 = tpu.memref_slice %arg5[%sub3A_212, %dma_start3A_445, %dma_start3A_446] : memref<2x4x100xi32, #tpu.memory_space<vmem>> -> memref<1x4x100xi32, #tpu.memory_space<vmem>>
        %dma_start3A_448 = tpu.memref_squeeze %dma_start3A_447 : memref<1x4x100xi32, #tpu.memory_space<vmem>> -> memref<4x100xi32, #tpu.memory_space<vmem>>
        %dma_start3A_449 = arith.constant 0 : i32
        %dma_start3A_450 = tpu.memref_slice %dma_start3A_448[%dma_start3A_437, %dma_start3A_449] : memref<4x100xi32, #tpu.memory_space<vmem>> -> memref<1x100xi32, #tpu.memory_space<vmem>>
        %dma_start3A_451 = tpu.memref_squeeze %dma_start3A_450 : memref<1x100xi32, #tpu.memory_space<vmem>> -> memref<100xi32, #tpu.memory_space<vmem>>
        %dma_start3A_452 = arith.constant 0 : i32
        %dma_start3A_453 = arith.constant 0 : i32
        %dma_start3A_454 = tpu.memref_slice %arg2[%arg0, %dma_start3A_452, %dma_start3A_453] : memref<2x10000x128xf32, #tpu.memory_space<hbm>> -> memref<1x10000x128xf32, #tpu.memory_space<hbm>>
        %dma_start3A_455 = tpu.memref_squeeze %dma_start3A_454 : memref<1x10000x128xf32, #tpu.memory_space<hbm>> -> memref<10000x128xf32, #tpu.memory_space<hbm>>
        %dma_start3A_456 = arith.constant 0 : i32
        %dma_start3A_457 = arith.constant 0 : i32
        %dma_start3A_458 = tpu.memref_slice %dma_start3A_455[%dma_start3A_456, %dma_start3A_457] : memref<10000x128xf32, #tpu.memory_space<hbm>> -> memref<10000x128xf32, #tpu.memory_space<hbm>>
        %dma_start3A_459 = tpu.memref_slice %arg9[%sub3A_212] : memref<2x!tpu.dma_semaphore, #tpu.memory_space<semaphore_mem>> -> memref<1x!tpu.dma_semaphore, #tpu.memory_space<semaphore_mem>>
        %dma_start3A_460 = tpu.memref_squeeze %dma_start3A_459 : memref<1x!tpu.dma_semaphore, #tpu.memory_space<semaphore_mem>> -> memref<!tpu.dma_semaphore, #tpu.memory_space<semaphore_mem>>
        tpu.enqueue_indirect_dma source(%dma_start3A_458 : memref<10000x128xf32, #tpu.memory_space<hbm>>) target(%dma_start3A_444 : memref<100x128xf32, #tpu.memory_space<vmem>>) offsets(%dma_start3A_451 : memref<100xi32, #tpu.memory_space<vmem>>) semaphore(%dma_start3A_460 : memref<!tpu.dma_semaphore, #tpu.memory_space<semaphore_mem>>)
        %dma_start3A_461 = arith.constant 3 : i32
        %dma_start3A_462 = arith.constant 0 : i32
        %dma_start3A_463 = arith.constant 0 : i32
        %dma_start3A_464 = tpu.memref_slice %arg6[%sub3A_212, %dma_start3A_462, %dma_start3A_463] : memref<2x400x128xf32, #tpu.memory_space<vmem>> -> memref<1x400x128xf32, #tpu.memory_space<vmem>>
        %dma_start3A_465 = tpu.memref_squeeze %dma_start3A_464 : memref<1x400x128xf32, #tpu.memory_space<vmem>> -> memref<400x128xf32, #tpu.memory_space<vmem>>
        %dma_start3A_466 = arith.constant 300 : i32
        %dma_start3A_467 = arith.constant 0 : i32
        %dma_start3A_468 = tpu.memref_slice %dma_start3A_465[%dma_start3A_466, %dma_start3A_467] : memref<400x128xf32, #tpu.memory_space<vmem>> -> memref<100x128xf32, #tpu.memory_space<vmem>>
        %dma_start3A_469 = arith.constant 0 : i32
        %dma_start3A_470 = arith.constant 0 : i32
        %dma_start3A_471 = tpu.memref_slice %arg5[%sub3A_212, %dma_start3A_469, %dma_start3A_470] : memref<2x4x100xi32, #tpu.memory_space<vmem>> -> memref<1x4x100xi32, #tpu.memory_space<vmem>>
        %dma_start3A_472 = tpu.memref_squeeze %dma_start3A_471 : memref<1x4x100xi32, #tpu.memory_space<vmem>> -> memref<4x100xi32, #tpu.memory_space<vmem>>
        %dma_start3A_473 = arith.constant 0 : i32
        %dma_start3A_474 = tpu.memref_slice %dma_start3A_472[%dma_start3A_461, %dma_start3A_473] : memref<4x100xi32, #tpu.memory_space<vmem>> -> memref<1x100xi32, #tpu.memory_space<vmem>>
        %dma_start3A_475 = tpu.memref_squeeze %dma_start3A_474 : memref<1x100xi32, #tpu.memory_space<vmem>> -> memref<100xi32, #tpu.memory_space<vmem>>
        %dma_start3A_476 = arith.constant 0 : i32
        %dma_start3A_477 = arith.constant 0 : i32
        %dma_start3A_478 = tpu.memref_slice %arg2[%arg0, %dma_start3A_476, %dma_start3A_477] : memref<2x10000x128xf32, #tpu.memory_space<hbm>> -> memref<1x10000x128xf32, #tpu.memory_space<hbm>>
        %dma_start3A_479 = tpu.memref_squeeze %dma_start3A_478 : memref<1x10000x128xf32, #tpu.memory_space<hbm>> -> memref<10000x128xf32, #tpu.memory_space<hbm>>
        %dma_start3A_480 = arith.constant 0 : i32
        %dma_start3A_481 = arith.constant 0 : i32
        %dma_start3A_482 = tpu.memref_slice %dma_start3A_479[%dma_start3A_480, %dma_start3A_481] : memref<10000x128xf32, #tpu.memory_space<hbm>> -> memref<10000x128xf32, #tpu.memory_space<hbm>>
        %dma_start3A_483 = tpu.memref_slice %arg9[%sub3A_212] : memref<2x!tpu.dma_semaphore, #tpu.memory_space<semaphore_mem>> -> memref<1x!tpu.dma_semaphore, #tpu.memory_space<semaphore_mem>>
        %dma_start3A_484 = tpu.memref_squeeze %dma_start3A_483 : memref<1x!tpu.dma_semaphore, #tpu.memory_space<semaphore_mem>> -> memref<!tpu.dma_semaphore, #tpu.memory_space<semaphore_mem>>
        tpu.enqueue_indirect_dma source(%dma_start3A_482 : memref<10000x128xf32, #tpu.memory_space<hbm>>) target(%dma_start3A_468 : memref<100x128xf32, #tpu.memory_space<vmem>>) offsets(%dma_start3A_475 : memref<100xi32, #tpu.memory_space<vmem>>) semaphore(%dma_start3A_484 : memref<!tpu.dma_semaphore, #tpu.memory_space<semaphore_mem>>)
      } else {
      }
      %add3A_341 = arith.constant 2 : i32
      %add3A_342 = arith.addi %scan3A_210, %add3A_341 : i32
      %lt3A_343 = arith.constant 25 : i32
      %lt3A_344 = arith.cmpi slt, %add3A_342, %lt3A_343 : i32
      %convert_element_type3A_345 = arith.extui %lt3A_344 : i1 to i32
      %cond3A_346 = arith.constant 0 : i32
      %cond3A_347 = arith.cmpi ne, %convert_element_type3A_345, %cond3A_346 : i32
      scf.if %cond3A_347 {
        %add3A_373 = arith.constant 2 : i32
        %add3A_374 = arith.addi %scan3A_210, %add3A_373 : i32
        %mul3A_375 = arith.constant 25 : i32
        %mul3A_376 = arith.muli %add3A, %mul3A_375 : i32
        %add3A_377 = arith.addi %mul3A_376, %add3A_374 : i32
        %mul3A_378 = arith.constant 4 : i32
        %mul3A_379 = arith.muli %add3A_377, %mul3A_378 : i32
        %dma_start3A_380 = arith.constant 0 : i32
        %dma_start3A_381 = arith.constant 0 : i32
        %dma_start3A_382 = tpu.memref_slice %arg5[%rem3A_211, %dma_start3A_380, %dma_start3A_381] : memref<2x4x100xi32, #tpu.memory_space<vmem>> -> memref<1x4x100xi32, #tpu.memory_space<vmem>>
        %dma_start3A_383 = tpu.memref_squeeze %dma_start3A_382 : memref<1x4x100xi32, #tpu.memory_space<vmem>> -> memref<4x100xi32, #tpu.memory_space<vmem>>
        %dma_start3A_384 = arith.constant 0 : i32
        %dma_start3A_385 = tpu.memref_slice %arg3[%mul3A_379, %dma_start3A_384] : memref<3200x100xi32, #tpu.memory_space<hbm>> -> memref<4x100xi32, #tpu.memory_space<hbm>>
        %dma_start3A_386 = tpu.memref_slice %arg8[%rem3A_211] : memref<2x!tpu.dma_semaphore, #tpu.memory_space<semaphore_mem>> -> memref<1x!tpu.dma_semaphore, #tpu.memory_space<semaphore_mem>>
        %dma_start3A_387 = tpu.memref_squeeze %dma_start3A_386 : memref<1x!tpu.dma_semaphore, #tpu.memory_space<semaphore_mem>> -> memref<!tpu.dma_semaphore, #tpu.memory_space<semaphore_mem>>
        %dma_start3A_388 = arith.constant 0 : i32
        %dma_start3A_389 = arith.constant 0 : i32
        %dma_start3A_390 = tpu.memref_slice %arg5[%rem3A_211, %dma_start3A_388, %dma_start3A_389] : memref<2x4x100xi32, #tpu.memory_space<vmem>> -> memref<1x4x100xi32, #tpu.memory_space<vmem>>
        %dma_start3A_391 = tpu.memref_squeeze %dma_start3A_390 : memref<1x4x100xi32, #tpu.memory_space<vmem>> -> memref<4x100xi32, #tpu.memory_space<vmem>>
        %dma_start3A_392 = arith.constant 0 : i32
        %dma_start3A_393 = tpu.memref_slice %arg3[%mul3A_379, %dma_start3A_392] : memref<3200x100xi32, #tpu.memory_space<hbm>> -> memref<4x100xi32, #tpu.memory_space<hbm>>
        tpu.enqueue_dma source(%dma_start3A_393 : memref<4x100xi32, #tpu.memory_space<hbm>>) target(%dma_start3A_391 : memref<4x100xi32, #tpu.memory_space<vmem>>) target_semaphore(%dma_start3A_387 : memref<!tpu.dma_semaphore, #tpu.memory_space<semaphore_mem>>)
      } else {
      }
      %ge3A = arith.constant 2 : i32
      %ge3A_348 = arith.cmpi sge, %scan3A_210, %ge3A : i32
      %convert_element_type3A_349 = arith.extui %ge3A_348 : i1 to i32
      %cond3A_350 = arith.constant 0 : i32
      %cond3A_351 = arith.cmpi ne, %convert_element_type3A_349, %cond3A_350 : i32
      scf.if %cond3A_351 {
        %dma_wait3A_373 = arith.constant 0 : i32
        %dma_wait3A_374 = arith.constant 0 : i32
        %dma_wait3A_375 = tpu.memref_slice %arg7[%rem3A_211, %dma_wait3A_373, %dma_wait3A_374] : memref<2x25x128xf32, #tpu.memory_space<vmem>> -> memref<1x25x128xf32, #tpu.memory_space<vmem>>
        %dma_wait3A_376 = tpu.memref_squeeze %dma_wait3A_375 : memref<1x25x128xf32, #tpu.memory_space<vmem>> -> memref<25x128xf32, #tpu.memory_space<vmem>>
        %dma_wait3A_377 = arith.constant 0 : i32
        %dma_wait3A_378 = arith.constant 0 : i32
        %dma_wait3A_379 = tpu.memref_slice %arg4[%dma_wait3A_377, %dma_wait3A_378] : memref<20000x128xf32, #tpu.memory_space<hbm>> -> memref<25x128xf32, #tpu.memory_space<hbm>>
        %dma_wait3A_380 = tpu.memref_slice %arg10[%rem3A_211] : memref<2x!tpu.dma_semaphore, #tpu.memory_space<semaphore_mem>> -> memref<1x!tpu.dma_semaphore, #tpu.memory_space<semaphore_mem>>
        %dma_wait3A_381 = tpu.memref_squeeze %dma_wait3A_380 : memref<1x!tpu.dma_semaphore, #tpu.memory_space<semaphore_mem>> -> memref<!tpu.dma_semaphore, #tpu.memory_space<semaphore_mem>>
        %dma_wait3A_382 = arith.constant 0 : i32
        %dma_wait3A_383 = arith.constant 0 : i32
        %dma_wait3A_384 = tpu.memref_slice %arg4[%dma_wait3A_382, %dma_wait3A_383] : memref<20000x128xf32, #tpu.memory_space<hbm>> -> memref<25x128xf32, #tpu.memory_space<hbm>>
        %dma_wait3A_385 = arith.constant 0 : i32
        %dma_wait3A_386 = arith.constant 0 : i32
        %dma_wait3A_387 = tpu.memref_slice %arg7[%rem3A_211, %dma_wait3A_385, %dma_wait3A_386] : memref<2x25x128xf32, #tpu.memory_space<vmem>> -> memref<1x25x128xf32, #tpu.memory_space<vmem>>
        %dma_wait3A_388 = tpu.memref_squeeze %dma_wait3A_387 : memref<1x25x128xf32, #tpu.memory_space<vmem>> -> memref<25x128xf32, #tpu.memory_space<vmem>>
        tpu.wait_dma2 semaphore(%dma_wait3A_381 : memref<!tpu.dma_semaphore, #tpu.memory_space<semaphore_mem>>) src(%dma_wait3A_388 : memref<25x128xf32, #tpu.memory_space<vmem>>) dst(%dma_wait3A_384 : memref<25x128xf32, #tpu.memory_space<hbm>>)
      } else {
      }
      %parallel_loop3A = arith.constant 0 : i32
      %parallel_loop3A_352 = arith.constant 25 : i32
      %parallel_loop3A_353 = arith.constant 1 : i32
      scf.for %parallel_loop3A_373 = %parallel_loop3A to %parallel_loop3A_352 step %parallel_loop3A_353  : i32 {
        %parallel_loop3A_374 = arith.constant 16 : i32
        %parallel_loop3A_375 = arith.muli %parallel_loop3A_373, %parallel_loop3A_374 : i32
        %parallel_loop3A_376 = arith.constant 0 : i32
        %parallel_loop3A_377 = arith.constant 0 : i32
        %parallel_loop3A_378 = tpu.memref_slice %arg6[%rem3A_211, %parallel_loop3A_376, %parallel_loop3A_377] : memref<2x400x128xf32, #tpu.memory_space<vmem>> -> memref<1x400x128xf32, #tpu.memory_space<vmem>>
        %parallel_loop3A_379 = tpu.memref_squeeze %parallel_loop3A_378 : memref<1x400x128xf32, #tpu.memory_space<vmem>> -> memref<400x128xf32, #tpu.memory_space<vmem>>
        %parallel_loop3A_380 = arith.index_cast %parallel_loop3A_375 : i32 to index
        %parallel_loop3A_381 = arith.constant 0 : index
        %parallel_loop3A_382 = tpu.vector_load %parallel_loop3A_379[%parallel_loop3A_380, %parallel_loop3A_381] {strides = array<i32>} : memref<400x128xf32, #tpu.memory_space<vmem>>, vector<1x16xf32>,
        %parallel_loop3A_383 = vector.shape_cast %parallel_loop3A_382 : vector<1x16xf32> to vector<16xf32>
        %parallel_loop3A_384 = arith.constant 1 : i32
        %parallel_loop3A_385 = arith.addi %parallel_loop3A_375, %parallel_loop3A_384 : i32
        %parallel_loop3A_386 = arith.constant 0 : i32
        %parallel_loop3A_387 = arith.constant 0 : i32
        %parallel_loop3A_388 = tpu.memref_slice %arg6[%rem3A_211, %parallel_loop3A_386, %parallel_loop3A_387] : memref<2x400x128xf32, #tpu.memory_space<vmem>> -> memref<1x400x128xf32, #tpu.memory_space<vmem>>
        %parallel_loop3A_389 = tpu.memref_squeeze %parallel_loop3A_388 : memref<1x400x128xf32, #tpu.memory_space<vmem>> -> memref<400x128xf32, #tpu.memory_space<vmem>>
        %parallel_loop3A_390 = arith.index_cast %parallel_loop3A_385 : i32 to index
        %parallel_loop3A_391 = arith.constant 0 : index
        %parallel_loop3A_392 = tpu.vector_load %parallel_loop3A_389[%parallel_loop3A_390, %parallel_loop3A_391] {strides = array<i32>} : memref<400x128xf32, #tpu.memory_space<vmem>>, vector<1x16xf32>,
        %parallel_loop3A_393 = vector.shape_cast %parallel_loop3A_392 : vector<1x16xf32> to vector<16xf32>
        %parallel_loop3A_394 = arith.addf %parallel_loop3A_383, %parallel_loop3A_393 : vector<16xf32>
        %parallel_loop3A_395 = arith.constant 2 : i32
        %parallel_loop3A_396 = arith.addi %parallel_loop3A_375, %parallel_loop3A_395 : i32
        %parallel_loop3A_397 = arith.constant 0 : i32
        %parallel_loop3A_398 = arith.constant 0 : i32
        %parallel_loop3A_399 = tpu.memref_slice %arg6[%rem3A_211, %parallel_loop3A_397, %parallel_loop3A_398] : memref<2x400x128xf32, #tpu.memory_space<vmem>> -> memref<1x400x128xf32, #tpu.memory_space<vmem>>
        %parallel_loop3A_400 = tpu.memref_squeeze %parallel_loop3A_399 : memref<1x400x128xf32, #tpu.memory_space<vmem>> -> memref<400x128xf32, #tpu.memory_space<vmem>>
        %parallel_loop3A_401 = arith.index_cast %parallel_loop3A_396 : i32 to index
        %parallel_loop3A_402 = arith.constant 0 : index
        %parallel_loop3A_403 = tpu.vector_load %parallel_loop3A_400[%parallel_loop3A_401, %parallel_loop3A_402] {strides = array<i32>} : memref<400x128xf32, #tpu.memory_space<vmem>>, vector<1x16xf32>,
        %parallel_loop3A_404 = vector.shape_cast %parallel_loop3A_403 : vector<1x16xf32> to vector<16xf32>
        %parallel_loop3A_405 = arith.addf %parallel_loop3A_394, %parallel_loop3A_404 : vector<16xf32>
        %parallel_loop3A_406 = arith.constant 3 : i32
        %parallel_loop3A_407 = arith.addi %parallel_loop3A_375, %parallel_loop3A_406 : i32
        %parallel_loop3A_408 = arith.constant 0 : i32
        %parallel_loop3A_409 = arith.constant 0 : i32
        %parallel_loop3A_410 = tpu.memref_slice %arg6[%rem3A_211, %parallel_loop3A_408, %parallel_loop3A_409] : memref<2x400x128xf32, #tpu.memory_space<vmem>> -> memref<1x400x128xf32, #tpu.memory_space<vmem>>
        %parallel_loop3A_411 = tpu.memref_squeeze %parallel_loop3A_410 : memref<1x400x128xf32, #tpu.memory_space<vmem>> -> memref<400x128xf32, #tpu.memory_space<vmem>>
        %parallel_loop3A_412 = arith.index_cast %parallel_loop3A_407 : i32 to index
        %parallel_loop3A_413 = arith.constant 0 : index
        %parallel_loop3A_414 = tpu.vector_load %parallel_loop3A_411[%parallel_loop3A_412, %parallel_loop3A_413] {strides = array<i32>} : memref<400x128xf32, #tpu.memory_space<vmem>>, vector<1x16xf32>,
        %parallel_loop3A_415 = vector.shape_cast %parallel_loop3A_414 : vector<1x16xf32> to vector<16xf32>
        %parallel_loop3A_416 = arith.addf %parallel_loop3A_405, %parallel_loop3A_415 : vector<16xf32>
        %parallel_loop3A_417 = arith.constant 4 : i32
        %parallel_loop3A_418 = arith.addi %parallel_loop3A_375, %parallel_loop3A_417 : i32
        %parallel_loop3A_419 = arith.constant 0 : i32
        %parallel_loop3A_420 = arith.constant 0 : i32
        %parallel_loop3A_421 = tpu.memref_slice %arg6[%rem3A_211, %parallel_loop3A_419, %parallel_loop3A_420] : memref<2x400x128xf32, #tpu.memory_space<vmem>> -> memref<1x400x128xf32, #tpu.memory_space<vmem>>
        %parallel_loop3A_422 = tpu.memref_squeeze %parallel_loop3A_421 : memref<1x400x128xf32, #tpu.memory_space<vmem>> -> memref<400x128xf32, #tpu.memory_space<vmem>>
        %parallel_loop3A_423 = arith.index_cast %parallel_loop3A_418 : i32 to index
        %parallel_loop3A_424 = arith.constant 0 : index
        %parallel_loop3A_425 = tpu.vector_load %parallel_loop3A_422[%parallel_loop3A_423, %parallel_loop3A_424] {strides = array<i32>} : memref<400x128xf32, #tpu.memory_space<vmem>>, vector<1x16xf32>,
        %parallel_loop3A_426 = vector.shape_cast %parallel_loop3A_425 : vector<1x16xf32> to vector<16xf32>
        %parallel_loop3A_427 = arith.addf %parallel_loop3A_416, %parallel_loop3A_426 : vector<16xf32>
        %parallel_loop3A_428 = arith.constant 5 : i32
        %parallel_loop3A_429 = arith.addi %parallel_loop3A_375, %parallel_loop3A_428 : i32
        %parallel_loop3A_430 = arith.constant 0 : i32
        %parallel_loop3A_431 = arith.constant 0 : i32
        %parallel_loop3A_432 = tpu.memref_slice %arg6[%rem3A_211, %parallel_loop3A_430, %parallel_loop3A_431] : memref<2x400x128xf32, #tpu.memory_space<vmem>> -> memref<1x400x128xf32, #tpu.memory_space<vmem>>
        %parallel_loop3A_433 = tpu.memref_squeeze %parallel_loop3A_432 : memref<1x400x128xf32, #tpu.memory_space<vmem>> -> memref<400x128xf32, #tpu.memory_space<vmem>>
        %parallel_loop3A_434 = arith.index_cast %parallel_loop3A_429 : i32 to index
        %parallel_loop3A_435 = arith.constant 0 : index
        %parallel_loop3A_436 = tpu.vector_load %parallel_loop3A_433[%parallel_loop3A_434, %parallel_loop3A_435] {strides = array<i32>} : memref<400x128xf32, #tpu.memory_space<vmem>>, vector<1x16xf32>,
        %parallel_loop3A_437 = vector.shape_cast %parallel_loop3A_436 : vector<1x16xf32> to vector<16xf32>
        %parallel_loop3A_438 = arith.addf %parallel_loop3A_427, %parallel_loop3A_437 : vector<16xf32>
        %parallel_loop3A_439 = arith.constant 6 : i32
        %parallel_loop3A_440 = arith.addi %parallel_loop3A_375, %parallel_loop3A_439 : i32
        %parallel_loop3A_441 = arith.constant 0 : i32
        %parallel_loop3A_442 = arith.constant 0 : i32
        %parallel_loop3A_443 = tpu.memref_slice %arg6[%rem3A_211, %parallel_loop3A_441, %parallel_loop3A_442] : memref<2x400x128xf32, #tpu.memory_space<vmem>> -> memref<1x400x128xf32, #tpu.memory_space<vmem>>
        %parallel_loop3A_444 = tpu.memref_squeeze %parallel_loop3A_443 : memref<1x400x128xf32, #tpu.memory_space<vmem>> -> memref<400x128xf32, #tpu.memory_space<vmem>>
        %parallel_loop3A_445 = arith.index_cast %parallel_loop3A_440 : i32 to index
        %parallel_loop3A_446 = arith.constant 0 : index
        %parallel_loop3A_447 = tpu.vector_load %parallel_loop3A_444[%parallel_loop3A_445, %parallel_loop3A_446] {strides = array<i32>} : memref<400x128xf32, #tpu.memory_space<vmem>>, vector<1x16xf32>,
        %parallel_loop3A_448 = vector.shape_cast %parallel_loop3A_447 : vector<1x16xf32> to vector<16xf32>
        %parallel_loop3A_449 = arith.addf %parallel_loop3A_438, %parallel_loop3A_448 : vector<16xf32>
        %parallel_loop3A_450 = arith.constant 7 : i32
        %parallel_loop3A_451 = arith.addi %parallel_loop3A_375, %parallel_loop3A_450 : i32
        %parallel_loop3A_452 = arith.constant 0 : i32
        %parallel_loop3A_453 = arith.constant 0 : i32
        %parallel_loop3A_454 = tpu.memref_slice %arg6[%rem3A_211, %parallel_loop3A_452, %parallel_loop3A_453] : memref<2x400x128xf32, #tpu.memory_space<vmem>> -> memref<1x400x128xf32, #tpu.memory_space<vmem>>
        %parallel_loop3A_455 = tpu.memref_squeeze %parallel_loop3A_454 : memref<1x400x128xf32, #tpu.memory_space<vmem>> -> memref<400x128xf32, #tpu.memory_space<vmem>>
        %parallel_loop3A_456 = arith.index_cast %parallel_loop3A_451 : i32 to index
        %parallel_loop3A_457 = arith.constant 0 : index
        %parallel_loop3A_458 = tpu.vector_load %parallel_loop3A_455[%parallel_loop3A_456, %parallel_loop3A_457] {strides = array<i32>} : memref<400x128xf32, #tpu.memory_space<vmem>>, vector<1x16xf32>,
        %parallel_loop3A_459 = vector.shape_cast %parallel_loop3A_458 : vector<1x16xf32> to vector<16xf32>
        %parallel_loop3A_460 = arith.addf %parallel_loop3A_449, %parallel_loop3A_459 : vector<16xf32>
        %parallel_loop3A_461 = arith.constant 8 : i32
        %parallel_loop3A_462 = arith.addi %parallel_loop3A_375, %parallel_loop3A_461 : i32
        %parallel_loop3A_463 = arith.constant 0 : i32
        %parallel_loop3A_464 = arith.constant 0 : i32
        %parallel_loop3A_465 = tpu.memref_slice %arg6[%rem3A_211, %parallel_loop3A_463, %parallel_loop3A_464] : memref<2x400x128xf32, #tpu.memory_space<vmem>> -> memref<1x400x128xf32, #tpu.memory_space<vmem>>
        %parallel_loop3A_466 = tpu.memref_squeeze %parallel_loop3A_465 : memref<1x400x128xf32, #tpu.memory_space<vmem>> -> memref<400x128xf32, #tpu.memory_space<vmem>>
        %parallel_loop3A_467 = arith.index_cast %parallel_loop3A_462 : i32 to index
        %parallel_loop3A_468 = arith.constant 0 : index
        %parallel_loop3A_469 = tpu.vector_load %parallel_loop3A_466[%parallel_loop3A_467, %parallel_loop3A_468] {strides = array<i32>} : memref<400x128xf32, #tpu.memory_space<vmem>>, vector<1x16xf32>,
        %parallel_loop3A_470 = vector.shape_cast %parallel_loop3A_469 : vector<1x16xf32> to vector<16xf32>
        %parallel_loop3A_471 = arith.addf %parallel_loop3A_460, %parallel_loop3A_470 : vector<16xf32>
        %parallel_loop3A_472 = arith.constant 9 : i32
        %parallel_loop3A_473 = arith.addi %parallel_loop3A_375, %parallel_loop3A_472 : i32
        %parallel_loop3A_474 = arith.constant 0 : i32
        %parallel_loop3A_475 = arith.constant 0 : i32
        %parallel_loop3A_476 = tpu.memref_slice %arg6[%rem3A_211, %parallel_loop3A_474, %parallel_loop3A_475] : memref<2x400x128xf32, #tpu.memory_space<vmem>> -> memref<1x400x128xf32, #tpu.memory_space<vmem>>
        %parallel_loop3A_477 = tpu.memref_squeeze %parallel_loop3A_476 : memref<1x400x128xf32, #tpu.memory_space<vmem>> -> memref<400x128xf32, #tpu.memory_space<vmem>>
        %parallel_loop3A_478 = arith.index_cast %parallel_loop3A_473 : i32 to index
        %parallel_loop3A_479 = arith.constant 0 : index
        %parallel_loop3A_480 = tpu.vector_load %parallel_loop3A_477[%parallel_loop3A_478, %parallel_loop3A_479] {strides = array<i32>} : memref<400x128xf32, #tpu.memory_space<vmem>>, vector<1x16xf32>,
        %parallel_loop3A_481 = vector.shape_cast %parallel_loop3A_480 : vector<1x16xf32> to vector<16xf32>
        %parallel_loop3A_482 = arith.addf %parallel_loop3A_471, %parallel_loop3A_481 : vector<16xf32>
        %parallel_loop3A_483 = arith.constant 10 : i32
        %parallel_loop3A_484 = arith.addi %parallel_loop3A_375, %parallel_loop3A_483 : i32
        %parallel_loop3A_485 = arith.constant 0 : i32
        %parallel_loop3A_486 = arith.constant 0 : i32
        %parallel_loop3A_487 = tpu.memref_slice %arg6[%rem3A_211, %parallel_loop3A_485, %parallel_loop3A_486] : memref<2x400x128xf32, #tpu.memory_space<vmem>> -> memref<1x400x128xf32, #tpu.memory_space<vmem>>
        %parallel_loop3A_488 = tpu.memref_squeeze %parallel_loop3A_487 : memref<1x400x128xf32, #tpu.memory_space<vmem>> -> memref<400x128xf32, #tpu.memory_space<vmem>>
        %parallel_loop3A_489 = arith.index_cast %parallel_loop3A_484 : i32 to index
        %parallel_loop3A_490 = arith.constant 0 : index
        %parallel_loop3A_491 = tpu.vector_load %parallel_loop3A_488[%parallel_loop3A_489, %parallel_loop3A_490] {strides = array<i32>} : memref<400x128xf32, #tpu.memory_space<vmem>>, vector<1x16xf32>,
        %parallel_loop3A_492 = vector.shape_cast %parallel_loop3A_491 : vector<1x16xf32> to vector<16xf32>
        %parallel_loop3A_493 = arith.addf %parallel_loop3A_482, %parallel_loop3A_492 : vector<16xf32>
        %parallel_loop3A_494 = arith.constant 11 : i32
        %parallel_loop3A_495 = arith.addi %parallel_loop3A_375, %parallel_loop3A_494 : i32
        %parallel_loop3A_496 = arith.constant 0 : i32
        %parallel_loop3A_497 = arith.constant 0 : i32
        %parallel_loop3A_498 = tpu.memref_slice %arg6[%rem3A_211, %parallel_loop3A_496, %parallel_loop3A_497] : memref<2x400x128xf32, #tpu.memory_space<vmem>> -> memref<1x400x128xf32, #tpu.memory_space<vmem>>
        %parallel_loop3A_499 = tpu.memref_squeeze %parallel_loop3A_498 : memref<1x400x128xf32, #tpu.memory_space<vmem>> -> memref<400x128xf32, #tpu.memory_space<vmem>>
        %parallel_loop3A_500 = arith.index_cast %parallel_loop3A_495 : i32 to index
        %parallel_loop3A_501 = arith.constant 0 : index
        %parallel_loop3A_502 = tpu.vector_load %parallel_loop3A_499[%parallel_loop3A_500, %parallel_loop3A_501] {strides = array<i32>} : memref<400x128xf32, #tpu.memory_space<vmem>>, vector<1x16xf32>,
        %parallel_loop3A_503 = vector.shape_cast %parallel_loop3A_502 : vector<1x16xf32> to vector<16xf32>
        %parallel_loop3A_504 = arith.addf %parallel_loop3A_493, %parallel_loop3A_503 : vector<16xf32>
        %parallel_loop3A_505 = arith.constant 12 : i32
        %parallel_loop3A_506 = arith.addi %parallel_loop3A_375, %parallel_loop3A_505 : i32
        %parallel_loop3A_507 = arith.constant 0 : i32
        %parallel_loop3A_508 = arith.constant 0 : i32
        %parallel_loop3A_509 = tpu.memref_slice %arg6[%rem3A_211, %parallel_loop3A_507, %parallel_loop3A_508] : memref<2x400x128xf32, #tpu.memory_space<vmem>> -> memref<1x400x128xf32, #tpu.memory_space<vmem>>
        %parallel_loop3A_510 = tpu.memref_squeeze %parallel_loop3A_509 : memref<1x400x128xf32, #tpu.memory_space<vmem>> -> memref<400x128xf32, #tpu.memory_space<vmem>>
        %parallel_loop3A_511 = arith.index_cast %parallel_loop3A_506 : i32 to index
        %parallel_loop3A_512 = arith.constant 0 : index
        %parallel_loop3A_513 = tpu.vector_load %parallel_loop3A_510[%parallel_loop3A_511, %parallel_loop3A_512] {strides = array<i32>} : memref<400x128xf32, #tpu.memory_space<vmem>>, vector<1x16xf32>,
        %parallel_loop3A_514 = vector.shape_cast %parallel_loop3A_513 : vector<1x16xf32> to vector<16xf32>
        %parallel_loop3A_515 = arith.addf %parallel_loop3A_504, %parallel_loop3A_514 : vector<16xf32>
        %parallel_loop3A_516 = arith.constant 13 : i32
        %parallel_loop3A_517 = arith.addi %parallel_loop3A_375, %parallel_loop3A_516 : i32
        %parallel_loop3A_518 = arith.constant 0 : i32
        %parallel_loop3A_519 = arith.constant 0 : i32
        %parallel_loop3A_520 = tpu.memref_slice %arg6[%rem3A_211, %parallel_loop3A_518, %parallel_loop3A_519] : memref<2x400x128xf32, #tpu.memory_space<vmem>> -> memref<1x400x128xf32, #tpu.memory_space<vmem>>
        %parallel_loop3A_521 = tpu.memref_squeeze %parallel_loop3A_520 : memref<1x400x128xf32, #tpu.memory_space<vmem>> -> memref<400x128xf32, #tpu.memory_space<vmem>>
        %parallel_loop3A_522 = arith.index_cast %parallel_loop3A_517 : i32 to index
        %parallel_loop3A_523 = arith.constant 0 : index
        %parallel_loop3A_524 = tpu.vector_load %parallel_loop3A_521[%parallel_loop3A_522, %parallel_loop3A_523] {strides = array<i32>} : memref<400x128xf32, #tpu.memory_space<vmem>>, vector<1x16xf32>,
        %parallel_loop3A_525 = vector.shape_cast %parallel_loop3A_524 : vector<1x16xf32> to vector<16xf32>
        %parallel_loop3A_526 = arith.addf %parallel_loop3A_515, %parallel_loop3A_525 : vector<16xf32>
        %parallel_loop3A_527 = arith.constant 14 : i32
        %parallel_loop3A_528 = arith.addi %parallel_loop3A_375, %parallel_loop3A_527 : i32
        %parallel_loop3A_529 = arith.constant 0 : i32
        %parallel_loop3A_530 = arith.constant 0 : i32
        %parallel_loop3A_531 = tpu.memref_slice %arg6[%rem3A_211, %parallel_loop3A_529, %parallel_loop3A_530] : memref<2x400x128xf32, #tpu.memory_space<vmem>> -> memref<1x400x128xf32, #tpu.memory_space<vmem>>
        %parallel_loop3A_532 = tpu.memref_squeeze %parallel_loop3A_531 : memref<1x400x128xf32, #tpu.memory_space<vmem>> -> memref<400x128xf32, #tpu.memory_space<vmem>>
        %parallel_loop3A_533 = arith.index_cast %parallel_loop3A_528 : i32 to index
        %parallel_loop3A_534 = arith.constant 0 : index
        %parallel_loop3A_535 = tpu.vector_load %parallel_loop3A_532[%parallel_loop3A_533, %parallel_loop3A_534] {strides = array<i32>} : memref<400x128xf32, #tpu.memory_space<vmem>>, vector<1x16xf32>,
        %parallel_loop3A_536 = vector.shape_cast %parallel_loop3A_535 : vector<1x16xf32> to vector<16xf32>
        %parallel_loop3A_537 = arith.addf %parallel_loop3A_526, %parallel_loop3A_536 : vector<16xf32>
        %parallel_loop3A_538 = arith.constant 15 : i32
        %parallel_loop3A_539 = arith.addi %parallel_loop3A_375, %parallel_loop3A_538 : i32
        %parallel_loop3A_540 = arith.constant 0 : i32
        %parallel_loop3A_541 = arith.constant 0 : i32
        %parallel_loop3A_542 = tpu.memref_slice %arg6[%rem3A_211, %parallel_loop3A_540, %parallel_loop3A_541] : memref<2x400x128xf32, #tpu.memory_space<vmem>> -> memref<1x400x128xf32, #tpu.memory_space<vmem>>
        %parallel_loop3A_543 = tpu.memref_squeeze %parallel_loop3A_542 : memref<1x400x128xf32, #tpu.memory_space<vmem>> -> memref<400x128xf32, #tpu.memory_space<vmem>>
        %parallel_loop3A_544 = arith.index_cast %parallel_loop3A_539 : i32 to index
        %parallel_loop3A_545 = arith.constant 0 : index
        %parallel_loop3A_546 = tpu.vector_load %parallel_loop3A_543[%parallel_loop3A_544, %parallel_loop3A_545] {strides = array<i32>} : memref<400x128xf32, #tpu.memory_space<vmem>>, vector<1x16xf32>,
        %parallel_loop3A_547 = vector.shape_cast %parallel_loop3A_546 : vector<1x16xf32> to vector<16xf32>
        %parallel_loop3A_548 = arith.addf %parallel_loop3A_537, %parallel_loop3A_547 : vector<16xf32>
        %parallel_loop3A_549 = arith.constant 0 : i32
        %parallel_loop3A_550 = arith.constant 0 : i32
        %parallel_loop3A_551 = tpu.memref_slice %arg7[%rem3A_211, %parallel_loop3A_549, %parallel_loop3A_550] : memref<2x25x128xf32, #tpu.memory_space<vmem>> -> memref<1x25x128xf32, #tpu.memory_space<vmem>>
        %parallel_loop3A_552 = tpu.memref_squeeze %parallel_loop3A_551 : memref<1x25x128xf32, #tpu.memory_space<vmem>> -> memref<25x128xf32, #tpu.memory_space<vmem>>
        %parallel_loop3A_553 = arith.index_cast %parallel_loop3A_373 : i32 to index
        %parallel_loop3A_554 = arith.constant 0 : index
        %parallel_loop3A_555 = tpu.vector_load %parallel_loop3A_552[%parallel_loop3A_553, %parallel_loop3A_554] {strides = array<i32>} : memref<25x128xf32, #tpu.memory_space<vmem>>, vector<1x16xf32>,
        %parallel_loop3A_556 = vector.shape_cast %parallel_loop3A_555 : vector<1x16xf32> to vector<16xf32>
        %parallel_loop3A_557 = vector.shape_cast %parallel_loop3A_548 : vector<16xf32> to vector<1x16xf32>
        tpu.vector_store %parallel_loop3A_552[%parallel_loop3A_553, %parallel_loop3A_554], %parallel_loop3A_557 {strides = array<i32>} : memref<25x128xf32, #tpu.memory_space<vmem>>, vector<1x16xf32>,
        %parallel_loop3A_558 = arith.constant 0 : i32
        %parallel_loop3A_559 = arith.constant 0 : i32
        %parallel_loop3A_560 = tpu.memref_slice %arg6[%rem3A_211, %parallel_loop3A_558, %parallel_loop3A_559] : memref<2x400x128xf32, #tpu.memory_space<vmem>> -> memref<1x400x128xf32, #tpu.memory_space<vmem>>
        %parallel_loop3A_561 = tpu.memref_squeeze %parallel_loop3A_560 : memref<1x400x128xf32, #tpu.memory_space<vmem>> -> memref<400x128xf32, #tpu.memory_space<vmem>>
        %parallel_loop3A_562 = arith.index_cast %parallel_loop3A_375 : i32 to index
        %parallel_loop3A_563 = arith.constant 16 : index
        %parallel_loop3A_564 = tpu.vector_load %parallel_loop3A_561[%parallel_loop3A_562, %parallel_loop3A_563] {strides = array<i32>} : memref<400x128xf32, #tpu.memory_space<vmem>>, vector<1x16xf32>,
        %parallel_loop3A_565 = vector.shape_cast %parallel_loop3A_564 : vector<1x16xf32> to vector<16xf32>
        %parallel_loop3A_566 = arith.constant 1 : i32
        %parallel_loop3A_567 = arith.addi %parallel_loop3A_375, %parallel_loop3A_566 : i32
        %parallel_loop3A_568 = arith.constant 0 : i32
        %parallel_loop3A_569 = arith.constant 0 : i32
        %parallel_loop3A_570 = tpu.memref_slice %arg6[%rem3A_211, %parallel_loop3A_568, %parallel_loop3A_569] : memref<2x400x128xf32, #tpu.memory_space<vmem>> -> memref<1x400x128xf32, #tpu.memory_space<vmem>>
        %parallel_loop3A_571 = tpu.memref_squeeze %parallel_loop3A_570 : memref<1x400x128xf32, #tpu.memory_space<vmem>> -> memref<400x128xf32, #tpu.memory_space<vmem>>
        %parallel_loop3A_572 = arith.index_cast %parallel_loop3A_567 : i32 to index
        %parallel_loop3A_573 = arith.constant 16 : index
        %parallel_loop3A_574 = tpu.vector_load %parallel_loop3A_571[%parallel_loop3A_572, %parallel_loop3A_573] {strides = array<i32>} : memref<400x128xf32, #tpu.memory_space<vmem>>, vector<1x16xf32>,
        %parallel_loop3A_575 = vector.shape_cast %parallel_loop3A_574 : vector<1x16xf32> to vector<16xf32>
        %parallel_loop3A_576 = arith.addf %parallel_loop3A_565, %parallel_loop3A_575 : vector<16xf32>
        %parallel_loop3A_577 = arith.constant 2 : i32
        %parallel_loop3A_578 = arith.addi %parallel_loop3A_375, %parallel_loop3A_577 : i32
        %parallel_loop3A_579 = arith.constant 0 : i32
        %parallel_loop3A_580 = arith.constant 0 : i32
        %parallel_loop3A_581 = tpu.memref_slice %arg6[%rem3A_211, %parallel_loop3A_579, %parallel_loop3A_580] : memref<2x400x128xf32, #tpu.memory_space<vmem>> -> memref<1x400x128xf32, #tpu.memory_space<vmem>>
        %parallel_loop3A_582 = tpu.memref_squeeze %parallel_loop3A_581 : memref<1x400x128xf32, #tpu.memory_space<vmem>> -> memref<400x128xf32, #tpu.memory_space<vmem>>
        %parallel_loop3A_583 = arith.index_cast %parallel_loop3A_578 : i32 to index
        %parallel_loop3A_584 = arith.constant 16 : index
        %parallel_loop3A_585 = tpu.vector_load %parallel_loop3A_582[%parallel_loop3A_583, %parallel_loop3A_584] {strides = array<i32>} : memref<400x128xf32, #tpu.memory_space<vmem>>, vector<1x16xf32>,
        %parallel_loop3A_586 = vector.shape_cast %parallel_loop3A_585 : vector<1x16xf32> to vector<16xf32>
        %parallel_loop3A_587 = arith.addf %parallel_loop3A_576, %parallel_loop3A_586 : vector<16xf32>
        %parallel_loop3A_588 = arith.constant 3 : i32
        %parallel_loop3A_589 = arith.addi %parallel_loop3A_375, %parallel_loop3A_588 : i32
        %parallel_loop3A_590 = arith.constant 0 : i32
        %parallel_loop3A_591 = arith.constant 0 : i32
        %parallel_loop3A_592 = tpu.memref_slice %arg6[%rem3A_211, %parallel_loop3A_590, %parallel_loop3A_591] : memref<2x400x128xf32, #tpu.memory_space<vmem>> -> memref<1x400x128xf32, #tpu.memory_space<vmem>>
        %parallel_loop3A_593 = tpu.memref_squeeze %parallel_loop3A_592 : memref<1x400x128xf32, #tpu.memory_space<vmem>> -> memref<400x128xf32, #tpu.memory_space<vmem>>
        %parallel_loop3A_594 = arith.index_cast %parallel_loop3A_589 : i32 to index
        %parallel_loop3A_595 = arith.constant 16 : index
        %parallel_loop3A_596 = tpu.vector_load %parallel_loop3A_593[%parallel_loop3A_594, %parallel_loop3A_595] {strides = array<i32>} : memref<400x128xf32, #tpu.memory_space<vmem>>, vector<1x16xf32>,
        %parallel_loop3A_597 = vector.shape_cast %parallel_loop3A_596 : vector<1x16xf32> to vector<16xf32>
        %parallel_loop3A_598 = arith.addf %parallel_loop3A_587, %parallel_loop3A_597 : vector<16xf32>
        %parallel_loop3A_599 = arith.constant 4 : i32
        %parallel_loop3A_600 = arith.addi %parallel_loop3A_375, %parallel_loop3A_599 : i32
        %parallel_loop3A_601 = arith.constant 0 : i32
        %parallel_loop3A_602 = arith.constant 0 : i32
        %parallel_loop3A_603 = tpu.memref_slice %arg6[%rem3A_211, %parallel_loop3A_601, %parallel_loop3A_602] : memref<2x400x128xf32, #tpu.memory_space<vmem>> -> memref<1x400x128xf32, #tpu.memory_space<vmem>>
        %parallel_loop3A_604 = tpu.memref_squeeze %parallel_loop3A_603 : memref<1x400x128xf32, #tpu.memory_space<vmem>> -> memref<400x128xf32, #tpu.memory_space<vmem>>
        %parallel_loop3A_605 = arith.index_cast %parallel_loop3A_600 : i32 to index
        %parallel_loop3A_606 = arith.constant 16 : index
        %parallel_loop3A_607 = tpu.vector_load %parallel_loop3A_604[%parallel_loop3A_605, %parallel_loop3A_606] {strides = array<i32>} : memref<400x128xf32, #tpu.memory_space<vmem>>, vector<1x16xf32>,
        %parallel_loop3A_608 = vector.shape_cast %parallel_loop3A_607 : vector<1x16xf32> to vector<16xf32>
        %parallel_loop3A_609 = arith.addf %parallel_loop3A_598, %parallel_loop3A_608 : vector<16xf32>
        %parallel_loop3A_610 = arith.constant 5 : i32
        %parallel_loop3A_611 = arith.addi %parallel_loop3A_375, %parallel_loop3A_610 : i32
        %parallel_loop3A_612 = arith.constant 0 : i32
        %parallel_loop3A_613 = arith.constant 0 : i32
        %parallel_loop3A_614 = tpu.memref_slice %arg6[%rem3A_211, %parallel_loop3A_612, %parallel_loop3A_613] : memref<2x400x128xf32, #tpu.memory_space<vmem>> -> memref<1x400x128xf32, #tpu.memory_space<vmem>>
        %parallel_loop3A_615 = tpu.memref_squeeze %parallel_loop3A_614 : memref<1x400x128xf32, #tpu.memory_space<vmem>> -> memref<400x128xf32, #tpu.memory_space<vmem>>
        %parallel_loop3A_616 = arith.index_cast %parallel_loop3A_611 : i32 to index
        %parallel_loop3A_617 = arith.constant 16 : index
        %parallel_loop3A_618 = tpu.vector_load %parallel_loop3A_615[%parallel_loop3A_616, %parallel_loop3A_617] {strides = array<i32>} : memref<400x128xf32, #tpu.memory_space<vmem>>, vector<1x16xf32>,
        %parallel_loop3A_619 = vector.shape_cast %parallel_loop3A_618 : vector<1x16xf32> to vector<16xf32>
        %parallel_loop3A_620 = arith.addf %parallel_loop3A_609, %parallel_loop3A_619 : vector<16xf32>
        %parallel_loop3A_621 = arith.constant 6 : i32
        %parallel_loop3A_622 = arith.addi %parallel_loop3A_375, %parallel_loop3A_621 : i32
        %parallel_loop3A_623 = arith.constant 0 : i32
        %parallel_loop3A_624 = arith.constant 0 : i32
        %parallel_loop3A_625 = tpu.memref_slice %arg6[%rem3A_211, %parallel_loop3A_623, %parallel_loop3A_624] : memref<2x400x128xf32, #tpu.memory_space<vmem>> -> memref<1x400x128xf32, #tpu.memory_space<vmem>>
        %parallel_loop3A_626 = tpu.memref_squeeze %parallel_loop3A_625 : memref<1x400x128xf32, #tpu.memory_space<vmem>> -> memref<400x128xf32, #tpu.memory_space<vmem>>
        %parallel_loop3A_627 = arith.index_cast %parallel_loop3A_622 : i32 to index
        %parallel_loop3A_628 = arith.constant 16 : index
        %parallel_loop3A_629 = tpu.vector_load %parallel_loop3A_626[%parallel_loop3A_627, %parallel_loop3A_628] {strides = array<i32>} : memref<400x128xf32, #tpu.memory_space<vmem>>, vector<1x16xf32>,
        %parallel_loop3A_630 = vector.shape_cast %parallel_loop3A_629 : vector<1x16xf32> to vector<16xf32>
        %parallel_loop3A_631 = arith.addf %parallel_loop3A_620, %parallel_loop3A_630 : vector<16xf32>
        %parallel_loop3A_632 = arith.constant 7 : i32
        %parallel_loop3A_633 = arith.addi %parallel_loop3A_375, %parallel_loop3A_632 : i32
        %parallel_loop3A_634 = arith.constant 0 : i32
        %parallel_loop3A_635 = arith.constant 0 : i32
        %parallel_loop3A_636 = tpu.memref_slice %arg6[%rem3A_211, %parallel_loop3A_634, %parallel_loop3A_635] : memref<2x400x128xf32, #tpu.memory_space<vmem>> -> memref<1x400x128xf32, #tpu.memory_space<vmem>>
        %parallel_loop3A_637 = tpu.memref_squeeze %parallel_loop3A_636 : memref<1x400x128xf32, #tpu.memory_space<vmem>> -> memref<400x128xf32, #tpu.memory_space<vmem>>
        %parallel_loop3A_638 = arith.index_cast %parallel_loop3A_633 : i32 to index
        %parallel_loop3A_639 = arith.constant 16 : index
        %parallel_loop3A_640 = tpu.vector_load %parallel_loop3A_637[%parallel_loop3A_638, %parallel_loop3A_639] {strides = array<i32>} : memref<400x128xf32, #tpu.memory_space<vmem>>, vector<1x16xf32>,
        %parallel_loop3A_641 = vector.shape_cast %parallel_loop3A_640 : vector<1x16xf32> to vector<16xf32>
        %parallel_loop3A_642 = arith.addf %parallel_loop3A_631, %parallel_loop3A_641 : vector<16xf32>
        %parallel_loop3A_643 = arith.constant 8 : i32
        %parallel_loop3A_644 = arith.addi %parallel_loop3A_375, %parallel_loop3A_643 : i32
        %parallel_loop3A_645 = arith.constant 0 : i32
        %parallel_loop3A_646 = arith.constant 0 : i32
        %parallel_loop3A_647 = tpu.memref_slice %arg6[%rem3A_211, %parallel_loop3A_645, %parallel_loop3A_646] : memref<2x400x128xf32, #tpu.memory_space<vmem>> -> memref<1x400x128xf32, #tpu.memory_space<vmem>>
        %parallel_loop3A_648 = tpu.memref_squeeze %parallel_loop3A_647 : memref<1x400x128xf32, #tpu.memory_space<vmem>> -> memref<400x128xf32, #tpu.memory_space<vmem>>
        %parallel_loop3A_649 = arith.index_cast %parallel_loop3A_644 : i32 to index
        %parallel_loop3A_650 = arith.constant 16 : index
        %parallel_loop3A_651 = tpu.vector_load %parallel_loop3A_648[%parallel_loop3A_649, %parallel_loop3A_650] {strides = array<i32>} : memref<400x128xf32, #tpu.memory_space<vmem>>, vector<1x16xf32>,
        %parallel_loop3A_652 = vector.shape_cast %parallel_loop3A_651 : vector<1x16xf32> to vector<16xf32>
        %parallel_loop3A_653 = arith.addf %parallel_loop3A_642, %parallel_loop3A_652 : vector<16xf32>
        %parallel_loop3A_654 = arith.constant 9 : i32
        %parallel_loop3A_655 = arith.addi %parallel_loop3A_375, %parallel_loop3A_654 : i32
        %parallel_loop3A_656 = arith.constant 0 : i32
        %parallel_loop3A_657 = arith.constant 0 : i32
        %parallel_loop3A_658 = tpu.memref_slice %arg6[%rem3A_211, %parallel_loop3A_656, %parallel_loop3A_657] : memref<2x400x128xf32, #tpu.memory_space<vmem>> -> memref<1x400x128xf32, #tpu.memory_space<vmem>>
        %parallel_loop3A_659 = tpu.memref_squeeze %parallel_loop3A_658 : memref<1x400x128xf32, #tpu.memory_space<vmem>> -> memref<400x128xf32, #tpu.memory_space<vmem>>
        %parallel_loop3A_660 = arith.index_cast %parallel_loop3A_655 : i32 to index
        %parallel_loop3A_661 = arith.constant 16 : index
        %parallel_loop3A_662 = tpu.vector_load %parallel_loop3A_659[%parallel_loop3A_660, %parallel_loop3A_661] {strides = array<i32>} : memref<400x128xf32, #tpu.memory_space<vmem>>, vector<1x16xf32>,
        %parallel_loop3A_663 = vector.shape_cast %parallel_loop3A_662 : vector<1x16xf32> to vector<16xf32>
        %parallel_loop3A_664 = arith.addf %parallel_loop3A_653, %parallel_loop3A_663 : vector<16xf32>
        %parallel_loop3A_665 = arith.constant 10 : i32
        %parallel_loop3A_666 = arith.addi %parallel_loop3A_375, %parallel_loop3A_665 : i32
        %parallel_loop3A_667 = arith.constant 0 : i32
        %parallel_loop3A_668 = arith.constant 0 : i32
        %parallel_loop3A_669 = tpu.memref_slice %arg6[%rem3A_211, %parallel_loop3A_667, %parallel_loop3A_668] : memref<2x400x128xf32, #tpu.memory_space<vmem>> -> memref<1x400x128xf32, #tpu.memory_space<vmem>>
        %parallel_loop3A_670 = tpu.memref_squeeze %parallel_loop3A_669 : memref<1x400x128xf32, #tpu.memory_space<vmem>> -> memref<400x128xf32, #tpu.memory_space<vmem>>
        %parallel_loop3A_671 = arith.index_cast %parallel_loop3A_666 : i32 to index
        %parallel_loop3A_672 = arith.constant 16 : index
        %parallel_loop3A_673 = tpu.vector_load %parallel_loop3A_670[%parallel_loop3A_671, %parallel_loop3A_672] {strides = array<i32>} : memref<400x128xf32, #tpu.memory_space<vmem>>, vector<1x16xf32>,
        %parallel_loop3A_674 = vector.shape_cast %parallel_loop3A_673 : vector<1x16xf32> to vector<16xf32>
        %parallel_loop3A_675 = arith.addf %parallel_loop3A_664, %parallel_loop3A_674 : vector<16xf32>
        %parallel_loop3A_676 = arith.constant 11 : i32
        %parallel_loop3A_677 = arith.addi %parallel_loop3A_375, %parallel_loop3A_676 : i32
        %parallel_loop3A_678 = arith.constant 0 : i32
        %parallel_loop3A_679 = arith.constant 0 : i32
        %parallel_loop3A_680 = tpu.memref_slice %arg6[%rem3A_211, %parallel_loop3A_678, %parallel_loop3A_679] : memref<2x400x128xf32, #tpu.memory_space<vmem>> -> memref<1x400x128xf32, #tpu.memory_space<vmem>>
        %parallel_loop3A_681 = tpu.memref_squeeze %parallel_loop3A_680 : memref<1x400x128xf32, #tpu.memory_space<vmem>> -> memref<400x128xf32, #tpu.memory_space<vmem>>
        %parallel_loop3A_682 = arith.index_cast %parallel_loop3A_677 : i32 to index
        %parallel_loop3A_683 = arith.constant 16 : index
        %parallel_loop3A_684 = tpu.vector_load %parallel_loop3A_681[%parallel_loop3A_682, %parallel_loop3A_683] {strides = array<i32>} : memref<400x128xf32, #tpu.memory_space<vmem>>, vector<1x16xf32>,
        %parallel_loop3A_685 = vector.shape_cast %parallel_loop3A_684 : vector<1x16xf32> to vector<16xf32>
        %parallel_loop3A_686 = arith.addf %parallel_loop3A_675, %parallel_loop3A_685 : vector<16xf32>
        %parallel_loop3A_687 = arith.constant 12 : i32
        %parallel_loop3A_688 = arith.addi %parallel_loop3A_375, %parallel_loop3A_687 : i32
        %parallel_loop3A_689 = arith.constant 0 : i32
        %parallel_loop3A_690 = arith.constant 0 : i32
        %parallel_loop3A_691 = tpu.memref_slice %arg6[%rem3A_211, %parallel_loop3A_689, %parallel_loop3A_690] : memref<2x400x128xf32, #tpu.memory_space<vmem>> -> memref<1x400x128xf32, #tpu.memory_space<vmem>>
        %parallel_loop3A_692 = tpu.memref_squeeze %parallel_loop3A_691 : memref<1x400x128xf32, #tpu.memory_space<vmem>> -> memref<400x128xf32, #tpu.memory_space<vmem>>
        %parallel_loop3A_693 = arith.index_cast %parallel_loop3A_688 : i32 to index
        %parallel_loop3A_694 = arith.constant 16 : index
        %parallel_loop3A_695 = tpu.vector_load %parallel_loop3A_692[%parallel_loop3A_693, %parallel_loop3A_694] {strides = array<i32>} : memref<400x128xf32, #tpu.memory_space<vmem>>, vector<1x16xf32>,
        %parallel_loop3A_696 = vector.shape_cast %parallel_loop3A_695 : vector<1x16xf32> to vector<16xf32>
        %parallel_loop3A_697 = arith.addf %parallel_loop3A_686, %parallel_loop3A_696 : vector<16xf32>
        %parallel_loop3A_698 = arith.constant 13 : i32
        %parallel_loop3A_699 = arith.addi %parallel_loop3A_375, %parallel_loop3A_698 : i32
        %parallel_loop3A_700 = arith.constant 0 : i32
        %parallel_loop3A_701 = arith.constant 0 : i32
        %parallel_loop3A_702 = tpu.memref_slice %arg6[%rem3A_211, %parallel_loop3A_700, %parallel_loop3A_701] : memref<2x400x128xf32, #tpu.memory_space<vmem>> -> memref<1x400x128xf32, #tpu.memory_space<vmem>>
        %parallel_loop3A_703 = tpu.memref_squeeze %parallel_loop3A_702 : memref<1x400x128xf32, #tpu.memory_space<vmem>> -> memref<400x128xf32, #tpu.memory_space<vmem>>
        %parallel_loop3A_704 = arith.index_cast %parallel_loop3A_699 : i32 to index
        %parallel_loop3A_705 = arith.constant 16 : index
        %parallel_loop3A_706 = tpu.vector_load %parallel_loop3A_703[%parallel_loop3A_704, %parallel_loop3A_705] {strides = array<i32>} : memref<400x128xf32, #tpu.memory_space<vmem>>, vector<1x16xf32>,
        %parallel_loop3A_707 = vector.shape_cast %parallel_loop3A_706 : vector<1x16xf32> to vector<16xf32>
        %parallel_loop3A_708 = arith.addf %parallel_loop3A_697, %parallel_loop3A_707 : vector<16xf32>
        %parallel_loop3A_709 = arith.constant 14 : i32
        %parallel_loop3A_710 = arith.addi %parallel_loop3A_375, %parallel_loop3A_709 : i32
        %parallel_loop3A_711 = arith.constant 0 : i32
        %parallel_loop3A_712 = arith.constant 0 : i32
        %parallel_loop3A_713 = tpu.memref_slice %arg6[%rem3A_211, %parallel_loop3A_711, %parallel_loop3A_712] : memref<2x400x128xf32, #tpu.memory_space<vmem>> -> memref<1x400x128xf32, #tpu.memory_space<vmem>>
        %parallel_loop3A_714 = tpu.memref_squeeze %parallel_loop3A_713 : memref<1x400x128xf32, #tpu.memory_space<vmem>> -> memref<400x128xf32, #tpu.memory_space<vmem>>
        %parallel_loop3A_715 = arith.index_cast %parallel_loop3A_710 : i32 to index
        %parallel_loop3A_716 = arith.constant 16 : index
        %parallel_loop3A_717 = tpu.vector_load %parallel_loop3A_714[%parallel_loop3A_715, %parallel_loop3A_716] {strides = array<i32>} : memref<400x128xf32, #tpu.memory_space<vmem>>, vector<1x16xf32>,
        %parallel_loop3A_718 = vector.shape_cast %parallel_loop3A_717 : vector<1x16xf32> to vector<16xf32>
        %parallel_loop3A_719 = arith.addf %parallel_loop3A_708, %parallel_loop3A_718 : vector<16xf32>
        %parallel_loop3A_720 = arith.constant 15 : i32
        %parallel_loop3A_721 = arith.addi %parallel_loop3A_375, %parallel_loop3A_720 : i32
        %parallel_loop3A_722 = arith.constant 0 : i32
        %parallel_loop3A_723 = arith.constant 0 : i32
        %parallel_loop3A_724 = tpu.memref_slice %arg6[%rem3A_211, %parallel_loop3A_722, %parallel_loop3A_723] : memref<2x400x128xf32, #tpu.memory_space<vmem>> -> memref<1x400x128xf32, #tpu.memory_space<vmem>>
        %parallel_loop3A_725 = tpu.memref_squeeze %parallel_loop3A_724 : memref<1x400x128xf32, #tpu.memory_space<vmem>> -> memref<400x128xf32, #tpu.memory_space<vmem>>
        %parallel_loop3A_726 = arith.index_cast %parallel_loop3A_721 : i32 to index
        %parallel_loop3A_727 = arith.constant 16 : index
        %parallel_loop3A_728 = tpu.vector_load %parallel_loop3A_725[%parallel_loop3A_726, %parallel_loop3A_727] {strides = array<i32>} : memref<400x128xf32, #tpu.memory_space<vmem>>, vector<1x16xf32>,
        %parallel_loop3A_729 = vector.shape_cast %parallel_loop3A_728 : vector<1x16xf32> to vector<16xf32>
        %parallel_loop3A_730 = arith.addf %parallel_loop3A_719, %parallel_loop3A_729 : vector<16xf32>
        %parallel_loop3A_731 = arith.constant 0 : i32
        %parallel_loop3A_732 = arith.constant 0 : i32
        %parallel_loop3A_733 = tpu.memref_slice %arg7[%rem3A_211, %parallel_loop3A_731, %parallel_loop3A_732] : memref<2x25x128xf32, #tpu.memory_space<vmem>> -> memref<1x25x128xf32, #tpu.memory_space<vmem>>
        %parallel_loop3A_734 = tpu.memref_squeeze %parallel_loop3A_733 : memref<1x25x128xf32, #tpu.memory_space<vmem>> -> memref<25x128xf32, #tpu.memory_space<vmem>>
        %parallel_loop3A_735 = arith.index_cast %parallel_loop3A_373 : i32 to index
        %parallel_loop3A_736 = arith.constant 16 : index
        %parallel_loop3A_737 = tpu.vector_load %parallel_loop3A_734[%parallel_loop3A_735, %parallel_loop3A_736] {strides = array<i32>} : memref<25x128xf32, #tpu.memory_space<vmem>>, vector<1x16xf32>,
        %parallel_loop3A_738 = vector.shape_cast %parallel_loop3A_737 : vector<1x16xf32> to vector<16xf32>
        %parallel_loop3A_739 = vector.shape_cast %parallel_loop3A_730 : vector<16xf32> to vector<1x16xf32>
        tpu.vector_store %parallel_loop3A_734[%parallel_loop3A_735, %parallel_loop3A_736], %parallel_loop3A_739 {strides = array<i32>} : memref<25x128xf32, #tpu.memory_space<vmem>>, vector<1x16xf32>,
        %parallel_loop3A_740 = arith.constant 0 : i32
        %parallel_loop3A_741 = arith.constant 0 : i32
        %parallel_loop3A_742 = tpu.memref_slice %arg6[%rem3A_211, %parallel_loop3A_740, %parallel_loop3A_741] : memref<2x400x128xf32, #tpu.memory_space<vmem>> -> memref<1x400x128xf32, #tpu.memory_space<vmem>>
        %parallel_loop3A_743 = tpu.memref_squeeze %parallel_loop3A_742 : memref<1x400x128xf32, #tpu.memory_space<vmem>> -> memref<400x128xf32, #tpu.memory_space<vmem>>
        %parallel_loop3A_744 = arith.index_cast %parallel_loop3A_375 : i32 to index
        %parallel_loop3A_745 = arith.constant 32 : index
        %parallel_loop3A_746 = tpu.vector_load %parallel_loop3A_743[%parallel_loop3A_744, %parallel_loop3A_745] {strides = array<i32>} : memref<400x128xf32, #tpu.memory_space<vmem>>, vector<1x16xf32>,
        %parallel_loop3A_747 = vector.shape_cast %parallel_loop3A_746 : vector<1x16xf32> to vector<16xf32>
        %parallel_loop3A_748 = arith.constant 1 : i32
        %parallel_loop3A_749 = arith.addi %parallel_loop3A_375, %parallel_loop3A_748 : i32
        %parallel_loop3A_750 = arith.constant 0 : i32
        %parallel_loop3A_751 = arith.constant 0 : i32
        %parallel_loop3A_752 = tpu.memref_slice %arg6[%rem3A_211, %parallel_loop3A_750, %parallel_loop3A_751] : memref<2x400x128xf32, #tpu.memory_space<vmem>> -> memref<1x400x128xf32, #tpu.memory_space<vmem>>
        %parallel_loop3A_753 = tpu.memref_squeeze %parallel_loop3A_752 : memref<1x400x128xf32, #tpu.memory_space<vmem>> -> memref<400x128xf32, #tpu.memory_space<vmem>>
        %parallel_loop3A_754 = arith.index_cast %parallel_loop3A_749 : i32 to index
        %parallel_loop3A_755 = arith.constant 32 : index
        %parallel_loop3A_756 = tpu.vector_load %parallel_loop3A_753[%parallel_loop3A_754, %parallel_loop3A_755] {strides = array<i32>} : memref<400x128xf32, #tpu.memory_space<vmem>>, vector<1x16xf32>,
        %parallel_loop3A_757 = vector.shape_cast %parallel_loop3A_756 : vector<1x16xf32> to vector<16xf32>
        %parallel_loop3A_758 = arith.addf %parallel_loop3A_747, %parallel_loop3A_757 : vector<16xf32>
        %parallel_loop3A_759 = arith.constant 2 : i32
        %parallel_loop3A_760 = arith.addi %parallel_loop3A_375, %parallel_loop3A_759 : i32
        %parallel_loop3A_761 = arith.constant 0 : i32
        %parallel_loop3A_762 = arith.constant 0 : i32
        %parallel_loop3A_763 = tpu.memref_slice %arg6[%rem3A_211, %parallel_loop3A_761, %parallel_loop3A_762] : memref<2x400x128xf32, #tpu.memory_space<vmem>> -> memref<1x400x128xf32, #tpu.memory_space<vmem>>
        %parallel_loop3A_764 = tpu.memref_squeeze %parallel_loop3A_763 : memref<1x400x128xf32, #tpu.memory_space<vmem>> -> memref<400x128xf32, #tpu.memory_space<vmem>>
        %parallel_loop3A_765 = arith.index_cast %parallel_loop3A_760 : i32 to index
        %parallel_loop3A_766 = arith.constant 32 : index
        %parallel_loop3A_767 = tpu.vector_load %parallel_loop3A_764[%parallel_loop3A_765, %parallel_loop3A_766] {strides = array<i32>} : memref<400x128xf32, #tpu.memory_space<vmem>>, vector<1x16xf32>,
        %parallel_loop3A_768 = vector.shape_cast %parallel_loop3A_767 : vector<1x16xf32> to vector<16xf32>
        %parallel_loop3A_769 = arith.addf %parallel_loop3A_758, %parallel_loop3A_768 : vector<16xf32>
        %parallel_loop3A_770 = arith.constant 3 : i32
        %parallel_loop3A_771 = arith.addi %parallel_loop3A_375, %parallel_loop3A_770 : i32
        %parallel_loop3A_772 = arith.constant 0 : i32
        %parallel_loop3A_773 = arith.constant 0 : i32
        %parallel_loop3A_774 = tpu.memref_slice %arg6[%rem3A_211, %parallel_loop3A_772, %parallel_loop3A_773] : memref<2x400x128xf32, #tpu.memory_space<vmem>> -> memref<1x400x128xf32, #tpu.memory_space<vmem>>
        %parallel_loop3A_775 = tpu.memref_squeeze %parallel_loop3A_774 : memref<1x400x128xf32, #tpu.memory_space<vmem>> -> memref<400x128xf32, #tpu.memory_space<vmem>>
        %parallel_loop3A_776 = arith.index_cast %parallel_loop3A_771 : i32 to index
        %parallel_loop3A_777 = arith.constant 32 : index
        %parallel_loop3A_778 = tpu.vector_load %parallel_loop3A_775[%parallel_loop3A_776, %parallel_loop3A_777] {strides = array<i32>} : memref<400x128xf32, #tpu.memory_space<vmem>>, vector<1x16xf32>,
        %parallel_loop3A_779 = vector.shape_cast %parallel_loop3A_778 : vector<1x16xf32> to vector<16xf32>
        %parallel_loop3A_780 = arith.addf %parallel_loop3A_769, %parallel_loop3A_779 : vector<16xf32>
        %parallel_loop3A_781 = arith.constant 4 : i32
        %parallel_loop3A_782 = arith.addi %parallel_loop3A_375, %parallel_loop3A_781 : i32
        %parallel_loop3A_783 = arith.constant 0 : i32
        %parallel_loop3A_784 = arith.constant 0 : i32
        %parallel_loop3A_785 = tpu.memref_slice %arg6[%rem3A_211, %parallel_loop3A_783, %parallel_loop3A_784] : memref<2x400x128xf32, #tpu.memory_space<vmem>> -> memref<1x400x128xf32, #tpu.memory_space<vmem>>
        %parallel_loop3A_786 = tpu.memref_squeeze %parallel_loop3A_785 : memref<1x400x128xf32, #tpu.memory_space<vmem>> -> memref<400x128xf32, #tpu.memory_space<vmem>>
        %parallel_loop3A_787 = arith.index_cast %parallel_loop3A_782 : i32 to index
        %parallel_loop3A_788 = arith.constant 32 : index
        %parallel_loop3A_789 = tpu.vector_load %parallel_loop3A_786[%parallel_loop3A_787, %parallel_loop3A_788] {strides = array<i32>} : memref<400x128xf32, #tpu.memory_space<vmem>>, vector<1x16xf32>,
        %parallel_loop3A_790 = vector.shape_cast %parallel_loop3A_789 : vector<1x16xf32> to vector<16xf32>
        %parallel_loop3A_791 = arith.addf %parallel_loop3A_780, %parallel_loop3A_790 : vector<16xf32>
        %parallel_loop3A_792 = arith.constant 5 : i32
        %parallel_loop3A_793 = arith.addi %parallel_loop3A_375, %parallel_loop3A_792 : i32
        %parallel_loop3A_794 = arith.constant 0 : i32
        %parallel_loop3A_795 = arith.constant 0 : i32
        %parallel_loop3A_796 = tpu.memref_slice %arg6[%rem3A_211, %parallel_loop3A_794, %parallel_loop3A_795] : memref<2x400x128xf32, #tpu.memory_space<vmem>> -> memref<1x400x128xf32, #tpu.memory_space<vmem>>
        %parallel_loop3A_797 = tpu.memref_squeeze %parallel_loop3A_796 : memref<1x400x128xf32, #tpu.memory_space<vmem>> -> memref<400x128xf32, #tpu.memory_space<vmem>>
        %parallel_loop3A_798 = arith.index_cast %parallel_loop3A_793 : i32 to index
        %parallel_loop3A_799 = arith.constant 32 : index
        %parallel_loop3A_800 = tpu.vector_load %parallel_loop3A_797[%parallel_loop3A_798, %parallel_loop3A_799] {strides = array<i32>} : memref<400x128xf32, #tpu.memory_space<vmem>>, vector<1x16xf32>,
        %parallel_loop3A_801 = vector.shape_cast %parallel_loop3A_800 : vector<1x16xf32> to vector<16xf32>
        %parallel_loop3A_802 = arith.addf %parallel_loop3A_791, %parallel_loop3A_801 : vector<16xf32>
        %parallel_loop3A_803 = arith.constant 6 : i32
        %parallel_loop3A_804 = arith.addi %parallel_loop3A_375, %parallel_loop3A_803 : i32
        %parallel_loop3A_805 = arith.constant 0 : i32
        %parallel_loop3A_806 = arith.constant 0 : i32
        %parallel_loop3A_807 = tpu.memref_slice %arg6[%rem3A_211, %parallel_loop3A_805, %parallel_loop3A_806] : memref<2x400x128xf32, #tpu.memory_space<vmem>> -> memref<1x400x128xf32, #tpu.memory_space<vmem>>
        %parallel_loop3A_808 = tpu.memref_squeeze %parallel_loop3A_807 : memref<1x400x128xf32, #tpu.memory_space<vmem>> -> memref<400x128xf32, #tpu.memory_space<vmem>>
        %parallel_loop3A_809 = arith.index_cast %parallel_loop3A_804 : i32 to index
        %parallel_loop3A_810 = arith.constant 32 : index
        %parallel_loop3A_811 = tpu.vector_load %parallel_loop3A_808[%parallel_loop3A_809, %parallel_loop3A_810] {strides = array<i32>} : memref<400x128xf32, #tpu.memory_space<vmem>>, vector<1x16xf32>,
        %parallel_loop3A_812 = vector.shape_cast %parallel_loop3A_811 : vector<1x16xf32> to vector<16xf32>
        %parallel_loop3A_813 = arith.addf %parallel_loop3A_802, %parallel_loop3A_812 : vector<16xf32>
        %parallel_loop3A_814 = arith.constant 7 : i32
        %parallel_loop3A_815 = arith.addi %parallel_loop3A_375, %parallel_loop3A_814 : i32
        %parallel_loop3A_816 = arith.constant 0 : i32
        %parallel_loop3A_817 = arith.constant 0 : i32
        %parallel_loop3A_818 = tpu.memref_slice %arg6[%rem3A_211, %parallel_loop3A_816, %parallel_loop3A_817] : memref<2x400x128xf32, #tpu.memory_space<vmem>> -> memref<1x400x128xf32, #tpu.memory_space<vmem>>
        %parallel_loop3A_819 = tpu.memref_squeeze %parallel_loop3A_818 : memref<1x400x128xf32, #tpu.memory_space<vmem>> -> memref<400x128xf32, #tpu.memory_space<vmem>>
        %parallel_loop3A_820 = arith.index_cast %parallel_loop3A_815 : i32 to index
        %parallel_loop3A_821 = arith.constant 32 : index
        %parallel_loop3A_822 = tpu.vector_load %parallel_loop3A_819[%parallel_loop3A_820, %parallel_loop3A_821] {strides = array<i32>} : memref<400x128xf32, #tpu.memory_space<vmem>>, vector<1x16xf32>,
        %parallel_loop3A_823 = vector.shape_cast %parallel_loop3A_822 : vector<1x16xf32> to vector<16xf32>
        %parallel_loop3A_824 = arith.addf %parallel_loop3A_813, %parallel_loop3A_823 : vector<16xf32>
        %parallel_loop3A_825 = arith.constant 8 : i32
        %parallel_loop3A_826 = arith.addi %parallel_loop3A_375, %parallel_loop3A_825 : i32
        %parallel_loop3A_827 = arith.constant 0 : i32
        %parallel_loop3A_828 = arith.constant 0 : i32
        %parallel_loop3A_829 = tpu.memref_slice %arg6[%rem3A_211, %parallel_loop3A_827, %parallel_loop3A_828] : memref<2x400x128xf32, #tpu.memory_space<vmem>> -> memref<1x400x128xf32, #tpu.memory_space<vmem>>
        %parallel_loop3A_830 = tpu.memref_squeeze %parallel_loop3A_829 : memref<1x400x128xf32, #tpu.memory_space<vmem>> -> memref<400x128xf32, #tpu.memory_space<vmem>>
        %parallel_loop3A_831 = arith.index_cast %parallel_loop3A_826 : i32 to index
        %parallel_loop3A_832 = arith.constant 32 : index
        %parallel_loop3A_833 = tpu.vector_load %parallel_loop3A_830[%parallel_loop3A_831, %parallel_loop3A_832] {strides = array<i32>} : memref<400x128xf32, #tpu.memory_space<vmem>>, vector<1x16xf32>,
        %parallel_loop3A_834 = vector.shape_cast %parallel_loop3A_833 : vector<1x16xf32> to vector<16xf32>
        %parallel_loop3A_835 = arith.addf %parallel_loop3A_824, %parallel_loop3A_834 : vector<16xf32>
        %parallel_loop3A_836 = arith.constant 9 : i32
        %parallel_loop3A_837 = arith.addi %parallel_loop3A_375, %parallel_loop3A_836 : i32
        %parallel_loop3A_838 = arith.constant 0 : i32
        %parallel_loop3A_839 = arith.constant 0 : i32
        %parallel_loop3A_840 = tpu.memref_slice %arg6[%rem3A_211, %parallel_loop3A_838, %parallel_loop3A_839] : memref<2x400x128xf32, #tpu.memory_space<vmem>> -> memref<1x400x128xf32, #tpu.memory_space<vmem>>
        %parallel_loop3A_841 = tpu.memref_squeeze %parallel_loop3A_840 : memref<1x400x128xf32, #tpu.memory_space<vmem>> -> memref<400x128xf32, #tpu.memory_space<vmem>>
        %parallel_loop3A_842 = arith.index_cast %parallel_loop3A_837 : i32 to index
        %parallel_loop3A_843 = arith.constant 32 : index
        %parallel_loop3A_844 = tpu.vector_load %parallel_loop3A_841[%parallel_loop3A_842, %parallel_loop3A_843] {strides = array<i32>} : memref<400x128xf32, #tpu.memory_space<vmem>>, vector<1x16xf32>,
        %parallel_loop3A_845 = vector.shape_cast %parallel_loop3A_844 : vector<1x16xf32> to vector<16xf32>
        %parallel_loop3A_846 = arith.addf %parallel_loop3A_835, %parallel_loop3A_845 : vector<16xf32>
        %parallel_loop3A_847 = arith.constant 10 : i32
        %parallel_loop3A_848 = arith.addi %parallel_loop3A_375, %parallel_loop3A_847 : i32
        %parallel_loop3A_849 = arith.constant 0 : i32
        %parallel_loop3A_850 = arith.constant 0 : i32
        %parallel_loop3A_851 = tpu.memref_slice %arg6[%rem3A_211, %parallel_loop3A_849, %parallel_loop3A_850] : memref<2x400x128xf32, #tpu.memory_space<vmem>> -> memref<1x400x128xf32, #tpu.memory_space<vmem>>
        %parallel_loop3A_852 = tpu.memref_squeeze %parallel_loop3A_851 : memref<1x400x128xf32, #tpu.memory_space<vmem>> -> memref<400x128xf32, #tpu.memory_space<vmem>>
        %parallel_loop3A_853 = arith.index_cast %parallel_loop3A_848 : i32 to index
        %parallel_loop3A_854 = arith.constant 32 : index
        %parallel_loop3A_855 = tpu.vector_load %parallel_loop3A_852[%parallel_loop3A_853, %parallel_loop3A_854] {strides = array<i32>} : memref<400x128xf32, #tpu.memory_space<vmem>>, vector<1x16xf32>,
        %parallel_loop3A_856 = vector.shape_cast %parallel_loop3A_855 : vector<1x16xf32> to vector<16xf32>
        %parallel_loop3A_857 = arith.addf %parallel_loop3A_846, %parallel_loop3A_856 : vector<16xf32>
        %parallel_loop3A_858 = arith.constant 11 : i32
        %parallel_loop3A_859 = arith.addi %parallel_loop3A_375, %parallel_loop3A_858 : i32
        %parallel_loop3A_860 = arith.constant 0 : i32
        %parallel_loop3A_861 = arith.constant 0 : i32
        %parallel_loop3A_862 = tpu.memref_slice %arg6[%rem3A_211, %parallel_loop3A_860, %parallel_loop3A_861] : memref<2x400x128xf32, #tpu.memory_space<vmem>> -> memref<1x400x128xf32, #tpu.memory_space<vmem>>
        %parallel_loop3A_863 = tpu.memref_squeeze %parallel_loop3A_862 : memref<1x400x128xf32, #tpu.memory_space<vmem>> -> memref<400x128xf32, #tpu.memory_space<vmem>>
        %parallel_loop3A_864 = arith.index_cast %parallel_loop3A_859 : i32 to index
        %parallel_loop3A_865 = arith.constant 32 : index
        %parallel_loop3A_866 = tpu.vector_load %parallel_loop3A_863[%parallel_loop3A_864, %parallel_loop3A_865] {strides = array<i32>} : memref<400x128xf32, #tpu.memory_space<vmem>>, vector<1x16xf32>,
        %parallel_loop3A_867 = vector.shape_cast %parallel_loop3A_866 : vector<1x16xf32> to vector<16xf32>
        %parallel_loop3A_868 = arith.addf %parallel_loop3A_857, %parallel_loop3A_867 : vector<16xf32>
        %parallel_loop3A_869 = arith.constant 12 : i32
        %parallel_loop3A_870 = arith.addi %parallel_loop3A_375, %parallel_loop3A_869 : i32
        %parallel_loop3A_871 = arith.constant 0 : i32
        %parallel_loop3A_872 = arith.constant 0 : i32
        %parallel_loop3A_873 = tpu.memref_slice %arg6[%rem3A_211, %parallel_loop3A_871, %parallel_loop3A_872] : memref<2x400x128xf32, #tpu.memory_space<vmem>> -> memref<1x400x128xf32, #tpu.memory_space<vmem>>
        %parallel_loop3A_874 = tpu.memref_squeeze %parallel_loop3A_873 : memref<1x400x128xf32, #tpu.memory_space<vmem>> -> memref<400x128xf32, #tpu.memory_space<vmem>>
        %parallel_loop3A_875 = arith.index_cast %parallel_loop3A_870 : i32 to index
        %parallel_loop3A_876 = arith.constant 32 : index
        %parallel_loop3A_877 = tpu.vector_load %parallel_loop3A_874[%parallel_loop3A_875, %parallel_loop3A_876] {strides = array<i32>} : memref<400x128xf32, #tpu.memory_space<vmem>>, vector<1x16xf32>,
        %parallel_loop3A_878 = vector.shape_cast %parallel_loop3A_877 : vector<1x16xf32> to vector<16xf32>
        %parallel_loop3A_879 = arith.addf %parallel_loop3A_868, %parallel_loop3A_878 : vector<16xf32>
        %parallel_loop3A_880 = arith.constant 13 : i32
        %parallel_loop3A_881 = arith.addi %parallel_loop3A_375, %parallel_loop3A_880 : i32
        %parallel_loop3A_882 = arith.constant 0 : i32
        %parallel_loop3A_883 = arith.constant 0 : i32
        %parallel_loop3A_884 = tpu.memref_slice %arg6[%rem3A_211, %parallel_loop3A_882, %parallel_loop3A_883] : memref<2x400x128xf32, #tpu.memory_space<vmem>> -> memref<1x400x128xf32, #tpu.memory_space<vmem>>
        %parallel_loop3A_885 = tpu.memref_squeeze %parallel_loop3A_884 : memref<1x400x128xf32, #tpu.memory_space<vmem>> -> memref<400x128xf32, #tpu.memory_space<vmem>>
        %parallel_loop3A_886 = arith.index_cast %parallel_loop3A_881 : i32 to index
        %parallel_loop3A_887 = arith.constant 32 : index
        %parallel_loop3A_888 = tpu.vector_load %parallel_loop3A_885[%parallel_loop3A_886, %parallel_loop3A_887] {strides = array<i32>} : memref<400x128xf32, #tpu.memory_space<vmem>>, vector<1x16xf32>,
        %parallel_loop3A_889 = vector.shape_cast %parallel_loop3A_888 : vector<1x16xf32> to vector<16xf32>
        %parallel_loop3A_890 = arith.addf %parallel_loop3A_879, %parallel_loop3A_889 : vector<16xf32>
        %parallel_loop3A_891 = arith.constant 14 : i32
        %parallel_loop3A_892 = arith.addi %parallel_loop3A_375, %parallel_loop3A_891 : i32
        %parallel_loop3A_893 = arith.constant 0 : i32
        %parallel_loop3A_894 = arith.constant 0 : i32
        %parallel_loop3A_895 = tpu.memref_slice %arg6[%rem3A_211, %parallel_loop3A_893, %parallel_loop3A_894] : memref<2x400x128xf32, #tpu.memory_space<vmem>> -> memref<1x400x128xf32, #tpu.memory_space<vmem>>
        %parallel_loop3A_896 = tpu.memref_squeeze %parallel_loop3A_895 : memref<1x400x128xf32, #tpu.memory_space<vmem>> -> memref<400x128xf32, #tpu.memory_space<vmem>>
        %parallel_loop3A_897 = arith.index_cast %parallel_loop3A_892 : i32 to index
        %parallel_loop3A_898 = arith.constant 32 : index
        %parallel_loop3A_899 = tpu.vector_load %parallel_loop3A_896[%parallel_loop3A_897, %parallel_loop3A_898] {strides = array<i32>} : memref<400x128xf32, #tpu.memory_space<vmem>>, vector<1x16xf32>,
        %parallel_loop3A_900 = vector.shape_cast %parallel_loop3A_899 : vector<1x16xf32> to vector<16xf32>
        %parallel_loop3A_901 = arith.addf %parallel_loop3A_890, %parallel_loop3A_900 : vector<16xf32>
        %parallel_loop3A_902 = arith.constant 15 : i32
        %parallel_loop3A_903 = arith.addi %parallel_loop3A_375, %parallel_loop3A_902 : i32
        %parallel_loop3A_904 = arith.constant 0 : i32
        %parallel_loop3A_905 = arith.constant 0 : i32
        %parallel_loop3A_906 = tpu.memref_slice %arg6[%rem3A_211, %parallel_loop3A_904, %parallel_loop3A_905] : memref<2x400x128xf32, #tpu.memory_space<vmem>> -> memref<1x400x128xf32, #tpu.memory_space<vmem>>
        %parallel_loop3A_907 = tpu.memref_squeeze %parallel_loop3A_906 : memref<1x400x128xf32, #tpu.memory_space<vmem>> -> memref<400x128xf32, #tpu.memory_space<vmem>>
        %parallel_loop3A_908 = arith.index_cast %parallel_loop3A_903 : i32 to index
        %parallel_loop3A_909 = arith.constant 32 : index
        %parallel_loop3A_910 = tpu.vector_load %parallel_loop3A_907[%parallel_loop3A_908, %parallel_loop3A_909] {strides = array<i32>} : memref<400x128xf32, #tpu.memory_space<vmem>>, vector<1x16xf32>,
        %parallel_loop3A_911 = vector.shape_cast %parallel_loop3A_910 : vector<1x16xf32> to vector<16xf32>
        %parallel_loop3A_912 = arith.addf %parallel_loop3A_901, %parallel_loop3A_911 : vector<16xf32>
        %parallel_loop3A_913 = arith.constant 0 : i32
        %parallel_loop3A_914 = arith.constant 0 : i32
        %parallel_loop3A_915 = tpu.memref_slice %arg7[%rem3A_211, %parallel_loop3A_913, %parallel_loop3A_914] : memref<2x25x128xf32, #tpu.memory_space<vmem>> -> memref<1x25x128xf32, #tpu.memory_space<vmem>>
        %parallel_loop3A_916 = tpu.memref_squeeze %parallel_loop3A_915 : memref<1x25x128xf32, #tpu.memory_space<vmem>> -> memref<25x128xf32, #tpu.memory_space<vmem>>
        %parallel_loop3A_917 = arith.index_cast %parallel_loop3A_373 : i32 to index
        %parallel_loop3A_918 = arith.constant 32 : index
        %parallel_loop3A_919 = tpu.vector_load %parallel_loop3A_916[%parallel_loop3A_917, %parallel_loop3A_918] {strides = array<i32>} : memref<25x128xf32, #tpu.memory_space<vmem>>, vector<1x16xf32>,
        %parallel_loop3A_920 = vector.shape_cast %parallel_loop3A_919 : vector<1x16xf32> to vector<16xf32>
        %parallel_loop3A_921 = vector.shape_cast %parallel_loop3A_912 : vector<16xf32> to vector<1x16xf32>
        tpu.vector_store %parallel_loop3A_916[%parallel_loop3A_917, %parallel_loop3A_918], %parallel_loop3A_921 {strides = array<i32>} : memref<25x128xf32, #tpu.memory_space<vmem>>, vector<1x16xf32>,
        %parallel_loop3A_922 = arith.constant 0 : i32
        %parallel_loop3A_923 = arith.constant 0 : i32
        %parallel_loop3A_924 = tpu.memref_slice %arg6[%rem3A_211, %parallel_loop3A_922, %parallel_loop3A_923] : memref<2x400x128xf32, #tpu.memory_space<vmem>> -> memref<1x400x128xf32, #tpu.memory_space<vmem>>
        %parallel_loop3A_925 = tpu.memref_squeeze %parallel_loop3A_924 : memref<1x400x128xf32, #tpu.memory_space<vmem>> -> memref<400x128xf32, #tpu.memory_space<vmem>>
        %parallel_loop3A_926 = arith.index_cast %parallel_loop3A_375 : i32 to index
        %parallel_loop3A_927 = arith.constant 48 : index
        %parallel_loop3A_928 = tpu.vector_load %parallel_loop3A_925[%parallel_loop3A_926, %parallel_loop3A_927] {strides = array<i32>} : memref<400x128xf32, #tpu.memory_space<vmem>>, vector<1x16xf32>,
        %parallel_loop3A_929 = vector.shape_cast %parallel_loop3A_928 : vector<1x16xf32> to vector<16xf32>
        %parallel_loop3A_930 = arith.constant 1 : i32
        %parallel_loop3A_931 = arith.addi %parallel_loop3A_375, %parallel_loop3A_930 : i32
        %parallel_loop3A_932 = arith.constant 0 : i32
        %parallel_loop3A_933 = arith.constant 0 : i32
        %parallel_loop3A_934 = tpu.memref_slice %arg6[%rem3A_211, %parallel_loop3A_932, %parallel_loop3A_933] : memref<2x400x128xf32, #tpu.memory_space<vmem>> -> memref<1x400x128xf32, #tpu.memory_space<vmem>>
        %parallel_loop3A_935 = tpu.memref_squeeze %parallel_loop3A_934 : memref<1x400x128xf32, #tpu.memory_space<vmem>> -> memref<400x128xf32, #tpu.memory_space<vmem>>
        %parallel_loop3A_936 = arith.index_cast %parallel_loop3A_931 : i32 to index
        %parallel_loop3A_937 = arith.constant 48 : index
        %parallel_loop3A_938 = tpu.vector_load %parallel_loop3A_935[%parallel_loop3A_936, %parallel_loop3A_937] {strides = array<i32>} : memref<400x128xf32, #tpu.memory_space<vmem>>, vector<1x16xf32>,
        %parallel_loop3A_939 = vector.shape_cast %parallel_loop3A_938 : vector<1x16xf32> to vector<16xf32>
        %parallel_loop3A_940 = arith.addf %parallel_loop3A_929, %parallel_loop3A_939 : vector<16xf32>
        %parallel_loop3A_941 = arith.constant 2 : i32
        %parallel_loop3A_942 = arith.addi %parallel_loop3A_375, %parallel_loop3A_941 : i32
        %parallel_loop3A_943 = arith.constant 0 : i32
        %parallel_loop3A_944 = arith.constant 0 : i32
        %parallel_loop3A_945 = tpu.memref_slice %arg6[%rem3A_211, %parallel_loop3A_943, %parallel_loop3A_944] : memref<2x400x128xf32, #tpu.memory_space<vmem>> -> memref<1x400x128xf32, #tpu.memory_space<vmem>>
        %parallel_loop3A_946 = tpu.memref_squeeze %parallel_loop3A_945 : memref<1x400x128xf32, #tpu.memory_space<vmem>> -> memref<400x128xf32, #tpu.memory_space<vmem>>
        %parallel_loop3A_947 = arith.index_cast %parallel_loop3A_942 : i32 to index
        %parallel_loop3A_948 = arith.constant 48 : index
        %parallel_loop3A_949 = tpu.vector_load %parallel_loop3A_946[%parallel_loop3A_947, %parallel_loop3A_948] {strides = array<i32>} : memref<400x128xf32, #tpu.memory_space<vmem>>, vector<1x16xf32>,
        %parallel_loop3A_950 = vector.shape_cast %parallel_loop3A_949 : vector<1x16xf32> to vector<16xf32>
        %parallel_loop3A_951 = arith.addf %parallel_loop3A_940, %parallel_loop3A_950 : vector<16xf32>
        %parallel_loop3A_952 = arith.constant 3 : i32
        %parallel_loop3A_953 = arith.addi %parallel_loop3A_375, %parallel_loop3A_952 : i32
        %parallel_loop3A_954 = arith.constant 0 : i32
        %parallel_loop3A_955 = arith.constant 0 : i32
        %parallel_loop3A_956 = tpu.memref_slice %arg6[%rem3A_211, %parallel_loop3A_954, %parallel_loop3A_955] : memref<2x400x128xf32, #tpu.memory_space<vmem>> -> memref<1x400x128xf32, #tpu.memory_space<vmem>>
        %parallel_loop3A_957 = tpu.memref_squeeze %parallel_loop3A_956 : memref<1x400x128xf32, #tpu.memory_space<vmem>> -> memref<400x128xf32, #tpu.memory_space<vmem>>
        %parallel_loop3A_958 = arith.index_cast %parallel_loop3A_953 : i32 to index
        %parallel_loop3A_959 = arith.constant 48 : index
        %parallel_loop3A_960 = tpu.vector_load %parallel_loop3A_957[%parallel_loop3A_958, %parallel_loop3A_959] {strides = array<i32>} : memref<400x128xf32, #tpu.memory_space<vmem>>, vector<1x16xf32>,
        %parallel_loop3A_961 = vector.shape_cast %parallel_loop3A_960 : vector<1x16xf32> to vector<16xf32>
        %parallel_loop3A_962 = arith.addf %parallel_loop3A_951, %parallel_loop3A_961 : vector<16xf32>
        %parallel_loop3A_963 = arith.constant 4 : i32
        %parallel_loop3A_964 = arith.addi %parallel_loop3A_375, %parallel_loop3A_963 : i32
        %parallel_loop3A_965 = arith.constant 0 : i32
        %parallel_loop3A_966 = arith.constant 0 : i32
        %parallel_loop3A_967 = tpu.memref_slice %arg6[%rem3A_211, %parallel_loop3A_965, %parallel_loop3A_966] : memref<2x400x128xf32, #tpu.memory_space<vmem>> -> memref<1x400x128xf32, #tpu.memory_space<vmem>>
        %parallel_loop3A_968 = tpu.memref_squeeze %parallel_loop3A_967 : memref<1x400x128xf32, #tpu.memory_space<vmem>> -> memref<400x128xf32, #tpu.memory_space<vmem>>
        %parallel_loop3A_969 = arith.index_cast %parallel_loop3A_964 : i32 to index
        %parallel_loop3A_970 = arith.constant 48 : index
        %parallel_loop3A_971 = tpu.vector_load %parallel_loop3A_968[%parallel_loop3A_969, %parallel_loop3A_970] {strides = array<i32>} : memref<400x128xf32, #tpu.memory_space<vmem>>, vector<1x16xf32>,
        %parallel_loop3A_972 = vector.shape_cast %parallel_loop3A_971 : vector<1x16xf32> to vector<16xf32>
        %parallel_loop3A_973 = arith.addf %parallel_loop3A_962, %parallel_loop3A_972 : vector<16xf32>
        %parallel_loop3A_974 = arith.constant 5 : i32
        %parallel_loop3A_975 = arith.addi %parallel_loop3A_375, %parallel_loop3A_974 : i32
        %parallel_loop3A_976 = arith.constant 0 : i32
        %parallel_loop3A_977 = arith.constant 0 : i32
        %parallel_loop3A_978 = tpu.memref_slice %arg6[%rem3A_211, %parallel_loop3A_976, %parallel_loop3A_977] : memref<2x400x128xf32, #tpu.memory_space<vmem>> -> memref<1x400x128xf32, #tpu.memory_space<vmem>>
        %parallel_loop3A_979 = tpu.memref_squeeze %parallel_loop3A_978 : memref<1x400x128xf32, #tpu.memory_space<vmem>> -> memref<400x128xf32, #tpu.memory_space<vmem>>
        %parallel_loop3A_980 = arith.index_cast %parallel_loop3A_975 : i32 to index
        %parallel_loop3A_981 = arith.constant 48 : index
        %parallel_loop3A_982 = tpu.vector_load %parallel_loop3A_979[%parallel_loop3A_980, %parallel_loop3A_981] {strides = array<i32>} : memref<400x128xf32, #tpu.memory_space<vmem>>, vector<1x16xf32>,
        %parallel_loop3A_983 = vector.shape_cast %parallel_loop3A_982 : vector<1x16xf32> to vector<16xf32>
        %parallel_loop3A_984 = arith.addf %parallel_loop3A_973, %parallel_loop3A_983 : vector<16xf32>
        %parallel_loop3A_985 = arith.constant 6 : i32
        %parallel_loop3A_986 = arith.addi %parallel_loop3A_375, %parallel_loop3A_985 : i32
        %parallel_loop3A_987 = arith.constant 0 : i32
        %parallel_loop3A_988 = arith.constant 0 : i32
        %parallel_loop3A_989 = tpu.memref_slice %arg6[%rem3A_211, %parallel_loop3A_987, %parallel_loop3A_988] : memref<2x400x128xf32, #tpu.memory_space<vmem>> -> memref<1x400x128xf32, #tpu.memory_space<vmem>>
        %parallel_loop3A_990 = tpu.memref_squeeze %parallel_loop3A_989 : memref<1x400x128xf32, #tpu.memory_space<vmem>> -> memref<400x128xf32, #tpu.memory_space<vmem>>
        %parallel_loop3A_991 = arith.index_cast %parallel_loop3A_986 : i32 to index
        %parallel_loop3A_992 = arith.constant 48 : index
        %parallel_loop3A_993 = tpu.vector_load %parallel_loop3A_990[%parallel_loop3A_991, %parallel_loop3A_992] {strides = array<i32>} : memref<400x128xf32, #tpu.memory_space<vmem>>, vector<1x16xf32>,
        %parallel_loop3A_994 = vector.shape_cast %parallel_loop3A_993 : vector<1x16xf32> to vector<16xf32>
        %parallel_loop3A_995 = arith.addf %parallel_loop3A_984, %parallel_loop3A_994 : vector<16xf32>
        %parallel_loop3A_996 = arith.constant 7 : i32
        %parallel_loop3A_997 = arith.addi %parallel_loop3A_375, %parallel_loop3A_996 : i32
        %parallel_loop3A_998 = arith.constant 0 : i32
        %parallel_loop3A_999 = arith.constant 0 : i32
        %parallel_loop3A_1000 = tpu.memref_slice %arg6[%rem3A_211, %parallel_loop3A_998, %parallel_loop3A_999] : memref<2x400x128xf32, #tpu.memory_space<vmem>> -> memref<1x400x128xf32, #tpu.memory_space<vmem>>
        %parallel_loop3A_1001 = tpu.memref_squeeze %parallel_loop3A_1000 : memref<1x400x128xf32, #tpu.memory_space<vmem>> -> memref<400x128xf32, #tpu.memory_space<vmem>>
        %parallel_loop3A_1002 = arith.index_cast %parallel_loop3A_997 : i32 to index
        %parallel_loop3A_1003 = arith.constant 48 : index
        %parallel_loop3A_1004 = tpu.vector_load %parallel_loop3A_1001[%parallel_loop3A_1002, %parallel_loop3A_1003] {strides = array<i32>} : memref<400x128xf32, #tpu.memory_space<vmem>>, vector<1x16xf32>,
        %parallel_loop3A_1005 = vector.shape_cast %parallel_loop3A_1004 : vector<1x16xf32> to vector<16xf32>
        %parallel_loop3A_1006 = arith.addf %parallel_loop3A_995, %parallel_loop3A_1005 : vector<16xf32>
        %parallel_loop3A_1007 = arith.constant 8 : i32
        %parallel_loop3A_1008 = arith.addi %parallel_loop3A_375, %parallel_loop3A_1007 : i32
        %parallel_loop3A_1009 = arith.constant 0 : i32
        %parallel_loop3A_1010 = arith.constant 0 : i32
        %parallel_loop3A_1011 = tpu.memref_slice %arg6[%rem3A_211, %parallel_loop3A_1009, %parallel_loop3A_1010] : memref<2x400x128xf32, #tpu.memory_space<vmem>> -> memref<1x400x128xf32, #tpu.memory_space<vmem>>
        %parallel_loop3A_1012 = tpu.memref_squeeze %parallel_loop3A_1011 : memref<1x400x128xf32, #tpu.memory_space<vmem>> -> memref<400x128xf32, #tpu.memory_space<vmem>>
        %parallel_loop3A_1013 = arith.index_cast %parallel_loop3A_1008 : i32 to index
        %parallel_loop3A_1014 = arith.constant 48 : index
        %parallel_loop3A_1015 = tpu.vector_load %parallel_loop3A_1012[%parallel_loop3A_1013, %parallel_loop3A_1014] {strides = array<i32>} : memref<400x128xf32, #tpu.memory_space<vmem>>, vector<1x16xf32>,
        %parallel_loop3A_1016 = vector.shape_cast %parallel_loop3A_1015 : vector<1x16xf32> to vector<16xf32>
        %parallel_loop3A_1017 = arith.addf %parallel_loop3A_1006, %parallel_loop3A_1016 : vector<16xf32>
        %parallel_loop3A_1018 = arith.constant 9 : i32
        %parallel_loop3A_1019 = arith.addi %parallel_loop3A_375, %parallel_loop3A_1018 : i32
        %parallel_loop3A_1020 = arith.constant 0 : i32
        %parallel_loop3A_1021 = arith.constant 0 : i32
        %parallel_loop3A_1022 = tpu.memref_slice %arg6[%rem3A_211, %parallel_loop3A_1020, %parallel_loop3A_1021] : memref<2x400x128xf32, #tpu.memory_space<vmem>> -> memref<1x400x128xf32, #tpu.memory_space<vmem>>
        %parallel_loop3A_1023 = tpu.memref_squeeze %parallel_loop3A_1022 : memref<1x400x128xf32, #tpu.memory_space<vmem>> -> memref<400x128xf32, #tpu.memory_space<vmem>>
        %parallel_loop3A_1024 = arith.index_cast %parallel_loop3A_1019 : i32 to index
        %parallel_loop3A_1025 = arith.constant 48 : index
        %parallel_loop3A_1026 = tpu.vector_load %parallel_loop3A_1023[%parallel_loop3A_1024, %parallel_loop3A_1025] {strides = array<i32>} : memref<400x128xf32, #tpu.memory_space<vmem>>, vector<1x16xf32>,
        %parallel_loop3A_1027 = vector.shape_cast %parallel_loop3A_1026 : vector<1x16xf32> to vector<16xf32>
        %parallel_loop3A_1028 = arith.addf %parallel_loop3A_1017, %parallel_loop3A_1027 : vector<16xf32>
        %parallel_loop3A_1029 = arith.constant 10 : i32
        %parallel_loop3A_1030 = arith.addi %parallel_loop3A_375, %parallel_loop3A_1029 : i32
        %parallel_loop3A_1031 = arith.constant 0 : i32
        %parallel_loop3A_1032 = arith.constant 0 : i32
        %parallel_loop3A_1033 = tpu.memref_slice %arg6[%rem3A_211, %parallel_loop3A_1031, %parallel_loop3A_1032] : memref<2x400x128xf32, #tpu.memory_space<vmem>> -> memref<1x400x128xf32, #tpu.memory_space<vmem>>
        %parallel_loop3A_1034 = tpu.memref_squeeze %parallel_loop3A_1033 : memref<1x400x128xf32, #tpu.memory_space<vmem>> -> memref<400x128xf32, #tpu.memory_space<vmem>>
        %parallel_loop3A_1035 = arith.index_cast %parallel_loop3A_1030 : i32 to index
        %parallel_loop3A_1036 = arith.constant 48 : index
        %parallel_loop3A_1037 = tpu.vector_load %parallel_loop3A_1034[%parallel_loop3A_1035, %parallel_loop3A_1036] {strides = array<i32>} : memref<400x128xf32, #tpu.memory_space<vmem>>, vector<1x16xf32>,
        %parallel_loop3A_1038 = vector.shape_cast %parallel_loop3A_1037 : vector<1x16xf32> to vector<16xf32>
        %parallel_loop3A_1039 = arith.addf %parallel_loop3A_1028, %parallel_loop3A_1038 : vector<16xf32>
        %parallel_loop3A_1040 = arith.constant 11 : i32
        %parallel_loop3A_1041 = arith.addi %parallel_loop3A_375, %parallel_loop3A_1040 : i32
        %parallel_loop3A_1042 = arith.constant 0 : i32
        %parallel_loop3A_1043 = arith.constant 0 : i32
        %parallel_loop3A_1044 = tpu.memref_slice %arg6[%rem3A_211, %parallel_loop3A_1042, %parallel_loop3A_1043] : memref<2x400x128xf32, #tpu.memory_space<vmem>> -> memref<1x400x128xf32, #tpu.memory_space<vmem>>
        %parallel_loop3A_1045 = tpu.memref_squeeze %parallel_loop3A_1044 : memref<1x400x128xf32, #tpu.memory_space<vmem>> -> memref<400x128xf32, #tpu.memory_space<vmem>>
        %parallel_loop3A_1046 = arith.index_cast %parallel_loop3A_1041 : i32 to index
        %parallel_loop3A_1047 = arith.constant 48 : index
        %parallel_loop3A_1048 = tpu.vector_load %parallel_loop3A_1045[%parallel_loop3A_1046, %parallel_loop3A_1047] {strides = array<i32>} : memref<400x128xf32, #tpu.memory_space<vmem>>, vector<1x16xf32>,
        %parallel_loop3A_1049 = vector.shape_cast %parallel_loop3A_1048 : vector<1x16xf32> to vector<16xf32>
        %parallel_loop3A_1050 = arith.addf %parallel_loop3A_1039, %parallel_loop3A_1049 : vector<16xf32>
        %parallel_loop3A_1051 = arith.constant 12 : i32
        %parallel_loop3A_1052 = arith.addi %parallel_loop3A_375, %parallel_loop3A_1051 : i32
        %parallel_loop3A_1053 = arith.constant 0 : i32
        %parallel_loop3A_1054 = arith.constant 0 : i32
        %parallel_loop3A_1055 = tpu.memref_slice %arg6[%rem3A_211, %parallel_loop3A_1053, %parallel_loop3A_1054] : memref<2x400x128xf32, #tpu.memory_space<vmem>> -> memref<1x400x128xf32, #tpu.memory_space<vmem>>
        %parallel_loop3A_1056 = tpu.memref_squeeze %parallel_loop3A_1055 : memref<1x400x128xf32, #tpu.memory_space<vmem>> -> memref<400x128xf32, #tpu.memory_space<vmem>>
        %parallel_loop3A_1057 = arith.index_cast %parallel_loop3A_1052 : i32 to index
        %parallel_loop3A_1058 = arith.constant 48 : index
        %parallel_loop3A_1059 = tpu.vector_load %parallel_loop3A_1056[%parallel_loop3A_1057, %parallel_loop3A_1058] {strides = array<i32>} : memref<400x128xf32, #tpu.memory_space<vmem>>, vector<1x16xf32>,
        %parallel_loop3A_1060 = vector.shape_cast %parallel_loop3A_1059 : vector<1x16xf32> to vector<16xf32>
        %parallel_loop3A_1061 = arith.addf %parallel_loop3A_1050, %parallel_loop3A_1060 : vector<16xf32>
        %parallel_loop3A_1062 = arith.constant 13 : i32
        %parallel_loop3A_1063 = arith.addi %parallel_loop3A_375, %parallel_loop3A_1062 : i32
        %parallel_loop3A_1064 = arith.constant 0 : i32
        %parallel_loop3A_1065 = arith.constant 0 : i32
        %parallel_loop3A_1066 = tpu.memref_slice %arg6[%rem3A_211, %parallel_loop3A_1064, %parallel_loop3A_1065] : memref<2x400x128xf32, #tpu.memory_space<vmem>> -> memref<1x400x128xf32, #tpu.memory_space<vmem>>
        %parallel_loop3A_1067 = tpu.memref_squeeze %parallel_loop3A_1066 : memref<1x400x128xf32, #tpu.memory_space<vmem>> -> memref<400x128xf32, #tpu.memory_space<vmem>>
        %parallel_loop3A_1068 = arith.index_cast %parallel_loop3A_1063 : i32 to index
        %parallel_loop3A_1069 = arith.constant 48 : index
        %parallel_loop3A_1070 = tpu.vector_load %parallel_loop3A_1067[%parallel_loop3A_1068, %parallel_loop3A_1069] {strides = array<i32>} : memref<400x128xf32, #tpu.memory_space<vmem>>, vector<1x16xf32>,
        %parallel_loop3A_1071 = vector.shape_cast %parallel_loop3A_1070 : vector<1x16xf32> to vector<16xf32>
        %parallel_loop3A_1072 = arith.addf %parallel_loop3A_1061, %parallel_loop3A_1071 : vector<16xf32>
        %parallel_loop3A_1073 = arith.constant 14 : i32
        %parallel_loop3A_1074 = arith.addi %parallel_loop3A_375, %parallel_loop3A_1073 : i32
        %parallel_loop3A_1075 = arith.constant 0 : i32
        %parallel_loop3A_1076 = arith.constant 0 : i32
        %parallel_loop3A_1077 = tpu.memref_slice %arg6[%rem3A_211, %parallel_loop3A_1075, %parallel_loop3A_1076] : memref<2x400x128xf32, #tpu.memory_space<vmem>> -> memref<1x400x128xf32, #tpu.memory_space<vmem>>
        %parallel_loop3A_1078 = tpu.memref_squeeze %parallel_loop3A_1077 : memref<1x400x128xf32, #tpu.memory_space<vmem>> -> memref<400x128xf32, #tpu.memory_space<vmem>>
        %parallel_loop3A_1079 = arith.index_cast %parallel_loop3A_1074 : i32 to index
        %parallel_loop3A_1080 = arith.constant 48 : index
        %parallel_loop3A_1081 = tpu.vector_load %parallel_loop3A_1078[%parallel_loop3A_1079, %parallel_loop3A_1080] {strides = array<i32>} : memref<400x128xf32, #tpu.memory_space<vmem>>, vector<1x16xf32>,
        %parallel_loop3A_1082 = vector.shape_cast %parallel_loop3A_1081 : vector<1x16xf32> to vector<16xf32>
        %parallel_loop3A_1083 = arith.addf %parallel_loop3A_1072, %parallel_loop3A_1082 : vector<16xf32>
        %parallel_loop3A_1084 = arith.constant 15 : i32
        %parallel_loop3A_1085 = arith.addi %parallel_loop3A_375, %parallel_loop3A_1084 : i32
        %parallel_loop3A_1086 = arith.constant 0 : i32
        %parallel_loop3A_1087 = arith.constant 0 : i32
        %parallel_loop3A_1088 = tpu.memref_slice %arg6[%rem3A_211, %parallel_loop3A_1086, %parallel_loop3A_1087] : memref<2x400x128xf32, #tpu.memory_space<vmem>> -> memref<1x400x128xf32, #tpu.memory_space<vmem>>
        %parallel_loop3A_1089 = tpu.memref_squeeze %parallel_loop3A_1088 : memref<1x400x128xf32, #tpu.memory_space<vmem>> -> memref<400x128xf32, #tpu.memory_space<vmem>>
        %parallel_loop3A_1090 = arith.index_cast %parallel_loop3A_1085 : i32 to index
        %parallel_loop3A_1091 = arith.constant 48 : index
        %parallel_loop3A_1092 = tpu.vector_load %parallel_loop3A_1089[%parallel_loop3A_1090, %parallel_loop3A_1091] {strides = array<i32>} : memref<400x128xf32, #tpu.memory_space<vmem>>, vector<1x16xf32>,
        %parallel_loop3A_1093 = vector.shape_cast %parallel_loop3A_1092 : vector<1x16xf32> to vector<16xf32>
        %parallel_loop3A_1094 = arith.addf %parallel_loop3A_1083, %parallel_loop3A_1093 : vector<16xf32>
        %parallel_loop3A_1095 = arith.constant 0 : i32
        %parallel_loop3A_1096 = arith.constant 0 : i32
        %parallel_loop3A_1097 = tpu.memref_slice %arg7[%rem3A_211, %parallel_loop3A_1095, %parallel_loop3A_1096] : memref<2x25x128xf32, #tpu.memory_space<vmem>> -> memref<1x25x128xf32, #tpu.memory_space<vmem>>
        %parallel_loop3A_1098 = tpu.memref_squeeze %parallel_loop3A_1097 : memref<1x25x128xf32, #tpu.memory_space<vmem>> -> memref<25x128xf32, #tpu.memory_space<vmem>>
        %parallel_loop3A_1099 = arith.index_cast %parallel_loop3A_373 : i32 to index
        %parallel_loop3A_1100 = arith.constant 48 : index
        %parallel_loop3A_1101 = tpu.vector_load %parallel_loop3A_1098[%parallel_loop3A_1099, %parallel_loop3A_1100] {strides = array<i32>} : memref<25x128xf32, #tpu.memory_space<vmem>>, vector<1x16xf32>,
        %parallel_loop3A_1102 = vector.shape_cast %parallel_loop3A_1101 : vector<1x16xf32> to vector<16xf32>
        %parallel_loop3A_1103 = vector.shape_cast %parallel_loop3A_1094 : vector<16xf32> to vector<1x16xf32>
        tpu.vector_store %parallel_loop3A_1098[%parallel_loop3A_1099, %parallel_loop3A_1100], %parallel_loop3A_1103 {strides = array<i32>} : memref<25x128xf32, #tpu.memory_space<vmem>>, vector<1x16xf32>,
        %parallel_loop3A_1104 = arith.constant 0 : i32
        %parallel_loop3A_1105 = arith.constant 0 : i32
        %parallel_loop3A_1106 = tpu.memref_slice %arg6[%rem3A_211, %parallel_loop3A_1104, %parallel_loop3A_1105] : memref<2x400x128xf32, #tpu.memory_space<vmem>> -> memref<1x400x128xf32, #tpu.memory_space<vmem>>
        %parallel_loop3A_1107 = tpu.memref_squeeze %parallel_loop3A_1106 : memref<1x400x128xf32, #tpu.memory_space<vmem>> -> memref<400x128xf32, #tpu.memory_space<vmem>>
        %parallel_loop3A_1108 = arith.index_cast %parallel_loop3A_375 : i32 to index
        %parallel_loop3A_1109 = arith.constant 64 : index
        %parallel_loop3A_1110 = tpu.vector_load %parallel_loop3A_1107[%parallel_loop3A_1108, %parallel_loop3A_1109] {strides = array<i32>} : memref<400x128xf32, #tpu.memory_space<vmem>>, vector<1x16xf32>,
        %parallel_loop3A_1111 = vector.shape_cast %parallel_loop3A_1110 : vector<1x16xf32> to vector<16xf32>
        %parallel_loop3A_1112 = arith.constant 1 : i32
        %parallel_loop3A_1113 = arith.addi %parallel_loop3A_375, %parallel_loop3A_1112 : i32
        %parallel_loop3A_1114 = arith.constant 0 : i32
        %parallel_loop3A_1115 = arith.constant 0 : i32
        %parallel_loop3A_1116 = tpu.memref_slice %arg6[%rem3A_211, %parallel_loop3A_1114, %parallel_loop3A_1115] : memref<2x400x128xf32, #tpu.memory_space<vmem>> -> memref<1x400x128xf32, #tpu.memory_space<vmem>>
        %parallel_loop3A_1117 = tpu.memref_squeeze %parallel_loop3A_1116 : memref<1x400x128xf32, #tpu.memory_space<vmem>> -> memref<400x128xf32, #tpu.memory_space<vmem>>
        %parallel_loop3A_1118 = arith.index_cast %parallel_loop3A_1113 : i32 to index
        %parallel_loop3A_1119 = arith.constant 64 : index
        %parallel_loop3A_1120 = tpu.vector_load %parallel_loop3A_1117[%parallel_loop3A_1118, %parallel_loop3A_1119] {strides = array<i32>} : memref<400x128xf32, #tpu.memory_space<vmem>>, vector<1x16xf32>,
        %parallel_loop3A_1121 = vector.shape_cast %parallel_loop3A_1120 : vector<1x16xf32> to vector<16xf32>
        %parallel_loop3A_1122 = arith.addf %parallel_loop3A_1111, %parallel_loop3A_1121 : vector<16xf32>
        %parallel_loop3A_1123 = arith.constant 2 : i32
        %parallel_loop3A_1124 = arith.addi %parallel_loop3A_375, %parallel_loop3A_1123 : i32
        %parallel_loop3A_1125 = arith.constant 0 : i32
        %parallel_loop3A_1126 = arith.constant 0 : i32
        %parallel_loop3A_1127 = tpu.memref_slice %arg6[%rem3A_211, %parallel_loop3A_1125, %parallel_loop3A_1126] : memref<2x400x128xf32, #tpu.memory_space<vmem>> -> memref<1x400x128xf32, #tpu.memory_space<vmem>>
        %parallel_loop3A_1128 = tpu.memref_squeeze %parallel_loop3A_1127 : memref<1x400x128xf32, #tpu.memory_space<vmem>> -> memref<400x128xf32, #tpu.memory_space<vmem>>
        %parallel_loop3A_1129 = arith.index_cast %parallel_loop3A_1124 : i32 to index
        %parallel_loop3A_1130 = arith.constant 64 : index
        %parallel_loop3A_1131 = tpu.vector_load %parallel_loop3A_1128[%parallel_loop3A_1129, %parallel_loop3A_1130] {strides = array<i32>} : memref<400x128xf32, #tpu.memory_space<vmem>>, vector<1x16xf32>,
        %parallel_loop3A_1132 = vector.shape_cast %parallel_loop3A_1131 : vector<1x16xf32> to vector<16xf32>
        %parallel_loop3A_1133 = arith.addf %parallel_loop3A_1122, %parallel_loop3A_1132 : vector<16xf32>
        %parallel_loop3A_1134 = arith.constant 3 : i32
        %parallel_loop3A_1135 = arith.addi %parallel_loop3A_375, %parallel_loop3A_1134 : i32
        %parallel_loop3A_1136 = arith.constant 0 : i32
        %parallel_loop3A_1137 = arith.constant 0 : i32
        %parallel_loop3A_1138 = tpu.memref_slice %arg6[%rem3A_211, %parallel_loop3A_1136, %parallel_loop3A_1137] : memref<2x400x128xf32, #tpu.memory_space<vmem>> -> memref<1x400x128xf32, #tpu.memory_space<vmem>>
        %parallel_loop3A_1139 = tpu.memref_squeeze %parallel_loop3A_1138 : memref<1x400x128xf32, #tpu.memory_space<vmem>> -> memref<400x128xf32, #tpu.memory_space<vmem>>
        %parallel_loop3A_1140 = arith.index_cast %parallel_loop3A_1135 : i32 to index
        %parallel_loop3A_1141 = arith.constant 64 : index
        %parallel_loop3A_1142 = tpu.vector_load %parallel_loop3A_1139[%parallel_loop3A_1140, %parallel_loop3A_1141] {strides = array<i32>} : memref<400x128xf32, #tpu.memory_space<vmem>>, vector<1x16xf32>,
        %parallel_loop3A_1143 = vector.shape_cast %parallel_loop3A_1142 : vector<1x16xf32> to vector<16xf32>
        %parallel_loop3A_1144 = arith.addf %parallel_loop3A_1133, %parallel_loop3A_1143 : vector<16xf32>
        %parallel_loop3A_1145 = arith.constant 4 : i32
        %parallel_loop3A_1146 = arith.addi %parallel_loop3A_375, %parallel_loop3A_1145 : i32
        %parallel_loop3A_1147 = arith.constant 0 : i32
        %parallel_loop3A_1148 = arith.constant 0 : i32
        %parallel_loop3A_1149 = tpu.memref_slice %arg6[%rem3A_211, %parallel_loop3A_1147, %parallel_loop3A_1148] : memref<2x400x128xf32, #tpu.memory_space<vmem>> -> memref<1x400x128xf32, #tpu.memory_space<vmem>>
        %parallel_loop3A_1150 = tpu.memref_squeeze %parallel_loop3A_1149 : memref<1x400x128xf32, #tpu.memory_space<vmem>> -> memref<400x128xf32, #tpu.memory_space<vmem>>
        %parallel_loop3A_1151 = arith.index_cast %parallel_loop3A_1146 : i32 to index
        %parallel_loop3A_1152 = arith.constant 64 : index
        %parallel_loop3A_1153 = tpu.vector_load %parallel_loop3A_1150[%parallel_loop3A_1151, %parallel_loop3A_1152] {strides = array<i32>} : memref<400x128xf32, #tpu.memory_space<vmem>>, vector<1x16xf32>,
        %parallel_loop3A_1154 = vector.shape_cast %parallel_loop3A_1153 : vector<1x16xf32> to vector<16xf32>
        %parallel_loop3A_1155 = arith.addf %parallel_loop3A_1144, %parallel_loop3A_1154 : vector<16xf32>
        %parallel_loop3A_1156 = arith.constant 5 : i32
        %parallel_loop3A_1157 = arith.addi %parallel_loop3A_375, %parallel_loop3A_1156 : i32
        %parallel_loop3A_1158 = arith.constant 0 : i32
        %parallel_loop3A_1159 = arith.constant 0 : i32
        %parallel_loop3A_1160 = tpu.memref_slice %arg6[%rem3A_211, %parallel_loop3A_1158, %parallel_loop3A_1159] : memref<2x400x128xf32, #tpu.memory_space<vmem>> -> memref<1x400x128xf32, #tpu.memory_space<vmem>>
        %parallel_loop3A_1161 = tpu.memref_squeeze %parallel_loop3A_1160 : memref<1x400x128xf32, #tpu.memory_space<vmem>> -> memref<400x128xf32, #tpu.memory_space<vmem>>
        %parallel_loop3A_1162 = arith.index_cast %parallel_loop3A_1157 : i32 to index
        %parallel_loop3A_1163 = arith.constant 64 : index
        %parallel_loop3A_1164 = tpu.vector_load %parallel_loop3A_1161[%parallel_loop3A_1162, %parallel_loop3A_1163] {strides = array<i32>} : memref<400x128xf32, #tpu.memory_space<vmem>>, vector<1x16xf32>,
        %parallel_loop3A_1165 = vector.shape_cast %parallel_loop3A_1164 : vector<1x16xf32> to vector<16xf32>
        %parallel_loop3A_1166 = arith.addf %parallel_loop3A_1155, %parallel_loop3A_1165 : vector<16xf32>
        %parallel_loop3A_1167 = arith.constant 6 : i32
        %parallel_loop3A_1168 = arith.addi %parallel_loop3A_375, %parallel_loop3A_1167 : i32
        %parallel_loop3A_1169 = arith.constant 0 : i32
        %parallel_loop3A_1170 = arith.constant 0 : i32
        %parallel_loop3A_1171 = tpu.memref_slice %arg6[%rem3A_211, %parallel_loop3A_1169, %parallel_loop3A_1170] : memref<2x400x128xf32, #tpu.memory_space<vmem>> -> memref<1x400x128xf32, #tpu.memory_space<vmem>>
        %parallel_loop3A_1172 = tpu.memref_squeeze %parallel_loop3A_1171 : memref<1x400x128xf32, #tpu.memory_space<vmem>> -> memref<400x128xf32, #tpu.memory_space<vmem>>
        %parallel_loop3A_1173 = arith.index_cast %parallel_loop3A_1168 : i32 to index
        %parallel_loop3A_1174 = arith.constant 64 : index
        %parallel_loop3A_1175 = tpu.vector_load %parallel_loop3A_1172[%parallel_loop3A_1173, %parallel_loop3A_1174] {strides = array<i32>} : memref<400x128xf32, #tpu.memory_space<vmem>>, vector<1x16xf32>,
        %parallel_loop3A_1176 = vector.shape_cast %parallel_loop3A_1175 : vector<1x16xf32> to vector<16xf32>
        %parallel_loop3A_1177 = arith.addf %parallel_loop3A_1166, %parallel_loop3A_1176 : vector<16xf32>
        %parallel_loop3A_1178 = arith.constant 7 : i32
        %parallel_loop3A_1179 = arith.addi %parallel_loop3A_375, %parallel_loop3A_1178 : i32
        %parallel_loop3A_1180 = arith.constant 0 : i32
        %parallel_loop3A_1181 = arith.constant 0 : i32
        %parallel_loop3A_1182 = tpu.memref_slice %arg6[%rem3A_211, %parallel_loop3A_1180, %parallel_loop3A_1181] : memref<2x400x128xf32, #tpu.memory_space<vmem>> -> memref<1x400x128xf32, #tpu.memory_space<vmem>>
        %parallel_loop3A_1183 = tpu.memref_squeeze %parallel_loop3A_1182 : memref<1x400x128xf32, #tpu.memory_space<vmem>> -> memref<400x128xf32, #tpu.memory_space<vmem>>
        %parallel_loop3A_1184 = arith.index_cast %parallel_loop3A_1179 : i32 to index
        %parallel_loop3A_1185 = arith.constant 64 : index
        %parallel_loop3A_1186 = tpu.vector_load %parallel_loop3A_1183[%parallel_loop3A_1184, %parallel_loop3A_1185] {strides = array<i32>} : memref<400x128xf32, #tpu.memory_space<vmem>>, vector<1x16xf32>,
        %parallel_loop3A_1187 = vector.shape_cast %parallel_loop3A_1186 : vector<1x16xf32> to vector<16xf32>
        %parallel_loop3A_1188 = arith.addf %parallel_loop3A_1177, %parallel_loop3A_1187 : vector<16xf32>
        %parallel_loop3A_1189 = arith.constant 8 : i32
        %parallel_loop3A_1190 = arith.addi %parallel_loop3A_375, %parallel_loop3A_1189 : i32
        %parallel_loop3A_1191 = arith.constant 0 : i32
        %parallel_loop3A_1192 = arith.constant 0 : i32
        %parallel_loop3A_1193 = tpu.memref_slice %arg6[%rem3A_211, %parallel_loop3A_1191, %parallel_loop3A_1192] : memref<2x400x128xf32, #tpu.memory_space<vmem>> -> memref<1x400x128xf32, #tpu.memory_space<vmem>>
        %parallel_loop3A_1194 = tpu.memref_squeeze %parallel_loop3A_1193 : memref<1x400x128xf32, #tpu.memory_space<vmem>> -> memref<400x128xf32, #tpu.memory_space<vmem>>
        %parallel_loop3A_1195 = arith.index_cast %parallel_loop3A_1190 : i32 to index
        %parallel_loop3A_1196 = arith.constant 64 : index
        %parallel_loop3A_1197 = tpu.vector_load %parallel_loop3A_1194[%parallel_loop3A_1195, %parallel_loop3A_1196] {strides = array<i32>} : memref<400x128xf32, #tpu.memory_space<vmem>>, vector<1x16xf32>,
        %parallel_loop3A_1198 = vector.shape_cast %parallel_loop3A_1197 : vector<1x16xf32> to vector<16xf32>
        %parallel_loop3A_1199 = arith.addf %parallel_loop3A_1188, %parallel_loop3A_1198 : vector<16xf32>
        %parallel_loop3A_1200 = arith.constant 9 : i32
        %parallel_loop3A_1201 = arith.addi %parallel_loop3A_375, %parallel_loop3A_1200 : i32
        %parallel_loop3A_1202 = arith.constant 0 : i32
        %parallel_loop3A_1203 = arith.constant 0 : i32
        %parallel_loop3A_1204 = tpu.memref_slice %arg6[%rem3A_211, %parallel_loop3A_1202, %parallel_loop3A_1203] : memref<2x400x128xf32, #tpu.memory_space<vmem>> -> memref<1x400x128xf32, #tpu.memory_space<vmem>>
        %parallel_loop3A_1205 = tpu.memref_squeeze %parallel_loop3A_1204 : memref<1x400x128xf32, #tpu.memory_space<vmem>> -> memref<400x128xf32, #tpu.memory_space<vmem>>
        %parallel_loop3A_1206 = arith.index_cast %parallel_loop3A_1201 : i32 to index
        %parallel_loop3A_1207 = arith.constant 64 : index
        %parallel_loop3A_1208 = tpu.vector_load %parallel_loop3A_1205[%parallel_loop3A_1206, %parallel_loop3A_1207] {strides = array<i32>} : memref<400x128xf32, #tpu.memory_space<vmem>>, vector<1x16xf32>,
        %parallel_loop3A_1209 = vector.shape_cast %parallel_loop3A_1208 : vector<1x16xf32> to vector<16xf32>
        %parallel_loop3A_1210 = arith.addf %parallel_loop3A_1199, %parallel_loop3A_1209 : vector<16xf32>
        %parallel_loop3A_1211 = arith.constant 10 : i32
        %parallel_loop3A_1212 = arith.addi %parallel_loop3A_375, %parallel_loop3A_1211 : i32
        %parallel_loop3A_1213 = arith.constant 0 : i32
        %parallel_loop3A_1214 = arith.constant 0 : i32
        %parallel_loop3A_1215 = tpu.memref_slice %arg6[%rem3A_211, %parallel_loop3A_1213, %parallel_loop3A_1214] : memref<2x400x128xf32, #tpu.memory_space<vmem>> -> memref<1x400x128xf32, #tpu.memory_space<vmem>>
        %parallel_loop3A_1216 = tpu.memref_squeeze %parallel_loop3A_1215 : memref<1x400x128xf32, #tpu.memory_space<vmem>> -> memref<400x128xf32, #tpu.memory_space<vmem>>
        %parallel_loop3A_1217 = arith.index_cast %parallel_loop3A_1212 : i32 to index
        %parallel_loop3A_1218 = arith.constant 64 : index
        %parallel_loop3A_1219 = tpu.vector_load %parallel_loop3A_1216[%parallel_loop3A_1217, %parallel_loop3A_1218] {strides = array<i32>} : memref<400x128xf32, #tpu.memory_space<vmem>>, vector<1x16xf32>,
        %parallel_loop3A_1220 = vector.shape_cast %parallel_loop3A_1219 : vector<1x16xf32> to vector<16xf32>
        %parallel_loop3A_1221 = arith.addf %parallel_loop3A_1210, %parallel_loop3A_1220 : vector<16xf32>
        %parallel_loop3A_1222 = arith.constant 11 : i32
        %parallel_loop3A_1223 = arith.addi %parallel_loop3A_375, %parallel_loop3A_1222 : i32
        %parallel_loop3A_1224 = arith.constant 0 : i32
        %parallel_loop3A_1225 = arith.constant 0 : i32
        %parallel_loop3A_1226 = tpu.memref_slice %arg6[%rem3A_211, %parallel_loop3A_1224, %parallel_loop3A_1225] : memref<2x400x128xf32, #tpu.memory_space<vmem>> -> memref<1x400x128xf32, #tpu.memory_space<vmem>>
        %parallel_loop3A_1227 = tpu.memref_squeeze %parallel_loop3A_1226 : memref<1x400x128xf32, #tpu.memory_space<vmem>> -> memref<400x128xf32, #tpu.memory_space<vmem>>
        %parallel_loop3A_1228 = arith.index_cast %parallel_loop3A_1223 : i32 to index
        %parallel_loop3A_1229 = arith.constant 64 : index
        %parallel_loop3A_1230 = tpu.vector_load %parallel_loop3A_1227[%parallel_loop3A_1228, %parallel_loop3A_1229] {strides = array<i32>} : memref<400x128xf32, #tpu.memory_space<vmem>>, vector<1x16xf32>,
        %parallel_loop3A_1231 = vector.shape_cast %parallel_loop3A_1230 : vector<1x16xf32> to vector<16xf32>
        %parallel_loop3A_1232 = arith.addf %parallel_loop3A_1221, %parallel_loop3A_1231 : vector<16xf32>
        %parallel_loop3A_1233 = arith.constant 12 : i32
        %parallel_loop3A_1234 = arith.addi %parallel_loop3A_375, %parallel_loop3A_1233 : i32
        %parallel_loop3A_1235 = arith.constant 0 : i32
        %parallel_loop3A_1236 = arith.constant 0 : i32
        %parallel_loop3A_1237 = tpu.memref_slice %arg6[%rem3A_211, %parallel_loop3A_1235, %parallel_loop3A_1236] : memref<2x400x128xf32, #tpu.memory_space<vmem>> -> memref<1x400x128xf32, #tpu.memory_space<vmem>>
        %parallel_loop3A_1238 = tpu.memref_squeeze %parallel_loop3A_1237 : memref<1x400x128xf32, #tpu.memory_space<vmem>> -> memref<400x128xf32, #tpu.memory_space<vmem>>
        %parallel_loop3A_1239 = arith.index_cast %parallel_loop3A_1234 : i32 to index
        %parallel_loop3A_1240 = arith.constant 64 : index
        %parallel_loop3A_1241 = tpu.vector_load %parallel_loop3A_1238[%parallel_loop3A_1239, %parallel_loop3A_1240] {strides = array<i32>} : memref<400x128xf32, #tpu.memory_space<vmem>>, vector<1x16xf32>,
        %parallel_loop3A_1242 = vector.shape_cast %parallel_loop3A_1241 : vector<1x16xf32> to vector<16xf32>
        %parallel_loop3A_1243 = arith.addf %parallel_loop3A_1232, %parallel_loop3A_1242 : vector<16xf32>
        %parallel_loop3A_1244 = arith.constant 13 : i32
        %parallel_loop3A_1245 = arith.addi %parallel_loop3A_375, %parallel_loop3A_1244 : i32
        %parallel_loop3A_1246 = arith.constant 0 : i32
        %parallel_loop3A_1247 = arith.constant 0 : i32
        %parallel_loop3A_1248 = tpu.memref_slice %arg6[%rem3A_211, %parallel_loop3A_1246, %parallel_loop3A_1247] : memref<2x400x128xf32, #tpu.memory_space<vmem>> -> memref<1x400x128xf32, #tpu.memory_space<vmem>>
        %parallel_loop3A_1249 = tpu.memref_squeeze %parallel_loop3A_1248 : memref<1x400x128xf32, #tpu.memory_space<vmem>> -> memref<400x128xf32, #tpu.memory_space<vmem>>
        %parallel_loop3A_1250 = arith.index_cast %parallel_loop3A_1245 : i32 to index
        %parallel_loop3A_1251 = arith.constant 64 : index
        %parallel_loop3A_1252 = tpu.vector_load %parallel_loop3A_1249[%parallel_loop3A_1250, %parallel_loop3A_1251] {strides = array<i32>} : memref<400x128xf32, #tpu.memory_space<vmem>>, vector<1x16xf32>,
        %parallel_loop3A_1253 = vector.shape_cast %parallel_loop3A_1252 : vector<1x16xf32> to vector<16xf32>
        %parallel_loop3A_1254 = arith.addf %parallel_loop3A_1243, %parallel_loop3A_1253 : vector<16xf32>
        %parallel_loop3A_1255 = arith.constant 14 : i32
        %parallel_loop3A_1256 = arith.addi %parallel_loop3A_375, %parallel_loop3A_1255 : i32
        %parallel_loop3A_1257 = arith.constant 0 : i32
        %parallel_loop3A_1258 = arith.constant 0 : i32
        %parallel_loop3A_1259 = tpu.memref_slice %arg6[%rem3A_211, %parallel_loop3A_1257, %parallel_loop3A_1258] : memref<2x400x128xf32, #tpu.memory_space<vmem>> -> memref<1x400x128xf32, #tpu.memory_space<vmem>>
        %parallel_loop3A_1260 = tpu.memref_squeeze %parallel_loop3A_1259 : memref<1x400x128xf32, #tpu.memory_space<vmem>> -> memref<400x128xf32, #tpu.memory_space<vmem>>
        %parallel_loop3A_1261 = arith.index_cast %parallel_loop3A_1256 : i32 to index
        %parallel_loop3A_1262 = arith.constant 64 : index
        %parallel_loop3A_1263 = tpu.vector_load %parallel_loop3A_1260[%parallel_loop3A_1261, %parallel_loop3A_1262] {strides = array<i32>} : memref<400x128xf32, #tpu.memory_space<vmem>>, vector<1x16xf32>,
        %parallel_loop3A_1264 = vector.shape_cast %parallel_loop3A_1263 : vector<1x16xf32> to vector<16xf32>
        %parallel_loop3A_1265 = arith.addf %parallel_loop3A_1254, %parallel_loop3A_1264 : vector<16xf32>
        %parallel_loop3A_1266 = arith.constant 15 : i32
        %parallel_loop3A_1267 = arith.addi %parallel_loop3A_375, %parallel_loop3A_1266 : i32
        %parallel_loop3A_1268 = arith.constant 0 : i32
        %parallel_loop3A_1269 = arith.constant 0 : i32
        %parallel_loop3A_1270 = tpu.memref_slice %arg6[%rem3A_211, %parallel_loop3A_1268, %parallel_loop3A_1269] : memref<2x400x128xf32, #tpu.memory_space<vmem>> -> memref<1x400x128xf32, #tpu.memory_space<vmem>>
        %parallel_loop3A_1271 = tpu.memref_squeeze %parallel_loop3A_1270 : memref<1x400x128xf32, #tpu.memory_space<vmem>> -> memref<400x128xf32, #tpu.memory_space<vmem>>
        %parallel_loop3A_1272 = arith.index_cast %parallel_loop3A_1267 : i32 to index
        %parallel_loop3A_1273 = arith.constant 64 : index
        %parallel_loop3A_1274 = tpu.vector_load %parallel_loop3A_1271[%parallel_loop3A_1272, %parallel_loop3A_1273] {strides = array<i32>} : memref<400x128xf32, #tpu.memory_space<vmem>>, vector<1x16xf32>,
        %parallel_loop3A_1275 = vector.shape_cast %parallel_loop3A_1274 : vector<1x16xf32> to vector<16xf32>
        %parallel_loop3A_1276 = arith.addf %parallel_loop3A_1265, %parallel_loop3A_1275 : vector<16xf32>
        %parallel_loop3A_1277 = arith.constant 0 : i32
        %parallel_loop3A_1278 = arith.constant 0 : i32
        %parallel_loop3A_1279 = tpu.memref_slice %arg7[%rem3A_211, %parallel_loop3A_1277, %parallel_loop3A_1278] : memref<2x25x128xf32, #tpu.memory_space<vmem>> -> memref<1x25x128xf32, #tpu.memory_space<vmem>>
        %parallel_loop3A_1280 = tpu.memref_squeeze %parallel_loop3A_1279 : memref<1x25x128xf32, #tpu.memory_space<vmem>> -> memref<25x128xf32, #tpu.memory_space<vmem>>
        %parallel_loop3A_1281 = arith.index_cast %parallel_loop3A_373 : i32 to index
        %parallel_loop3A_1282 = arith.constant 64 : index
        %parallel_loop3A_1283 = tpu.vector_load %parallel_loop3A_1280[%parallel_loop3A_1281, %parallel_loop3A_1282] {strides = array<i32>} : memref<25x128xf32, #tpu.memory_space<vmem>>, vector<1x16xf32>,
        %parallel_loop3A_1284 = vector.shape_cast %parallel_loop3A_1283 : vector<1x16xf32> to vector<16xf32>
        %parallel_loop3A_1285 = vector.shape_cast %parallel_loop3A_1276 : vector<16xf32> to vector<1x16xf32>
        tpu.vector_store %parallel_loop3A_1280[%parallel_loop3A_1281, %parallel_loop3A_1282], %parallel_loop3A_1285 {strides = array<i32>} : memref<25x128xf32, #tpu.memory_space<vmem>>, vector<1x16xf32>,
        %parallel_loop3A_1286 = arith.constant 0 : i32
        %parallel_loop3A_1287 = arith.constant 0 : i32
        %parallel_loop3A_1288 = tpu.memref_slice %arg6[%rem3A_211, %parallel_loop3A_1286, %parallel_loop3A_1287] : memref<2x400x128xf32, #tpu.memory_space<vmem>> -> memref<1x400x128xf32, #tpu.memory_space<vmem>>
        %parallel_loop3A_1289 = tpu.memref_squeeze %parallel_loop3A_1288 : memref<1x400x128xf32, #tpu.memory_space<vmem>> -> memref<400x128xf32, #tpu.memory_space<vmem>>
        %parallel_loop3A_1290 = arith.index_cast %parallel_loop3A_375 : i32 to index
        %parallel_loop3A_1291 = arith.constant 80 : index
        %parallel_loop3A_1292 = tpu.vector_load %parallel_loop3A_1289[%parallel_loop3A_1290, %parallel_loop3A_1291] {strides = array<i32>} : memref<400x128xf32, #tpu.memory_space<vmem>>, vector<1x16xf32>,
        %parallel_loop3A_1293 = vector.shape_cast %parallel_loop3A_1292 : vector<1x16xf32> to vector<16xf32>
        %parallel_loop3A_1294 = arith.constant 1 : i32
        %parallel_loop3A_1295 = arith.addi %parallel_loop3A_375, %parallel_loop3A_1294 : i32
        %parallel_loop3A_1296 = arith.constant 0 : i32
        %parallel_loop3A_1297 = arith.constant 0 : i32
        %parallel_loop3A_1298 = tpu.memref_slice %arg6[%rem3A_211, %parallel_loop3A_1296, %parallel_loop3A_1297] : memref<2x400x128xf32, #tpu.memory_space<vmem>> -> memref<1x400x128xf32, #tpu.memory_space<vmem>>
        %parallel_loop3A_1299 = tpu.memref_squeeze %parallel_loop3A_1298 : memref<1x400x128xf32, #tpu.memory_space<vmem>> -> memref<400x128xf32, #tpu.memory_space<vmem>>
        %parallel_loop3A_1300 = arith.index_cast %parallel_loop3A_1295 : i32 to index
        %parallel_loop3A_1301 = arith.constant 80 : index
        %parallel_loop3A_1302 = tpu.vector_load %parallel_loop3A_1299[%parallel_loop3A_1300, %parallel_loop3A_1301] {strides = array<i32>} : memref<400x128xf32, #tpu.memory_space<vmem>>, vector<1x16xf32>,
        %parallel_loop3A_1303 = vector.shape_cast %parallel_loop3A_1302 : vector<1x16xf32> to vector<16xf32>
        %parallel_loop3A_1304 = arith.addf %parallel_loop3A_1293, %parallel_loop3A_1303 : vector<16xf32>
        %parallel_loop3A_1305 = arith.constant 2 : i32
        %parallel_loop3A_1306 = arith.addi %parallel_loop3A_375, %parallel_loop3A_1305 : i32
        %parallel_loop3A_1307 = arith.constant 0 : i32
        %parallel_loop3A_1308 = arith.constant 0 : i32
        %parallel_loop3A_1309 = tpu.memref_slice %arg6[%rem3A_211, %parallel_loop3A_1307, %parallel_loop3A_1308] : memref<2x400x128xf32, #tpu.memory_space<vmem>> -> memref<1x400x128xf32, #tpu.memory_space<vmem>>
        %parallel_loop3A_1310 = tpu.memref_squeeze %parallel_loop3A_1309 : memref<1x400x128xf32, #tpu.memory_space<vmem>> -> memref<400x128xf32, #tpu.memory_space<vmem>>
        %parallel_loop3A_1311 = arith.index_cast %parallel_loop3A_1306 : i32 to index
        %parallel_loop3A_1312 = arith.constant 80 : index
        %parallel_loop3A_1313 = tpu.vector_load %parallel_loop3A_1310[%parallel_loop3A_1311, %parallel_loop3A_1312] {strides = array<i32>} : memref<400x128xf32, #tpu.memory_space<vmem>>, vector<1x16xf32>,
        %parallel_loop3A_1314 = vector.shape_cast %parallel_loop3A_1313 : vector<1x16xf32> to vector<16xf32>
        %parallel_loop3A_1315 = arith.addf %parallel_loop3A_1304, %parallel_loop3A_1314 : vector<16xf32>
        %parallel_loop3A_1316 = arith.constant 3 : i32
        %parallel_loop3A_1317 = arith.addi %parallel_loop3A_375, %parallel_loop3A_1316 : i32
        %parallel_loop3A_1318 = arith.constant 0 : i32
        %parallel_loop3A_1319 = arith.constant 0 : i32
        %parallel_loop3A_1320 = tpu.memref_slice %arg6[%rem3A_211, %parallel_loop3A_1318, %parallel_loop3A_1319] : memref<2x400x128xf32, #tpu.memory_space<vmem>> -> memref<1x400x128xf32, #tpu.memory_space<vmem>>
        %parallel_loop3A_1321 = tpu.memref_squeeze %parallel_loop3A_1320 : memref<1x400x128xf32, #tpu.memory_space<vmem>> -> memref<400x128xf32, #tpu.memory_space<vmem>>
        %parallel_loop3A_1322 = arith.index_cast %parallel_loop3A_1317 : i32 to index
        %parallel_loop3A_1323 = arith.constant 80 : index
        %parallel_loop3A_1324 = tpu.vector_load %parallel_loop3A_1321[%parallel_loop3A_1322, %parallel_loop3A_1323] {strides = array<i32>} : memref<400x128xf32, #tpu.memory_space<vmem>>, vector<1x16xf32>,
        %parallel_loop3A_1325 = vector.shape_cast %parallel_loop3A_1324 : vector<1x16xf32> to vector<16xf32>
        %parallel_loop3A_1326 = arith.addf %parallel_loop3A_1315, %parallel_loop3A_1325 : vector<16xf32>
        %parallel_loop3A_1327 = arith.constant 4 : i32
        %parallel_loop3A_1328 = arith.addi %parallel_loop3A_375, %parallel_loop3A_1327 : i32
        %parallel_loop3A_1329 = arith.constant 0 : i32
        %parallel_loop3A_1330 = arith.constant 0 : i32
        %parallel_loop3A_1331 = tpu.memref_slice %arg6[%rem3A_211, %parallel_loop3A_1329, %parallel_loop3A_1330] : memref<2x400x128xf32, #tpu.memory_space<vmem>> -> memref<1x400x128xf32, #tpu.memory_space<vmem>>
        %parallel_loop3A_1332 = tpu.memref_squeeze %parallel_loop3A_1331 : memref<1x400x128xf32, #tpu.memory_space<vmem>> -> memref<400x128xf32, #tpu.memory_space<vmem>>
        %parallel_loop3A_1333 = arith.index_cast %parallel_loop3A_1328 : i32 to index
        %parallel_loop3A_1334 = arith.constant 80 : index
        %parallel_loop3A_1335 = tpu.vector_load %parallel_loop3A_1332[%parallel_loop3A_1333, %parallel_loop3A_1334] {strides = array<i32>} : memref<400x128xf32, #tpu.memory_space<vmem>>, vector<1x16xf32>,
        %parallel_loop3A_1336 = vector.shape_cast %parallel_loop3A_1335 : vector<1x16xf32> to vector<16xf32>
        %parallel_loop3A_1337 = arith.addf %parallel_loop3A_1326, %parallel_loop3A_1336 : vector<16xf32>
        %parallel_loop3A_1338 = arith.constant 5 : i32
        %parallel_loop3A_1339 = arith.addi %parallel_loop3A_375, %parallel_loop3A_1338 : i32
        %parallel_loop3A_1340 = arith.constant 0 : i32
        %parallel_loop3A_1341 = arith.constant 0 : i32
        %parallel_loop3A_1342 = tpu.memref_slice %arg6[%rem3A_211, %parallel_loop3A_1340, %parallel_loop3A_1341] : memref<2x400x128xf32, #tpu.memory_space<vmem>> -> memref<1x400x128xf32, #tpu.memory_space<vmem>>
        %parallel_loop3A_1343 = tpu.memref_squeeze %parallel_loop3A_1342 : memref<1x400x128xf32, #tpu.memory_space<vmem>> -> memref<400x128xf32, #tpu.memory_space<vmem>>
        %parallel_loop3A_1344 = arith.index_cast %parallel_loop3A_1339 : i32 to index
        %parallel_loop3A_1345 = arith.constant 80 : index
        %parallel_loop3A_1346 = tpu.vector_load %parallel_loop3A_1343[%parallel_loop3A_1344, %parallel_loop3A_1345] {strides = array<i32>} : memref<400x128xf32, #tpu.memory_space<vmem>>, vector<1x16xf32>,
        %parallel_loop3A_1347 = vector.shape_cast %parallel_loop3A_1346 : vector<1x16xf32> to vector<16xf32>
        %parallel_loop3A_1348 = arith.addf %parallel_loop3A_1337, %parallel_loop3A_1347 : vector<16xf32>
        %parallel_loop3A_1349 = arith.constant 6 : i32
        %parallel_loop3A_1350 = arith.addi %parallel_loop3A_375, %parallel_loop3A_1349 : i32
        %parallel_loop3A_1351 = arith.constant 0 : i32
        %parallel_loop3A_1352 = arith.constant 0 : i32
        %parallel_loop3A_1353 = tpu.memref_slice %arg6[%rem3A_211, %parallel_loop3A_1351, %parallel_loop3A_1352] : memref<2x400x128xf32, #tpu.memory_space<vmem>> -> memref<1x400x128xf32, #tpu.memory_space<vmem>>
        %parallel_loop3A_1354 = tpu.memref_squeeze %parallel_loop3A_1353 : memref<1x400x128xf32, #tpu.memory_space<vmem>> -> memref<400x128xf32, #tpu.memory_space<vmem>>
        %parallel_loop3A_1355 = arith.index_cast %parallel_loop3A_1350 : i32 to index
        %parallel_loop3A_1356 = arith.constant 80 : index
        %parallel_loop3A_1357 = tpu.vector_load %parallel_loop3A_1354[%parallel_loop3A_1355, %parallel_loop3A_1356] {strides = array<i32>} : memref<400x128xf32, #tpu.memory_space<vmem>>, vector<1x16xf32>,
        %parallel_loop3A_1358 = vector.shape_cast %parallel_loop3A_1357 : vector<1x16xf32> to vector<16xf32>
        %parallel_loop3A_1359 = arith.addf %parallel_loop3A_1348, %parallel_loop3A_1358 : vector<16xf32>
        %parallel_loop3A_1360 = arith.constant 7 : i32
        %parallel_loop3A_1361 = arith.addi %parallel_loop3A_375, %parallel_loop3A_1360 : i32
        %parallel_loop3A_1362 = arith.constant 0 : i32
        %parallel_loop3A_1363 = arith.constant 0 : i32
        %parallel_loop3A_1364 = tpu.memref_slice %arg6[%rem3A_211, %parallel_loop3A_1362, %parallel_loop3A_1363] : memref<2x400x128xf32, #tpu.memory_space<vmem>> -> memref<1x400x128xf32, #tpu.memory_space<vmem>>
        %parallel_loop3A_1365 = tpu.memref_squeeze %parallel_loop3A_1364 : memref<1x400x128xf32, #tpu.memory_space<vmem>> -> memref<400x128xf32, #tpu.memory_space<vmem>>
        %parallel_loop3A_1366 = arith.index_cast %parallel_loop3A_1361 : i32 to index
        %parallel_loop3A_1367 = arith.constant 80 : index
        %parallel_loop3A_1368 = tpu.vector_load %parallel_loop3A_1365[%parallel_loop3A_1366, %parallel_loop3A_1367] {strides = array<i32>} : memref<400x128xf32, #tpu.memory_space<vmem>>, vector<1x16xf32>,
        %parallel_loop3A_1369 = vector.shape_cast %parallel_loop3A_1368 : vector<1x16xf32> to vector<16xf32>
        %parallel_loop3A_1370 = arith.addf %parallel_loop3A_1359, %parallel_loop3A_1369 : vector<16xf32>
        %parallel_loop3A_1371 = arith.constant 8 : i32
        %parallel_loop3A_1372 = arith.addi %parallel_loop3A_375, %parallel_loop3A_1371 : i32
        %parallel_loop3A_1373 = arith.constant 0 : i32
        %parallel_loop3A_1374 = arith.constant 0 : i32
        %parallel_loop3A_1375 = tpu.memref_slice %arg6[%rem3A_211, %parallel_loop3A_1373, %parallel_loop3A_1374] : memref<2x400x128xf32, #tpu.memory_space<vmem>> -> memref<1x400x128xf32, #tpu.memory_space<vmem>>
        %parallel_loop3A_1376 = tpu.memref_squeeze %parallel_loop3A_1375 : memref<1x400x128xf32, #tpu.memory_space<vmem>> -> memref<400x128xf32, #tpu.memory_space<vmem>>
        %parallel_loop3A_1377 = arith.index_cast %parallel_loop3A_1372 : i32 to index
        %parallel_loop3A_1378 = arith.constant 80 : index
        %parallel_loop3A_1379 = tpu.vector_load %parallel_loop3A_1376[%parallel_loop3A_1377, %parallel_loop3A_1378] {strides = array<i32>} : memref<400x128xf32, #tpu.memory_space<vmem>>, vector<1x16xf32>,
        %parallel_loop3A_1380 = vector.shape_cast %parallel_loop3A_1379 : vector<1x16xf32> to vector<16xf32>
        %parallel_loop3A_1381 = arith.addf %parallel_loop3A_1370, %parallel_loop3A_1380 : vector<16xf32>
        %parallel_loop3A_1382 = arith.constant 9 : i32
        %parallel_loop3A_1383 = arith.addi %parallel_loop3A_375, %parallel_loop3A_1382 : i32
        %parallel_loop3A_1384 = arith.constant 0 : i32
        %parallel_loop3A_1385 = arith.constant 0 : i32
        %parallel_loop3A_1386 = tpu.memref_slice %arg6[%rem3A_211, %parallel_loop3A_1384, %parallel_loop3A_1385] : memref<2x400x128xf32, #tpu.memory_space<vmem>> -> memref<1x400x128xf32, #tpu.memory_space<vmem>>
        %parallel_loop3A_1387 = tpu.memref_squeeze %parallel_loop3A_1386 : memref<1x400x128xf32, #tpu.memory_space<vmem>> -> memref<400x128xf32, #tpu.memory_space<vmem>>
        %parallel_loop3A_1388 = arith.index_cast %parallel_loop3A_1383 : i32 to index
        %parallel_loop3A_1389 = arith.constant 80 : index
        %parallel_loop3A_1390 = tpu.vector_load %parallel_loop3A_1387[%parallel_loop3A_1388, %parallel_loop3A_1389] {strides = array<i32>} : memref<400x128xf32, #tpu.memory_space<vmem>>, vector<1x16xf32>,
        %parallel_loop3A_1391 = vector.shape_cast %parallel_loop3A_1390 : vector<1x16xf32> to vector<16xf32>
        %parallel_loop3A_1392 = arith.addf %parallel_loop3A_1381, %parallel_loop3A_1391 : vector<16xf32>
        %parallel_loop3A_1393 = arith.constant 10 : i32
        %parallel_loop3A_1394 = arith.addi %parallel_loop3A_375, %parallel_loop3A_1393 : i32
        %parallel_loop3A_1395 = arith.constant 0 : i32
        %parallel_loop3A_1396 = arith.constant 0 : i32
        %parallel_loop3A_1397 = tpu.memref_slice %arg6[%rem3A_211, %parallel_loop3A_1395, %parallel_loop3A_1396] : memref<2x400x128xf32, #tpu.memory_space<vmem>> -> memref<1x400x128xf32, #tpu.memory_space<vmem>>
        %parallel_loop3A_1398 = tpu.memref_squeeze %parallel_loop3A_1397 : memref<1x400x128xf32, #tpu.memory_space<vmem>> -> memref<400x128xf32, #tpu.memory_space<vmem>>
        %parallel_loop3A_1399 = arith.index_cast %parallel_loop3A_1394 : i32 to index
        %parallel_loop3A_1400 = arith.constant 80 : index
        %parallel_loop3A_1401 = tpu.vector_load %parallel_loop3A_1398[%parallel_loop3A_1399, %parallel_loop3A_1400] {strides = array<i32>} : memref<400x128xf32, #tpu.memory_space<vmem>>, vector<1x16xf32>,
        %parallel_loop3A_1402 = vector.shape_cast %parallel_loop3A_1401 : vector<1x16xf32> to vector<16xf32>
        %parallel_loop3A_1403 = arith.addf %parallel_loop3A_1392, %parallel_loop3A_1402 : vector<16xf32>
        %parallel_loop3A_1404 = arith.constant 11 : i32
        %parallel_loop3A_1405 = arith.addi %parallel_loop3A_375, %parallel_loop3A_1404 : i32
        %parallel_loop3A_1406 = arith.constant 0 : i32
        %parallel_loop3A_1407 = arith.constant 0 : i32
        %parallel_loop3A_1408 = tpu.memref_slice %arg6[%rem3A_211, %parallel_loop3A_1406, %parallel_loop3A_1407] : memref<2x400x128xf32, #tpu.memory_space<vmem>> -> memref<1x400x128xf32, #tpu.memory_space<vmem>>
        %parallel_loop3A_1409 = tpu.memref_squeeze %parallel_loop3A_1408 : memref<1x400x128xf32, #tpu.memory_space<vmem>> -> memref<400x128xf32, #tpu.memory_space<vmem>>
        %parallel_loop3A_1410 = arith.index_cast %parallel_loop3A_1405 : i32 to index
        %parallel_loop3A_1411 = arith.constant 80 : index
        %parallel_loop3A_1412 = tpu.vector_load %parallel_loop3A_1409[%parallel_loop3A_1410, %parallel_loop3A_1411] {strides = array<i32>} : memref<400x128xf32, #tpu.memory_space<vmem>>, vector<1x16xf32>,
        %parallel_loop3A_1413 = vector.shape_cast %parallel_loop3A_1412 : vector<1x16xf32> to vector<16xf32>
        %parallel_loop3A_1414 = arith.addf %parallel_loop3A_1403, %parallel_loop3A_1413 : vector<16xf32>
        %parallel_loop3A_1415 = arith.constant 12 : i32
        %parallel_loop3A_1416 = arith.addi %parallel_loop3A_375, %parallel_loop3A_1415 : i32
        %parallel_loop3A_1417 = arith.constant 0 : i32
        %parallel_loop3A_1418 = arith.constant 0 : i32
        %parallel_loop3A_1419 = tpu.memref_slice %arg6[%rem3A_211, %parallel_loop3A_1417, %parallel_loop3A_1418] : memref<2x400x128xf32, #tpu.memory_space<vmem>> -> memref<1x400x128xf32, #tpu.memory_space<vmem>>
        %parallel_loop3A_1420 = tpu.memref_squeeze %parallel_loop3A_1419 : memref<1x400x128xf32, #tpu.memory_space<vmem>> -> memref<400x128xf32, #tpu.memory_space<vmem>>
        %parallel_loop3A_1421 = arith.index_cast %parallel_loop3A_1416 : i32 to index
        %parallel_loop3A_1422 = arith.constant 80 : index
        %parallel_loop3A_1423 = tpu.vector_load %parallel_loop3A_1420[%parallel_loop3A_1421, %parallel_loop3A_1422] {strides = array<i32>} : memref<400x128xf32, #tpu.memory_space<vmem>>, vector<1x16xf32>,
        %parallel_loop3A_1424 = vector.shape_cast %parallel_loop3A_1423 : vector<1x16xf32> to vector<16xf32>
        %parallel_loop3A_1425 = arith.addf %parallel_loop3A_1414, %parallel_loop3A_1424 : vector<16xf32>
        %parallel_loop3A_1426 = arith.constant 13 : i32
        %parallel_loop3A_1427 = arith.addi %parallel_loop3A_375, %parallel_loop3A_1426 : i32
        %parallel_loop3A_1428 = arith.constant 0 : i32
        %parallel_loop3A_1429 = arith.constant 0 : i32
        %parallel_loop3A_1430 = tpu.memref_slice %arg6[%rem3A_211, %parallel_loop3A_1428, %parallel_loop3A_1429] : memref<2x400x128xf32, #tpu.memory_space<vmem>> -> memref<1x400x128xf32, #tpu.memory_space<vmem>>
        %parallel_loop3A_1431 = tpu.memref_squeeze %parallel_loop3A_1430 : memref<1x400x128xf32, #tpu.memory_space<vmem>> -> memref<400x128xf32, #tpu.memory_space<vmem>>
        %parallel_loop3A_1432 = arith.index_cast %parallel_loop3A_1427 : i32 to index
        %parallel_loop3A_1433 = arith.constant 80 : index
        %parallel_loop3A_1434 = tpu.vector_load %parallel_loop3A_1431[%parallel_loop3A_1432, %parallel_loop3A_1433] {strides = array<i32>} : memref<400x128xf32, #tpu.memory_space<vmem>>, vector<1x16xf32>,
        %parallel_loop3A_1435 = vector.shape_cast %parallel_loop3A_1434 : vector<1x16xf32> to vector<16xf32>
        %parallel_loop3A_1436 = arith.addf %parallel_loop3A_1425, %parallel_loop3A_1435 : vector<16xf32>
        %parallel_loop3A_1437 = arith.constant 14 : i32
        %parallel_loop3A_1438 = arith.addi %parallel_loop3A_375, %parallel_loop3A_1437 : i32
        %parallel_loop3A_1439 = arith.constant 0 : i32
        %parallel_loop3A_1440 = arith.constant 0 : i32
        %parallel_loop3A_1441 = tpu.memref_slice %arg6[%rem3A_211, %parallel_loop3A_1439, %parallel_loop3A_1440] : memref<2x400x128xf32, #tpu.memory_space<vmem>> -> memref<1x400x128xf32, #tpu.memory_space<vmem>>
        %parallel_loop3A_1442 = tpu.memref_squeeze %parallel_loop3A_1441 : memref<1x400x128xf32, #tpu.memory_space<vmem>> -> memref<400x128xf32, #tpu.memory_space<vmem>>
        %parallel_loop3A_1443 = arith.index_cast %parallel_loop3A_1438 : i32 to index
        %parallel_loop3A_1444 = arith.constant 80 : index
        %parallel_loop3A_1445 = tpu.vector_load %parallel_loop3A_1442[%parallel_loop3A_1443, %parallel_loop3A_1444] {strides = array<i32>} : memref<400x128xf32, #tpu.memory_space<vmem>>, vector<1x16xf32>,
        %parallel_loop3A_1446 = vector.shape_cast %parallel_loop3A_1445 : vector<1x16xf32> to vector<16xf32>
        %parallel_loop3A_1447 = arith.addf %parallel_loop3A_1436, %parallel_loop3A_1446 : vector<16xf32>
        %parallel_loop3A_1448 = arith.constant 15 : i32
        %parallel_loop3A_1449 = arith.addi %parallel_loop3A_375, %parallel_loop3A_1448 : i32
        %parallel_loop3A_1450 = arith.constant 0 : i32
        %parallel_loop3A_1451 = arith.constant 0 : i32
        %parallel_loop3A_1452 = tpu.memref_slice %arg6[%rem3A_211, %parallel_loop3A_1450, %parallel_loop3A_1451] : memref<2x400x128xf32, #tpu.memory_space<vmem>> -> memref<1x400x128xf32, #tpu.memory_space<vmem>>
        %parallel_loop3A_1453 = tpu.memref_squeeze %parallel_loop3A_1452 : memref<1x400x128xf32, #tpu.memory_space<vmem>> -> memref<400x128xf32, #tpu.memory_space<vmem>>
        %parallel_loop3A_1454 = arith.index_cast %parallel_loop3A_1449 : i32 to index
        %parallel_loop3A_1455 = arith.constant 80 : index
        %parallel_loop3A_1456 = tpu.vector_load %parallel_loop3A_1453[%parallel_loop3A_1454, %parallel_loop3A_1455] {strides = array<i32>} : memref<400x128xf32, #tpu.memory_space<vmem>>, vector<1x16xf32>,
        %parallel_loop3A_1457 = vector.shape_cast %parallel_loop3A_1456 : vector<1x16xf32> to vector<16xf32>
        %parallel_loop3A_1458 = arith.addf %parallel_loop3A_1447, %parallel_loop3A_1457 : vector<16xf32>
        %parallel_loop3A_1459 = arith.constant 0 : i32
        %parallel_loop3A_1460 = arith.constant 0 : i32
        %parallel_loop3A_1461 = tpu.memref_slice %arg7[%rem3A_211, %parallel_loop3A_1459, %parallel_loop3A_1460] : memref<2x25x128xf32, #tpu.memory_space<vmem>> -> memref<1x25x128xf32, #tpu.memory_space<vmem>>
        %parallel_loop3A_1462 = tpu.memref_squeeze %parallel_loop3A_1461 : memref<1x25x128xf32, #tpu.memory_space<vmem>> -> memref<25x128xf32, #tpu.memory_space<vmem>>
        %parallel_loop3A_1463 = arith.index_cast %parallel_loop3A_373 : i32 to index
        %parallel_loop3A_1464 = arith.constant 80 : index
        %parallel_loop3A_1465 = tpu.vector_load %parallel_loop3A_1462[%parallel_loop3A_1463, %parallel_loop3A_1464] {strides = array<i32>} : memref<25x128xf32, #tpu.memory_space<vmem>>, vector<1x16xf32>,
        %parallel_loop3A_1466 = vector.shape_cast %parallel_loop3A_1465 : vector<1x16xf32> to vector<16xf32>
        %parallel_loop3A_1467 = vector.shape_cast %parallel_loop3A_1458 : vector<16xf32> to vector<1x16xf32>
        tpu.vector_store %parallel_loop3A_1462[%parallel_loop3A_1463, %parallel_loop3A_1464], %parallel_loop3A_1467 {strides = array<i32>} : memref<25x128xf32, #tpu.memory_space<vmem>>, vector<1x16xf32>,
        %parallel_loop3A_1468 = arith.constant 0 : i32
        %parallel_loop3A_1469 = arith.constant 0 : i32
        %parallel_loop3A_1470 = tpu.memref_slice %arg6[%rem3A_211, %parallel_loop3A_1468, %parallel_loop3A_1469] : memref<2x400x128xf32, #tpu.memory_space<vmem>> -> memref<1x400x128xf32, #tpu.memory_space<vmem>>
        %parallel_loop3A_1471 = tpu.memref_squeeze %parallel_loop3A_1470 : memref<1x400x128xf32, #tpu.memory_space<vmem>> -> memref<400x128xf32, #tpu.memory_space<vmem>>
        %parallel_loop3A_1472 = arith.index_cast %parallel_loop3A_375 : i32 to index
        %parallel_loop3A_1473 = arith.constant 96 : index
        %parallel_loop3A_1474 = tpu.vector_load %parallel_loop3A_1471[%parallel_loop3A_1472, %parallel_loop3A_1473] {strides = array<i32>} : memref<400x128xf32, #tpu.memory_space<vmem>>, vector<1x16xf32>,
        %parallel_loop3A_1475 = vector.shape_cast %parallel_loop3A_1474 : vector<1x16xf32> to vector<16xf32>
        %parallel_loop3A_1476 = arith.constant 1 : i32
        %parallel_loop3A_1477 = arith.addi %parallel_loop3A_375, %parallel_loop3A_1476 : i32
        %parallel_loop3A_1478 = arith.constant 0 : i32
        %parallel_loop3A_1479 = arith.constant 0 : i32
        %parallel_loop3A_1480 = tpu.memref_slice %arg6[%rem3A_211, %parallel_loop3A_1478, %parallel_loop3A_1479] : memref<2x400x128xf32, #tpu.memory_space<vmem>> -> memref<1x400x128xf32, #tpu.memory_space<vmem>>
        %parallel_loop3A_1481 = tpu.memref_squeeze %parallel_loop3A_1480 : memref<1x400x128xf32, #tpu.memory_space<vmem>> -> memref<400x128xf32, #tpu.memory_space<vmem>>
        %parallel_loop3A_1482 = arith.index_cast %parallel_loop3A_1477 : i32 to index
        %parallel_loop3A_1483 = arith.constant 96 : index
        %parallel_loop3A_1484 = tpu.vector_load %parallel_loop3A_1481[%parallel_loop3A_1482, %parallel_loop3A_1483] {strides = array<i32>} : memref<400x128xf32, #tpu.memory_space<vmem>>, vector<1x16xf32>,
        %parallel_loop3A_1485 = vector.shape_cast %parallel_loop3A_1484 : vector<1x16xf32> to vector<16xf32>
        %parallel_loop3A_1486 = arith.addf %parallel_loop3A_1475, %parallel_loop3A_1485 : vector<16xf32>
        %parallel_loop3A_1487 = arith.constant 2 : i32
        %parallel_loop3A_1488 = arith.addi %parallel_loop3A_375, %parallel_loop3A_1487 : i32
        %parallel_loop3A_1489 = arith.constant 0 : i32
        %parallel_loop3A_1490 = arith.constant 0 : i32
        %parallel_loop3A_1491 = tpu.memref_slice %arg6[%rem3A_211, %parallel_loop3A_1489, %parallel_loop3A_1490] : memref<2x400x128xf32, #tpu.memory_space<vmem>> -> memref<1x400x128xf32, #tpu.memory_space<vmem>>
        %parallel_loop3A_1492 = tpu.memref_squeeze %parallel_loop3A_1491 : memref<1x400x128xf32, #tpu.memory_space<vmem>> -> memref<400x128xf32, #tpu.memory_space<vmem>>
        %parallel_loop3A_1493 = arith.index_cast %parallel_loop3A_1488 : i32 to index
        %parallel_loop3A_1494 = arith.constant 96 : index
        %parallel_loop3A_1495 = tpu.vector_load %parallel_loop3A_1492[%parallel_loop3A_1493, %parallel_loop3A_1494] {strides = array<i32>} : memref<400x128xf32, #tpu.memory_space<vmem>>, vector<1x16xf32>,
        %parallel_loop3A_1496 = vector.shape_cast %parallel_loop3A_1495 : vector<1x16xf32> to vector<16xf32>
        %parallel_loop3A_1497 = arith.addf %parallel_loop3A_1486, %parallel_loop3A_1496 : vector<16xf32>
        %parallel_loop3A_1498 = arith.constant 3 : i32
        %parallel_loop3A_1499 = arith.addi %parallel_loop3A_375, %parallel_loop3A_1498 : i32
        %parallel_loop3A_1500 = arith.constant 0 : i32
        %parallel_loop3A_1501 = arith.constant 0 : i32
        %parallel_loop3A_1502 = tpu.memref_slice %arg6[%rem3A_211, %parallel_loop3A_1500, %parallel_loop3A_1501] : memref<2x400x128xf32, #tpu.memory_space<vmem>> -> memref<1x400x128xf32, #tpu.memory_space<vmem>>
        %parallel_loop3A_1503 = tpu.memref_squeeze %parallel_loop3A_1502 : memref<1x400x128xf32, #tpu.memory_space<vmem>> -> memref<400x128xf32, #tpu.memory_space<vmem>>
        %parallel_loop3A_1504 = arith.index_cast %parallel_loop3A_1499 : i32 to index
        %parallel_loop3A_1505 = arith.constant 96 : index
        %parallel_loop3A_1506 = tpu.vector_load %parallel_loop3A_1503[%parallel_loop3A_1504, %parallel_loop3A_1505] {strides = array<i32>} : memref<400x128xf32, #tpu.memory_space<vmem>>, vector<1x16xf32>,
        %parallel_loop3A_1507 = vector.shape_cast %parallel_loop3A_1506 : vector<1x16xf32> to vector<16xf32>
        %parallel_loop3A_1508 = arith.addf %parallel_loop3A_1497, %parallel_loop3A_1507 : vector<16xf32>
        %parallel_loop3A_1509 = arith.constant 4 : i32
        %parallel_loop3A_1510 = arith.addi %parallel_loop3A_375, %parallel_loop3A_1509 : i32
        %parallel_loop3A_1511 = arith.constant 0 : i32
        %parallel_loop3A_1512 = arith.constant 0 : i32
        %parallel_loop3A_1513 = tpu.memref_slice %arg6[%rem3A_211, %parallel_loop3A_1511, %parallel_loop3A_1512] : memref<2x400x128xf32, #tpu.memory_space<vmem>> -> memref<1x400x128xf32, #tpu.memory_space<vmem>>
        %parallel_loop3A_1514 = tpu.memref_squeeze %parallel_loop3A_1513 : memref<1x400x128xf32, #tpu.memory_space<vmem>> -> memref<400x128xf32, #tpu.memory_space<vmem>>
        %parallel_loop3A_1515 = arith.index_cast %parallel_loop3A_1510 : i32 to index
        %parallel_loop3A_1516 = arith.constant 96 : index
        %parallel_loop3A_1517 = tpu.vector_load %parallel_loop3A_1514[%parallel_loop3A_1515, %parallel_loop3A_1516] {strides = array<i32>} : memref<400x128xf32, #tpu.memory_space<vmem>>, vector<1x16xf32>,
        %parallel_loop3A_1518 = vector.shape_cast %parallel_loop3A_1517 : vector<1x16xf32> to vector<16xf32>
        %parallel_loop3A_1519 = arith.addf %parallel_loop3A_1508, %parallel_loop3A_1518 : vector<16xf32>
        %parallel_loop3A_1520 = arith.constant 5 : i32
        %parallel_loop3A_1521 = arith.addi %parallel_loop3A_375, %parallel_loop3A_1520 : i32
        %parallel_loop3A_1522 = arith.constant 0 : i32
        %parallel_loop3A_1523 = arith.constant 0 : i32
        %parallel_loop3A_1524 = tpu.memref_slice %arg6[%rem3A_211, %parallel_loop3A_1522, %parallel_loop3A_1523] : memref<2x400x128xf32, #tpu.memory_space<vmem>> -> memref<1x400x128xf32, #tpu.memory_space<vmem>>
        %parallel_loop3A_1525 = tpu.memref_squeeze %parallel_loop3A_1524 : memref<1x400x128xf32, #tpu.memory_space<vmem>> -> memref<400x128xf32, #tpu.memory_space<vmem>>
        %parallel_loop3A_1526 = arith.index_cast %parallel_loop3A_1521 : i32 to index
        %parallel_loop3A_1527 = arith.constant 96 : index
        %parallel_loop3A_1528 = tpu.vector_load %parallel_loop3A_1525[%parallel_loop3A_1526, %parallel_loop3A_1527] {strides = array<i32>} : memref<400x128xf32, #tpu.memory_space<vmem>>, vector<1x16xf32>,
        %parallel_loop3A_1529 = vector.shape_cast %parallel_loop3A_1528 : vector<1x16xf32> to vector<16xf32>
        %parallel_loop3A_1530 = arith.addf %parallel_loop3A_1519, %parallel_loop3A_1529 : vector<16xf32>
        %parallel_loop3A_1531 = arith.constant 6 : i32
        %parallel_loop3A_1532 = arith.addi %parallel_loop3A_375, %parallel_loop3A_1531 : i32
        %parallel_loop3A_1533 = arith.constant 0 : i32
        %parallel_loop3A_1534 = arith.constant 0 : i32
        %parallel_loop3A_1535 = tpu.memref_slice %arg6[%rem3A_211, %parallel_loop3A_1533, %parallel_loop3A_1534] : memref<2x400x128xf32, #tpu.memory_space<vmem>> -> memref<1x400x128xf32, #tpu.memory_space<vmem>>
        %parallel_loop3A_1536 = tpu.memref_squeeze %parallel_loop3A_1535 : memref<1x400x128xf32, #tpu.memory_space<vmem>> -> memref<400x128xf32, #tpu.memory_space<vmem>>
        %parallel_loop3A_1537 = arith.index_cast %parallel_loop3A_1532 : i32 to index
        %parallel_loop3A_1538 = arith.constant 96 : index
        %parallel_loop3A_1539 = tpu.vector_load %parallel_loop3A_1536[%parallel_loop3A_1537, %parallel_loop3A_1538] {strides = array<i32>} : memref<400x128xf32, #tpu.memory_space<vmem>>, vector<1x16xf32>,
        %parallel_loop3A_1540 = vector.shape_cast %parallel_loop3A_1539 : vector<1x16xf32> to vector<16xf32>
        %parallel_loop3A_1541 = arith.addf %parallel_loop3A_1530, %parallel_loop3A_1540 : vector<16xf32>
        %parallel_loop3A_1542 = arith.constant 7 : i32
        %parallel_loop3A_1543 = arith.addi %parallel_loop3A_375, %parallel_loop3A_1542 : i32
        %parallel_loop3A_1544 = arith.constant 0 : i32
        %parallel_loop3A_1545 = arith.constant 0 : i32
        %parallel_loop3A_1546 = tpu.memref_slice %arg6[%rem3A_211, %parallel_loop3A_1544, %parallel_loop3A_1545] : memref<2x400x128xf32, #tpu.memory_space<vmem>> -> memref<1x400x128xf32, #tpu.memory_space<vmem>>
        %parallel_loop3A_1547 = tpu.memref_squeeze %parallel_loop3A_1546 : memref<1x400x128xf32, #tpu.memory_space<vmem>> -> memref<400x128xf32, #tpu.memory_space<vmem>>
        %parallel_loop3A_1548 = arith.index_cast %parallel_loop3A_1543 : i32 to index
        %parallel_loop3A_1549 = arith.constant 96 : index
        %parallel_loop3A_1550 = tpu.vector_load %parallel_loop3A_1547[%parallel_loop3A_1548, %parallel_loop3A_1549] {strides = array<i32>} : memref<400x128xf32, #tpu.memory_space<vmem>>, vector<1x16xf32>,
        %parallel_loop3A_1551 = vector.shape_cast %parallel_loop3A_1550 : vector<1x16xf32> to vector<16xf32>
        %parallel_loop3A_1552 = arith.addf %parallel_loop3A_1541, %parallel_loop3A_1551 : vector<16xf32>
        %parallel_loop3A_1553 = arith.constant 8 : i32
        %parallel_loop3A_1554 = arith.addi %parallel_loop3A_375, %parallel_loop3A_1553 : i32
        %parallel_loop3A_1555 = arith.constant 0 : i32
        %parallel_loop3A_1556 = arith.constant 0 : i32
        %parallel_loop3A_1557 = tpu.memref_slice %arg6[%rem3A_211, %parallel_loop3A_1555, %parallel_loop3A_1556] : memref<2x400x128xf32, #tpu.memory_space<vmem>> -> memref<1x400x128xf32, #tpu.memory_space<vmem>>
        %parallel_loop3A_1558 = tpu.memref_squeeze %parallel_loop3A_1557 : memref<1x400x128xf32, #tpu.memory_space<vmem>> -> memref<400x128xf32, #tpu.memory_space<vmem>>
        %parallel_loop3A_1559 = arith.index_cast %parallel_loop3A_1554 : i32 to index
        %parallel_loop3A_1560 = arith.constant 96 : index
        %parallel_loop3A_1561 = tpu.vector_load %parallel_loop3A_1558[%parallel_loop3A_1559, %parallel_loop3A_1560] {strides = array<i32>} : memref<400x128xf32, #tpu.memory_space<vmem>>, vector<1x16xf32>,
        %parallel_loop3A_1562 = vector.shape_cast %parallel_loop3A_1561 : vector<1x16xf32> to vector<16xf32>
        %parallel_loop3A_1563 = arith.addf %parallel_loop3A_1552, %parallel_loop3A_1562 : vector<16xf32>
        %parallel_loop3A_1564 = arith.constant 9 : i32
        %parallel_loop3A_1565 = arith.addi %parallel_loop3A_375, %parallel_loop3A_1564 : i32
        %parallel_loop3A_1566 = arith.constant 0 : i32
        %parallel_loop3A_1567 = arith.constant 0 : i32
        %parallel_loop3A_1568 = tpu.memref_slice %arg6[%rem3A_211, %parallel_loop3A_1566, %parallel_loop3A_1567] : memref<2x400x128xf32, #tpu.memory_space<vmem>> -> memref<1x400x128xf32, #tpu.memory_space<vmem>>
        %parallel_loop3A_1569 = tpu.memref_squeeze %parallel_loop3A_1568 : memref<1x400x128xf32, #tpu.memory_space<vmem>> -> memref<400x128xf32, #tpu.memory_space<vmem>>
        %parallel_loop3A_1570 = arith.index_cast %parallel_loop3A_1565 : i32 to index
        %parallel_loop3A_1571 = arith.constant 96 : index
        %parallel_loop3A_1572 = tpu.vector_load %parallel_loop3A_1569[%parallel_loop3A_1570, %parallel_loop3A_1571] {strides = array<i32>} : memref<400x128xf32, #tpu.memory_space<vmem>>, vector<1x16xf32>,
        %parallel_loop3A_1573 = vector.shape_cast %parallel_loop3A_1572 : vector<1x16xf32> to vector<16xf32>
        %parallel_loop3A_1574 = arith.addf %parallel_loop3A_1563, %parallel_loop3A_1573 : vector<16xf32>
        %parallel_loop3A_1575 = arith.constant 10 : i32
        %parallel_loop3A_1576 = arith.addi %parallel_loop3A_375, %parallel_loop3A_1575 : i32
        %parallel_loop3A_1577 = arith.constant 0 : i32
        %parallel_loop3A_1578 = arith.constant 0 : i32
        %parallel_loop3A_1579 = tpu.memref_slice %arg6[%rem3A_211, %parallel_loop3A_1577, %parallel_loop3A_1578] : memref<2x400x128xf32, #tpu.memory_space<vmem>> -> memref<1x400x128xf32, #tpu.memory_space<vmem>>
        %parallel_loop3A_1580 = tpu.memref_squeeze %parallel_loop3A_1579 : memref<1x400x128xf32, #tpu.memory_space<vmem>> -> memref<400x128xf32, #tpu.memory_space<vmem>>
        %parallel_loop3A_1581 = arith.index_cast %parallel_loop3A_1576 : i32 to index
        %parallel_loop3A_1582 = arith.constant 96 : index
        %parallel_loop3A_1583 = tpu.vector_load %parallel_loop3A_1580[%parallel_loop3A_1581, %parallel_loop3A_1582] {strides = array<i32>} : memref<400x128xf32, #tpu.memory_space<vmem>>, vector<1x16xf32>,
        %parallel_loop3A_1584 = vector.shape_cast %parallel_loop3A_1583 : vector<1x16xf32> to vector<16xf32>
        %parallel_loop3A_1585 = arith.addf %parallel_loop3A_1574, %parallel_loop3A_1584 : vector<16xf32>
        %parallel_loop3A_1586 = arith.constant 11 : i32
        %parallel_loop3A_1587 = arith.addi %parallel_loop3A_375, %parallel_loop3A_1586 : i32
        %parallel_loop3A_1588 = arith.constant 0 : i32
        %parallel_loop3A_1589 = arith.constant 0 : i32
        %parallel_loop3A_1590 = tpu.memref_slice %arg6[%rem3A_211, %parallel_loop3A_1588, %parallel_loop3A_1589] : memref<2x400x128xf32, #tpu.memory_space<vmem>> -> memref<1x400x128xf32, #tpu.memory_space<vmem>>
        %parallel_loop3A_1591 = tpu.memref_squeeze %parallel_loop3A_1590 : memref<1x400x128xf32, #tpu.memory_space<vmem>> -> memref<400x128xf32, #tpu.memory_space<vmem>>
        %parallel_loop3A_1592 = arith.index_cast %parallel_loop3A_1587 : i32 to index
        %parallel_loop3A_1593 = arith.constant 96 : index
        %parallel_loop3A_1594 = tpu.vector_load %parallel_loop3A_1591[%parallel_loop3A_1592, %parallel_loop3A_1593] {strides = array<i32>} : memref<400x128xf32, #tpu.memory_space<vmem>>, vector<1x16xf32>,
        %parallel_loop3A_1595 = vector.shape_cast %parallel_loop3A_1594 : vector<1x16xf32> to vector<16xf32>
        %parallel_loop3A_1596 = arith.addf %parallel_loop3A_1585, %parallel_loop3A_1595 : vector<16xf32>
        %parallel_loop3A_1597 = arith.constant 12 : i32
        %parallel_loop3A_1598 = arith.addi %parallel_loop3A_375, %parallel_loop3A_1597 : i32
        %parallel_loop3A_1599 = arith.constant 0 : i32
        %parallel_loop3A_1600 = arith.constant 0 : i32
        %parallel_loop3A_1601 = tpu.memref_slice %arg6[%rem3A_211, %parallel_loop3A_1599, %parallel_loop3A_1600] : memref<2x400x128xf32, #tpu.memory_space<vmem>> -> memref<1x400x128xf32, #tpu.memory_space<vmem>>
        %parallel_loop3A_1602 = tpu.memref_squeeze %parallel_loop3A_1601 : memref<1x400x128xf32, #tpu.memory_space<vmem>> -> memref<400x128xf32, #tpu.memory_space<vmem>>
        %parallel_loop3A_1603 = arith.index_cast %parallel_loop3A_1598 : i32 to index
        %parallel_loop3A_1604 = arith.constant 96 : index
        %parallel_loop3A_1605 = tpu.vector_load %parallel_loop3A_1602[%parallel_loop3A_1603, %parallel_loop3A_1604] {strides = array<i32>} : memref<400x128xf32, #tpu.memory_space<vmem>>, vector<1x16xf32>,
        %parallel_loop3A_1606 = vector.shape_cast %parallel_loop3A_1605 : vector<1x16xf32> to vector<16xf32>
        %parallel_loop3A_1607 = arith.addf %parallel_loop3A_1596, %parallel_loop3A_1606 : vector<16xf32>
        %parallel_loop3A_1608 = arith.constant 13 : i32
        %parallel_loop3A_1609 = arith.addi %parallel_loop3A_375, %parallel_loop3A_1608 : i32
        %parallel_loop3A_1610 = arith.constant 0 : i32
        %parallel_loop3A_1611 = arith.constant 0 : i32
        %parallel_loop3A_1612 = tpu.memref_slice %arg6[%rem3A_211, %parallel_loop3A_1610, %parallel_loop3A_1611] : memref<2x400x128xf32, #tpu.memory_space<vmem>> -> memref<1x400x128xf32, #tpu.memory_space<vmem>>
        %parallel_loop3A_1613 = tpu.memref_squeeze %parallel_loop3A_1612 : memref<1x400x128xf32, #tpu.memory_space<vmem>> -> memref<400x128xf32, #tpu.memory_space<vmem>>
        %parallel_loop3A_1614 = arith.index_cast %parallel_loop3A_1609 : i32 to index
        %parallel_loop3A_1615 = arith.constant 96 : index
        %parallel_loop3A_1616 = tpu.vector_load %parallel_loop3A_1613[%parallel_loop3A_1614, %parallel_loop3A_1615] {strides = array<i32>} : memref<400x128xf32, #tpu.memory_space<vmem>>, vector<1x16xf32>,
        %parallel_loop3A_1617 = vector.shape_cast %parallel_loop3A_1616 : vector<1x16xf32> to vector<16xf32>
        %parallel_loop3A_1618 = arith.addf %parallel_loop3A_1607, %parallel_loop3A_1617 : vector<16xf32>
        %parallel_loop3A_1619 = arith.constant 14 : i32
        %parallel_loop3A_1620 = arith.addi %parallel_loop3A_375, %parallel_loop3A_1619 : i32
        %parallel_loop3A_1621 = arith.constant 0 : i32
        %parallel_loop3A_1622 = arith.constant 0 : i32
        %parallel_loop3A_1623 = tpu.memref_slice %arg6[%rem3A_211, %parallel_loop3A_1621, %parallel_loop3A_1622] : memref<2x400x128xf32, #tpu.memory_space<vmem>> -> memref<1x400x128xf32, #tpu.memory_space<vmem>>
        %parallel_loop3A_1624 = tpu.memref_squeeze %parallel_loop3A_1623 : memref<1x400x128xf32, #tpu.memory_space<vmem>> -> memref<400x128xf32, #tpu.memory_space<vmem>>
        %parallel_loop3A_1625 = arith.index_cast %parallel_loop3A_1620 : i32 to index
        %parallel_loop3A_1626 = arith.constant 96 : index
        %parallel_loop3A_1627 = tpu.vector_load %parallel_loop3A_1624[%parallel_loop3A_1625, %parallel_loop3A_1626] {strides = array<i32>} : memref<400x128xf32, #tpu.memory_space<vmem>>, vector<1x16xf32>,
        %parallel_loop3A_1628 = vector.shape_cast %parallel_loop3A_1627 : vector<1x16xf32> to vector<16xf32>
        %parallel_loop3A_1629 = arith.addf %parallel_loop3A_1618, %parallel_loop3A_1628 : vector<16xf32>
        %parallel_loop3A_1630 = arith.constant 15 : i32
        %parallel_loop3A_1631 = arith.addi %parallel_loop3A_375, %parallel_loop3A_1630 : i32
        %parallel_loop3A_1632 = arith.constant 0 : i32
        %parallel_loop3A_1633 = arith.constant 0 : i32
        %parallel_loop3A_1634 = tpu.memref_slice %arg6[%rem3A_211, %parallel_loop3A_1632, %parallel_loop3A_1633] : memref<2x400x128xf32, #tpu.memory_space<vmem>> -> memref<1x400x128xf32, #tpu.memory_space<vmem>>
        %parallel_loop3A_1635 = tpu.memref_squeeze %parallel_loop3A_1634 : memref<1x400x128xf32, #tpu.memory_space<vmem>> -> memref<400x128xf32, #tpu.memory_space<vmem>>
        %parallel_loop3A_1636 = arith.index_cast %parallel_loop3A_1631 : i32 to index
        %parallel_loop3A_1637 = arith.constant 96 : index
        %parallel_loop3A_1638 = tpu.vector_load %parallel_loop3A_1635[%parallel_loop3A_1636, %parallel_loop3A_1637] {strides = array<i32>} : memref<400x128xf32, #tpu.memory_space<vmem>>, vector<1x16xf32>,
        %parallel_loop3A_1639 = vector.shape_cast %parallel_loop3A_1638 : vector<1x16xf32> to vector<16xf32>
        %parallel_loop3A_1640 = arith.addf %parallel_loop3A_1629, %parallel_loop3A_1639 : vector<16xf32>
        %parallel_loop3A_1641 = arith.constant 0 : i32
        %parallel_loop3A_1642 = arith.constant 0 : i32
        %parallel_loop3A_1643 = tpu.memref_slice %arg7[%rem3A_211, %parallel_loop3A_1641, %parallel_loop3A_1642] : memref<2x25x128xf32, #tpu.memory_space<vmem>> -> memref<1x25x128xf32, #tpu.memory_space<vmem>>
        %parallel_loop3A_1644 = tpu.memref_squeeze %parallel_loop3A_1643 : memref<1x25x128xf32, #tpu.memory_space<vmem>> -> memref<25x128xf32, #tpu.memory_space<vmem>>
        %parallel_loop3A_1645 = arith.index_cast %parallel_loop3A_373 : i32 to index
        %parallel_loop3A_1646 = arith.constant 96 : index
        %parallel_loop3A_1647 = tpu.vector_load %parallel_loop3A_1644[%parallel_loop3A_1645, %parallel_loop3A_1646] {strides = array<i32>} : memref<25x128xf32, #tpu.memory_space<vmem>>, vector<1x16xf32>,
        %parallel_loop3A_1648 = vector.shape_cast %parallel_loop3A_1647 : vector<1x16xf32> to vector<16xf32>
        %parallel_loop3A_1649 = vector.shape_cast %parallel_loop3A_1640 : vector<16xf32> to vector<1x16xf32>
        tpu.vector_store %parallel_loop3A_1644[%parallel_loop3A_1645, %parallel_loop3A_1646], %parallel_loop3A_1649 {strides = array<i32>} : memref<25x128xf32, #tpu.memory_space<vmem>>, vector<1x16xf32>,
        %parallel_loop3A_1650 = arith.constant 0 : i32
        %parallel_loop3A_1651 = arith.constant 0 : i32
        %parallel_loop3A_1652 = tpu.memref_slice %arg6[%rem3A_211, %parallel_loop3A_1650, %parallel_loop3A_1651] : memref<2x400x128xf32, #tpu.memory_space<vmem>> -> memref<1x400x128xf32, #tpu.memory_space<vmem>>
        %parallel_loop3A_1653 = tpu.memref_squeeze %parallel_loop3A_1652 : memref<1x400x128xf32, #tpu.memory_space<vmem>> -> memref<400x128xf32, #tpu.memory_space<vmem>>
        %parallel_loop3A_1654 = arith.index_cast %parallel_loop3A_375 : i32 to index
        %parallel_loop3A_1655 = arith.constant 112 : index
        %parallel_loop3A_1656 = tpu.vector_load %parallel_loop3A_1653[%parallel_loop3A_1654, %parallel_loop3A_1655] {strides = array<i32>} : memref<400x128xf32, #tpu.memory_space<vmem>>, vector<1x16xf32>,
        %parallel_loop3A_1657 = vector.shape_cast %parallel_loop3A_1656 : vector<1x16xf32> to vector<16xf32>
        %parallel_loop3A_1658 = arith.constant 1 : i32
        %parallel_loop3A_1659 = arith.addi %parallel_loop3A_375, %parallel_loop3A_1658 : i32
        %parallel_loop3A_1660 = arith.constant 0 : i32
        %parallel_loop3A_1661 = arith.constant 0 : i32
        %parallel_loop3A_1662 = tpu.memref_slice %arg6[%rem3A_211, %parallel_loop3A_1660, %parallel_loop3A_1661] : memref<2x400x128xf32, #tpu.memory_space<vmem>> -> memref<1x400x128xf32, #tpu.memory_space<vmem>>
        %parallel_loop3A_1663 = tpu.memref_squeeze %parallel_loop3A_1662 : memref<1x400x128xf32, #tpu.memory_space<vmem>> -> memref<400x128xf32, #tpu.memory_space<vmem>>
        %parallel_loop3A_1664 = arith.index_cast %parallel_loop3A_1659 : i32 to index
        %parallel_loop3A_1665 = arith.constant 112 : index
        %parallel_loop3A_1666 = tpu.vector_load %parallel_loop3A_1663[%parallel_loop3A_1664, %parallel_loop3A_1665] {strides = array<i32>} : memref<400x128xf32, #tpu.memory_space<vmem>>, vector<1x16xf32>,
        %parallel_loop3A_1667 = vector.shape_cast %parallel_loop3A_1666 : vector<1x16xf32> to vector<16xf32>
        %parallel_loop3A_1668 = arith.addf %parallel_loop3A_1657, %parallel_loop3A_1667 : vector<16xf32>
        %parallel_loop3A_1669 = arith.constant 2 : i32
        %parallel_loop3A_1670 = arith.addi %parallel_loop3A_375, %parallel_loop3A_1669 : i32
        %parallel_loop3A_1671 = arith.constant 0 : i32
        %parallel_loop3A_1672 = arith.constant 0 : i32
        %parallel_loop3A_1673 = tpu.memref_slice %arg6[%rem3A_211, %parallel_loop3A_1671, %parallel_loop3A_1672] : memref<2x400x128xf32, #tpu.memory_space<vmem>> -> memref<1x400x128xf32, #tpu.memory_space<vmem>>
        %parallel_loop3A_1674 = tpu.memref_squeeze %parallel_loop3A_1673 : memref<1x400x128xf32, #tpu.memory_space<vmem>> -> memref<400x128xf32, #tpu.memory_space<vmem>>
        %parallel_loop3A_1675 = arith.index_cast %parallel_loop3A_1670 : i32 to index
        %parallel_loop3A_1676 = arith.constant 112 : index
        %parallel_loop3A_1677 = tpu.vector_load %parallel_loop3A_1674[%parallel_loop3A_1675, %parallel_loop3A_1676] {strides = array<i32>} : memref<400x128xf32, #tpu.memory_space<vmem>>, vector<1x16xf32>,
        %parallel_loop3A_1678 = vector.shape_cast %parallel_loop3A_1677 : vector<1x16xf32> to vector<16xf32>
        %parallel_loop3A_1679 = arith.addf %parallel_loop3A_1668, %parallel_loop3A_1678 : vector<16xf32>
        %parallel_loop3A_1680 = arith.constant 3 : i32
        %parallel_loop3A_1681 = arith.addi %parallel_loop3A_375, %parallel_loop3A_1680 : i32
        %parallel_loop3A_1682 = arith.constant 0 : i32
        %parallel_loop3A_1683 = arith.constant 0 : i32
        %parallel_loop3A_1684 = tpu.memref_slice %arg6[%rem3A_211, %parallel_loop3A_1682, %parallel_loop3A_1683] : memref<2x400x128xf32, #tpu.memory_space<vmem>> -> memref<1x400x128xf32, #tpu.memory_space<vmem>>
        %parallel_loop3A_1685 = tpu.memref_squeeze %parallel_loop3A_1684 : memref<1x400x128xf32, #tpu.memory_space<vmem>> -> memref<400x128xf32, #tpu.memory_space<vmem>>
        %parallel_loop3A_1686 = arith.index_cast %parallel_loop3A_1681 : i32 to index
        %parallel_loop3A_1687 = arith.constant 112 : index
        %parallel_loop3A_1688 = tpu.vector_load %parallel_loop3A_1685[%parallel_loop3A_1686, %parallel_loop3A_1687] {strides = array<i32>} : memref<400x128xf32, #tpu.memory_space<vmem>>, vector<1x16xf32>,
        %parallel_loop3A_1689 = vector.shape_cast %parallel_loop3A_1688 : vector<1x16xf32> to vector<16xf32>
        %parallel_loop3A_1690 = arith.addf %parallel_loop3A_1679, %parallel_loop3A_1689 : vector<16xf32>
        %parallel_loop3A_1691 = arith.constant 4 : i32
        %parallel_loop3A_1692 = arith.addi %parallel_loop3A_375, %parallel_loop3A_1691 : i32
        %parallel_loop3A_1693 = arith.constant 0 : i32
        %parallel_loop3A_1694 = arith.constant 0 : i32
        %parallel_loop3A_1695 = tpu.memref_slice %arg6[%rem3A_211, %parallel_loop3A_1693, %parallel_loop3A_1694] : memref<2x400x128xf32, #tpu.memory_space<vmem>> -> memref<1x400x128xf32, #tpu.memory_space<vmem>>
        %parallel_loop3A_1696 = tpu.memref_squeeze %parallel_loop3A_1695 : memref<1x400x128xf32, #tpu.memory_space<vmem>> -> memref<400x128xf32, #tpu.memory_space<vmem>>
        %parallel_loop3A_1697 = arith.index_cast %parallel_loop3A_1692 : i32 to index
        %parallel_loop3A_1698 = arith.constant 112 : index
        %parallel_loop3A_1699 = tpu.vector_load %parallel_loop3A_1696[%parallel_loop3A_1697, %parallel_loop3A_1698] {strides = array<i32>} : memref<400x128xf32, #tpu.memory_space<vmem>>, vector<1x16xf32>,
        %parallel_loop3A_1700 = vector.shape_cast %parallel_loop3A_1699 : vector<1x16xf32> to vector<16xf32>
        %parallel_loop3A_1701 = arith.addf %parallel_loop3A_1690, %parallel_loop3A_1700 : vector<16xf32>
        %parallel_loop3A_1702 = arith.constant 5 : i32
        %parallel_loop3A_1703 = arith.addi %parallel_loop3A_375, %parallel_loop3A_1702 : i32
        %parallel_loop3A_1704 = arith.constant 0 : i32
        %parallel_loop3A_1705 = arith.constant 0 : i32
        %parallel_loop3A_1706 = tpu.memref_slice %arg6[%rem3A_211, %parallel_loop3A_1704, %parallel_loop3A_1705] : memref<2x400x128xf32, #tpu.memory_space<vmem>> -> memref<1x400x128xf32, #tpu.memory_space<vmem>>
        %parallel_loop3A_1707 = tpu.memref_squeeze %parallel_loop3A_1706 : memref<1x400x128xf32, #tpu.memory_space<vmem>> -> memref<400x128xf32, #tpu.memory_space<vmem>>
        %parallel_loop3A_1708 = arith.index_cast %parallel_loop3A_1703 : i32 to index
        %parallel_loop3A_1709 = arith.constant 112 : index
        %parallel_loop3A_1710 = tpu.vector_load %parallel_loop3A_1707[%parallel_loop3A_1708, %parallel_loop3A_1709] {strides = array<i32>} : memref<400x128xf32, #tpu.memory_space<vmem>>, vector<1x16xf32>,
        %parallel_loop3A_1711 = vector.shape_cast %parallel_loop3A_1710 : vector<1x16xf32> to vector<16xf32>
        %parallel_loop3A_1712 = arith.addf %parallel_loop3A_1701, %parallel_loop3A_1711 : vector<16xf32>
        %parallel_loop3A_1713 = arith.constant 6 : i32
        %parallel_loop3A_1714 = arith.addi %parallel_loop3A_375, %parallel_loop3A_1713 : i32
        %parallel_loop3A_1715 = arith.constant 0 : i32
        %parallel_loop3A_1716 = arith.constant 0 : i32
        %parallel_loop3A_1717 = tpu.memref_slice %arg6[%rem3A_211, %parallel_loop3A_1715, %parallel_loop3A_1716] : memref<2x400x128xf32, #tpu.memory_space<vmem>> -> memref<1x400x128xf32, #tpu.memory_space<vmem>>
        %parallel_loop3A_1718 = tpu.memref_squeeze %parallel_loop3A_1717 : memref<1x400x128xf32, #tpu.memory_space<vmem>> -> memref<400x128xf32, #tpu.memory_space<vmem>>
        %parallel_loop3A_1719 = arith.index_cast %parallel_loop3A_1714 : i32 to index
        %parallel_loop3A_1720 = arith.constant 112 : index
        %parallel_loop3A_1721 = tpu.vector_load %parallel_loop3A_1718[%parallel_loop3A_1719, %parallel_loop3A_1720] {strides = array<i32>} : memref<400x128xf32, #tpu.memory_space<vmem>>, vector<1x16xf32>,
        %parallel_loop3A_1722 = vector.shape_cast %parallel_loop3A_1721 : vector<1x16xf32> to vector<16xf32>
        %parallel_loop3A_1723 = arith.addf %parallel_loop3A_1712, %parallel_loop3A_1722 : vector<16xf32>
        %parallel_loop3A_1724 = arith.constant 7 : i32
        %parallel_loop3A_1725 = arith.addi %parallel_loop3A_375, %parallel_loop3A_1724 : i32
        %parallel_loop3A_1726 = arith.constant 0 : i32
        %parallel_loop3A_1727 = arith.constant 0 : i32
        %parallel_loop3A_1728 = tpu.memref_slice %arg6[%rem3A_211, %parallel_loop3A_1726, %parallel_loop3A_1727] : memref<2x400x128xf32, #tpu.memory_space<vmem>> -> memref<1x400x128xf32, #tpu.memory_space<vmem>>
        %parallel_loop3A_1729 = tpu.memref_squeeze %parallel_loop3A_1728 : memref<1x400x128xf32, #tpu.memory_space<vmem>> -> memref<400x128xf32, #tpu.memory_space<vmem>>
        %parallel_loop3A_1730 = arith.index_cast %parallel_loop3A_1725 : i32 to index
        %parallel_loop3A_1731 = arith.constant 112 : index
        %parallel_loop3A_1732 = tpu.vector_load %parallel_loop3A_1729[%parallel_loop3A_1730, %parallel_loop3A_1731] {strides = array<i32>} : memref<400x128xf32, #tpu.memory_space<vmem>>, vector<1x16xf32>,
        %parallel_loop3A_1733 = vector.shape_cast %parallel_loop3A_1732 : vector<1x16xf32> to vector<16xf32>
        %parallel_loop3A_1734 = arith.addf %parallel_loop3A_1723, %parallel_loop3A_1733 : vector<16xf32>
        %parallel_loop3A_1735 = arith.constant 8 : i32
        %parallel_loop3A_1736 = arith.addi %parallel_loop3A_375, %parallel_loop3A_1735 : i32
        %parallel_loop3A_1737 = arith.constant 0 : i32
        %parallel_loop3A_1738 = arith.constant 0 : i32
        %parallel_loop3A_1739 = tpu.memref_slice %arg6[%rem3A_211, %parallel_loop3A_1737, %parallel_loop3A_1738] : memref<2x400x128xf32, #tpu.memory_space<vmem>> -> memref<1x400x128xf32, #tpu.memory_space<vmem>>
        %parallel_loop3A_1740 = tpu.memref_squeeze %parallel_loop3A_1739 : memref<1x400x128xf32, #tpu.memory_space<vmem>> -> memref<400x128xf32, #tpu.memory_space<vmem>>
        %parallel_loop3A_1741 = arith.index_cast %parallel_loop3A_1736 : i32 to index
        %parallel_loop3A_1742 = arith.constant 112 : index
        %parallel_loop3A_1743 = tpu.vector_load %parallel_loop3A_1740[%parallel_loop3A_1741, %parallel_loop3A_1742] {strides = array<i32>} : memref<400x128xf32, #tpu.memory_space<vmem>>, vector<1x16xf32>,
        %parallel_loop3A_1744 = vector.shape_cast %parallel_loop3A_1743 : vector<1x16xf32> to vector<16xf32>
        %parallel_loop3A_1745 = arith.addf %parallel_loop3A_1734, %parallel_loop3A_1744 : vector<16xf32>
        %parallel_loop3A_1746 = arith.constant 9 : i32
        %parallel_loop3A_1747 = arith.addi %parallel_loop3A_375, %parallel_loop3A_1746 : i32
        %parallel_loop3A_1748 = arith.constant 0 : i32
        %parallel_loop3A_1749 = arith.constant 0 : i32
        %parallel_loop3A_1750 = tpu.memref_slice %arg6[%rem3A_211, %parallel_loop3A_1748, %parallel_loop3A_1749] : memref<2x400x128xf32, #tpu.memory_space<vmem>> -> memref<1x400x128xf32, #tpu.memory_space<vmem>>
        %parallel_loop3A_1751 = tpu.memref_squeeze %parallel_loop3A_1750 : memref<1x400x128xf32, #tpu.memory_space<vmem>> -> memref<400x128xf32, #tpu.memory_space<vmem>>
        %parallel_loop3A_1752 = arith.index_cast %parallel_loop3A_1747 : i32 to index
        %parallel_loop3A_1753 = arith.constant 112 : index
        %parallel_loop3A_1754 = tpu.vector_load %parallel_loop3A_1751[%parallel_loop3A_1752, %parallel_loop3A_1753] {strides = array<i32>} : memref<400x128xf32, #tpu.memory_space<vmem>>, vector<1x16xf32>,
        %parallel_loop3A_1755 = vector.shape_cast %parallel_loop3A_1754 : vector<1x16xf32> to vector<16xf32>
        %parallel_loop3A_1756 = arith.addf %parallel_loop3A_1745, %parallel_loop3A_1755 : vector<16xf32>
        %parallel_loop3A_1757 = arith.constant 10 : i32
        %parallel_loop3A_1758 = arith.addi %parallel_loop3A_375, %parallel_loop3A_1757 : i32
        %parallel_loop3A_1759 = arith.constant 0 : i32
        %parallel_loop3A_1760 = arith.constant 0 : i32
        %parallel_loop3A_1761 = tpu.memref_slice %arg6[%rem3A_211, %parallel_loop3A_1759, %parallel_loop3A_1760] : memref<2x400x128xf32, #tpu.memory_space<vmem>> -> memref<1x400x128xf32, #tpu.memory_space<vmem>>
        %parallel_loop3A_1762 = tpu.memref_squeeze %parallel_loop3A_1761 : memref<1x400x128xf32, #tpu.memory_space<vmem>> -> memref<400x128xf32, #tpu.memory_space<vmem>>
        %parallel_loop3A_1763 = arith.index_cast %parallel_loop3A_1758 : i32 to index
        %parallel_loop3A_1764 = arith.constant 112 : index
        %parallel_loop3A_1765 = tpu.vector_load %parallel_loop3A_1762[%parallel_loop3A_1763, %parallel_loop3A_1764] {strides = array<i32>} : memref<400x128xf32, #tpu.memory_space<vmem>>, vector<1x16xf32>,
        %parallel_loop3A_1766 = vector.shape_cast %parallel_loop3A_1765 : vector<1x16xf32> to vector<16xf32>
        %parallel_loop3A_1767 = arith.addf %parallel_loop3A_1756, %parallel_loop3A_1766 : vector<16xf32>
        %parallel_loop3A_1768 = arith.constant 11 : i32
        %parallel_loop3A_1769 = arith.addi %parallel_loop3A_375, %parallel_loop3A_1768 : i32
        %parallel_loop3A_1770 = arith.constant 0 : i32
        %parallel_loop3A_1771 = arith.constant 0 : i32
        %parallel_loop3A_1772 = tpu.memref_slice %arg6[%rem3A_211, %parallel_loop3A_1770, %parallel_loop3A_1771] : memref<2x400x128xf32, #tpu.memory_space<vmem>> -> memref<1x400x128xf32, #tpu.memory_space<vmem>>
        %parallel_loop3A_1773 = tpu.memref_squeeze %parallel_loop3A_1772 : memref<1x400x128xf32, #tpu.memory_space<vmem>> -> memref<400x128xf32, #tpu.memory_space<vmem>>
        %parallel_loop3A_1774 = arith.index_cast %parallel_loop3A_1769 : i32 to index
        %parallel_loop3A_1775 = arith.constant 112 : index
        %parallel_loop3A_1776 = tpu.vector_load %parallel_loop3A_1773[%parallel_loop3A_1774, %parallel_loop3A_1775] {strides = array<i32>} : memref<400x128xf32, #tpu.memory_space<vmem>>, vector<1x16xf32>,
        %parallel_loop3A_1777 = vector.shape_cast %parallel_loop3A_1776 : vector<1x16xf32> to vector<16xf32>
        %parallel_loop3A_1778 = arith.addf %parallel_loop3A_1767, %parallel_loop3A_1777 : vector<16xf32>
        %parallel_loop3A_1779 = arith.constant 12 : i32
        %parallel_loop3A_1780 = arith.addi %parallel_loop3A_375, %parallel_loop3A_1779 : i32
        %parallel_loop3A_1781 = arith.constant 0 : i32
        %parallel_loop3A_1782 = arith.constant 0 : i32
        %parallel_loop3A_1783 = tpu.memref_slice %arg6[%rem3A_211, %parallel_loop3A_1781, %parallel_loop3A_1782] : memref<2x400x128xf32, #tpu.memory_space<vmem>> -> memref<1x400x128xf32, #tpu.memory_space<vmem>>
        %parallel_loop3A_1784 = tpu.memref_squeeze %parallel_loop3A_1783 : memref<1x400x128xf32, #tpu.memory_space<vmem>> -> memref<400x128xf32, #tpu.memory_space<vmem>>
        %parallel_loop3A_1785 = arith.index_cast %parallel_loop3A_1780 : i32 to index
        %parallel_loop3A_1786 = arith.constant 112 : index
        %parallel_loop3A_1787 = tpu.vector_load %parallel_loop3A_1784[%parallel_loop3A_1785, %parallel_loop3A_1786] {strides = array<i32>} : memref<400x128xf32, #tpu.memory_space<vmem>>, vector<1x16xf32>,
        %parallel_loop3A_1788 = vector.shape_cast %parallel_loop3A_1787 : vector<1x16xf32> to vector<16xf32>
        %parallel_loop3A_1789 = arith.addf %parallel_loop3A_1778, %parallel_loop3A_1788 : vector<16xf32>
        %parallel_loop3A_1790 = arith.constant 13 : i32
        %parallel_loop3A_1791 = arith.addi %parallel_loop3A_375, %parallel_loop3A_1790 : i32
        %parallel_loop3A_1792 = arith.constant 0 : i32
        %parallel_loop3A_1793 = arith.constant 0 : i32
        %parallel_loop3A_1794 = tpu.memref_slice %arg6[%rem3A_211, %parallel_loop3A_1792, %parallel_loop3A_1793] : memref<2x400x128xf32, #tpu.memory_space<vmem>> -> memref<1x400x128xf32, #tpu.memory_space<vmem>>
        %parallel_loop3A_1795 = tpu.memref_squeeze %parallel_loop3A_1794 : memref<1x400x128xf32, #tpu.memory_space<vmem>> -> memref<400x128xf32, #tpu.memory_space<vmem>>
        %parallel_loop3A_1796 = arith.index_cast %parallel_loop3A_1791 : i32 to index
        %parallel_loop3A_1797 = arith.constant 112 : index
        %parallel_loop3A_1798 = tpu.vector_load %parallel_loop3A_1795[%parallel_loop3A_1796, %parallel_loop3A_1797] {strides = array<i32>} : memref<400x128xf32, #tpu.memory_space<vmem>>, vector<1x16xf32>,
        %parallel_loop3A_1799 = vector.shape_cast %parallel_loop3A_1798 : vector<1x16xf32> to vector<16xf32>
        %parallel_loop3A_1800 = arith.addf %parallel_loop3A_1789, %parallel_loop3A_1799 : vector<16xf32>
        %parallel_loop3A_1801 = arith.constant 14 : i32
        %parallel_loop3A_1802 = arith.addi %parallel_loop3A_375, %parallel_loop3A_1801 : i32
        %parallel_loop3A_1803 = arith.constant 0 : i32
        %parallel_loop3A_1804 = arith.constant 0 : i32
        %parallel_loop3A_1805 = tpu.memref_slice %arg6[%rem3A_211, %parallel_loop3A_1803, %parallel_loop3A_1804] : memref<2x400x128xf32, #tpu.memory_space<vmem>> -> memref<1x400x128xf32, #tpu.memory_space<vmem>>
        %parallel_loop3A_1806 = tpu.memref_squeeze %parallel_loop3A_1805 : memref<1x400x128xf32, #tpu.memory_space<vmem>> -> memref<400x128xf32, #tpu.memory_space<vmem>>
        %parallel_loop3A_1807 = arith.index_cast %parallel_loop3A_1802 : i32 to index
        %parallel_loop3A_1808 = arith.constant 112 : index
        %parallel_loop3A_1809 = tpu.vector_load %parallel_loop3A_1806[%parallel_loop3A_1807, %parallel_loop3A_1808] {strides = array<i32>} : memref<400x128xf32, #tpu.memory_space<vmem>>, vector<1x16xf32>,
        %parallel_loop3A_1810 = vector.shape_cast %parallel_loop3A_1809 : vector<1x16xf32> to vector<16xf32>
        %parallel_loop3A_1811 = arith.addf %parallel_loop3A_1800, %parallel_loop3A_1810 : vector<16xf32>
        %parallel_loop3A_1812 = arith.constant 15 : i32
        %parallel_loop3A_1813 = arith.addi %parallel_loop3A_375, %parallel_loop3A_1812 : i32
        %parallel_loop3A_1814 = arith.constant 0 : i32
        %parallel_loop3A_1815 = arith.constant 0 : i32
        %parallel_loop3A_1816 = tpu.memref_slice %arg6[%rem3A_211, %parallel_loop3A_1814, %parallel_loop3A_1815] : memref<2x400x128xf32, #tpu.memory_space<vmem>> -> memref<1x400x128xf32, #tpu.memory_space<vmem>>
        %parallel_loop3A_1817 = tpu.memref_squeeze %parallel_loop3A_1816 : memref<1x400x128xf32, #tpu.memory_space<vmem>> -> memref<400x128xf32, #tpu.memory_space<vmem>>
        %parallel_loop3A_1818 = arith.index_cast %parallel_loop3A_1813 : i32 to index
        %parallel_loop3A_1819 = arith.constant 112 : index
        %parallel_loop3A_1820 = tpu.vector_load %parallel_loop3A_1817[%parallel_loop3A_1818, %parallel_loop3A_1819] {strides = array<i32>} : memref<400x128xf32, #tpu.memory_space<vmem>>, vector<1x16xf32>,
        %parallel_loop3A_1821 = vector.shape_cast %parallel_loop3A_1820 : vector<1x16xf32> to vector<16xf32>
        %parallel_loop3A_1822 = arith.addf %parallel_loop3A_1811, %parallel_loop3A_1821 : vector<16xf32>
        %parallel_loop3A_1823 = arith.constant 0 : i32
        %parallel_loop3A_1824 = arith.constant 0 : i32
        %parallel_loop3A_1825 = tpu.memref_slice %arg7[%rem3A_211, %parallel_loop3A_1823, %parallel_loop3A_1824] : memref<2x25x128xf32, #tpu.memory_space<vmem>> -> memref<1x25x128xf32, #tpu.memory_space<vmem>>
        %parallel_loop3A_1826 = tpu.memref_squeeze %parallel_loop3A_1825 : memref<1x25x128xf32, #tpu.memory_space<vmem>> -> memref<25x128xf32, #tpu.memory_space<vmem>>
        %parallel_loop3A_1827 = arith.index_cast %parallel_loop3A_373 : i32 to index
        %parallel_loop3A_1828 = arith.constant 112 : index
        %parallel_loop3A_1829 = tpu.vector_load %parallel_loop3A_1826[%parallel_loop3A_1827, %parallel_loop3A_1828] {strides = array<i32>} : memref<25x128xf32, #tpu.memory_space<vmem>>, vector<1x16xf32>,
        %parallel_loop3A_1830 = vector.shape_cast %parallel_loop3A_1829 : vector<1x16xf32> to vector<16xf32>
        %parallel_loop3A_1831 = vector.shape_cast %parallel_loop3A_1822 : vector<16xf32> to vector<1x16xf32>
        tpu.vector_store %parallel_loop3A_1826[%parallel_loop3A_1827, %parallel_loop3A_1828], %parallel_loop3A_1831 {strides = array<i32>} : memref<25x128xf32, #tpu.memory_space<vmem>>, vector<1x16xf32>,
      } {sc.loop_unroll_factor = 4 : i64, sc.parallel_access}
      %mul3A_354 = arith.constant 625 : i32
      %mul3A_355 = arith.muli %add3A, %mul3A_354 : i32
      %mul3A_356 = arith.constant 25 : i32
      %mul3A_357 = arith.muli %scan3A_210, %mul3A_356 : i32
      %add3A_358 = arith.addi %mul3A_355, %mul3A_357 : i32
      %dma_start3A_359 = arith.constant 0 : i32
      %dma_start3A_360 = arith.constant 0 : i32
      %dma_start3A_361 = tpu.memref_slice %arg7[%rem3A_211, %dma_start3A_359, %dma_start3A_360] : memref<2x25x128xf32, #tpu.memory_space<vmem>> -> memref<1x25x128xf32, #tpu.memory_space<vmem>>
      %dma_start3A_362 = tpu.memref_squeeze %dma_start3A_361 : memref<1x25x128xf32, #tpu.memory_space<vmem>> -> memref<25x128xf32, #tpu.memory_space<vmem>>
      %dma_start3A_363 = arith.constant 0 : i32
      %dma_start3A_364 = tpu.memref_slice %arg4[%add3A_358, %dma_start3A_363] : memref<20000x128xf32, #tpu.memory_space<hbm>> -> memref<25x128xf32, #tpu.memory_space<hbm>>
      %dma_start3A_365 = tpu.memref_slice %arg10[%rem3A_211] : memref<2x!tpu.dma_semaphore, #tpu.memory_space<semaphore_mem>> -> memref<1x!tpu.dma_semaphore, #tpu.memory_space<semaphore_mem>>
      %dma_start3A_366 = tpu.memref_squeeze %dma_start3A_365 : memref<1x!tpu.dma_semaphore, #tpu.memory_space<semaphore_mem>> -> memref<!tpu.dma_semaphore, #tpu.memory_space<semaphore_mem>>
      %dma_start3A_367 = arith.constant 0 : i32
      %dma_start3A_368 = tpu.memref_slice %arg4[%add3A_358, %dma_start3A_367] : memref<20000x128xf32, #tpu.memory_space<hbm>> -> memref<25x128xf32, #tpu.memory_space<hbm>>
      %dma_start3A_369 = arith.constant 0 : i32
      %dma_start3A_370 = arith.constant 0 : i32
      %dma_start3A_371 = tpu.memref_slice %arg7[%rem3A_211, %dma_start3A_369, %dma_start3A_370] : memref<2x25x128xf32, #tpu.memory_space<vmem>> -> memref<1x25x128xf32, #tpu.memory_space<vmem>>
      %dma_start3A_372 = tpu.memref_squeeze %dma_start3A_371 : memref<1x25x128xf32, #tpu.memory_space<vmem>> -> memref<25x128xf32, #tpu.memory_space<vmem>>
      tpu.enqueue_dma source(%dma_start3A_372 : memref<25x128xf32, #tpu.memory_space<vmem>>) target(%dma_start3A_368 : memref<25x128xf32, #tpu.memory_space<hbm>>) target_semaphore(%dma_start3A_366 : memref<!tpu.dma_semaphore, #tpu.memory_space<semaphore_mem>>)
    }
    %scan3A_173 = arith.constant 25 : i32
    %dma_wait3A_174 = arith.constant 0 : i32
    %dma_wait3A_175 = arith.constant 0 : i32
    %dma_wait3A_176 = arith.constant 0 : i32
    %dma_wait3A_177 = arith.constant 0 : i32
    %dma_wait3A_178 = tpu.memref_slice %arg7[%dma_wait3A_174, %dma_wait3A_176, %dma_wait3A_177] : memref<2x25x128xf32, #tpu.memory_space<vmem>> -> memref<1x25x128xf32, #tpu.memory_space<vmem>>
    %dma_wait3A_179 = tpu.memref_squeeze %dma_wait3A_178 : memref<1x25x128xf32, #tpu.memory_space<vmem>> -> memref<25x128xf32, #tpu.memory_space<vmem>>
    %dma_wait3A_180 = arith.constant 0 : i32
    %dma_wait3A_181 = arith.constant 0 : i32
    %dma_wait3A_182 = tpu.memref_slice %arg4[%dma_wait3A_180, %dma_wait3A_181] : memref<20000x128xf32, #tpu.memory_space<hbm>> -> memref<25x128xf32, #tpu.memory_space<hbm>>
    %dma_wait3A_183 = tpu.memref_slice %arg10[%dma_wait3A_175] : memref<2x!tpu.dma_semaphore, #tpu.memory_space<semaphore_mem>> -> memref<1x!tpu.dma_semaphore, #tpu.memory_space<semaphore_mem>>
    %dma_wait3A_184 = tpu.memref_squeeze %dma_wait3A_183 : memref<1x!tpu.dma_semaphore, #tpu.memory_space<semaphore_mem>> -> memref<!tpu.dma_semaphore, #tpu.memory_space<semaphore_mem>>
    %dma_wait3A_185 = arith.constant 0 : i32
    %dma_wait3A_186 = arith.constant 0 : i32
    %dma_wait3A_187 = tpu.memref_slice %arg4[%dma_wait3A_185, %dma_wait3A_186] : memref<20000x128xf32, #tpu.memory_space<hbm>> -> memref<25x128xf32, #tpu.memory_space<hbm>>
    %dma_wait3A_188 = arith.constant 0 : i32
    %dma_wait3A_189 = arith.constant 0 : i32
    %dma_wait3A_190 = tpu.memref_slice %arg7[%dma_wait3A_174, %dma_wait3A_188, %dma_wait3A_189] : memref<2x25x128xf32, #tpu.memory_space<vmem>> -> memref<1x25x128xf32, #tpu.memory_space<vmem>>
    %dma_wait3A_191 = tpu.memref_squeeze %dma_wait3A_190 : memref<1x25x128xf32, #tpu.memory_space<vmem>> -> memref<25x128xf32, #tpu.memory_space<vmem>>
    tpu.wait_dma2 semaphore(%dma_wait3A_184 : memref<!tpu.dma_semaphore, #tpu.memory_space<semaphore_mem>>) src(%dma_wait3A_191 : memref<25x128xf32, #tpu.memory_space<vmem>>) dst(%dma_wait3A_187 : memref<25x128xf32, #tpu.memory_space<hbm>>)
    %dma_wait3A_192 = arith.constant 1 : i32
    %dma_wait3A_193 = arith.constant 1 : i32
    %dma_wait3A_194 = arith.constant 0 : i32
    %dma_wait3A_195 = arith.constant 0 : i32
    %dma_wait3A_196 = tpu.memref_slice %arg7[%dma_wait3A_192, %dma_wait3A_194, %dma_wait3A_195] : memref<2x25x128xf32, #tpu.memory_space<vmem>> -> memref<1x25x128xf32, #tpu.memory_space<vmem>>
    %dma_wait3A_197 = tpu.memref_squeeze %dma_wait3A_196 : memref<1x25x128xf32, #tpu.memory_space<vmem>> -> memref<25x128xf32, #tpu.memory_space<vmem>>
    %dma_wait3A_198 = arith.constant 0 : i32
    %dma_wait3A_199 = arith.constant 0 : i32
    %dma_wait3A_200 = tpu.memref_slice %arg4[%dma_wait3A_198, %dma_wait3A_199] : memref<20000x128xf32, #tpu.memory_space<hbm>> -> memref<25x128xf32, #tpu.memory_space<hbm>>
    %dma_wait3A_201 = tpu.memref_slice %arg10[%dma_wait3A_193] : memref<2x!tpu.dma_semaphore, #tpu.memory_space<semaphore_mem>> -> memref<1x!tpu.dma_semaphore, #tpu.memory_space<semaphore_mem>>
    %dma_wait3A_202 = tpu.memref_squeeze %dma_wait3A_201 : memref<1x!tpu.dma_semaphore, #tpu.memory_space<semaphore_mem>> -> memref<!tpu.dma_semaphore, #tpu.memory_space<semaphore_mem>>
    %dma_wait3A_203 = arith.constant 0 : i32
    %dma_wait3A_204 = arith.constant 0 : i32
    %dma_wait3A_205 = tpu.memref_slice %arg4[%dma_wait3A_203, %dma_wait3A_204] : memref<20000x128xf32, #tpu.memory_space<hbm>> -> memref<25x128xf32, #tpu.memory_space<hbm>>
    %dma_wait3A_206 = arith.constant 0 : i32
    %dma_wait3A_207 = arith.constant 0 : i32
    %dma_wait3A_208 = tpu.memref_slice %arg7[%dma_wait3A_192, %dma_wait3A_206, %dma_wait3A_207] : memref<2x25x128xf32, #tpu.memory_space<vmem>> -> memref<1x25x128xf32, #tpu.memory_space<vmem>>
    %dma_wait3A_209 = tpu.memref_squeeze %dma_wait3A_208 : memref<1x25x128xf32, #tpu.memory_space<vmem>> -> memref<25x128xf32, #tpu.memory_space<vmem>>
    tpu.wait_dma2 semaphore(%dma_wait3A_202 : memref<!tpu.dma_semaphore, #tpu.memory_space<semaphore_mem>>) src(%dma_wait3A_209 : memref<25x128xf32, #tpu.memory_space<vmem>>) dst(%dma_wait3A_205 : memref<25x128xf32, #tpu.memory_space<hbm>>)
    return
  }
}

module attributes {stable_mosaic.version = 14 : i64} {
  func.func @body(%arg0: i32, %arg1: i32, %arg2: memref<10000x128xf32, #tpu.memory_space<vmem>>, %arg3: memref<128x128xf32, #tpu.memory_space<vmem>>, %arg4: memref<128x1xf32, #tpu.memory_space<vmem>>, %arg5: memref<128x1xf32, #tpu.memory_space<vmem>>, %arg6: memref<128x1xf32, #tpu.memory_space<vmem>>, %arg7: memref<1x128x10000xf32, #tpu.memory_space<vmem>>, %arg8: memref<1x128xf32, #tpu.memory_space<vmem>>, %arg9: memref<128x128xf32, #tpu.memory_space<vmem>>) attributes {dimension_semantics = [#tpu.dimension_semantics<arbitrary>, #tpu.dimension_semantics<arbitrary>], iteration_bounds = array<i64: 2, 2>, scalar_prefetch = 0 : i64, scratch_operands = 2 : i64, tpu.core_type = #tpu.core_type<tc>, window_params = [{transform_indices = @transform_0, window_bounds = array<i64: 10000, 128>}, {pipeline_mode = #tpu.pipeline_mode<synchronous>, transform_indices = @transform_1, window_bounds = array<i64: 128, 128>}, {pipeline_mode = #tpu.pipeline_mode<synchronous>, transform_indices = @transform_2, window_bounds = array<i64: 128, 1>}, {pipeline_mode = #tpu.pipeline_mode<synchronous>, transform_indices = @transform_3, window_bounds = array<i64: 128, 1>}, {pipeline_mode = #tpu.pipeline_mode<synchronous>, transform_indices = @transform_4, window_bounds = array<i64: 128, 1>}, {transform_indices = @transform_5, window_bounds = array<i64: 1, 128, 10000>}]} {
    %get3A = arith.constant 0 : index
    %get3A_0 = arith.constant 0 : index
    %get3A_1 = vector.load %arg2[%get3A, %get3A_0] : memref<10000x128xf32, #tpu.memory_space<vmem>>, vector<10000x128xf32>
    %eq3A = arith.constant 0 : i32
    %eq3A_2 = arith.cmpi eq, %arg0, %eq3A : i32
    %convert_element_type3A = arith.extui %eq3A_2 : i1 to i32
    %cond3A = arith.constant 0 : i32
    %cond3A_3 = arith.cmpi ne, %convert_element_type3A, %cond3A : i32
    scf.if %cond3A_3 {
      %reduce_sum3A = arith.constant dense<0.000000e+00> : vector<128xf32>
      %reduce_sum3A_9 = vector.multi_reduction <add>, %get3A_1, %reduce_sum3A [0] : vector<10000x128xf32> to vector<128xf32>
      %broadcast_in_dim3A = vector.shape_cast %reduce_sum3A_9 : vector<128xf32> to vector<1x128xf32>
      %dot_general3A = arith.constant dense<0.000000e+00> : vector<128x128xf32>
      %dot_general3A_10 = tpu.matmul %get3A_1, %get3A_1, %dot_general3A {dimension_numbers = #tpu.dot_dimension_numbers<[0], [0], [1], [1], [0, 1, 1, 1], [], []>, transpose_lhs_hint = false} : vector<10000x128xf32>, vector<10000x128xf32>, vector<128x128xf32> -> vector<128x128xf32>
      %eq3A_11 = arith.constant 0 : i32
      %eq3A_12 = arith.cmpi eq, %arg1, %eq3A_11 : i32
      %convert_element_type3A_13 = arith.extui %eq3A_12 : i1 to i32
      %cond3A_14 = arith.constant 0 : i32
      %cond3A_15 = arith.cmpi ne, %convert_element_type3A_13, %cond3A_14 : i32
      scf.if %cond3A_15 {
        %swap3A = arith.constant 0 : index
        %swap3A_20 = arith.constant 0 : index
        %swap3A_21 = vector.load %arg8[%swap3A, %swap3A_20] : memref<1x128xf32, #tpu.memory_space<vmem>>, vector<1x128xf32>
        tpu.vector_store %arg8[%swap3A, %swap3A_20], %broadcast_in_dim3A {strides = array<i32>} : memref<1x128xf32, #tpu.memory_space<vmem>>, vector<1x128xf32>,
        %swap3A_22 = arith.constant 0 : index
        %swap3A_23 = arith.constant 0 : index
        %swap3A_24 = vector.load %arg9[%swap3A_22, %swap3A_23] : memref<128x128xf32, #tpu.memory_space<vmem>>, vector<128x128xf32>
        tpu.vector_store %arg9[%swap3A_22, %swap3A_23], %dot_general3A_10 {strides = array<i32>} : memref<128x128xf32, #tpu.memory_space<vmem>>, vector<128x128xf32>,
      } else {
      }
      %ne3A = arith.constant 0 : i32
      %ne3A_16 = arith.cmpi ne, %arg1, %ne3A : i32
      %convert_element_type3A_17 = arith.extui %ne3A_16 : i1 to i32
      %cond3A_18 = arith.constant 0 : i32
      %cond3A_19 = arith.cmpi ne, %convert_element_type3A_17, %cond3A_18 : i32
      scf.if %cond3A_19 {
        %get3A_20 = arith.constant 0 : index
        %get3A_21 = arith.constant 0 : index
        %get3A_22 = vector.load %arg8[%get3A_20, %get3A_21] : memref<1x128xf32, #tpu.memory_space<vmem>>, vector<1x128xf32>
        %add3A = arith.addf %get3A_22, %broadcast_in_dim3A : vector<1x128xf32>
        %swap3A = arith.constant 0 : index
        %swap3A_23 = arith.constant 0 : index
        %swap3A_24 = vector.load %arg8[%swap3A, %swap3A_23] : memref<1x128xf32, #tpu.memory_space<vmem>>, vector<1x128xf32>
        tpu.vector_store %arg8[%swap3A, %swap3A_23], %add3A {strides = array<i32>} : memref<1x128xf32, #tpu.memory_space<vmem>>, vector<1x128xf32>,
        %get3A_25 = arith.constant 0 : index
        %get3A_26 = arith.constant 0 : index
        %get3A_27 = vector.load %arg9[%get3A_25, %get3A_26] : memref<128x128xf32, #tpu.memory_space<vmem>>, vector<128x128xf32>
        %add3A_28 = arith.addf %get3A_27, %dot_general3A_10 : vector<128x128xf32>
        %swap3A_29 = arith.constant 0 : index
        %swap3A_30 = arith.constant 0 : index
        %swap3A_31 = vector.load %arg9[%swap3A_29, %swap3A_30] : memref<128x128xf32, #tpu.memory_space<vmem>>, vector<128x128xf32>
        tpu.vector_store %arg9[%swap3A_29, %swap3A_30], %add3A_28 {strides = array<i32>} : memref<128x128xf32, #tpu.memory_space<vmem>>, vector<128x128xf32>,
      } else {
      }
    } else {
    }
    %eq3A_4 = arith.constant 1 : i32
    %eq3A_5 = arith.cmpi eq, %arg0, %eq3A_4 : i32
    %convert_element_type3A_6 = arith.extui %eq3A_5 : i1 to i32
    %cond3A_7 = arith.constant 0 : i32
    %cond3A_8 = arith.cmpi ne, %convert_element_type3A_6, %cond3A_7 : i32
    scf.if %cond3A_8 {
      %get3A_9 = arith.constant 0 : index
      %get3A_10 = arith.constant 0 : index
      %get3A_11 = vector.load %arg3[%get3A_9, %get3A_10] : memref<128x128xf32, #tpu.memory_space<vmem>>, vector<128x128xf32>
      %get3A_12 = arith.constant 0 : index
      %get3A_13 = arith.constant 0 : index
      %get3A_14 = vector.load %arg4[%get3A_12, %get3A_13] : memref<128x1xf32, #tpu.memory_space<vmem>>, vector<128x1xf32>
      %get3A_15 = arith.constant 0 : index
      %get3A_16 = arith.constant 0 : index
      %get3A_17 = vector.load %arg8[%get3A_15, %get3A_16] : memref<1x128xf32, #tpu.memory_space<vmem>>, vector<1x128xf32>
      %dot_general3A = arith.constant dense<0.000000e+00> : vector<128x1xf32>
      %dot_general3A_18 = tpu.matmul %get3A_11, %get3A_17, %dot_general3A {dimension_numbers = #tpu.dot_dimension_numbers<[1], [1], [0], [0], [0, 0, 1, 0], [], []>, transpose_lhs_hint = false} : vector<128x128xf32>, vector<1x128xf32>, vector<128x1xf32> -> vector<128x1xf32>
      %mul3A = arith.constant 5.000000e-05 : f32
      %mul3A_19 = vector.broadcast %mul3A : f32 to vector<128x1xf32>
      %mul3A_20 = arith.mulf %dot_general3A_18, %mul3A_19 : vector<128x1xf32>
      %add3A = arith.addf %mul3A_20, %get3A_14 : vector<128x1xf32>
      %get3A_21 = arith.constant 0 : index
      %get3A_22 = arith.constant 0 : index
      %get3A_23 = vector.load %arg9[%get3A_21, %get3A_22] : memref<128x128xf32, #tpu.memory_space<vmem>>, vector<128x128xf32>
      %dot_general3A_24 = arith.constant dense<0.000000e+00> : vector<128x128xf32>
      %dot_general3A_25 = tpu.matmul %get3A_11, %get3A_23, %dot_general3A_24 {dimension_numbers = #tpu.dot_dimension_numbers<[1], [0], [0], [1], [0, 0, 1, 1], [], []>, transpose_lhs_hint = false} : vector<128x128xf32>, vector<128x128xf32>, vector<128x128xf32> -> vector<128x128xf32>
      %mul3A_26 = arith.mulf %dot_general3A_25, %get3A_11 : vector<128x128xf32>
      %reduce_sum3A = arith.constant dense<0.000000e+00> : vector<128xf32>
      %reduce_sum3A_27 = vector.multi_reduction <add>, %mul3A_26, %reduce_sum3A [1] : vector<128x128xf32> to vector<128xf32>
      %broadcast_in_dim3A = vector.shape_cast %reduce_sum3A_27 : vector<128xf32> to vector<128x1xf32>
      %mul3A_28 = arith.constant 5.000000e-05 : f32
      %mul3A_29 = vector.broadcast %mul3A_28 : f32 to vector<128x1xf32>
      %mul3A_30 = arith.mulf %broadcast_in_dim3A, %mul3A_29 : vector<128x1xf32>
      %mul3A_31 = arith.constant 2.000000e+00 : f32
      %mul3A_32 = vector.broadcast %mul3A_31 : f32 to vector<128x1xf32>
      %mul3A_33 = arith.mulf %mul3A_32, %get3A_14 : vector<128x1xf32>
      %mul3A_34 = arith.mulf %mul3A_33, %dot_general3A_18 : vector<128x1xf32>
      %mul3A_35 = arith.constant 5.000000e-05 : f32
      %mul3A_36 = vector.broadcast %mul3A_35 : f32 to vector<128x1xf32>
      %mul3A_37 = arith.mulf %mul3A_34, %mul3A_36 : vector<128x1xf32>
      %add3A_38 = arith.addf %mul3A_30, %mul3A_37 : vector<128x1xf32>
      %mul3A_39 = arith.mulf %get3A_14, %get3A_14 : vector<128x1xf32>
      %add3A_40 = arith.addf %add3A_38, %mul3A_39 : vector<128x1xf32>
      %mul3A_41 = arith.mulf %add3A, %add3A : vector<128x1xf32>
      %sub3A = arith.subf %add3A_40, %mul3A_41 : vector<128x1xf32>
      %get3A_42 = arith.constant 0 : index
      %get3A_43 = arith.constant 0 : index
      %get3A_44 = vector.load %arg5[%get3A_42, %get3A_43] : memref<128x1xf32, #tpu.memory_space<vmem>>, vector<128x1xf32>
      %add3A_45 = arith.constant 9.99999974E-6 : f32
      %add3A_46 = vector.broadcast %add3A_45 : f32 to vector<128x1xf32>
      %add3A_47 = arith.addf %sub3A, %add3A_46 : vector<128x1xf32>
      %rsqrt3A = math.rsqrt %add3A_47 : vector<128x1xf32>
      %mul3A_48 = arith.mulf %get3A_44, %rsqrt3A : vector<128x1xf32>
      %mul3A_49 = vector.broadcast %mul3A_48 : vector<128x1xf32> to vector<128x128xf32>
      %mul3A_50 = arith.mulf %mul3A_49, %get3A_11 : vector<128x128xf32>
      %mul3A_51 = arith.mulf %mul3A_48, %get3A_14 : vector<128x1xf32>
      %get3A_52 = arith.constant 0 : index
      %get3A_53 = arith.constant 0 : index
      %get3A_54 = vector.load %arg6[%get3A_52, %get3A_53] : memref<128x1xf32, #tpu.memory_space<vmem>>, vector<128x1xf32>
      %add3A_55 = arith.addf %mul3A_51, %get3A_54 : vector<128x1xf32>
      %mul3A_56 = arith.mulf %mul3A_48, %add3A : vector<128x1xf32>
      %sub3A_57 = arith.subf %add3A_55, %mul3A_56 : vector<128x1xf32>
      %dot_general3A_58 = arith.constant dense<0.000000e+00> : vector<128x10000xf32>
      %dot_general3A_59 = tpu.matmul %mul3A_50, %get3A_1, %dot_general3A_58 {dimension_numbers = #tpu.dot_dimension_numbers<[1], [1], [0], [0], [0, 0, 1, 0], [], []>, transpose_lhs_hint = false} : vector<128x128xf32>, vector<10000x128xf32>, vector<128x10000xf32> -> vector<128x10000xf32>
      %add3A_60 = vector.broadcast %sub3A_57 : vector<128x1xf32> to vector<128x10000xf32>
      %add3A_61 = arith.addf %dot_general3A_59, %add3A_60 : vector<128x10000xf32>
      %max3A = arith.constant 0.000000e+00 : f32
      %max3A_62 = vector.broadcast %max3A : f32 to vector<128x10000xf32>
      %max3A_63 = arith.maximumf %add3A_61, %max3A_62 : vector<128x10000xf32>
      %broadcast_in_dim3A_64 = vector.shape_cast %max3A_63 : vector<128x10000xf32> to vector<1x128x10000xf32>
      %swap3A = arith.constant 0 : index
      %swap3A_65 = arith.constant 0 : index
      %swap3A_66 = arith.constant 0 : index
      %swap3A_67 = vector.load %arg7[%swap3A, %swap3A_65, %swap3A_66] : memref<1x128x10000xf32, #tpu.memory_space<vmem>>, vector<1x128x10000xf32>
      tpu.vector_store %arg7[%swap3A, %swap3A_65, %swap3A_66], %broadcast_in_dim3A_64 {strides = array<i32>} : memref<1x128x10000xf32, #tpu.memory_space<vmem>>, vector<1x128x10000xf32>,
    } else {
    }
    return
  }
  func.func @transform_0(%arg0: i32, %arg1: i32) -> (i32, i32) {
    %c0_i32 = arith.constant 0 : i32
    %c0_i32_0 = arith.constant 0 : i32
    return %arg1, %c0_i32 : i32, i32
  }
  func.func @transform_1(%arg0: i32, %arg1: i32) -> (i32, i32) {
    %c0_i32 = arith.constant 0 : i32
    %c0_i32_0 = arith.constant 0 : i32
    %c0_i32_1 = arith.constant 0 : i32
    return %c0_i32, %c0_i32_0 : i32, i32
  }
  func.func @transform_2(%arg0: i32, %arg1: i32) -> (i32, i32) {
    %c0_i32 = arith.constant 0 : i32
    %c0_i32_0 = arith.constant 0 : i32
    %c0_i32_1 = arith.constant 0 : i32
    return %c0_i32, %c0_i32_0 : i32, i32
  }
  func.func @transform_3(%arg0: i32, %arg1: i32) -> (i32, i32) {
    %c0_i32 = arith.constant 0 : i32
    %c0_i32_0 = arith.constant 0 : i32
    %c0_i32_1 = arith.constant 0 : i32
    return %c0_i32, %c0_i32_0 : i32, i32
  }
  func.func @transform_4(%arg0: i32, %arg1: i32) -> (i32, i32) {
    %c0_i32 = arith.constant 0 : i32
    %c0_i32_0 = arith.constant 0 : i32
    %c0_i32_1 = arith.constant 0 : i32
    return %c0_i32, %c0_i32_0 : i32, i32
  }
  func.func @transform_5(%arg0: i32, %arg1: i32) -> (i32, i32, i32) {
    %c0_i32 = arith.constant 0 : i32
    %c0_i32_0 = arith.constant 0 : i32
    %c0_i32_1 = arith.constant 0 : i32
    return %arg1, %c0_i32, %c0_i32_0 : i32, i32, i32
  }
}

</mosaic_0001>

<sc_bundles>
// kernel: kernel.4.cloned.1.call-start
scs
__scs_entry_jumppad:
0x0: {  	(pc) =	sbr.rel $0x88, $3  }
0x1: {  	(tag) =	ssettag $0x0;
	lr =	simm.s32 $0x1  }
0x2: {  	[smem:$0x3F9B] =	sst lr;
	_ =	strace $0xD0000000  }
0x3: {  	_ = 	snop  }
0x4: {  	_ = 	snop  }
0x5: {  	_ = 	snop  }
0x6: {  	_ = 	snop  }
0x7: {  	_ = 	snop  }
__scs_overlays_trampoline_lowered:
0x8: {  	[smem:$0x3FAA] =	sst s0  }
0x9: {  	[smem:$0x3FAB] =	sst s1  }
0xa: {  	[smem:$0x3FAC] =	sst s2  }
0xb: {  	[smem:$0x3FAD] =	sst s3  }
0xc: {  	[smem:$0x3FAE] =	sst s4  }
0xd: {  	[smem:$0x3FAF] =	sst s5  }
0xe: {  	[smem:$0x3FB0] =	sst s6  }
0xf: {  	[smem:$0x3FB1] =	sst s7  }
0x10: {  	[smem:$0x3FB2] =	sst s8  }
0x11: {  	[smem:$0x3FB3] =	sst s9;
	s0 =	simm.s32 @!p0 $0x0  }
0x12: {  	s1 =	sld [smem:$0x3F99];
	s0 =	simm.s32 @p0 $0x1  }
0x13: {  	[smem:$0x3FB4] =	sst s0;
	s0 =	simm.s32 @!p1 $0x0  }
0x14: {  	s2 =	sld [smem:$0x3F98];
	s0 =	simm.s32 @p1 $0x1  }
0x15: {  	[smem:$0x3FB5] =	sst s0;
	s0 =	simm.s32 @!p2 $0x0  }
0x16: {  	s3 =	sld [smem:$0x3FDB];
	s0 =	simm.s32 @p2 $0x1  }
0x17: {  	s4 =	simm.s32 $0x1BF5;
	[smem:$0x3FB7] =	sst s0  }
0x18: {  	s0 =	sld [smem:$0x3F9A];
	_ =	swait.ge [sflag:s4], $0x0  }
0x19: {  	s7 =	sld [smem:$0x3F9B]  }
0x1a: {  	s8 =	sadd.s32 $0xFFFFE003, lr  }
0x1b: {  	s9 =	sadd.s32 $0xFFFFFEF7, lr;
	s5 =	simm.s32 $0xFFFFFFFF;
	p2 =	slt.u32 s8, $0xFFFFF086  }
0x1c: {  	p1 =	slt.u32 s9, $0xF7A;
	s5 =	simm.s32 @!p2 $0x0  }
0x1d: {  	s5 =	simm.s32 @p1 $0x1;
	p0 =	seq.s32 s7, s2  }
0x1e: {  	s7 =	smul.u32 @!p0 $0xF7A, s2;
	p2 =	seq.s32 @!p0 s5, $0x0  }
0x1f: {  	s9 =	smul.u32 $0xF7A, s1;
	s8 =	simm.s32 @!p0 $0x1BF5;
	p2 =	por !p2, p0  }
0x20: {  	[sflag:s8] =	ssyncset.s32 @!p0 $0xFFFFF086;
	s6 =	sadd.s32 @!p0 s3, s7;
	s7 =	simm.s32 @!p0 $0x108  }
0x21: {  	s3 =	sadd.s32 s3, s9;
	s6 =	sadd.s32 @!p0 $0x88, s6;
	s7 =	simm.s32 @p2 $0x1082  }
0x22: {  	[simem:s7], [sflag:s8] =	dma.local @!p0 [hbm:s6], $0xF7A  }
0x23: {  	s9 =	sor.u32 $0xD0000000, s2;
	s6 =	simm.s32 $0x108;
	_ =	swait.ge @!p0 [sflag:s8], $0x0  }
0x24: {  	s3 =	sadd.s32 $0x88, s3;
	s6 =	simm.s32 @!p1 $0x1082;
	[sflag:s4] =	ssyncset.s32 $0xFFFFF086  }
0x25: {  	[simem:s6], [sflag:s4] =	dma.local [hbm:s3], $0xF7A  }
0x26: {  	[smem:$0x3F9B] =	sst s1;
	(tag) =	ssettag s2;
	_ =	strace s9  }
0x27: {  	s1 =	sld [smem:$0x3FAB]  }
0x28: {  	s2 =	sld [smem:$0x3FAC]  }
0x29: {  	s4 =	sld [smem:$0x3FAE]  }
0x2a: {  	p0 =	seq.s32 s5, $0x0;
	s5 =	sld [smem:$0x3FAF]  }
0x2b: {  	s6 =	sld [smem:$0x3FB0]  }
0x2c: {  	s7 =	sld [smem:$0x3FB1]  }
0x2d: {  	s3 =	simm.s32 $0x108;
	s8 =	sld [smem:$0x3FB2]  }
0x2e: {  	s3 =	simm.s32 @!p0 $0x1082;
	s9 =	sld [smem:$0x3FB3]  }
0x2f: {  	lr =	sadd.s32 s0, s3;
	s0 =	sld [smem:$0x3FAA]  }
0x30: {  	s3 =	sld [smem:$0x3FAD]  }
0x31: {  	[smem:$0x3FB6] =	sst s10  }
0x32: {  	s10 =	sld [smem:$0x3FB4];
	_ =	sdelay $0x3  }
0x33: {  	p0 =	seq.s32 s10, $0x1;
	s10 =	sld [smem:$0x3FB6];
	_ =	sdelay $0x3  }
0x34: {  	[smem:$0x3FB6] =	sst s10  }
0x35: {  	s10 =	sld [smem:$0x3FB5];
	_ =	sdelay $0x3  }
0x36: {  	p1 =	seq.s32 s10, $0x1;
	s10 =	sld [smem:$0x3FB6];
	_ =	sdelay $0x3  }
0x37: {  	[smem:$0x3FB6] =	sst s10  }
0x38: {  	s10 =	sld [smem:$0x3FB7]  }
0x39: {  	_ = 	snop;
	(pc) =	sbr.ind lr, $3  }
0x3a: {  	_ = 	snop  }
0x3b: {  	_ = 	snop  }
0x3c: {  	p2 =	seq.s32 s10, $0x1;
	s10 =	sld [smem:$0x3FB6]  }
0x3d: {  	_ =	shalt  }
0x3e: {  	_ =	shalt  }
0x3f: {  	_ =	shalt  }
0x40: {  	_ =	shalt  }
0x41: {  	_ =	shalt  }
0x42: {  	_ =	shalt  }
0x43: {  	_ =	shalt  }
0x44: {  	_ =	shalt  }
0x45: {  	_ =	shalt  }
0x46: {  	_ =	shalt  }
0x47: {  	_ =	shalt  }
0x48: {  	_ =	shalt  }
0x49: {  	_ =	shalt  }
0x4a: {  	_ =	shalt  }
0x4b: {  	_ =	shalt  }
0x4c: {  	_ =	shalt  }
0x4d: {  	_ =	shalt  }
0x4e: {  	_ =	shalt  }
0x4f: {  	_ =	shalt  }
0x50: {  	_ =	shalt  }
0x51: {  	_ =	shalt  }
0x52: {  	_ =	shalt  }
0x53: {  	_ =	shalt  }
0x54: {  	_ =	shalt  }
0x55: {  	_ =	shalt  }
0x56: {  	_ =	shalt  }
0x57: {  	_ =	shalt  }
0x58: {  	_ =	shalt  }
0x59: {  	_ =	shalt  }
0x5a: {  	_ =	shalt  }
0x5b: {  	_ =	shalt  }
0x5c: {  	_ =	shalt  }
0x5d: {  	_ =	shalt  }
0x5e: {  	_ =	shalt  }
0x5f: {  	_ =	shalt  }
0x60: {  	_ =	shalt  }
0x61: {  	_ =	shalt  }
0x62: {  	_ =	shalt  }
0x63: {  	_ =	shalt  }
0x64: {  	_ =	shalt  }
0x65: {  	_ =	shalt  }
0x66: {  	_ =	shalt  }
0x67: {  	_ =	shalt  }
0x68: {  	_ =	shalt  }
0x69: {  	_ =	shalt  }
0x6a: {  	_ =	shalt  }
0x6b: {  	_ =	shalt  }
0x6c: {  	_ =	shalt  }
0x6d: {  	_ =	shalt  }
0x6e: {  	_ =	shalt  }
0x6f: {  	_ =	shalt  }
0x70: {  	_ =	shalt  }
0x71: {  	_ =	shalt  }
0x72: {  	_ =	shalt  }
0x73: {  	_ =	shalt  }
0x74: {  	_ =	shalt  }
0x75: {  	_ =	shalt  }
0x76: {  	_ =	shalt  }
0x77: {  	_ =	shalt  }
0x78: {  	_ =	shalt  }
0x79: {  	_ =	shalt  }
0x7a: {  	_ =	shalt  }
0x7b: {  	_ =	shalt  }
0x7c: {  	_ =	shalt  }
0x7d: {  	_ =	shalt  }
0x7e: {  	_ =	shalt  }
0x7f: {  	_ =	shalt  }
0x80: {  	_ =	shalt  }
0x81: {  	_ =	shalt  }
0x82: {  	_ =	shalt  }
0x83: {  	_ =	shalt  }
0x84: {  	_ =	shalt  }
0x85: {  	_ =	shalt  }
0x86: {  	_ =	shalt  }
0x87: {  	_ =	shalt  }
.Lfunc_end0:
.L_simem_size_0:
called_computation_lowered:
.L_overlay_start_0:
0x88: {  	s2 =	sld [smem:$0x3FD9]  }
0x89: {  	s3 =	sld [smem:$0x3FFE];
	_ =	sdelay $0x1  }
0x8a: {  	s1 =	srdreg.scid  }
0x8b: {  	s0 =	sand.u32 $0x1, s1  }
0x8c: {  	s17 =	sshll.u32 s0, $0xA;
	s2 =	sadd.s32 s3, s2  }
0x8d: {  	s2 =	sadd.s32 s2, s17  }
0x8e: {  	[smem:$0x3FC2] =	sst s2  }
0x8f: {  	_ = 	snop  }
0x90: {  	s2 =	sld [smem:$0x3FC9]  }
0x91: {  	s18 =	sld [smem:$0x3FD0];
	(tm) =	ssettm $0x1  }
0x92: {  	s4 =	sld [smem:$0x3FFB];
	_ =	sdelay $0x3  }
0x93: {  	_ =	strace s4  }
0x94: {  	s4 =	sld [smem:$0x3FFC];
	_ =	sdelay $0x3  }
0x95: {  	_ =	strace s4  }
0x96: {  	s4 =	sld [smem:$0x3FFD];
	_ =	sdelay $0x3  }
0x97: {  	_ =	strace s4  }
0x98: {  	_ =	strace $0x8FFFFFFF  }
0x99: {  	s19 =	sld [smem:$0x3FDB];
	_ =	sdelay $0x1  }
0x9a: {  	s5 =	simm.s32 $_scs_section_size  }
0x9b: {  	s6 =	simm.s32 $_size__tile_overlayer_lowered;
	s7 =	simm.s32 $_tile_overlayer_lowered  }
0x9c: {  	s22 =	simm.s32 $0x1BFF;
	s21 =	sshll.u32 s7, $0x1;
	s4 =	sadd.s32 s5, s19  }
0x9d: {  	s8 =	simm.s32 $0x0;
	s20 =	sshll.u32 s6, $0x1;
	s6 =	sadd.s32 s21, s4  }
0x9e: {  	[timem:s8], [sflag:s22] =	dma.local [hbm:s6], s20  }
0x9f: {  	_ =	swait.ge [sflag:s22], s20  }
0xa0: {  	s5 =	ssub.s32 $0x0, s20;
	[sflag:s22] =	ssyncset.done $0x0  }
0xa1: {  	[sflag:s22] =	ssyncadd.s32 s5;
	_ =	sdelay $0x1  }
0xa2: {  	s23 =	simm.s32 $0x1B8B  }
0xa3: {  	_ =	swait.ge [sflag:s23], $0x1  }
0xa4: {  	[sflag:s23] =	ssyncset.done $0x0  }
0xa5: {  	s25 =	simm.s32 $0x1B8E;
	s24 =	sld [smem:$0x3FFE];
	[sflag:s23] =	ssyncadd.s32 $0xFFFFFFFF  }
0xa6: {  	s26 =	simm.s32 $execute0_lowered;
	[smem:$0x3FD2] =	sst s25  }
0xa7: {  	s6 =	sshll.u32 s26, $0x1;
	_ =	strace $0x80000046;
	[dreg:$0x1] =	wrdreg $0xFFFFFFFF  }
0xa8: {  	s28 =	simm.s32 $_size_execute0_lowered;
	s4 =	sadd.s32 s4, s6;
	[dreg:$0x0] =	wrdreg $0x0  }
0xa9: {  	s6 =	sshll.u32 s28, $0x1;
	[dreg:$0x2] =	wrdreg s4  }
0xaa: {  	[dreg:$0x3] =	wrdreg s6  }
0xab: {  	[dreg:$0x4] =	wrdreg $0xC0  }
0xac: {  	_ =	task [dreg:s8], $0x5FFFF  }
0xad: {  	[dreg:$0x1] =	wrdreg $0xFFFFFFFF  }
0xae: {  	[dreg:$0x0] =	wrdreg $0x60  }
0xaf: {  	[dreg:$0x2] =	wrdreg s2  }
0xb0: {  	[dreg:$0x3] =	wrdreg s24  }
0xb1: {  	[dreg:$0x4] =	wrdreg s18  }
0xb2: {  	[dreg:$0x5] =	wrdreg $0x9  }
0xb3: {  	_ =	task.clear_ibuf [dreg:s8], $0x6FFFF;
	_ =	strace $0x90000046  }
0xb4: {  	s29 =	simm.s32 $0x9;
	_ =	strace $0x80000048  }
0xb5: {  	_ =	swait.ge [sflag:s29], $0x1  }
0xb6: {  	[sflag:s29] =	ssyncadd.s32 $0xFFFFFFFF  }
0xb7: {  	_ =	strace $0x90000048  }
0xb8: {  	_ =	sfence  }
0xb9: {  	s30 =	sld [smem:$0x0];
	_ =	sdelay $0x2  }
0xba: {  	s31 =	sshll.u32 s1, $0xD;
	s1 =	sshrl.u32 s1, $0x2  }
0xbb: {  	s3 =	sand.u32 $0x4000, s31;
	s1 =	sadd.s32 s1, s30  }
0xbc: {  	s0 =	sor.u32 s3, s0;
	s1 =	sshll.u32 s1, $0x11  }
0xbd: {  	s0 =	sor.u32 s1, s0  }
0xbe: {  	s0 =	sadd.s32 $0x8F2B, s0  }
0xbf: {  	[sflag:s0] =	ssyncadd.remote.s32 $0x1  }
0xc0: {  	_ =	sfence.sel $0xFFFF  }
0xc1: {  	[dreg:$0x0] =	wrdreg $0xFFFFFFFF;
	(pc) =	sbr.abs _section_cstart, $3  }
0xc2: {  	[dreg:$0x1] =	wrdreg $0xFFFFFFFF  }
0xc3: {  	_ =	task.clear_ibuf [dreg:s8], $0x2FFFF;
	_ =	strace $0x9FFFFFFF  }
0xc4: {  	(tm) =	ssettm $0x7FFFFFFF  }
0xc5: {  	_ =	shalt  }
tec
execute0_lowered:
.L_overlay_start_1:
0x0: {  	(tag) =	ssettag $0x1  }
0x1: {  	s0 =	rddreg [dreg:$0x0]  }
0x2: {  	s4 =	rddreg [dreg:$0x1]  }
0x3: {  	s1 =	srdreg.scid;
	s2 =	rddreg [dreg:$0x2]  }
0x4: {  	s6 =	stileid.u32;
	s3 =	simm.s32 $0x0;
	s12 =	simm.s32 $0x64  }
0x5: {  	s19 =	simm.s32 $0x9940;
	s20 =	simm.s32 $0x1A0;
	s1 =	sand.u32 $0x1, s1  }
0x6: {  	s21 =	simm.s32 $0x5;
	s22 =	simm.s32 $0x6;
	s5 =	sshll.u32 s1, $0x4  }
0x7: {  	s7 =	ssub.s32 $0x2, s1;
	s1 =	smul.u32 $0x27100, s1;
	s9 =	sor.u32 s6, s5  }
0x8: {  	s23 =	simm.s32 $0x0;
	[smem:$0x7FF] =	sst s3;
	s5 =	smul.u32 $0x514, s9  }
0x9: {  	s4 =	sadd.s32 $0xE00, s4;
	s8 =	sshrl.u32 s7, $0x1;
	s6 =	smul.u32 $0x28A0, s9  }
0xa: {  	_ =	strace $0x80000047;
	s10 =	smul.u32 $0x19, s9;
	s11 =	ssub.s32 s7, s8  }
0xb: {  	s9 =	smul.u32 $0x271, s9;
	s6 =	sshrl.u32 s6, $0x3;
	s5 =	sadd.s32 s4, s5  }
0xc: {  	s8 =	sadd.s32 $0x2, s10;
	s10 =	smax.u32 s11, $0x1;
	s31 =	sadd.s32 s4, s6  }
0xd: {  	s11 =	simm.s32 $0x1;
	s6 =	sadd.s32 s0, s1;
	s7 =	sadd.s32 $0x34, s31  }
.LBB2_1:
0xe: {  	[tilespmem:s3], [sflag:$0x1] =	stream.linear.gather [hbm4b:s5+s3], $0x1A0, $0x38;
	[tilespmem:$0x1AC40] =	vst v63  }
0xf: {  	_ =	swait.ge [sflag:s11], $0x1A0  }
0x10: {  	[sflag:s11] =	ssyncset.done $0x0  }
0x11: {  	s0 =	simm.s32 $0x340;
	[sflag:s11] =	ssyncadd.s32 $0xFFFFFE60  }
0x12: {  	[tilespmem:s0], [sflag:$0x3] =	stream.indirect.gather [hbm4b:s6+s12], $0x80, s3, s12, $0xb8;
	[tilespmem:$0x1AC40] =	vst v63  }
0x13: {  	s28 =	simm.s32 $0x68;
	s1 =	simm.s32 $0x3540  }
0x14: {  	[tilespmem:s1], [sflag:$0x3] =	stream.indirect.gather [hbm4b:s6+s12], $0x80, s28, s12, $0xb8;
	[tilespmem:$0x1AC40] =	vst v63  }
0x15: {  	s29 =	simm.s32 $0xD0;
	s30 =	simm.s32 $0x6740  }
0x16: {  	[tilespmem:s30], [sflag:$0x3] =	stream.indirect.gather [hbm4b:s6+s12], $0x80, s29, s12, $0xb8;
	[tilespmem:$0x1AC40] =	vst v63  }
0x17: {  	s31 =	simm.s32 $0x138  }
0x18: {  	[tilespmem:s19], [sflag:$0x3] =	stream.indirect.gather [hbm4b:s6+s12], $0x80, s31, s12, $0xb8;
	[tilespmem:$0x1AC40] =	vst v63  }
0x19: {  	s24 =	simm.s32 $0x0  }
0x1a: {  	[tilespmem:s20], [sflag:$0x2] =	stream.linear.gather [hbm4b:s7+s3], $0x1A0, $0x38;
	[tilespmem:$0x1AC40] =	vst v63  }
.LBB2_2:
0x1b: {  	s0 =	sand.u32 $0x1, s24  }
0x1c: {  	s1 =	sadd.s32 $0x3, s0  }
0x1d: {  	_ =	swait.ge [sflag:s1], $0x3200  }
0x1e: {  	[sflag:s1] =	ssyncset.done $0x0  }
0x1f: {  	[sflag:s1] =	ssyncadd.s32 $0xFFFFCE00  }
0x20: {  	_ =	swait.ge [sflag:s1], $0x3200  }
0x21: {  	[sflag:s1] =	ssyncset.done $0x0  }
0x22: {  	[sflag:s1] =	ssyncadd.s32 $0xFFFFCE00  }
0x23: {  	_ =	swait.ge [sflag:s1], $0x3200  }
0x24: {  	[sflag:s1] =	ssyncset.done $0x0  }
0x25: {  	[sflag:s1] =	ssyncadd.s32 $0xFFFFCE00  }
0x26: {  	p0 =	seq.s32 s24, $0x18;
	_ =	swait.ge [sflag:s1], $0x3200  }
0x27: {  	s13 =	sxor.u32 @!p0 $0x1, s0;
	[sflag:s1] =	ssyncset.done $0x0  }
0x28: {  	[sflag:s1] =	ssyncadd.s32 $0xFFFFCE00;
	s1 =	sadd.s32 @!p0 $0x1, s13  }
0x29: {  	s15 =	smul.u32 @!p0 $0x32000, s13;
	_ =	swait.ge @!p0 [sflag:s1], $0x1A0  }
0x2a: {  	s14 =	smul.u32 @!p0 $0x680, s13;
	[sflag:s1] =	ssyncset.done @!p0 $0x0  }
0x2b: {  	s16 =	simm.s32 @!p0 $0x64;
	[sflag:s1] =	ssyncadd.s32 @!p0 $0xFFFFFE60;
	s1 =	sshrl.u32 @!p0 s15, $0x2  }
0x2c: {  	s14 =	sshrl.u32 @!p0 s14, $0x2;
	s13 =	sadd.s32 @!p0 $0x3, s13;
	s15 =	sor.u32 @!p0 $0x340, s1  }
0x2d: {  	[tilespmem:s15], [sflag:s13] =	stream.indirect.gather @!p0 [hbm4b:s6+s16], $0x80, s14, s16, $0xb8;
	[tilespmem:$0x1AC40] =	vst v63  }
0x2e: {  	s17 =	sadd.s32 @!p0 $0x68, s14;
	s15 =	sadd.s32 @!p0 $0x3540, s1  }
0x2f: {  	[tilespmem:s15], [sflag:s13] =	stream.indirect.gather @!p0 [hbm4b:s6+s16], $0x80, s17, s16, $0xb8;
	[tilespmem:$0x1AC40] =	vst v63  }
0x30: {  	s15 =	sadd.s32 @!p0 $0x6740, s1;
	s17 =	sadd.s32 @!p0 $0xD0, s14  }
0x31: {  	[tilespmem:s15], [sflag:s13] =	stream.indirect.gather @!p0 [hbm4b:s6+s16], $0x80, s17, s16, $0xb8;
	[tilespmem:$0x1AC40] =	vst v63  }
0x32: {  	p1 =	sgt.u32 @!p0 s24, $0x16;
	s1 =	sadd.s32 @!p0 $0x9940, s1;
	s14 =	sadd.s32 @!p0 $0x138, s14  }
0x33: {  	[tilespmem:s1], [sflag:s13] =	stream.indirect.gather @!p0 [hbm4b:s6+s16], $0x80, s14, s16, $0xb8;
	[tilespmem:$0x1AC40] =	vst v63  }
0x34: {  	s17 =	smul.u32 $0x32000, s0;
	p0 =	por p0, p1  }
0x35: {  	s1 =	sadd.s32 @!p0 s24, s8;
	s13 =	smul.u32 @!p0 $0x680, s0  }
0x36: {  	s25 =	sadd.s32 $0x5, s0;
	s30 =	sshrl.u32 s17, $0x2;
	s1 =	smul.u32 @!p0 $0x34, s1  }
0x37: {  	s14 =	sadd.s32 @!p0 $0x1, s0;
	s15 =	simm.s32 @!p0 $0x0;
	p1 =	slt.u32 @!p0 s24, $0x2  }
0x38: {  	s0 =	smul.u32 $0x3200, s0;
	s13 =	sshrl.u32 @!p0 s13, $0x2;
	s1 =	sadd.s32 @!p0 s4, s1  }
0x39: {  	[tilespmem:s13], [sflag:s14] =	stream.linear.gather @!p0 [hbm4b:s1+s15], $0x1A0, $0x38;
	[tilespmem:$0x1AC40] =	vst v63  }
0x3a: {  	s18 =	sor.u32 $0x340, s30;
	p0 =	por p0, !p1  }
0x3b: {  	v0 =	vmov s18;
	s28 =	sshrl.u32 s0, $0x2;
	_ =	swait.ge @p0 [sflag:s25], $0xC80  }
0x3c: {  	s29 =	sadd.s32 $0x19340, s28;
	[sflag:s25] =	ssyncset.done @p0 $0x0  }
0x3d: {  	s26 =	sadd.s32 $0x1, s24;
	s31 =	simm.s32 $0x0;
	v1 =	vmov s29;
	[sflag:s25] =	ssyncadd.s32 @p0 $0xFFFFF380  }
.LBB2_3:
0x3e: {  	s0 =	sshll.u32 s31, $0xB  }
0x3f: {  	s16 =	sand.u32 $0x3FFFF800, s0  }
0x40: {  	v2 =	vld.idx.msk [tilespmem:v0+s16+$0x0 ss:$0x1], $0xffff  }
0x41: {  	v3 =	vld.idx.msk [tilespmem:v0+s16+$0x80 ss:$0x1], $0xffff;
	_ =	sdelay $0x1  }
0x42: {  	v4 =	vld.idx.msk [tilespmem:v0+s16+$0x100 ss:$0x1], $0xffff;
	_ =	sdelay $0x1  }
0x43: {  	v5 =	vld.idx.msk [tilespmem:v0+s16+$0x180 ss:$0x1], $0xffff  }
0x44: {  	v2 =	vadd.f32 v3, v2  }
0x45: {  	v3 =	vld.idx.msk [tilespmem:v0+s16+$0x200 ss:$0x1], $0xffff  }
0x46: {  	v2 =	vadd.f32 v4, v2  }
0x47: {  	v55 =	vld.idx.msk [tilespmem:v0+s16+$0x280 ss:$0x1], $0xffff  }
0x48: {  	v2 =	vadd.f32 v5, v2  }
0x49: {  	v56 =	vld.idx.msk [tilespmem:v0+s16+$0x300 ss:$0x1], $0xffff  }
0x4a: {  	v2 =	vadd.f32 v3, v2  }
0x4b: {  	v3 =	vld.idx.msk [tilespmem:v0+s16+$0x380 ss:$0x1], $0xffff  }
0x4c: {  	v2 =	vadd.f32 v55, v2  }
0x4d: {  	v57 =	vld.idx.msk [tilespmem:v0+s16+$0x400 ss:$0x1], $0xffff  }
0x4e: {  	v2 =	vadd.f32 v56, v2  }
0x4f: {  	v58 =	vld.idx.msk [tilespmem:v0+s16+$0x480 ss:$0x1], $0xffff  }
0x50: {  	v2 =	vadd.f32 v3, v2  }
0x51: {  	v3 =	vld.idx.msk [tilespmem:v0+s16+$0x500 ss:$0x1], $0xffff  }
0x52: {  	v2 =	vadd.f32 v57, v2  }
0x53: {  	v59 =	vld.idx.msk [tilespmem:v0+s16+$0x580 ss:$0x1], $0xffff  }
0x54: {  	v2 =	vadd.f32 v58, v2  }
0x55: {  	v60 =	vld.idx.msk [tilespmem:v0+s16+$0x600 ss:$0x1], $0xffff  }
0x56: {  	v2 =	vadd.f32 v3, v2  }
0x57: {  	v3 =	vld.idx.msk [tilespmem:v0+s16+$0x680 ss:$0x1], $0xffff  }
0x58: {  	v2 =	vadd.f32 v59, v2  }
0x59: {  	v61 =	vld.idx.msk [tilespmem:v0+s16+$0x700 ss:$0x1], $0xffff  }
0x5a: {  	v2 =	vadd.f32 v60, v2  }
0x5b: {  	v62 =	vld.idx.msk [tilespmem:v0+s16+$0x780 ss:$0x1], $0xffff  }
0x5c: {  	v2 =	vadd.f32 v3, v2;
	_ =	sdelay $0x1  }
0x5d: {  	v2 =	vadd.f32 v61, v2;
	_ =	sdelay $0x1  }
0x5e: {  	s17 =	sshll.u32 s31, $0x7;
	v2 =	vadd.f32 v62, v2  }
0x5f: {  	s0 =	sand.u32 $0x3FFFFF80, s17  }
0x60: {  	[tilespmem:v1+s0+$0x0 ss:$0x1] =	vst.idx.msk $0xffff, v2  }
0x61: {  	v2 =	vld.idx.msk [tilespmem:v0+s16+$0x10 ss:$0x1], $0xffff  }
0x62: {  	v3 =	vld.idx.msk [tilespmem:v0+s16+$0x90 ss:$0x1], $0xffff;
	_ =	sdelay $0x1  }
0x63: {  	v63 =	vld.idx.msk [tilespmem:v0+s16+$0x110 ss:$0x1], $0xffff;
	_ =	sdelay $0x1  }
0x64: {  	v8 =	vld.idx.msk [tilespmem:v0+s16+$0x190 ss:$0x1], $0xffff  }
0x65: {  	v2 =	vadd.f32 v3, v2  }
0x66: {  	v3 =	vld.idx.msk [tilespmem:v0+s16+$0x210 ss:$0x1], $0xffff  }
0x67: {  	v2 =	vadd.f32 v63, v2  }
0x68: {  	v9 =	vld.idx.msk [tilespmem:v0+s16+$0x290 ss:$0x1], $0xffff  }
0x69: {  	v2 =	vadd.f32 v8, v2  }
0x6a: {  	v10 =	vld.idx.msk [tilespmem:v0+s16+$0x310 ss:$0x1], $0xffff  }
0x6b: {  	v2 =	vadd.f32 v3, v2  }
0x6c: {  	v3 =	vld.idx.msk [tilespmem:v0+s16+$0x390 ss:$0x1], $0xffff  }
0x6d: {  	v2 =	vadd.f32 v9, v2  }
0x6e: {  	v11 =	vld.idx.msk [tilespmem:v0+s16+$0x410 ss:$0x1], $0xffff  }
0x6f: {  	v2 =	vadd.f32 v10, v2  }
0x70: {  	v12 =	vld.idx.msk [tilespmem:v0+s16+$0x490 ss:$0x1], $0xffff  }
0x71: {  	v2 =	vadd.f32 v3, v2  }
0x72: {  	v3 =	vld.idx.msk [tilespmem:v0+s16+$0x510 ss:$0x1], $0xffff  }
0x73: {  	v2 =	vadd.f32 v11, v2  }
0x74: {  	v13 =	vld.idx.msk [tilespmem:v0+s16+$0x590 ss:$0x1], $0xffff  }
0x75: {  	v2 =	vadd.f32 v12, v2  }
0x76: {  	v14 =	vld.idx.msk [tilespmem:v0+s16+$0x610 ss:$0x1], $0xffff  }
0x77: {  	v2 =	vadd.f32 v3, v2  }
0x78: {  	v3 =	vld.idx.msk [tilespmem:v0+s16+$0x690 ss:$0x1], $0xffff  }
0x79: {  	v2 =	vadd.f32 v13, v2  }
0x7a: {  	v15 =	vld.idx.msk [tilespmem:v0+s16+$0x710 ss:$0x1], $0xffff  }
0x7b: {  	v2 =	vadd.f32 v14, v2  }
0x7c: {  	v16 =	vld.idx.msk [tilespmem:v0+s16+$0x790 ss:$0x1], $0xffff  }
0x7d: {  	v2 =	vadd.f32 v3, v2;
	_ =	sdelay $0x1  }
0x7e: {  	v2 =	vadd.f32 v15, v2;
	_ =	sdelay $0x1  }
0x7f: {  	v2 =	vadd.f32 v16, v2;
	_ =	sdelay $0x1  }
0x80: {  	[tilespmem:v1+s0+$0x10 ss:$0x1] =	vst.idx.msk $0xffff, v2  }
0x81: {  	v2 =	vld.idx.msk [tilespmem:v0+s16+$0x20 ss:$0x1], $0xffff  }
0x82: {  	v3 =	vld.idx.msk [tilespmem:v0+s16+$0xA0 ss:$0x1], $0xffff;
	_ =	sdelay $0x1  }
0x83: {  	v17 =	vld.idx.msk [tilespmem:v0+s16+$0x120 ss:$0x1], $0xffff;
	_ =	sdelay $0x1  }
0x84: {  	v18 =	vld.idx.msk [tilespmem:v0+s16+$0x1A0 ss:$0x1], $0xffff  }
0x85: {  	v2 =	vadd.f32 v3, v2  }
0x86: {  	v3 =	vld.idx.msk [tilespmem:v0+s16+$0x220 ss:$0x1], $0xffff  }
0x87: {  	v2 =	vadd.f32 v17, v2  }
0x88: {  	v19 =	vld.idx.msk [tilespmem:v0+s16+$0x2A0 ss:$0x1], $0xffff  }
0x89: {  	v2 =	vadd.f32 v18, v2  }
0x8a: {  	v20 =	vld.idx.msk [tilespmem:v0+s16+$0x320 ss:$0x1], $0xffff  }
0x8b: {  	v2 =	vadd.f32 v3, v2  }
0x8c: {  	v3 =	vld.idx.msk [tilespmem:v0+s16+$0x3A0 ss:$0x1], $0xffff  }
0x8d: {  	v2 =	vadd.f32 v19, v2  }
0x8e: {  	v21 =	vld.idx.msk [tilespmem:v0+s16+$0x420 ss:$0x1], $0xffff  }
0x8f: {  	v2 =	vadd.f32 v20, v2  }
0x90: {  	v22 =	vld.idx.msk [tilespmem:v0+s16+$0x4A0 ss:$0x1], $0xffff  }
0x91: {  	v2 =	vadd.f32 v3, v2  }
0x92: {  	v3 =	vld.idx.msk [tilespmem:v0+s16+$0x520 ss:$0x1], $0xffff  }
0x93: {  	v2 =	vadd.f32 v21, v2  }
0x94: {  	s1 =	sor.u32 $0x1, s31;
	v23 =	vld.idx.msk [tilespmem:v0+s16+$0x5A0 ss:$0x1], $0xffff  }
0x95: {  	s13 =	sshll.u32 s1, $0xB;
	v2 =	vadd.f32 v22, v2  }
0x96: {  	s13 =	sand.u32 $0x3FFFF800, s13;
	v24 =	vld.idx.msk [tilespmem:v0+s16+$0x620 ss:$0x1], $0xffff  }
0x97: {  	v6 =	vld.idx.msk [tilespmem:v0+s13+$0x0 ss:$0x1], $0xffff;
	v2 =	vadd.f32 v3, v2  }
0x98: {  	v3 =	vld.idx.msk [tilespmem:v0+s16+$0x6A0 ss:$0x1], $0xffff  }
0x99: {  	v25 =	vld.idx.msk [tilespmem:v0+s13+$0x80 ss:$0x1], $0xffff;
	v2 =	vadd.f32 v23, v2  }
0x9a: {  	v7 =	vld.idx.msk [tilespmem:v0+s16+$0x720 ss:$0x1], $0xffff  }
0x9b: {  	v26 =	vld.idx.msk [tilespmem:v0+s13+$0x100 ss:$0x1], $0xffff;
	v2 =	vadd.f32 v24, v2  }
0x9c: {  	v8 =	vld.idx.msk [tilespmem:v0+s16+$0x7A0 ss:$0x1], $0xffff  }
0x9d: {  	v2 =	vadd.f32 v3, v2;
	v3 =	vld.idx.msk [tilespmem:v0+s13+$0x180 ss:$0x1], $0xffff  }
0x9e: {  	v4 =	vadd.f32 v25, v6  }
0x9f: {  	v27 =	vld.idx.msk [tilespmem:v0+s13+$0x200 ss:$0x1], $0xffff;
	v2 =	vadd.f32 v7, v2  }
0xa0: {  	v4 =	vadd.f32 v26, v4  }
0xa1: {  	v28 =	vld.idx.msk [tilespmem:v0+s13+$0x280 ss:$0x1], $0xffff;
	v2 =	vadd.f32 v8, v2  }
0xa2: {  	v3 =	vadd.f32 v3, v4  }
0xa3: {  	[tilespmem:v1+s0+$0x20 ss:$0x1] =	vst.idx.msk $0xffff, v2;
	v2 =	vld.idx.msk [tilespmem:v0+s13+$0x300 ss:$0x1], $0xffff  }
0xa4: {  	v30 =	vld.idx.msk [tilespmem:v0+s13+$0x380 ss:$0x1], $0xffff;
	v3 =	vadd.f32 v27, v3  }
0xa5: {  	v32 =	vld.idx.msk [tilespmem:v0+s13+$0x400 ss:$0x1], $0xffff  }
0xa6: {  	v29 =	vld.idx.msk [tilespmem:v0+s16+$0x30 ss:$0x1], $0xffff;
	v3 =	vadd.f32 v28, v3  }
0xa7: {  	v31 =	vld.idx.msk [tilespmem:v0+s16+$0xB0 ss:$0x1], $0xffff  }
0xa8: {  	v33 =	vld.idx.msk [tilespmem:v0+s16+$0x130 ss:$0x1], $0xffff;
	v2 =	vadd.f32 v2, v3  }
0xa9: {  	v3 =	vld.idx.msk [tilespmem:v0+s13+$0x480 ss:$0x1], $0xffff  }
0xaa: {  	v34 =	vld.idx.msk [tilespmem:v0+s13+$0x500 ss:$0x1], $0xffff;
	v2 =	vadd.f32 v30, v2  }
0xab: {  	v9 =	vld.idx.msk [tilespmem:v0+s16+$0x1B0 ss:$0x1], $0xffff  }
0xac: {  	v36 =	vld.idx.msk [tilespmem:v0+s13+$0x580 ss:$0x1], $0xffff;
	v4 =	vadd.f32 v31, v29;
	v2 =	vadd.f32 v32, v2  }
0xad: {  	v35 =	vld.idx.msk [tilespmem:v0+s16+$0x230 ss:$0x1], $0xffff  }
0xae: {  	v37 =	vld.idx.msk [tilespmem:v0+s16+$0x2B0 ss:$0x1], $0xffff;
	v4 =	vadd.f32 v33, v4;
	v2 =	vadd.f32 v3, v2  }
0xaf: {  	v3 =	vld.idx.msk [tilespmem:v0+s13+$0x600 ss:$0x1], $0xffff  }
0xb0: {  	v39 =	vld.idx.msk [tilespmem:v0+s13+$0x680 ss:$0x1], $0xffff;
	v4 =	vadd.f32 v9, v4;
	v2 =	vadd.f32 v34, v2  }
0xb1: {  	v38 =	vld.idx.msk [tilespmem:v0+s16+$0x330 ss:$0x1], $0xffff  }
0xb2: {  	v41 =	vld.idx.msk [tilespmem:v0+s13+$0x700 ss:$0x1], $0xffff;
	v4 =	vadd.f32 v35, v4;
	v2 =	vadd.f32 v36, v2  }
0xb3: {  	v40 =	vld.idx.msk [tilespmem:v0+s16+$0x3B0 ss:$0x1], $0xffff  }
0xb4: {  	v42 =	vld.idx.msk [tilespmem:v0+s16+$0x430 ss:$0x1], $0xffff;
	v4 =	vadd.f32 v37, v4;
	v2 =	vadd.f32 v3, v2  }
0xb5: {  	v3 =	vld.idx.msk [tilespmem:v0+s13+$0x780 ss:$0x1], $0xffff  }
0xb6: {  	v4 =	vadd.f32 v38, v4;
	v2 =	vadd.f32 v39, v2  }
0xb7: {  	v43 =	vld.idx.msk [tilespmem:v0+s16+$0x4B0 ss:$0x1], $0xffff  }
0xb8: {  	v4 =	vadd.f32 v40, v4;
	v2 =	vadd.f32 v41, v2  }
0xb9: {  	v44 =	vld.idx.msk [tilespmem:v0+s16+$0x530 ss:$0x1], $0xffff  }
0xba: {  	s1 =	sshll.u32 s1, $0x7;
	v4 =	vadd.f32 v42, v4;
	v2 =	vadd.f32 v3, v2  }
0xbb: {  	s1 =	sand.u32 $0x3FFFFF80, s1;
	v3 =	vld.idx.msk [tilespmem:v0+s16+$0x5B0 ss:$0x1], $0xffff  }
0xbc: {  	v45 =	vld.idx.msk [tilespmem:v0+s16+$0x630 ss:$0x1], $0xffff;
	v4 =	vadd.f32 v43, v4;
	[tilespmem:v1+s1+$0x0 ss:$0x1] =	vst.idx.msk $0xffff, v2  }
0xbd: {  	v2 =	vld.idx.msk [tilespmem:v0+s13+$0x10 ss:$0x1], $0xffff  }
0xbe: {  	v4 =	vadd.f32 v44, v4;
	v46 =	vld.idx.msk [tilespmem:v0+s13+$0x90 ss:$0x1], $0xffff  }
0xbf: {  	v47 =	vld.idx.msk [tilespmem:v0+s16+$0x6B0 ss:$0x1], $0xffff  }
0xc0: {  	v48 =	vld.idx.msk [tilespmem:v0+s13+$0x110 ss:$0x1], $0xffff;
	v3 =	vadd.f32 v3, v4  }
0xc1: {  	v49 =	vld.idx.msk [tilespmem:v0+s16+$0x730 ss:$0x1], $0xffff  }
0xc2: {  	v50 =	vld.idx.msk [tilespmem:v0+s13+$0x190 ss:$0x1], $0xffff;
	v3 =	vadd.f32 v45, v3  }
0xc3: {  	v51 =	vld.idx.msk [tilespmem:v0+s16+$0x7B0 ss:$0x1], $0xffff;
	v2 =	vadd.f32 v46, v2  }
0xc4: {  	v52 =	vld.idx.msk [tilespmem:v0+s13+$0x210 ss:$0x1], $0xffff;
	v3 =	vadd.f32 v47, v3  }
0xc5: {  	v2 =	vadd.f32 v48, v2  }
0xc6: {  	v53 =	vld.idx.msk [tilespmem:v0+s13+$0x290 ss:$0x1], $0xffff;
	v3 =	vadd.f32 v49, v3  }
0xc7: {  	v2 =	vadd.f32 v50, v2  }
0xc8: {  	v54 =	vld.idx.msk [tilespmem:v0+s13+$0x310 ss:$0x1], $0xffff;
	v3 =	vadd.f32 v51, v3  }
0xc9: {  	v2 =	vadd.f32 v52, v2  }
0xca: {  	[tilespmem:v1+s0+$0x30 ss:$0x1] =	vst.idx.msk $0xffff, v3;
	v3 =	vld.idx.msk [tilespmem:v0+s13+$0x390 ss:$0x1], $0xffff  }
0xcb: {  	v56 =	vld.idx.msk [tilespmem:v0+s13+$0x410 ss:$0x1], $0xffff;
	v2 =	vadd.f32 v53, v2  }
0xcc: {  	v58 =	vld.idx.msk [tilespmem:v0+s13+$0x490 ss:$0x1], $0xffff  }
0xcd: {  	v55 =	vld.idx.msk [tilespmem:v0+s16+$0x40 ss:$0x1], $0xffff;
	v2 =	vadd.f32 v54, v2  }
0xce: {  	v57 =	vld.idx.msk [tilespmem:v0+s16+$0xC0 ss:$0x1], $0xffff  }
0xcf: {  	v59 =	vld.idx.msk [tilespmem:v0+s16+$0x140 ss:$0x1], $0xffff;
	v2 =	vadd.f32 v3, v2  }
0xd0: {  	v3 =	vld.idx.msk [tilespmem:v0+s13+$0x510 ss:$0x1], $0xffff  }
0xd1: {  	v61 =	vld.idx.msk [tilespmem:v0+s13+$0x590 ss:$0x1], $0xffff;
	v2 =	vadd.f32 v56, v2  }
0xd2: {  	v60 =	vld.idx.msk [tilespmem:v0+s16+$0x1C0 ss:$0x1], $0xffff  }
0xd3: {  	v63 =	vld.idx.msk [tilespmem:v0+s13+$0x610 ss:$0x1], $0xffff;
	v5 =	vadd.f32 v57, v55;
	v2 =	vadd.f32 v58, v2  }
0xd4: {  	v62 =	vld.idx.msk [tilespmem:v0+s16+$0x240 ss:$0x1], $0xffff  }
0xd5: {  	v12 =	vld.idx.msk [tilespmem:v0+s16+$0x2C0 ss:$0x1], $0xffff;
	v5 =	vadd.f32 v59, v5;
	v2 =	vadd.f32 v3, v2  }
0xd6: {  	v3 =	vld.idx.msk [tilespmem:v0+s13+$0x690 ss:$0x1], $0xffff  }
0xd7: {  	v14 =	vld.idx.msk [tilespmem:v0+s13+$0x710 ss:$0x1], $0xffff;
	v5 =	vadd.f32 v60, v5;
	v2 =	vadd.f32 v61, v2  }
0xd8: {  	v13 =	vld.idx.msk [tilespmem:v0+s16+$0x340 ss:$0x1], $0xffff  }
0xd9: {  	v16 =	vld.idx.msk [tilespmem:v0+s13+$0x790 ss:$0x1], $0xffff;
	v5 =	vadd.f32 v62, v5;
	v2 =	vadd.f32 v63, v2  }
0xda: {  	v15 =	vld.idx.msk [tilespmem:v0+s16+$0x3C0 ss:$0x1], $0xffff  }
0xdb: {  	v5 =	vadd.f32 v12, v5;
	v2 =	vadd.f32 v3, v2  }
0xdc: {  	v3 =	vld.idx.msk [tilespmem:v0+s16+$0x440 ss:$0x1], $0xffff  }
0xdd: {  	v5 =	vadd.f32 v13, v5;
	v2 =	vadd.f32 v14, v2  }
0xde: {  	v17 =	vld.idx.msk [tilespmem:v0+s16+$0x4C0 ss:$0x1], $0xffff  }
0xdf: {  	v18 =	vld.idx.msk [tilespmem:v0+s16+$0x540 ss:$0x1], $0xffff;
	v5 =	vadd.f32 v15, v5;
	v2 =	vadd.f32 v16, v2  }
0xe0: {  	v19 =	vld.idx.msk [tilespmem:v0+s16+$0x5C0 ss:$0x1], $0xffff  }
0xe1: {  	v21 =	vld.idx.msk [tilespmem:v0+s16+$0x640 ss:$0x1], $0xffff;
	v3 =	vadd.f32 v3, v5;
	[tilespmem:v1+s1+$0x10 ss:$0x1] =	vst.idx.msk $0xffff, v2  }
0xe2: {  	v2 =	vld.idx.msk [tilespmem:v0+s13+$0x20 ss:$0x1], $0xffff  }
0xe3: {  	v3 =	vadd.f32 v17, v3;
	v20 =	vld.idx.msk [tilespmem:v0+s13+$0xA0 ss:$0x1], $0xffff  }
0xe4: {  	v23 =	vld.idx.msk [tilespmem:v0+s16+$0x6C0 ss:$0x1], $0xffff  }
0xe5: {  	v22 =	vld.idx.msk [tilespmem:v0+s13+$0x120 ss:$0x1], $0xffff;
	v3 =	vadd.f32 v18, v3  }
0xe6: {  	v25 =	vld.idx.msk [tilespmem:v0+s16+$0x740 ss:$0x1], $0xffff  }
0xe7: {  	v24 =	vld.idx.msk [tilespmem:v0+s13+$0x1A0 ss:$0x1], $0xffff;
	v3 =	vadd.f32 v19, v3  }
0xe8: {  	v27 =	vld.idx.msk [tilespmem:v0+s16+$0x7C0 ss:$0x1], $0xffff;
	v2 =	vadd.f32 v20, v2  }
0xe9: {  	v26 =	vld.idx.msk [tilespmem:v0+s13+$0x220 ss:$0x1], $0xffff;
	v3 =	vadd.f32 v21, v3  }
0xea: {  	v28 =	vld.idx.msk [tilespmem:v0+s13+$0x2A0 ss:$0x1], $0xffff;
	v2 =	vadd.f32 v22, v2  }
0xeb: {  	v29 =	vld.idx.msk [tilespmem:v0+s13+$0x320 ss:$0x1], $0xffff;
	v3 =	vadd.f32 v23, v3  }
0xec: {  	v30 =	vld.idx.msk [tilespmem:v0+s13+$0x3A0 ss:$0x1], $0xffff;
	v2 =	vadd.f32 v24, v2  }
0xed: {  	v32 =	vld.idx.msk [tilespmem:v0+s13+$0x4A0 ss:$0x1], $0xffff;
	v3 =	vadd.f32 v25, v3  }
0xee: {  	v34 =	vld.idx.msk [tilespmem:v0+s13+$0x520 ss:$0x1], $0xffff;
	v2 =	vadd.f32 v26, v2  }
0xef: {  	v37 =	vld.idx.msk [tilespmem:v0+s13+$0x620 ss:$0x1], $0xffff;
	v3 =	vadd.f32 v27, v3  }
0xf0: {  	v39 =	vld.idx.msk [tilespmem:v0+s13+$0x6A0 ss:$0x1], $0xffff;
	v2 =	vadd.f32 v28, v2  }
0xf1: {  	[tilespmem:v1+s0+$0x40 ss:$0x1] =	vst.idx.msk $0xffff, v3;
	v3 =	vld.idx.msk [tilespmem:v0+s13+$0x420 ss:$0x1], $0xffff  }
0xf2: {  	v42 =	vld.idx.msk [tilespmem:v0+s13+$0x7A0 ss:$0x1], $0xffff;
	v2 =	vadd.f32 v29, v2  }
0xf3: {  	v31 =	vld.idx.msk [tilespmem:v0+s16+$0x50 ss:$0x1], $0xffff  }
0xf4: {  	v33 =	vld.idx.msk [tilespmem:v0+s16+$0xD0 ss:$0x1], $0xffff;
	v2 =	vadd.f32 v30, v2  }
0xf5: {  	v35 =	vld.idx.msk [tilespmem:v0+s16+$0x150 ss:$0x1], $0xffff  }
0xf6: {  	v36 =	vld.idx.msk [tilespmem:v0+s16+$0x1D0 ss:$0x1], $0xffff;
	v2 =	vadd.f32 v3, v2  }
0xf7: {  	v3 =	vld.idx.msk [tilespmem:v0+s13+$0x5A0 ss:$0x1], $0xffff  }
0xf8: {  	v38 =	vld.idx.msk [tilespmem:v0+s16+$0x250 ss:$0x1], $0xffff;
	v2 =	vadd.f32 v32, v2  }
0xf9: {  	v40 =	vld.idx.msk [tilespmem:v0+s16+$0x2D0 ss:$0x1], $0xffff  }
0xfa: {  	v41 =	vld.idx.msk [tilespmem:v0+s16+$0x350 ss:$0x1], $0xffff;
	v6 =	vadd.f32 v33, v31;
	v2 =	vadd.f32 v34, v2  }
0xfb: {  	v43 =	vld.idx.msk [tilespmem:v0+s16+$0x3D0 ss:$0x1], $0xffff  }
0xfc: {  	v44 =	vld.idx.msk [tilespmem:v0+s16+$0x4D0 ss:$0x1], $0xffff;
	v6 =	vadd.f32 v35, v6;
	v2 =	vadd.f32 v3, v2  }
0xfd: {  	v3 =	vld.idx.msk [tilespmem:v0+s13+$0x720 ss:$0x1], $0xffff  }
0xfe: {  	v45 =	vld.idx.msk [tilespmem:v0+s16+$0x550 ss:$0x1], $0xffff;
	v6 =	vadd.f32 v36, v6;
	v2 =	vadd.f32 v37, v2  }
0xff: {  	v47 =	vld.idx.msk [tilespmem:v0+s16+$0x5D0 ss:$0x1], $0xffff  }
0x100: {  	v49 =	vld.idx.msk [tilespmem:v0+s16+$0x650 ss:$0x1], $0xffff;
	v6 =	vadd.f32 v38, v6;
	v2 =	vadd.f32 v39, v2  }
0x101: {  	v51 =	vld.idx.msk [tilespmem:v0+s16+$0x6D0 ss:$0x1], $0xffff  }
0x102: {  	s18 =	sor.u32 $0x2, s31;
	v53 =	vld.idx.msk [tilespmem:v0+s16+$0x750 ss:$0x1], $0xffff;
	v6 =	vadd.f32 v40, v6;
	v2 =	vadd.f32 v3, v2  }
0x103: {  	s14 =	sshll.u32 s18, $0xB;
	v3 =	vld.idx.msk [tilespmem:v0+s16+$0x450 ss:$0x1], $0xffff  }
0x104: {  	s14 =	sand.u32 $0x3FFFF800, s14;
	v55 =	vld.idx.msk [tilespmem:v0+s16+$0x7D0 ss:$0x1], $0xffff;
	v6 =	vadd.f32 v41, v6;
	v2 =	vadd.f32 v42, v2  }
0x105: {  	v38 =	vld.idx.msk [tilespmem:v0+s14+$0x180 ss:$0x1], $0xffff  }
0x106: {  	s17 =	sor.u32 $0x3, s31;
	v40 =	vld.idx.msk [tilespmem:v0+s14+$0x200 ss:$0x1], $0xffff;
	v4 =	vadd.f32 v43, v6;
	[tilespmem:v1+s1+$0x20 ss:$0x1] =	vst.idx.msk $0xffff, v2  }
0x107: {  	s15 =	sshll.u32 s17, $0xB;
	v2 =	vld.idx.msk [tilespmem:v0+s13+$0x30 ss:$0x1], $0xffff  }
0x108: {  	s15 =	sand.u32 $0x3FFFF800, s15;
	v3 =	vadd.f32 v3, v4;
	v46 =	vld.idx.msk [tilespmem:v0+s13+$0xB0 ss:$0x1], $0xffff  }
0x109: {  	v39 =	vld.idx.msk [tilespmem:v0+s15+$0x100 ss:$0x1], $0xffff  }
0x10a: {  	v48 =	vld.idx.msk [tilespmem:v0+s13+$0x130 ss:$0x1], $0xffff;
	v3 =	vadd.f32 v44, v3  }
0x10b: {  	v41 =	vld.idx.msk [tilespmem:v0+s15+$0x180 ss:$0x1], $0xffff  }
0x10c: {  	v50 =	vld.idx.msk [tilespmem:v0+s13+$0x1B0 ss:$0x1], $0xffff;
	v3 =	vadd.f32 v45, v3  }
0x10d: {  	v43 =	vld.idx.msk [tilespmem:v0+s15+$0x200 ss:$0x1], $0xffff;
	v2 =	vadd.f32 v46, v2  }
0x10e: {  	v52 =	vld.idx.msk [tilespmem:v0+s13+$0x230 ss:$0x1], $0xffff;
	v3 =	vadd.f32 v47, v3  }
0x10f: {  	v42 =	vld.idx.msk [tilespmem:v0+s14+$0x280 ss:$0x1], $0xffff;
	v2 =	vadd.f32 v48, v2  }
0x110: {  	v54 =	vld.idx.msk [tilespmem:v0+s13+$0x2B0 ss:$0x1], $0xffff;
	v3 =	vadd.f32 v49, v3  }
0x111: {  	v56 =	vld.idx.msk [tilespmem:v0+s13+$0x330 ss:$0x1], $0xffff;
	v2 =	vadd.f32 v50, v2  }
0x112: {  	v57 =	vld.idx.msk [tilespmem:v0+s13+$0x3B0 ss:$0x1], $0xffff;
	v3 =	vadd.f32 v51, v3  }
0x113: {  	v58 =	vld.idx.msk [tilespmem:v0+s13+$0x430 ss:$0x1], $0xffff;
	v2 =	vadd.f32 v52, v2  }
0x114: {  	v60 =	vld.idx.msk [tilespmem:v0+s13+$0x530 ss:$0x1], $0xffff;
	v3 =	vadd.f32 v53, v3  }
0x115: {  	v62 =	vld.idx.msk [tilespmem:v0+s13+$0x5B0 ss:$0x1], $0xffff;
	v2 =	vadd.f32 v54, v2  }
0x116: {  	v13 =	vld.idx.msk [tilespmem:v0+s13+$0x6B0 ss:$0x1], $0xffff;
	v3 =	vadd.f32 v55, v3  }
0x117: {  	v15 =	vld.idx.msk [tilespmem:v0+s13+$0x730 ss:$0x1], $0xffff;
	v2 =	vadd.f32 v56, v2  }
0x118: {  	[tilespmem:v1+s0+$0x50 ss:$0x1] =	vst.idx.msk $0xffff, v3;
	v3 =	vld.idx.msk [tilespmem:v0+s13+$0x4B0 ss:$0x1], $0xffff  }
0x119: {  	v44 =	vld.idx.msk [tilespmem:v0+s14+$0x300 ss:$0x1], $0xffff;
	v2 =	vadd.f32 v57, v2  }
0x11a: {  	v45 =	vld.idx.msk [tilespmem:v0+s15+$0x280 ss:$0x1], $0xffff  }
0x11b: {  	v59 =	vld.idx.msk [tilespmem:v0+s16+$0x60 ss:$0x1], $0xffff;
	v2 =	vadd.f32 v58, v2  }
0x11c: {  	v61 =	vld.idx.msk [tilespmem:v0+s16+$0xE0 ss:$0x1], $0xffff  }
0x11d: {  	v63 =	vld.idx.msk [tilespmem:v0+s16+$0x160 ss:$0x1], $0xffff;
	v2 =	vadd.f32 v3, v2  }
0x11e: {  	v3 =	vld.idx.msk [tilespmem:v0+s13+$0x630 ss:$0x1], $0xffff  }
0x11f: {  	v46 =	vld.idx.msk [tilespmem:v0+s14+$0x380 ss:$0x1], $0xffff;
	v2 =	vadd.f32 v60, v2  }
0x120: {  	v12 =	vld.idx.msk [tilespmem:v0+s16+$0x1E0 ss:$0x1], $0xffff  }
0x121: {  	v47 =	vld.idx.msk [tilespmem:v0+s15+$0x300 ss:$0x1], $0xffff;
	v6 =	vadd.f32 v61, v59;
	v2 =	vadd.f32 v62, v2  }
0x122: {  	v14 =	vld.idx.msk [tilespmem:v0+s16+$0x260 ss:$0x1], $0xffff  }
0x123: {  	v16 =	vld.idx.msk [tilespmem:v0+s16+$0x2E0 ss:$0x1], $0xffff;
	v6 =	vadd.f32 v63, v6;
	v2 =	vadd.f32 v3, v2  }
0x124: {  	v3 =	vld.idx.msk [tilespmem:v0+s13+$0x7B0 ss:$0x1], $0xffff  }
0x125: {  	v48 =	vld.idx.msk [tilespmem:v0+s14+$0x400 ss:$0x1], $0xffff;
	v6 =	vadd.f32 v12, v6;
	v2 =	vadd.f32 v13, v2  }
0x126: {  	v17 =	vld.idx.msk [tilespmem:v0+s16+$0x360 ss:$0x1], $0xffff  }
0x127: {  	v49 =	vld.idx.msk [tilespmem:v0+s15+$0x380 ss:$0x1], $0xffff;
	v6 =	vadd.f32 v14, v6;
	v2 =	vadd.f32 v15, v2  }
0x128: {  	v18 =	vld.idx.msk [tilespmem:v0+s16+$0x3E0 ss:$0x1], $0xffff  }
0x129: {  	v50 =	vld.idx.msk [tilespmem:v0+s14+$0x480 ss:$0x1], $0xffff;
	v6 =	vadd.f32 v16, v6;
	v2 =	vadd.f32 v3, v2  }
0x12a: {  	v3 =	vld.idx.msk [tilespmem:v0+s16+$0x460 ss:$0x1], $0xffff  }
0x12b: {  	v19 =	vld.idx.msk [tilespmem:v0+s16+$0x4E0 ss:$0x1], $0xffff;
	v4 =	vadd.f32 v17, v6;
	[tilespmem:v1+s1+$0x30 ss:$0x1] =	vst.idx.msk $0xffff, v2  }
0x12c: {  	v2 =	vld.idx.msk [tilespmem:v0+s13+$0x40 ss:$0x1], $0xffff  }
0x12d: {  	v4 =	vadd.f32 v18, v4;
	v20 =	vld.idx.msk [tilespmem:v0+s13+$0xC0 ss:$0x1], $0xffff  }
0x12e: {  	v21 =	vld.idx.msk [tilespmem:v0+s16+$0x560 ss:$0x1], $0xffff  }
0x12f: {  	v22 =	vld.idx.msk [tilespmem:v0+s13+$0x140 ss:$0x1], $0xffff;
	v3 =	vadd.f32 v3, v4  }
0x130: {  	v23 =	vld.idx.msk [tilespmem:v0+s16+$0x5E0 ss:$0x1], $0xffff  }
0x131: {  	v24 =	vld.idx.msk [tilespmem:v0+s13+$0x1C0 ss:$0x1], $0xffff;
	v3 =	vadd.f32 v19, v3  }
0x132: {  	v25 =	vld.idx.msk [tilespmem:v0+s16+$0x660 ss:$0x1], $0xffff;
	v2 =	vadd.f32 v20, v2  }
0x133: {  	v26 =	vld.idx.msk [tilespmem:v0+s13+$0x240 ss:$0x1], $0xffff;
	v3 =	vadd.f32 v21, v3  }
0x134: {  	v27 =	vld.idx.msk [tilespmem:v0+s16+$0x6E0 ss:$0x1], $0xffff;
	v2 =	vadd.f32 v22, v2  }
0x135: {  	v28 =	vld.idx.msk [tilespmem:v0+s13+$0x2C0 ss:$0x1], $0xffff;
	v3 =	vadd.f32 v23, v3  }
0x136: {  	v29 =	vld.idx.msk [tilespmem:v0+s16+$0x760 ss:$0x1], $0xffff;
	v2 =	vadd.f32 v24, v2  }
0x137: {  	v30 =	vld.idx.msk [tilespmem:v0+s13+$0x340 ss:$0x1], $0xffff;
	v3 =	vadd.f32 v25, v3  }
0x138: {  	v31 =	vld.idx.msk [tilespmem:v0+s16+$0x7E0 ss:$0x1], $0xffff;
	v2 =	vadd.f32 v26, v2  }
0x139: {  	v32 =	vld.idx.msk [tilespmem:v0+s13+$0x3C0 ss:$0x1], $0xffff;
	v3 =	vadd.f32 v27, v3  }
0x13a: {  	v51 =	vld.idx.msk [tilespmem:v0+s15+$0x400 ss:$0x1], $0xffff;
	v2 =	vadd.f32 v28, v2  }
0x13b: {  	v33 =	vld.idx.msk [tilespmem:v0+s13+$0x440 ss:$0x1], $0xffff;
	v3 =	vadd.f32 v29, v3  }
0x13c: {  	v52 =	vld.idx.msk [tilespmem:v0+s14+$0x500 ss:$0x1], $0xffff;
	v2 =	vadd.f32 v30, v2  }
0x13d: {  	v34 =	vld.idx.msk [tilespmem:v0+s13+$0x4C0 ss:$0x1], $0xffff;
	v3 =	vadd.f32 v31, v3  }
0x13e: {  	v53 =	vld.idx.msk [tilespmem:v0+s15+$0x480 ss:$0x1], $0xffff;
	v2 =	vadd.f32 v32, v2  }
0x13f: {  	[tilespmem:v1+s0+$0x60 ss:$0x1] =	vst.idx.msk $0xffff, v3;
	v3 =	vld.idx.msk [tilespmem:v0+s13+$0x540 ss:$0x1], $0xffff  }
0x140: {  	v54 =	vld.idx.msk [tilespmem:v0+s14+$0x580 ss:$0x1], $0xffff;
	v2 =	vadd.f32 v33, v2  }
0x141: {  	v35 =	vld.idx.msk [tilespmem:v0+s13+$0x5C0 ss:$0x1], $0xffff  }
0x142: {  	v55 =	vld.idx.msk [tilespmem:v0+s15+$0x500 ss:$0x1], $0xffff;
	v2 =	vadd.f32 v34, v2  }
0x143: {  	v36 =	vld.idx.msk [tilespmem:v0+s13+$0x640 ss:$0x1], $0xffff  }
0x144: {  	v56 =	vld.idx.msk [tilespmem:v0+s14+$0x600 ss:$0x1], $0xffff;
	v2 =	vadd.f32 v3, v2  }
0x145: {  	v3 =	vld.idx.msk [tilespmem:v0+s13+$0x6C0 ss:$0x1], $0xffff  }
0x146: {  	v57 =	vld.idx.msk [tilespmem:v0+s15+$0x580 ss:$0x1], $0xffff;
	v2 =	vadd.f32 v35, v2  }
0x147: {  	v37 =	vld.idx.msk [tilespmem:v0+s13+$0x740 ss:$0x1], $0xffff  }
0x148: {  	v58 =	vld.idx.msk [tilespmem:v0+s14+$0x680 ss:$0x1], $0xffff;
	v2 =	vadd.f32 v36, v2  }
0x149: {  	v14 =	vld.idx.msk [tilespmem:v0+s13+$0x7C0 ss:$0x1], $0xffff  }
0x14a: {  	v59 =	vld.idx.msk [tilespmem:v0+s15+$0x600 ss:$0x1], $0xffff;
	v2 =	vadd.f32 v3, v2  }
0x14b: {  	v61 =	vld.idx.msk [tilespmem:v0+s15+$0x680 ss:$0x1], $0xffff  }
0x14c: {  	v60 =	vld.idx.msk [tilespmem:v0+s14+$0x700 ss:$0x1], $0xffff;
	v2 =	vadd.f32 v37, v2  }
0x14d: {  	v63 =	vld.idx.msk [tilespmem:v0+s15+$0x700 ss:$0x1], $0xffff  }
0x14e: {  	v30 =	vld.idx.msk [tilespmem:v0+s14+$0x0 ss:$0x1], $0xffff;
	v14 =	vadd.f32 v14, v2  }
0x14f: {  	v31 =	vld.idx.msk [tilespmem:v0+s14+$0x80 ss:$0x1], $0xffff  }
0x150: {  	v32 =	vld.idx.msk [tilespmem:v0+s14+$0x100 ss:$0x1], $0xffff;
	[tilespmem:v1+s1+$0x40 ss:$0x1] =	vst.idx.msk $0xffff, v14  }
0x151: {  	v14 =	vld.idx.msk [tilespmem:v0+s13+$0x50 ss:$0x1], $0xffff  }
0x152: {  	v15 =	vld.idx.msk [tilespmem:v0+s13+$0xD0 ss:$0x1], $0xffff  }
0x153: {  	v33 =	vld.idx.msk [tilespmem:v0+s15+$0x0 ss:$0x1], $0xffff  }
0x154: {  	v16 =	vld.idx.msk [tilespmem:v0+s13+$0x150 ss:$0x1], $0xffff  }
0x155: {  	v34 =	vld.idx.msk [tilespmem:v0+s15+$0x80 ss:$0x1], $0xffff;
	v30 =	vadd.f32 v31, v30  }
0x156: {  	v17 =	vld.idx.msk [tilespmem:v0+s13+$0x1D0 ss:$0x1], $0xffff  }
0x157: {  	v62 =	vld.idx.msk [tilespmem:v0+s14+$0x780 ss:$0x1], $0xffff;
	v30 =	vadd.f32 v32, v30;
	v14 =	vadd.f32 v15, v14  }
0x158: {  	v18 =	vld.idx.msk [tilespmem:v0+s13+$0x250 ss:$0x1], $0xffff  }
0x159: {  	v11 =	vld.idx.msk [tilespmem:v0+s16+$0x70 ss:$0x1], $0xffff;
	v15 =	vadd.f32 v38, v30;
	v14 =	vadd.f32 v16, v14  }
0x15a: {  	v33 =	vadd.f32 v34, v33;
	v19 =	vld.idx.msk [tilespmem:v0+s13+$0x2D0 ss:$0x1], $0xffff  }
0x15b: {  	v13 =	vld.idx.msk [tilespmem:v0+s16+$0xF0 ss:$0x1], $0xffff;
	v15 =	vadd.f32 v40, v15;
	v14 =	vadd.f32 v17, v14  }
0x15c: {  	v31 =	vadd.f32 v39, v33;
	v20 =	vld.idx.msk [tilespmem:v0+s13+$0x350 ss:$0x1], $0xffff  }
0x15d: {  	v12 =	vld.idx.msk [tilespmem:v0+s16+$0x170 ss:$0x1], $0xffff;
	v15 =	vadd.f32 v42, v15;
	v14 =	vadd.f32 v18, v14  }
0x15e: {  	v31 =	vadd.f32 v41, v31;
	v21 =	vld.idx.msk [tilespmem:v0+s13+$0x3D0 ss:$0x1], $0xffff  }
0x15f: {  	v10 =	vld.idx.msk [tilespmem:v0+s16+$0x1F0 ss:$0x1], $0xffff;
	v15 =	vadd.f32 v44, v15;
	v14 =	vadd.f32 v19, v14  }
0x160: {  	v22 =	vld.idx.msk [tilespmem:v0+s13+$0x450 ss:$0x1], $0xffff;
	v30 =	vadd.f32 v43, v31  }
0x161: {  	v9 =	vld.idx.msk [tilespmem:v0+s16+$0x270 ss:$0x1], $0xffff;
	v15 =	vadd.f32 v46, v15;
	v14 =	vadd.f32 v20, v14  }
0x162: {  	v23 =	vld.idx.msk [tilespmem:v0+s13+$0x4D0 ss:$0x1], $0xffff;
	v16 =	vadd.f32 v45, v30  }
0x163: {  	v8 =	vld.idx.msk [tilespmem:v0+s16+$0x2F0 ss:$0x1], $0xffff;
	v15 =	vadd.f32 v48, v15;
	v14 =	vadd.f32 v21, v14  }
0x164: {  	v24 =	vld.idx.msk [tilespmem:v0+s13+$0x550 ss:$0x1], $0xffff;
	v16 =	vadd.f32 v47, v16  }
0x165: {  	v7 =	vld.idx.msk [tilespmem:v0+s16+$0x370 ss:$0x1], $0xffff;
	v15 =	vadd.f32 v50, v15;
	v14 =	vadd.f32 v22, v14  }
0x166: {  	v25 =	vld.idx.msk [tilespmem:v0+s13+$0x5D0 ss:$0x1], $0xffff;
	v16 =	vadd.f32 v49, v16  }
0x167: {  	v6 =	vld.idx.msk [tilespmem:v0+s16+$0x3F0 ss:$0x1], $0xffff;
	v15 =	vadd.f32 v52, v15;
	v14 =	vadd.f32 v23, v14  }
0x168: {  	v26 =	vld.idx.msk [tilespmem:v0+s13+$0x650 ss:$0x1], $0xffff;
	v16 =	vadd.f32 v51, v16  }
0x169: {  	v5 =	vld.idx.msk [tilespmem:v0+s16+$0x470 ss:$0x1], $0xffff;
	v15 =	vadd.f32 v54, v15;
	v14 =	vadd.f32 v24, v14  }
0x16a: {  	v27 =	vld.idx.msk [tilespmem:v0+s13+$0x6D0 ss:$0x1], $0xffff;
	v16 =	vadd.f32 v53, v16  }
0x16b: {  	v4 =	vld.idx.msk [tilespmem:v0+s16+$0x4F0 ss:$0x1], $0xffff;
	v15 =	vadd.f32 v56, v15;
	v14 =	vadd.f32 v25, v14  }
0x16c: {  	v28 =	vld.idx.msk [tilespmem:v0+s13+$0x750 ss:$0x1], $0xffff;
	v16 =	vadd.f32 v55, v16  }
0x16d: {  	v3 =	vld.idx.msk [tilespmem:v0+s16+$0x570 ss:$0x1], $0xffff;
	v15 =	vadd.f32 v58, v15;
	v14 =	vadd.f32 v26, v14  }
0x16e: {  	v2 =	vld.idx.msk [tilespmem:v0+s16+$0x5F0 ss:$0x1], $0xffff;
	v16 =	vadd.f32 v57, v16  }
0x16f: {  	v29 =	vld.idx.msk [tilespmem:v0+s13+$0x7D0 ss:$0x1], $0xffff;
	v22 =	vadd.f32 v60, v15;
	v14 =	vadd.f32 v27, v14  }
0x170: {  	v17 =	vld.idx.msk [tilespmem:v0+s16+$0x670 ss:$0x1], $0xffff;
	v20 =	vadd.f32 v59, v16  }
0x171: {  	s18 =	sshll.u32 s18, $0x7;
	v30 =	vadd.f32 v62, v22;
	v14 =	vadd.f32 v28, v14;
	v28 =	vld.idx.msk [tilespmem:v0+s15+$0x780 ss:$0x1], $0xffff  }
0x172: {  	s18 =	sand.u32 $0x3FFFFF80, s18;
	v16 =	vld.idx.msk [tilespmem:v0+s16+$0x6F0 ss:$0x1], $0xffff;
	v18 =	vadd.f32 v61, v20  }
0x173: {  	v15 =	vld.idx.msk [tilespmem:v0+s16+$0x770 ss:$0x1], $0xffff;
	[tilespmem:v1+s18+$0x0 ss:$0x1] =	vst.idx.msk $0xffff, v30  }
0x174: {  	v19 =	vadd.f32 v63, v18;
	v20 =	vld.idx.msk [tilespmem:v0+s14+$0x10 ss:$0x1], $0xffff  }
0x175: {  	v31 =	vld.idx.msk [tilespmem:v0+s14+$0x90 ss:$0x1], $0xffff  }
0x176: {  	s17 =	sshll.u32 s17, $0x7;
	v32 =	vld.idx.msk [tilespmem:v0+s14+$0x110 ss:$0x1], $0xffff;
	v19 =	vadd.f32 v28, v19  }
0x177: {  	s17 =	sand.u32 $0x3FFFFF80, s17;
	v34 =	vld.idx.msk [tilespmem:v0+s14+$0x190 ss:$0x1], $0xffff  }
0x178: {  	v36 =	vld.idx.msk [tilespmem:v0+s14+$0x210 ss:$0x1], $0xffff;
	[tilespmem:v1+s17+$0x0 ss:$0x1] =	vst.idx.msk $0xffff, v19  }
0x179: {  	v19 =	vld.idx.msk [tilespmem:v0+s15+$0x10 ss:$0x1], $0xffff  }
0x17a: {  	v33 =	vld.idx.msk [tilespmem:v0+s15+$0x90 ss:$0x1], $0xffff  }
0x17b: {  	v38 =	vld.idx.msk [tilespmem:v0+s14+$0x290 ss:$0x1], $0xffff  }
0x17c: {  	v20 =	vadd.f32 v31, v20;
	v35 =	vld.idx.msk [tilespmem:v0+s15+$0x110 ss:$0x1], $0xffff  }
0x17d: {  	v40 =	vld.idx.msk [tilespmem:v0+s14+$0x310 ss:$0x1], $0xffff  }
0x17e: {  	v20 =	vadd.f32 v32, v20;
	v37 =	vld.idx.msk [tilespmem:v0+s15+$0x190 ss:$0x1], $0xffff  }
0x17f: {  	v42 =	vld.idx.msk [tilespmem:v0+s14+$0x390 ss:$0x1], $0xffff;
	v19 =	vadd.f32 v33, v19  }
0x180: {  	v39 =	vld.idx.msk [tilespmem:v0+s15+$0x210 ss:$0x1], $0xffff;
	v20 =	vadd.f32 v34, v20  }
0x181: {  	v44 =	vld.idx.msk [tilespmem:v0+s14+$0x410 ss:$0x1], $0xffff;
	v19 =	vadd.f32 v35, v19  }
0x182: {  	v41 =	vld.idx.msk [tilespmem:v0+s15+$0x290 ss:$0x1], $0xffff;
	v20 =	vadd.f32 v36, v20  }
0x183: {  	v46 =	vld.idx.msk [tilespmem:v0+s14+$0x490 ss:$0x1], $0xffff;
	v19 =	vadd.f32 v37, v19  }
0x184: {  	v43 =	vld.idx.msk [tilespmem:v0+s15+$0x310 ss:$0x1], $0xffff;
	v20 =	vadd.f32 v38, v20  }
0x185: {  	v48 =	vld.idx.msk [tilespmem:v0+s14+$0x510 ss:$0x1], $0xffff;
	v19 =	vadd.f32 v39, v19  }
0x186: {  	v45 =	vld.idx.msk [tilespmem:v0+s15+$0x390 ss:$0x1], $0xffff;
	v20 =	vadd.f32 v40, v20  }
0x187: {  	v50 =	vld.idx.msk [tilespmem:v0+s14+$0x590 ss:$0x1], $0xffff;
	v19 =	vadd.f32 v41, v19  }
0x188: {  	v47 =	vld.idx.msk [tilespmem:v0+s15+$0x410 ss:$0x1], $0xffff;
	v20 =	vadd.f32 v42, v20  }
0x189: {  	v52 =	vld.idx.msk [tilespmem:v0+s14+$0x610 ss:$0x1], $0xffff;
	v19 =	vadd.f32 v43, v19  }
0x18a: {  	v49 =	vld.idx.msk [tilespmem:v0+s15+$0x490 ss:$0x1], $0xffff;
	v20 =	vadd.f32 v44, v20  }
0x18b: {  	v54 =	vld.idx.msk [tilespmem:v0+s14+$0x690 ss:$0x1], $0xffff;
	v19 =	vadd.f32 v45, v19  }
0x18c: {  	v51 =	vld.idx.msk [tilespmem:v0+s15+$0x510 ss:$0x1], $0xffff;
	v20 =	vadd.f32 v46, v20  }
0x18d: {  	v56 =	vld.idx.msk [tilespmem:v0+s14+$0x710 ss:$0x1], $0xffff;
	v19 =	vadd.f32 v47, v19  }
0x18e: {  	v53 =	vld.idx.msk [tilespmem:v0+s15+$0x590 ss:$0x1], $0xffff;
	v20 =	vadd.f32 v48, v20  }
0x18f: {  	v58 =	vld.idx.msk [tilespmem:v0+s14+$0x790 ss:$0x1], $0xffff;
	v19 =	vadd.f32 v49, v19  }
0x190: {  	v29 =	vadd.f32 v29, v14;
	v55 =	vld.idx.msk [tilespmem:v0+s15+$0x610 ss:$0x1], $0xffff;
	v20 =	vadd.f32 v50, v20  }
0x191: {  	v14 =	vld.idx.msk [tilespmem:v0+s16+$0x7F0 ss:$0x1], $0xffff;
	v19 =	vadd.f32 v51, v19  }
0x192: {  	[tilespmem:v1+s1+$0x50 ss:$0x1] =	vst.idx.msk $0xffff, v29;
	v57 =	vld.idx.msk [tilespmem:v0+s15+$0x690 ss:$0x1], $0xffff;
	v20 =	vadd.f32 v52, v20  }
0x193: {  	v18 =	vld.idx.msk [tilespmem:v0+s13+$0x60 ss:$0x1], $0xffff;
	v19 =	vadd.f32 v53, v19  }
0x194: {  	v59 =	vld.idx.msk [tilespmem:v0+s15+$0x710 ss:$0x1], $0xffff;
	v20 =	vadd.f32 v54, v20  }
0x195: {  	v22 =	vld.idx.msk [tilespmem:v0+s13+$0xE0 ss:$0x1], $0xffff;
	v19 =	vadd.f32 v55, v19  }
0x196: {  	v60 =	vld.idx.msk [tilespmem:v0+s15+$0x790 ss:$0x1], $0xffff;
	v20 =	vadd.f32 v56, v20  }
0x197: {  	v23 =	vld.idx.msk [tilespmem:v0+s13+$0x160 ss:$0x1], $0xffff;
	v19 =	vadd.f32 v57, v19  }
0x198: {  	v21 =	vld.idx.msk [tilespmem:v0+s13+$0x1E0 ss:$0x1], $0xffff;
	v61 =	vadd.f32 v58, v20  }
0x199: {  	v30 =	vld.idx.msk [tilespmem:v0+s13+$0x360 ss:$0x1], $0xffff;
	v25 =	vadd.f32 v59, v19  }
0x19a: {  	v28 =	vld.idx.msk [tilespmem:v0+s13+$0x460 ss:$0x1], $0xffff;
	[tilespmem:v1+s18+$0x10 ss:$0x1] =	vst.idx.msk $0xffff, v61  }
0x19b: {  	v24 =	vld.idx.msk [tilespmem:v0+s14+$0x20 ss:$0x1], $0xffff;
	v25 =	vadd.f32 v60, v25  }
0x19c: {  	v62 =	vld.idx.msk [tilespmem:v0+s14+$0xA0 ss:$0x1], $0xffff  }
0x19d: {  	v63 =	vld.idx.msk [tilespmem:v0+s14+$0x120 ss:$0x1], $0xffff;
	[tilespmem:v1+s17+$0x10 ss:$0x1] =	vst.idx.msk $0xffff, v25  }
0x19e: {  	v25 =	vld.idx.msk [tilespmem:v0+s15+$0x20 ss:$0x1], $0xffff  }
0x19f: {  	v33 =	vld.idx.msk [tilespmem:v0+s15+$0xA0 ss:$0x1], $0xffff  }
0x1a0: {  	v34 =	vld.idx.msk [tilespmem:v0+s14+$0x1A0 ss:$0x1], $0xffff  }
0x1a1: {  	v24 =	vadd.f32 v62, v24;
	v35 =	vld.idx.msk [tilespmem:v0+s15+$0x120 ss:$0x1], $0xffff  }
0x1a2: {  	v36 =	vld.idx.msk [tilespmem:v0+s14+$0x220 ss:$0x1], $0xffff  }
0x1a3: {  	v24 =	vadd.f32 v63, v24;
	v37 =	vld.idx.msk [tilespmem:v0+s15+$0x1A0 ss:$0x1], $0xffff  }
0x1a4: {  	v38 =	vld.idx.msk [tilespmem:v0+s14+$0x2A0 ss:$0x1], $0xffff;
	v25 =	vadd.f32 v33, v25  }
0x1a5: {  	v39 =	vld.idx.msk [tilespmem:v0+s15+$0x220 ss:$0x1], $0xffff;
	v24 =	vadd.f32 v34, v24  }
0x1a6: {  	v40 =	vld.idx.msk [tilespmem:v0+s14+$0x320 ss:$0x1], $0xffff;
	v25 =	vadd.f32 v35, v25  }
0x1a7: {  	v41 =	vld.idx.msk [tilespmem:v0+s15+$0x2A0 ss:$0x1], $0xffff;
	v24 =	vadd.f32 v36, v24  }
0x1a8: {  	v42 =	vld.idx.msk [tilespmem:v0+s14+$0x3A0 ss:$0x1], $0xffff;
	v25 =	vadd.f32 v37, v25  }
0x1a9: {  	v43 =	vld.idx.msk [tilespmem:v0+s15+$0x320 ss:$0x1], $0xffff;
	v24 =	vadd.f32 v38, v24  }
0x1aa: {  	v44 =	vld.idx.msk [tilespmem:v0+s14+$0x420 ss:$0x1], $0xffff;
	v25 =	vadd.f32 v39, v25  }
0x1ab: {  	v45 =	vld.idx.msk [tilespmem:v0+s15+$0x3A0 ss:$0x1], $0xffff;
	v24 =	vadd.f32 v40, v24  }
0x1ac: {  	v46 =	vld.idx.msk [tilespmem:v0+s14+$0x4A0 ss:$0x1], $0xffff;
	v25 =	vadd.f32 v41, v25  }
0x1ad: {  	v47 =	vld.idx.msk [tilespmem:v0+s15+$0x420 ss:$0x1], $0xffff;
	v24 =	vadd.f32 v42, v24  }
0x1ae: {  	v48 =	vld.idx.msk [tilespmem:v0+s14+$0x520 ss:$0x1], $0xffff;
	v25 =	vadd.f32 v43, v25  }
0x1af: {  	v49 =	vld.idx.msk [tilespmem:v0+s15+$0x4A0 ss:$0x1], $0xffff;
	v24 =	vadd.f32 v44, v24  }
0x1b0: {  	v50 =	vld.idx.msk [tilespmem:v0+s14+$0x5A0 ss:$0x1], $0xffff;
	v25 =	vadd.f32 v45, v25  }
0x1b1: {  	v51 =	vld.idx.msk [tilespmem:v0+s15+$0x520 ss:$0x1], $0xffff;
	v24 =	vadd.f32 v46, v24  }
0x1b2: {  	v52 =	vld.idx.msk [tilespmem:v0+s14+$0x620 ss:$0x1], $0xffff;
	v25 =	vadd.f32 v47, v25  }
0x1b3: {  	v53 =	vld.idx.msk [tilespmem:v0+s15+$0x5A0 ss:$0x1], $0xffff;
	v24 =	vadd.f32 v48, v24  }
0x1b4: {  	v54 =	vld.idx.msk [tilespmem:v0+s14+$0x6A0 ss:$0x1], $0xffff;
	v25 =	vadd.f32 v49, v25  }
0x1b5: {  	v55 =	vld.idx.msk [tilespmem:v0+s15+$0x620 ss:$0x1], $0xffff;
	v24 =	vadd.f32 v50, v24  }
0x1b6: {  	v56 =	vld.idx.msk [tilespmem:v0+s14+$0x720 ss:$0x1], $0xffff;
	v25 =	vadd.f32 v51, v25  }
0x1b7: {  	v57 =	vld.idx.msk [tilespmem:v0+s15+$0x6A0 ss:$0x1], $0xffff;
	v24 =	vadd.f32 v52, v24  }
0x1b8: {  	v58 =	vld.idx.msk [tilespmem:v0+s14+$0x7A0 ss:$0x1], $0xffff;
	v25 =	vadd.f32 v53, v25  }
0x1b9: {  	v59 =	vld.idx.msk [tilespmem:v0+s15+$0x720 ss:$0x1], $0xffff;
	v24 =	vadd.f32 v54, v24  }
0x1ba: {  	v29 =	vld.idx.msk [tilespmem:v0+s13+$0x4E0 ss:$0x1], $0xffff;
	v25 =	vadd.f32 v55, v25  }
0x1bb: {  	v60 =	vld.idx.msk [tilespmem:v0+s15+$0x7A0 ss:$0x1], $0xffff;
	v24 =	vadd.f32 v56, v24  }
0x1bc: {  	v26 =	vld.idx.msk [tilespmem:v0+s13+$0x560 ss:$0x1], $0xffff;
	v25 =	vadd.f32 v57, v25  }
0x1bd: {  	v27 =	vld.idx.msk [tilespmem:v0+s13+$0x7E0 ss:$0x1], $0xffff;
	v24 =	vadd.f32 v58, v24  }
0x1be: {  	v31 =	vld.idx.msk [tilespmem:v0+s13+$0x3E0 ss:$0x1], $0xffff;
	v25 =	vadd.f32 v59, v25  }
0x1bf: {  	v20 =	vld.idx.msk [tilespmem:v0+s13+$0x260 ss:$0x1], $0xffff;
	[tilespmem:v1+s18+$0x20 ss:$0x1] =	vst.idx.msk $0xffff, v24  }
0x1c0: {  	v24 =	vld.idx.msk [tilespmem:v0+s14+$0x30 ss:$0x1], $0xffff;
	v25 =	vadd.f32 v60, v25  }
0x1c1: {  	v61 =	vld.idx.msk [tilespmem:v0+s14+$0xB0 ss:$0x1], $0xffff  }
0x1c2: {  	v62 =	vld.idx.msk [tilespmem:v0+s14+$0x130 ss:$0x1], $0xffff;
	[tilespmem:v1+s17+$0x20 ss:$0x1] =	vst.idx.msk $0xffff, v25  }
0x1c3: {  	v25 =	vld.idx.msk [tilespmem:v0+s15+$0x30 ss:$0x1], $0xffff  }
0x1c4: {  	v63 =	vld.idx.msk [tilespmem:v0+s15+$0xB0 ss:$0x1], $0xffff  }
0x1c5: {  	v40 =	vld.idx.msk [tilespmem:v0+s14+$0x1B0 ss:$0x1], $0xffff  }
0x1c6: {  	v24 =	vadd.f32 v61, v24;
	v41 =	vld.idx.msk [tilespmem:v0+s15+$0x130 ss:$0x1], $0xffff  }
0x1c7: {  	v35 =	vld.idx.msk [tilespmem:v0+s14+$0x230 ss:$0x1], $0xffff  }
0x1c8: {  	v24 =	vadd.f32 v62, v24;
	v42 =	vld.idx.msk [tilespmem:v0+s15+$0x1B0 ss:$0x1], $0xffff  }
0x1c9: {  	v36 =	vld.idx.msk [tilespmem:v0+s14+$0x2B0 ss:$0x1], $0xffff;
	v25 =	vadd.f32 v63, v25  }
0x1ca: {  	v43 =	vld.idx.msk [tilespmem:v0+s15+$0x230 ss:$0x1], $0xffff;
	v24 =	vadd.f32 v40, v24  }
0x1cb: {  	v44 =	vld.idx.msk [tilespmem:v0+s14+$0x330 ss:$0x1], $0xffff;
	v25 =	vadd.f32 v41, v25  }
0x1cc: {  	v45 =	vld.idx.msk [tilespmem:v0+s15+$0x2B0 ss:$0x1], $0xffff;
	v24 =	vadd.f32 v35, v24  }
0x1cd: {  	v46 =	vld.idx.msk [tilespmem:v0+s14+$0x3B0 ss:$0x1], $0xffff;
	v25 =	vadd.f32 v42, v25  }
0x1ce: {  	v47 =	vld.idx.msk [tilespmem:v0+s15+$0x330 ss:$0x1], $0xffff;
	v24 =	vadd.f32 v36, v24  }
0x1cf: {  	v48 =	vld.idx.msk [tilespmem:v0+s14+$0x430 ss:$0x1], $0xffff;
	v25 =	vadd.f32 v43, v25  }
0x1d0: {  	v49 =	vld.idx.msk [tilespmem:v0+s15+$0x3B0 ss:$0x1], $0xffff;
	v24 =	vadd.f32 v44, v24  }
0x1d1: {  	v50 =	vld.idx.msk [tilespmem:v0+s14+$0x4B0 ss:$0x1], $0xffff;
	v25 =	vadd.f32 v45, v25  }
0x1d2: {  	v51 =	vld.idx.msk [tilespmem:v0+s15+$0x430 ss:$0x1], $0xffff;
	v24 =	vadd.f32 v46, v24  }
0x1d3: {  	v52 =	vld.idx.msk [tilespmem:v0+s14+$0x530 ss:$0x1], $0xffff;
	v25 =	vadd.f32 v47, v25  }
0x1d4: {  	v53 =	vld.idx.msk [tilespmem:v0+s15+$0x4B0 ss:$0x1], $0xffff;
	v24 =	vadd.f32 v48, v24  }
0x1d5: {  	v54 =	vld.idx.msk [tilespmem:v0+s14+$0x5B0 ss:$0x1], $0xffff;
	v25 =	vadd.f32 v49, v25  }
0x1d6: {  	v55 =	vld.idx.msk [tilespmem:v0+s15+$0x530 ss:$0x1], $0xffff;
	v24 =	vadd.f32 v50, v24  }
0x1d7: {  	v56 =	vld.idx.msk [tilespmem:v0+s14+$0x630 ss:$0x1], $0xffff;
	v25 =	vadd.f32 v51, v25  }
0x1d8: {  	v57 =	vld.idx.msk [tilespmem:v0+s15+$0x5B0 ss:$0x1], $0xffff;
	v24 =	vadd.f32 v52, v24  }
0x1d9: {  	v58 =	vld.idx.msk [tilespmem:v0+s14+$0x6B0 ss:$0x1], $0xffff;
	v25 =	vadd.f32 v53, v25  }
0x1da: {  	v59 =	vld.idx.msk [tilespmem:v0+s15+$0x630 ss:$0x1], $0xffff;
	v24 =	vadd.f32 v54, v24  }
0x1db: {  	v60 =	vld.idx.msk [tilespmem:v0+s14+$0x730 ss:$0x1], $0xffff;
	v25 =	vadd.f32 v55, v25  }
0x1dc: {  	v61 =	vld.idx.msk [tilespmem:v0+s15+$0x6B0 ss:$0x1], $0xffff;
	v24 =	vadd.f32 v56, v24  }
0x1dd: {  	v62 =	vld.idx.msk [tilespmem:v0+s14+$0x7B0 ss:$0x1], $0xffff;
	v25 =	vadd.f32 v57, v25  }
0x1de: {  	v63 =	vld.idx.msk [tilespmem:v0+s15+$0x730 ss:$0x1], $0xffff;
	v24 =	vadd.f32 v58, v24  }
0x1df: {  	v19 =	vld.idx.msk [tilespmem:v0+s13+$0x2E0 ss:$0x1], $0xffff;
	v25 =	vadd.f32 v59, v25  }
0x1e0: {  	v41 =	vld.idx.msk [tilespmem:v0+s15+$0x7B0 ss:$0x1], $0xffff;
	v24 =	vadd.f32 v60, v24  }
0x1e1: {  	v34 =	vld.idx.msk [tilespmem:v0+s13+$0x760 ss:$0x1], $0xffff;
	v25 =	vadd.f32 v61, v25  }
0x1e2: {  	v40 =	vld.idx.msk [tilespmem:v0+s13+$0x5E0 ss:$0x1], $0xffff;
	v24 =	vadd.f32 v62, v24  }
0x1e3: {  	v42 =	vld.idx.msk [tilespmem:v0+s13+$0x660 ss:$0x1], $0xffff;
	v25 =	vadd.f32 v63, v25  }
0x1e4: {  	v43 =	vld.idx.msk [tilespmem:v0+s13+$0x6E0 ss:$0x1], $0xffff;
	[tilespmem:v1+s18+$0x30 ss:$0x1] =	vst.idx.msk $0xffff, v24  }
0x1e5: {  	v18 =	vadd.f32 v22, v18;
	v44 =	vld.idx.msk [tilespmem:v0+s14+$0x40 ss:$0x1], $0xffff;
	v45 =	vadd.f32 v41, v25  }
0x1e6: {  	v46 =	vld.idx.msk [tilespmem:v0+s14+$0xC0 ss:$0x1], $0xffff  }
0x1e7: {  	v18 =	vadd.f32 v23, v18;
	v47 =	vld.idx.msk [tilespmem:v0+s14+$0x140 ss:$0x1], $0xffff;
	[tilespmem:v1+s17+$0x30 ss:$0x1] =	vst.idx.msk $0xffff, v45  }
0x1e8: {  	v24 =	vld.idx.msk [tilespmem:v0+s15+$0x40 ss:$0x1], $0xffff  }
0x1e9: {  	v18 =	vadd.f32 v21, v18;
	v48 =	vld.idx.msk [tilespmem:v0+s15+$0xC0 ss:$0x1], $0xffff  }
0x1ea: {  	v49 =	vld.idx.msk [tilespmem:v0+s14+$0x1C0 ss:$0x1], $0xffff  }
0x1eb: {  	v18 =	vadd.f32 v20, v18;
	v50 =	vadd.f32 v46, v44;
	v51 =	vld.idx.msk [tilespmem:v0+s15+$0x140 ss:$0x1], $0xffff  }
0x1ec: {  	v52 =	vld.idx.msk [tilespmem:v0+s14+$0x240 ss:$0x1], $0xffff  }
0x1ed: {  	v18 =	vadd.f32 v19, v18;
	v53 =	vadd.f32 v47, v50;
	v54 =	vld.idx.msk [tilespmem:v0+s15+$0x1C0 ss:$0x1], $0xffff  }
0x1ee: {  	v55 =	vld.idx.msk [tilespmem:v0+s14+$0x2C0 ss:$0x1], $0xffff;
	v21 =	vadd.f32 v48, v24  }
0x1ef: {  	v18 =	vadd.f32 v30, v18;
	v56 =	vld.idx.msk [tilespmem:v0+s15+$0x240 ss:$0x1], $0xffff;
	v19 =	vadd.f32 v49, v53  }
0x1f0: {  	v57 =	vld.idx.msk [tilespmem:v0+s14+$0x340 ss:$0x1], $0xffff;
	v21 =	vadd.f32 v51, v21  }
0x1f1: {  	v18 =	vadd.f32 v31, v18;
	v58 =	vld.idx.msk [tilespmem:v0+s15+$0x2C0 ss:$0x1], $0xffff;
	v19 =	vadd.f32 v52, v19  }
0x1f2: {  	v59 =	vld.idx.msk [tilespmem:v0+s14+$0x3C0 ss:$0x1], $0xffff;
	v20 =	vadd.f32 v54, v21  }
0x1f3: {  	v18 =	vadd.f32 v28, v18;
	v60 =	vld.idx.msk [tilespmem:v0+s15+$0x340 ss:$0x1], $0xffff;
	v19 =	vadd.f32 v55, v19  }
0x1f4: {  	v61 =	vld.idx.msk [tilespmem:v0+s14+$0x440 ss:$0x1], $0xffff;
	v20 =	vadd.f32 v56, v20  }
0x1f5: {  	v18 =	vadd.f32 v29, v18;
	v62 =	vld.idx.msk [tilespmem:v0+s15+$0x3C0 ss:$0x1], $0xffff;
	v19 =	vadd.f32 v57, v19  }
0x1f6: {  	v63 =	vld.idx.msk [tilespmem:v0+s14+$0x4C0 ss:$0x1], $0xffff;
	v20 =	vadd.f32 v58, v20  }
0x1f7: {  	v18 =	vadd.f32 v26, v18;
	v32 =	vld.idx.msk [tilespmem:v0+s15+$0x440 ss:$0x1], $0xffff;
	v19 =	vadd.f32 v59, v19  }
0x1f8: {  	v37 =	vld.idx.msk [tilespmem:v0+s14+$0x540 ss:$0x1], $0xffff;
	v20 =	vadd.f32 v60, v20  }
0x1f9: {  	v18 =	vadd.f32 v40, v18;
	v38 =	vld.idx.msk [tilespmem:v0+s15+$0x4C0 ss:$0x1], $0xffff;
	v19 =	vadd.f32 v61, v19  }
0x1fa: {  	v39 =	vld.idx.msk [tilespmem:v0+s14+$0x5C0 ss:$0x1], $0xffff;
	v20 =	vadd.f32 v62, v20  }
0x1fb: {  	v18 =	vadd.f32 v42, v18;
	v40 =	vld.idx.msk [tilespmem:v0+s15+$0x540 ss:$0x1], $0xffff;
	v19 =	vadd.f32 v63, v19  }
0x1fc: {  	v41 =	vld.idx.msk [tilespmem:v0+s14+$0x640 ss:$0x1], $0xffff;
	v20 =	vadd.f32 v32, v20  }
0x1fd: {  	v18 =	vadd.f32 v43, v18;
	v42 =	vld.idx.msk [tilespmem:v0+s15+$0x5C0 ss:$0x1], $0xffff;
	v19 =	vadd.f32 v37, v19  }
0x1fe: {  	v43 =	vld.idx.msk [tilespmem:v0+s14+$0x6C0 ss:$0x1], $0xffff;
	v20 =	vadd.f32 v38, v20  }
0x1ff: {  	v18 =	vadd.f32 v34, v18;
	v44 =	vld.idx.msk [tilespmem:v0+s15+$0x640 ss:$0x1], $0xffff;
	v19 =	vadd.f32 v39, v19  }
0x200: {  	v45 =	vld.idx.msk [tilespmem:v0+s14+$0x740 ss:$0x1], $0xffff;
	v20 =	vadd.f32 v40, v20  }
0x201: {  	v18 =	vadd.f32 v27, v18;
	v46 =	vld.idx.msk [tilespmem:v0+s15+$0x6C0 ss:$0x1], $0xffff;
	v19 =	vadd.f32 v41, v19  }
0x202: {  	v47 =	vld.idx.msk [tilespmem:v0+s14+$0x7C0 ss:$0x1], $0xffff;
	v22 =	vadd.f32 v42, v20  }
0x203: {  	[tilespmem:v1+s1+$0x60 ss:$0x1] =	vst.idx.msk $0xffff, v18;
	v49 =	vld.idx.msk [tilespmem:v0+s15+$0x740 ss:$0x1], $0xffff;
	v48 =	vadd.f32 v43, v19  }
0x204: {  	v29 =	vld.idx.msk [tilespmem:v0+s13+$0x2F0 ss:$0x1], $0xffff;
	v50 =	vadd.f32 v44, v22  }
0x205: {  	v51 =	vld.idx.msk [tilespmem:v0+s15+$0x7C0 ss:$0x1], $0xffff;
	v18 =	vadd.f32 v45, v48  }
0x206: {  	v30 =	vld.idx.msk [tilespmem:v0+s13+$0x370 ss:$0x1], $0xffff;
	v24 =	vadd.f32 v46, v50  }
0x207: {  	v27 =	vld.idx.msk [tilespmem:v0+s13+$0x3F0 ss:$0x1], $0xffff;
	v26 =	vadd.f32 v47, v18  }
0x208: {  	v28 =	vld.idx.msk [tilespmem:v0+s13+$0x470 ss:$0x1], $0xffff;
	v24 =	vadd.f32 v49, v24  }
0x209: {  	v31 =	vld.idx.msk [tilespmem:v0+s13+$0x670 ss:$0x1], $0xffff;
	[tilespmem:v1+s18+$0x40 ss:$0x1] =	vst.idx.msk $0xffff, v26  }
0x20a: {  	v52 =	vld.idx.msk [tilespmem:v0+s14+$0x50 ss:$0x1], $0xffff;
	v23 =	vadd.f32 v51, v24  }
0x20b: {  	v53 =	vld.idx.msk [tilespmem:v0+s14+$0xD0 ss:$0x1], $0xffff  }
0x20c: {  	v26 =	vld.idx.msk [tilespmem:v0+s14+$0x150 ss:$0x1], $0xffff;
	[tilespmem:v1+s17+$0x40 ss:$0x1] =	vst.idx.msk $0xffff, v23  }
0x20d: {  	v23 =	vld.idx.msk [tilespmem:v0+s15+$0x50 ss:$0x1], $0xffff  }
0x20e: {  	v54 =	vld.idx.msk [tilespmem:v0+s15+$0xD0 ss:$0x1], $0xffff  }
0x20f: {  	v55 =	vld.idx.msk [tilespmem:v0+s14+$0x1D0 ss:$0x1], $0xffff  }
0x210: {  	v24 =	vadd.f32 v53, v52;
	v56 =	vld.idx.msk [tilespmem:v0+s15+$0x150 ss:$0x1], $0xffff  }
0x211: {  	v57 =	vld.idx.msk [tilespmem:v0+s14+$0x250 ss:$0x1], $0xffff  }
0x212: {  	v24 =	vadd.f32 v26, v24;
	v58 =	vld.idx.msk [tilespmem:v0+s15+$0x1D0 ss:$0x1], $0xffff  }
0x213: {  	v59 =	vld.idx.msk [tilespmem:v0+s14+$0x2D0 ss:$0x1], $0xffff;
	v23 =	vadd.f32 v54, v23  }
0x214: {  	v60 =	vld.idx.msk [tilespmem:v0+s15+$0x250 ss:$0x1], $0xffff;
	v24 =	vadd.f32 v55, v24  }
0x215: {  	v61 =	vld.idx.msk [tilespmem:v0+s14+$0x350 ss:$0x1], $0xffff;
	v23 =	vadd.f32 v56, v23  }
0x216: {  	v62 =	vld.idx.msk [tilespmem:v0+s15+$0x2D0 ss:$0x1], $0xffff;
	v24 =	vadd.f32 v57, v24  }
0x217: {  	v63 =	vld.idx.msk [tilespmem:v0+s14+$0x3D0 ss:$0x1], $0xffff;
	v23 =	vadd.f32 v58, v23  }
0x218: {  	v33 =	vld.idx.msk [tilespmem:v0+s15+$0x350 ss:$0x1], $0xffff;
	v24 =	vadd.f32 v59, v24  }
0x219: {  	v34 =	vld.idx.msk [tilespmem:v0+s14+$0x450 ss:$0x1], $0xffff;
	v23 =	vadd.f32 v60, v23  }
0x21a: {  	v35 =	vld.idx.msk [tilespmem:v0+s15+$0x3D0 ss:$0x1], $0xffff;
	v24 =	vadd.f32 v61, v24  }
0x21b: {  	v36 =	vld.idx.msk [tilespmem:v0+s14+$0x4D0 ss:$0x1], $0xffff;
	v23 =	vadd.f32 v62, v23  }
0x21c: {  	v37 =	vld.idx.msk [tilespmem:v0+s15+$0x450 ss:$0x1], $0xffff;
	v24 =	vadd.f32 v63, v24  }
0x21d: {  	v38 =	vld.idx.msk [tilespmem:v0+s14+$0x550 ss:$0x1], $0xffff;
	v23 =	vadd.f32 v33, v23  }
0x21e: {  	v39 =	vld.idx.msk [tilespmem:v0+s15+$0x4D0 ss:$0x1], $0xffff;
	v24 =	vadd.f32 v34, v24  }
0x21f: {  	v40 =	vld.idx.msk [tilespmem:v0+s14+$0x5D0 ss:$0x1], $0xffff;
	v23 =	vadd.f32 v35, v23  }
0x220: {  	v41 =	vld.idx.msk [tilespmem:v0+s15+$0x550 ss:$0x1], $0xffff;
	v24 =	vadd.f32 v36, v24  }
0x221: {  	v42 =	vld.idx.msk [tilespmem:v0+s14+$0x650 ss:$0x1], $0xffff;
	v23 =	vadd.f32 v37, v23  }
0x222: {  	v43 =	vld.idx.msk [tilespmem:v0+s15+$0x5D0 ss:$0x1], $0xffff;
	v24 =	vadd.f32 v38, v24  }
0x223: {  	v44 =	vld.idx.msk [tilespmem:v0+s14+$0x6D0 ss:$0x1], $0xffff;
	v23 =	vadd.f32 v39, v23  }
0x224: {  	v45 =	vld.idx.msk [tilespmem:v0+s15+$0x650 ss:$0x1], $0xffff;
	v24 =	vadd.f32 v40, v24  }
0x225: {  	v46 =	vld.idx.msk [tilespmem:v0+s14+$0x750 ss:$0x1], $0xffff;
	v23 =	vadd.f32 v41, v23  }
0x226: {  	v47 =	vld.idx.msk [tilespmem:v0+s15+$0x6D0 ss:$0x1], $0xffff;
	v24 =	vadd.f32 v42, v24  }
0x227: {  	v48 =	vld.idx.msk [tilespmem:v0+s14+$0x7D0 ss:$0x1], $0xffff;
	v23 =	vadd.f32 v43, v23  }
0x228: {  	v49 =	vld.idx.msk [tilespmem:v0+s15+$0x750 ss:$0x1], $0xffff;
	v24 =	vadd.f32 v44, v24  }
0x229: {  	v25 =	vld.idx.msk [tilespmem:v0+s13+$0x4F0 ss:$0x1], $0xffff;
	v23 =	vadd.f32 v45, v23  }
0x22a: {  	v50 =	vld.idx.msk [tilespmem:v0+s15+$0x7D0 ss:$0x1], $0xffff;
	v24 =	vadd.f32 v46, v24  }
0x22b: {  	v21 =	vld.idx.msk [tilespmem:v0+s13+$0x170 ss:$0x1], $0xffff;
	v23 =	vadd.f32 v47, v23  }
0x22c: {  	v32 =	vld.idx.msk [tilespmem:v0+s13+$0x6F0 ss:$0x1], $0xffff;
	v24 =	vadd.f32 v48, v24  }
0x22d: {  	v19 =	vld.idx.msk [tilespmem:v0+s13+$0x1F0 ss:$0x1], $0xffff;
	v23 =	vadd.f32 v49, v23  }
0x22e: {  	v20 =	vld.idx.msk [tilespmem:v0+s13+$0x70 ss:$0x1], $0xffff;
	[tilespmem:v1+s18+$0x50 ss:$0x1] =	vst.idx.msk $0xffff, v24  }
0x22f: {  	v24 =	vld.idx.msk [tilespmem:v0+s14+$0x60 ss:$0x1], $0xffff;
	v23 =	vadd.f32 v50, v23  }
0x230: {  	v51 =	vld.idx.msk [tilespmem:v0+s14+$0xE0 ss:$0x1], $0xffff  }
0x231: {  	v52 =	vld.idx.msk [tilespmem:v0+s14+$0x160 ss:$0x1], $0xffff;
	[tilespmem:v1+s17+$0x50 ss:$0x1] =	vst.idx.msk $0xffff, v23  }
0x232: {  	v23 =	vld.idx.msk [tilespmem:v0+s15+$0x60 ss:$0x1], $0xffff  }
0x233: {  	v53 =	vld.idx.msk [tilespmem:v0+s15+$0xE0 ss:$0x1], $0xffff  }
0x234: {  	v54 =	vld.idx.msk [tilespmem:v0+s14+$0x1E0 ss:$0x1], $0xffff  }
0x235: {  	v55 =	vld.idx.msk [tilespmem:v0+s15+$0x160 ss:$0x1], $0xffff  }
0x236: {  	v56 =	vld.idx.msk [tilespmem:v0+s14+$0x260 ss:$0x1], $0xffff;
	v24 =	vadd.f32 v51, v24  }
0x237: {  	v57 =	vld.idx.msk [tilespmem:v0+s15+$0x1E0 ss:$0x1], $0xffff  }
0x238: {  	v58 =	vld.idx.msk [tilespmem:v0+s14+$0x2E0 ss:$0x1], $0xffff;
	v24 =	vadd.f32 v52, v24;
	v23 =	vadd.f32 v53, v23  }
0x239: {  	v59 =	vld.idx.msk [tilespmem:v0+s15+$0x260 ss:$0x1], $0xffff  }
0x23a: {  	v60 =	vld.idx.msk [tilespmem:v0+s14+$0x360 ss:$0x1], $0xffff;
	v24 =	vadd.f32 v54, v24;
	v23 =	vadd.f32 v55, v23  }
0x23b: {  	v61 =	vld.idx.msk [tilespmem:v0+s15+$0x2E0 ss:$0x1], $0xffff  }
0x23c: {  	v62 =	vld.idx.msk [tilespmem:v0+s14+$0x3E0 ss:$0x1], $0xffff;
	v24 =	vadd.f32 v56, v24;
	v23 =	vadd.f32 v57, v23  }
0x23d: {  	v63 =	vld.idx.msk [tilespmem:v0+s15+$0x360 ss:$0x1], $0xffff  }
0x23e: {  	v36 =	vld.idx.msk [tilespmem:v0+s14+$0x460 ss:$0x1], $0xffff;
	v24 =	vadd.f32 v58, v24;
	v23 =	vadd.f32 v59, v23  }
0x23f: {  	v37 =	vld.idx.msk [tilespmem:v0+s15+$0x3E0 ss:$0x1], $0xffff  }
0x240: {  	v38 =	vld.idx.msk [tilespmem:v0+s14+$0x4E0 ss:$0x1], $0xffff;
	v24 =	vadd.f32 v60, v24;
	v23 =	vadd.f32 v61, v23  }
0x241: {  	v39 =	vld.idx.msk [tilespmem:v0+s15+$0x460 ss:$0x1], $0xffff  }
0x242: {  	v40 =	vld.idx.msk [tilespmem:v0+s14+$0x560 ss:$0x1], $0xffff;
	v24 =	vadd.f32 v62, v24;
	v23 =	vadd.f32 v63, v23  }
0x243: {  	v41 =	vld.idx.msk [tilespmem:v0+s15+$0x4E0 ss:$0x1], $0xffff  }
0x244: {  	v42 =	vld.idx.msk [tilespmem:v0+s14+$0x5E0 ss:$0x1], $0xffff;
	v24 =	vadd.f32 v36, v24;
	v23 =	vadd.f32 v37, v23  }
0x245: {  	v43 =	vld.idx.msk [tilespmem:v0+s15+$0x560 ss:$0x1], $0xffff  }
0x246: {  	v44 =	vld.idx.msk [tilespmem:v0+s14+$0x660 ss:$0x1], $0xffff;
	v24 =	vadd.f32 v38, v24;
	v23 =	vadd.f32 v39, v23  }
0x247: {  	v45 =	vld.idx.msk [tilespmem:v0+s15+$0x5E0 ss:$0x1], $0xffff  }
0x248: {  	v46 =	vld.idx.msk [tilespmem:v0+s14+$0x6E0 ss:$0x1], $0xffff;
	v24 =	vadd.f32 v40, v24;
	v23 =	vadd.f32 v41, v23  }
0x249: {  	v47 =	vld.idx.msk [tilespmem:v0+s15+$0x660 ss:$0x1], $0xffff  }
0x24a: {  	v48 =	vld.idx.msk [tilespmem:v0+s14+$0x760 ss:$0x1], $0xffff;
	v24 =	vadd.f32 v42, v24;
	v23 =	vadd.f32 v43, v23  }
0x24b: {  	v49 =	vld.idx.msk [tilespmem:v0+s15+$0x6E0 ss:$0x1], $0xffff  }
0x24c: {  	v50 =	vld.idx.msk [tilespmem:v0+s14+$0x7E0 ss:$0x1], $0xffff;
	v24 =	vadd.f32 v44, v24;
	v23 =	vadd.f32 v45, v23  }
0x24d: {  	v51 =	vld.idx.msk [tilespmem:v0+s15+$0x760 ss:$0x1], $0xffff  }
0x24e: {  	v18 =	vld.idx.msk [tilespmem:v0+s13+$0x270 ss:$0x1], $0xffff;
	v24 =	vadd.f32 v46, v24;
	v23 =	vadd.f32 v47, v23  }
0x24f: {  	v52 =	vld.idx.msk [tilespmem:v0+s15+$0x7E0 ss:$0x1], $0xffff  }
0x250: {  	v22 =	vld.idx.msk [tilespmem:v0+s13+$0xF0 ss:$0x1], $0xffff;
	v24 =	vadd.f32 v48, v24;
	v23 =	vadd.f32 v49, v23  }
0x251: {  	v34 =	vld.idx.msk [tilespmem:v0+s13+$0x7F0 ss:$0x1], $0xffff  }
0x252: {  	v33 =	vld.idx.msk [tilespmem:v0+s13+$0x770 ss:$0x1], $0xffff;
	v24 =	vadd.f32 v50, v24;
	v23 =	vadd.f32 v51, v23  }
0x253: {  	v35 =	vld.idx.msk [tilespmem:v0+s13+$0x5F0 ss:$0x1], $0xffff  }
0x254: {  	v36 =	vld.idx.msk [tilespmem:v0+s13+$0x570 ss:$0x1], $0xffff;
	[tilespmem:v1+s18+$0x60 ss:$0x1] =	vst.idx.msk $0xffff, v24;
	v23 =	vadd.f32 v52, v23  }
0x255: {  	v24 =	vld.idx.msk [tilespmem:v0+s14+$0x70 ss:$0x1], $0xffff  }
0x256: {  	v53 =	vld.idx.msk [tilespmem:v0+s14+$0xF0 ss:$0x1], $0xffff;
	[tilespmem:v1+s17+$0x60 ss:$0x1] =	vst.idx.msk $0xffff, v23  }
0x257: {  	v23 =	vld.idx.msk [tilespmem:v0+s15+$0x70 ss:$0x1], $0xffff  }
0x258: {  	v37 =	vld.idx.msk [tilespmem:v0+s15+$0xF0 ss:$0x1], $0xffff  }
0x259: {  	v38 =	vld.idx.msk [tilespmem:v0+s14+$0x170 ss:$0x1], $0xffff  }
0x25a: {  	v11 =	vadd.f32 v13, v11;
	v54 =	vld.idx.msk [tilespmem:v0+s15+$0x170 ss:$0x1], $0xffff  }
0x25b: {  	v20 =	vadd.f32 v22, v20;
	v55 =	vld.idx.msk [tilespmem:v0+s14+$0x1F0 ss:$0x1], $0xffff  }
0x25c: {  	v11 =	vadd.f32 v12, v11;
	v56 =	vadd.f32 v53, v24;
	v57 =	vld.idx.msk [tilespmem:v0+s15+$0x1F0 ss:$0x1], $0xffff  }
0x25d: {  	v20 =	vadd.f32 v21, v20;
	v59 =	vld.idx.msk [tilespmem:v0+s14+$0x270 ss:$0x1], $0xffff;
	v58 =	vadd.f32 v37, v23  }
0x25e: {  	v10 =	vadd.f32 v10, v11;
	v60 =	vadd.f32 v38, v56;
	v61 =	vld.idx.msk [tilespmem:v0+s15+$0x270 ss:$0x1], $0xffff  }
0x25f: {  	v19 =	vadd.f32 v19, v20;
	v62 =	vld.idx.msk [tilespmem:v0+s14+$0x2F0 ss:$0x1], $0xffff;
	v13 =	vadd.f32 v54, v58  }
0x260: {  	v9 =	vadd.f32 v9, v10;
	v21 =	vld.idx.msk [tilespmem:v0+s15+$0x2F0 ss:$0x1], $0xffff;
	v63 =	vadd.f32 v55, v60  }
0x261: {  	v18 =	vadd.f32 v18, v19;
	v22 =	vld.idx.msk [tilespmem:v0+s14+$0x370 ss:$0x1], $0xffff;
	v13 =	vadd.f32 v57, v13  }
0x262: {  	v8 =	vadd.f32 v8, v9;
	v24 =	vld.idx.msk [tilespmem:v0+s15+$0x370 ss:$0x1], $0xffff;
	v23 =	vadd.f32 v59, v63  }
0x263: {  	v18 =	vadd.f32 v29, v18;
	v26 =	vld.idx.msk [tilespmem:v0+s14+$0x3F0 ss:$0x1], $0xffff;
	v12 =	vadd.f32 v61, v13  }
0x264: {  	v7 =	vadd.f32 v7, v8;
	v37 =	vld.idx.msk [tilespmem:v0+s15+$0x3F0 ss:$0x1], $0xffff;
	v29 =	vadd.f32 v62, v23  }
0x265: {  	v18 =	vadd.f32 v30, v18;
	v38 =	vld.idx.msk [tilespmem:v0+s14+$0x470 ss:$0x1], $0xffff;
	v11 =	vadd.f32 v21, v12  }
0x266: {  	v6 =	vadd.f32 v6, v7;
	v40 =	vld.idx.msk [tilespmem:v0+s15+$0x470 ss:$0x1], $0xffff;
	v39 =	vadd.f32 v22, v29  }
0x267: {  	v18 =	vadd.f32 v27, v18;
	v41 =	vld.idx.msk [tilespmem:v0+s14+$0x4F0 ss:$0x1], $0xffff;
	v10 =	vadd.f32 v24, v11  }
0x268: {  	v5 =	vadd.f32 v5, v6;
	v43 =	vld.idx.msk [tilespmem:v0+s15+$0x4F0 ss:$0x1], $0xffff;
	v42 =	vadd.f32 v26, v39  }
0x269: {  	v44 =	vadd.f32 v28, v18;
	v45 =	vld.idx.msk [tilespmem:v0+s14+$0x570 ss:$0x1], $0xffff;
	v9 =	vadd.f32 v37, v10  }
0x26a: {  	v4 =	vadd.f32 v4, v5;
	v47 =	vld.idx.msk [tilespmem:v0+s15+$0x570 ss:$0x1], $0xffff;
	v46 =	vadd.f32 v38, v42  }
0x26b: {  	v48 =	vadd.f32 v25, v44;
	v49 =	vld.idx.msk [tilespmem:v0+s14+$0x5F0 ss:$0x1], $0xffff;
	v8 =	vadd.f32 v40, v9  }
0x26c: {  	v3 =	vadd.f32 v3, v4;
	v51 =	vld.idx.msk [tilespmem:v0+s15+$0x5F0 ss:$0x1], $0xffff;
	v50 =	vadd.f32 v41, v46  }
0x26d: {  	v52 =	vadd.f32 v36, v48;
	v53 =	vld.idx.msk [tilespmem:v0+s14+$0x670 ss:$0x1], $0xffff;
	v7 =	vadd.f32 v43, v8  }
0x26e: {  	v2 =	vadd.f32 v2, v3;
	v54 =	vld.idx.msk [tilespmem:v0+s15+$0x670 ss:$0x1], $0xffff;
	v3 =	vadd.f32 v45, v50  }
0x26f: {  	v56 =	vld.idx.msk [tilespmem:v0+s14+$0x6F0 ss:$0x1], $0xffff;
	v55 =	vadd.f32 v35, v52;
	v6 =	vadd.f32 v47, v7  }
0x270: {  	v2 =	vadd.f32 v17, v2;
	v57 =	vld.idx.msk [tilespmem:v0+s15+$0x6F0 ss:$0x1], $0xffff;
	v3 =	vadd.f32 v49, v3  }
0x271: {  	v58 =	vld.idx.msk [tilespmem:v0+s14+$0x770 ss:$0x1], $0xffff;
	v10 =	vadd.f32 v31, v55;
	v5 =	vadd.f32 v51, v6  }
0x272: {  	v2 =	vadd.f32 v16, v2;
	v59 =	vld.idx.msk [tilespmem:v0+s15+$0x770 ss:$0x1], $0xffff;
	v3 =	vadd.f32 v53, v3  }
0x273: {  	v60 =	vld.idx.msk [tilespmem:v0+s14+$0x7F0 ss:$0x1], $0xffff;
	v10 =	vadd.f32 v32, v10;
	v4 =	vadd.f32 v54, v5  }
0x274: {  	v2 =	vadd.f32 v15, v2;
	v61 =	vld.idx.msk [tilespmem:v0+s15+$0x7F0 ss:$0x1], $0xffff;
	v3 =	vadd.f32 v56, v3  }
0x275: {  	v62 =	vadd.f32 v33, v10;
	v4 =	vadd.f32 v57, v4  }
0x276: {  	p0 =	slt.u32 s31, $0x14;
	v2 =	vadd.f32 v14, v2;
	v3 =	vadd.f32 v58, v3  }
.Ltmp0:
0x277: {  	v63 =	vadd.f32 v34, v62;
	v4 =	vadd.f32 v59, v4;
	(pc) =	sbr.rel @p0 .LBB2_3-.Ltmp0, $4  }
0x278: {  	[tilespmem:v1+s0+$0x70 ss:$0x1] =	vst.idx.msk $0xffff, v2;
	v2 =	vadd.f32 v60, v3  }
0x279: {  	[tilespmem:v1+s1+$0x70 ss:$0x1] =	vst.idx.msk $0xffff, v63;
	v3 =	vadd.f32 v61, v4  }
0x27a: {  	[tilespmem:v1+s18+$0x70 ss:$0x1] =	vst.idx.msk $0xffff, v2;
	s18 =	sadd.s32 $0x4, s31  }
0x27b: {  	s31 =	smov.u32 s18;
	[tilespmem:v1+s17+$0x70 ss:$0x1] =	vst.idx.msk $0xffff, v3  }
0x27c: {  	v0 =	vld [tilespmem:s30+$0xC340]  }
0x27d: {  	v1 =	vld [tilespmem:s30+$0xC3C0];
	_ =	sdelay $0x1  }
0x27e: {  	v2 =	vld [tilespmem:s30+$0xC440];
	_ =	sdelay $0x1  }
0x27f: {  	v3 =	vld [tilespmem:s30+$0xC4C0]  }
0x280: {  	v0 =	vadd.f32 v1, v0  }
0x281: {  	v63 =	vld [tilespmem:s30+$0xC540]  }
0x282: {  	v0 =	vadd.f32 v2, v0  }
0x283: {  	v6 =	vld [tilespmem:s30+$0xC5C0]  }
0x284: {  	v0 =	vadd.f32 v3, v0  }
0x285: {  	v7 =	vld [tilespmem:s30+$0xC640]  }
0x286: {  	v0 =	vadd.f32 v63, v0  }
0x287: {  	v8 =	vld [tilespmem:s30+$0xC6C0]  }
0x288: {  	v0 =	vadd.f32 v6, v0  }
0x289: {  	v9 =	vld [tilespmem:s30+$0xC740]  }
0x28a: {  	v0 =	vadd.f32 v7, v0  }
0x28b: {  	v10 =	vld [tilespmem:s30+$0xC7C0]  }
0x28c: {  	v0 =	vadd.f32 v8, v0  }
0x28d: {  	v11 =	vld [tilespmem:s30+$0xC840]  }
0x28e: {  	v0 =	vadd.f32 v9, v0  }
0x28f: {  	v12 =	vld [tilespmem:s30+$0xC8C0]  }
0x290: {  	v0 =	vadd.f32 v10, v0  }
0x291: {  	v13 =	vld [tilespmem:s30+$0xC940]  }
0x292: {  	v0 =	vadd.f32 v11, v0  }
0x293: {  	v14 =	vld [tilespmem:s30+$0xC9C0]  }
0x294: {  	v0 =	vadd.f32 v12, v0  }
0x295: {  	v15 =	vld [tilespmem:s30+$0xCA40]  }
0x296: {  	v0 =	vadd.f32 v13, v0  }
0x297: {  	v16 =	vld [tilespmem:s30+$0xCAC0]  }
0x298: {  	v0 =	vadd.f32 v14, v0;
	_ =	sdelay $0x1  }
0x299: {  	v0 =	vadd.f32 v15, v0;
	_ =	sdelay $0x1  }
0x29a: {  	v0 =	vadd.f32 v16, v0;
	_ =	sdelay $0x1  }
0x29b: {  	[tilespmem:s28+$0x19F40] =	vst v0  }
0x29c: {  	v0 =	vld [tilespmem:s30+$0xC350]  }
0x29d: {  	v17 =	vld [tilespmem:s30+$0xC3D0];
	_ =	sdelay $0x1  }
0x29e: {  	v18 =	vld [tilespmem:s30+$0xC450];
	_ =	sdelay $0x1  }
0x29f: {  	v19 =	vld [tilespmem:s30+$0xC4D0]  }
0x2a0: {  	v0 =	vadd.f32 v17, v0  }
0x2a1: {  	v20 =	vld [tilespmem:s30+$0xC550]  }
0x2a2: {  	v0 =	vadd.f32 v18, v0  }
0x2a3: {  	v21 =	vld [tilespmem:s30+$0xC5D0]  }
0x2a4: {  	v0 =	vadd.f32 v19, v0  }
0x2a5: {  	v22 =	vld [tilespmem:s30+$0xC650]  }
0x2a6: {  	v0 =	vadd.f32 v20, v0  }
0x2a7: {  	v23 =	vld [tilespmem:s30+$0xC6D0]  }
0x2a8: {  	v0 =	vadd.f32 v21, v0  }
0x2a9: {  	v24 =	vld [tilespmem:s30+$0xC750]  }
0x2aa: {  	v0 =	vadd.f32 v22, v0  }
0x2ab: {  	v25 =	vld [tilespmem:s30+$0xC7D0]  }
0x2ac: {  	v0 =	vadd.f32 v23, v0  }
0x2ad: {  	v26 =	vld [tilespmem:s30+$0xC850]  }
0x2ae: {  	v0 =	vadd.f32 v24, v0  }
0x2af: {  	v27 =	vld [tilespmem:s30+$0xC8D0]  }
0x2b0: {  	v0 =	vadd.f32 v25, v0  }
0x2b1: {  	v28 =	vld [tilespmem:s30+$0xC950]  }
0x2b2: {  	v0 =	vadd.f32 v26, v0  }
0x2b3: {  	v29 =	vld [tilespmem:s30+$0xC9D0]  }
0x2b4: {  	v0 =	vadd.f32 v27, v0  }
0x2b5: {  	v30 =	vld [tilespmem:s30+$0xCA50]  }
0x2b6: {  	v0 =	vadd.f32 v28, v0  }
0x2b7: {  	v31 =	vld [tilespmem:s30+$0xCAD0]  }
0x2b8: {  	v0 =	vadd.f32 v29, v0;
	_ =	sdelay $0x1  }
0x2b9: {  	v0 =	vadd.f32 v30, v0;
	_ =	sdelay $0x1  }
0x2ba: {  	v0 =	vadd.f32 v31, v0;
	_ =	sdelay $0x1  }
0x2bb: {  	[tilespmem:s28+$0x19F50] =	vst v0  }
0x2bc: {  	v0 =	vld [tilespmem:s30+$0xC360]  }
0x2bd: {  	v32 =	vld [tilespmem:s30+$0xC3E0];
	_ =	sdelay $0x1  }
0x2be: {  	v33 =	vld [tilespmem:s30+$0xC460];
	_ =	sdelay $0x1  }
0x2bf: {  	v34 =	vld [tilespmem:s30+$0xC4E0]  }
0x2c0: {  	v0 =	vadd.f32 v32, v0  }
0x2c1: {  	v35 =	vld [tilespmem:s30+$0xC560]  }
0x2c2: {  	v0 =	vadd.f32 v33, v0  }
0x2c3: {  	v36 =	vld [tilespmem:s30+$0xC5E0]  }
0x2c4: {  	v0 =	vadd.f32 v34, v0  }
0x2c5: {  	v37 =	vld [tilespmem:s30+$0xC660]  }
0x2c6: {  	v0 =	vadd.f32 v35, v0  }
0x2c7: {  	v38 =	vld [tilespmem:s30+$0xC6E0]  }
0x2c8: {  	v0 =	vadd.f32 v36, v0  }
0x2c9: {  	v39 =	vld [tilespmem:s30+$0xC760]  }
0x2ca: {  	v0 =	vadd.f32 v37, v0  }
0x2cb: {  	v40 =	vld [tilespmem:s30+$0xC7E0]  }
0x2cc: {  	v0 =	vadd.f32 v38, v0  }
0x2cd: {  	v41 =	vld [tilespmem:s30+$0xC860]  }
0x2ce: {  	v0 =	vadd.f32 v39, v0  }
0x2cf: {  	v42 =	vld [tilespmem:s30+$0xC8E0]  }
0x2d0: {  	v0 =	vadd.f32 v40, v0  }
0x2d1: {  	v43 =	vld [tilespmem:s30+$0xC960]  }
0x2d2: {  	v0 =	vadd.f32 v41, v0  }
0x2d3: {  	v44 =	vld [tilespmem:s30+$0xC9E0]  }
0x2d4: {  	v0 =	vadd.f32 v42, v0  }
0x2d5: {  	v45 =	vld [tilespmem:s30+$0xCA60]  }
0x2d6: {  	v0 =	vadd.f32 v43, v0  }
0x2d7: {  	v46 =	vld [tilespmem:s30+$0xCAE0]  }
0x2d8: {  	v0 =	vadd.f32 v44, v0;
	_ =	sdelay $0x1  }
0x2d9: {  	v0 =	vadd.f32 v45, v0;
	_ =	sdelay $0x1  }
0x2da: {  	v0 =	vadd.f32 v46, v0;
	_ =	sdelay $0x1  }
0x2db: {  	[tilespmem:s28+$0x19F60] =	vst v0  }
0x2dc: {  	v0 =	vld [tilespmem:s30+$0xC370]  }
0x2dd: {  	v47 =	vld [tilespmem:s30+$0xC3F0];
	_ =	sdelay $0x1  }
0x2de: {  	v48 =	vld [tilespmem:s30+$0xC470];
	_ =	sdelay $0x1  }
0x2df: {  	v49 =	vld [tilespmem:s30+$0xC4F0]  }
0x2e0: {  	v0 =	vadd.f32 v47, v0  }
0x2e1: {  	v50 =	vld [tilespmem:s30+$0xC570]  }
0x2e2: {  	v0 =	vadd.f32 v48, v0  }
0x2e3: {  	v51 =	vld [tilespmem:s30+$0xC5F0]  }
0x2e4: {  	v0 =	vadd.f32 v49, v0  }
0x2e5: {  	v52 =	vld [tilespmem:s30+$0xC670]  }
0x2e6: {  	v0 =	vadd.f32 v50, v0  }
0x2e7: {  	v53 =	vld [tilespmem:s30+$0xC6F0]  }
0x2e8: {  	v0 =	vadd.f32 v51, v0  }
0x2e9: {  	v54 =	vld [tilespmem:s30+$0xC770]  }
0x2ea: {  	v0 =	vadd.f32 v52, v0  }
0x2eb: {  	v55 =	vld [tilespmem:s30+$0xC7F0]  }
0x2ec: {  	v0 =	vadd.f32 v53, v0  }
0x2ed: {  	v56 =	vld [tilespmem:s30+$0xC870]  }
0x2ee: {  	v0 =	vadd.f32 v54, v0  }
0x2ef: {  	v57 =	vld [tilespmem:s30+$0xC8F0]  }
0x2f0: {  	v0 =	vadd.f32 v55, v0  }
0x2f1: {  	v58 =	vld [tilespmem:s30+$0xC970]  }
0x2f2: {  	v0 =	vadd.f32 v56, v0  }
0x2f3: {  	v59 =	vld [tilespmem:s30+$0xC9F0]  }
0x2f4: {  	v0 =	vadd.f32 v57, v0  }
0x2f5: {  	v60 =	vld [tilespmem:s30+$0xCA70]  }
0x2f6: {  	v0 =	vadd.f32 v58, v0  }
0x2f7: {  	v61 =	vld [tilespmem:s30+$0xCAF0]  }
0x2f8: {  	v0 =	vadd.f32 v59, v0;
	_ =	sdelay $0x1  }
0x2f9: {  	v0 =	vadd.f32 v60, v0;
	_ =	sdelay $0x1  }
0x2fa: {  	v0 =	vadd.f32 v61, v0;
	_ =	sdelay $0x1  }
0x2fb: {  	[tilespmem:s28+$0x19F70] =	vst v0  }
0x2fc: {  	v0 =	vld [tilespmem:s30+$0xC380]  }
0x2fd: {  	v62 =	vld [tilespmem:s30+$0xC400];
	_ =	sdelay $0x1  }
0x2fe: {  	v63 =	vld [tilespmem:s30+$0xC480];
	_ =	sdelay $0x1  }
0x2ff: {  	v6 =	vld [tilespmem:s30+$0xC500]  }
0x300: {  	v0 =	vadd.f32 v62, v0  }
0x301: {  	v7 =	vld [tilespmem:s30+$0xC580]  }
0x302: {  	v0 =	vadd.f32 v63, v0  }
0x303: {  	v8 =	vld [tilespmem:s30+$0xC600]  }
0x304: {  	v0 =	vadd.f32 v6, v0  }
0x305: {  	v9 =	vld [tilespmem:s30+$0xC680]  }
0x306: {  	v0 =	vadd.f32 v7, v0  }
0x307: {  	v10 =	vld [tilespmem:s30+$0xC700]  }
0x308: {  	v0 =	vadd.f32 v8, v0  }
0x309: {  	v11 =	vld [tilespmem:s30+$0xC780]  }
0x30a: {  	v0 =	vadd.f32 v9, v0  }
0x30b: {  	v12 =	vld [tilespmem:s30+$0xC800]  }
0x30c: {  	v0 =	vadd.f32 v10, v0  }
0x30d: {  	v13 =	vld [tilespmem:s30+$0xC880]  }
0x30e: {  	v0 =	vadd.f32 v11, v0  }
0x30f: {  	v14 =	vld [tilespmem:s30+$0xC900]  }
0x310: {  	v0 =	vadd.f32 v12, v0  }
0x311: {  	v15 =	vld [tilespmem:s30+$0xC980]  }
0x312: {  	v0 =	vadd.f32 v13, v0  }
0x313: {  	v16 =	vld [tilespmem:s30+$0xCA00]  }
0x314: {  	v0 =	vadd.f32 v14, v0  }
0x315: {  	v17 =	vld [tilespmem:s30+$0xCA80]  }
0x316: {  	v0 =	vadd.f32 v15, v0  }
0x317: {  	v18 =	vld [tilespmem:s30+$0xCB00]  }
0x318: {  	v0 =	vadd.f32 v16, v0;
	_ =	sdelay $0x1  }
0x319: {  	v0 =	vadd.f32 v17, v0;
	_ =	sdelay $0x1  }
0x31a: {  	v0 =	vadd.f32 v18, v0;
	_ =	sdelay $0x1  }
0x31b: {  	[tilespmem:s28+$0x19F80] =	vst v0  }
0x31c: {  	v0 =	vld [tilespmem:s30+$0xC390]  }
0x31d: {  	v19 =	vld [tilespmem:s30+$0xC410];
	_ =	sdelay $0x1  }
0x31e: {  	v20 =	vld [tilespmem:s30+$0xC490];
	_ =	sdelay $0x1  }
0x31f: {  	v21 =	vld [tilespmem:s30+$0xC510]  }
0x320: {  	v0 =	vadd.f32 v19, v0  }
0x321: {  	v22 =	vld [tilespmem:s30+$0xC590]  }
0x322: {  	v0 =	vadd.f32 v20, v0  }
0x323: {  	v23 =	vld [tilespmem:s30+$0xC610]  }
0x324: {  	v0 =	vadd.f32 v21, v0  }
0x325: {  	v24 =	vld [tilespmem:s30+$0xC690]  }
0x326: {  	v0 =	vadd.f32 v22, v0  }
0x327: {  	v25 =	vld [tilespmem:s30+$0xC710]  }
0x328: {  	v0 =	vadd.f32 v23, v0  }
0x329: {  	v26 =	vld [tilespmem:s30+$0xC790]  }
0x32a: {  	v0 =	vadd.f32 v24, v0  }
0x32b: {  	v27 =	vld [tilespmem:s30+$0xC810]  }
0x32c: {  	v0 =	vadd.f32 v25, v0  }
0x32d: {  	v28 =	vld [tilespmem:s30+$0xC890]  }
0x32e: {  	v0 =	vadd.f32 v26, v0  }
0x32f: {  	v29 =	vld [tilespmem:s30+$0xC910]  }
0x330: {  	v0 =	vadd.f32 v27, v0  }
0x331: {  	v30 =	vld [tilespmem:s30+$0xC990]  }
0x332: {  	v0 =	vadd.f32 v28, v0  }
0x333: {  	v31 =	vld [tilespmem:s30+$0xCA10]  }
0x334: {  	v0 =	vadd.f32 v29, v0  }
0x335: {  	v32 =	vld [tilespmem:s30+$0xCA90]  }
0x336: {  	v0 =	vadd.f32 v30, v0  }
0x337: {  	v33 =	vld [tilespmem:s30+$0xCB10]  }
0x338: {  	v0 =	vadd.f32 v31, v0;
	_ =	sdelay $0x1  }
0x339: {  	v0 =	vadd.f32 v32, v0;
	_ =	sdelay $0x1  }
0x33a: {  	v0 =	vadd.f32 v33, v0;
	_ =	sdelay $0x1  }
0x33b: {  	[tilespmem:s28+$0x19F90] =	vst v0  }
0x33c: {  	v0 =	vld [tilespmem:s30+$0xC3A0]  }
0x33d: {  	v34 =	vld [tilespmem:s30+$0xC420];
	_ =	sdelay $0x1  }
0x33e: {  	v35 =	vld [tilespmem:s30+$0xC4A0];
	_ =	sdelay $0x1  }
0x33f: {  	v36 =	vld [tilespmem:s30+$0xC520]  }
0x340: {  	v0 =	vadd.f32 v34, v0  }
0x341: {  	v37 =	vld [tilespmem:s30+$0xC5A0]  }
0x342: {  	v0 =	vadd.f32 v35, v0  }
0x343: {  	v38 =	vld [tilespmem:s30+$0xC620]  }
0x344: {  	v0 =	vadd.f32 v36, v0  }
0x345: {  	v39 =	vld [tilespmem:s30+$0xC6A0]  }
0x346: {  	v0 =	vadd.f32 v37, v0  }
0x347: {  	v40 =	vld [tilespmem:s30+$0xC720]  }
0x348: {  	v0 =	vadd.f32 v38, v0  }
0x349: {  	v41 =	vld [tilespmem:s30+$0xC7A0]  }
0x34a: {  	v0 =	vadd.f32 v39, v0  }
0x34b: {  	v42 =	vld [tilespmem:s30+$0xC820]  }
0x34c: {  	v0 =	vadd.f32 v40, v0  }
0x34d: {  	v43 =	vld [tilespmem:s30+$0xC8A0]  }
0x34e: {  	v0 =	vadd.f32 v41, v0  }
0x34f: {  	v44 =	vld [tilespmem:s30+$0xC920]  }
0x350: {  	v0 =	vadd.f32 v42, v0  }
0x351: {  	v45 =	vld [tilespmem:s30+$0xC9A0]  }
0x352: {  	v0 =	vadd.f32 v43, v0  }
0x353: {  	v46 =	vld [tilespmem:s30+$0xCA20]  }
0x354: {  	v0 =	vadd.f32 v44, v0  }
0x355: {  	v47 =	vld [tilespmem:s30+$0xCAA0]  }
0x356: {  	v0 =	vadd.f32 v45, v0  }
0x357: {  	v48 =	vld [tilespmem:s30+$0xCB20]  }
0x358: {  	v0 =	vadd.f32 v46, v0;
	_ =	sdelay $0x1  }
0x359: {  	v0 =	vadd.f32 v47, v0;
	_ =	sdelay $0x1  }
0x35a: {  	v0 =	vadd.f32 v48, v0;
	_ =	sdelay $0x1  }
0x35b: {  	[tilespmem:s28+$0x19FA0] =	vst v0  }
0x35c: {  	v0 =	vld [tilespmem:s30+$0xC3B0]  }
0x35d: {  	v49 =	vld [tilespmem:s30+$0xC430];
	_ =	sdelay $0x1  }
0x35e: {  	v50 =	vld [tilespmem:s30+$0xC4B0];
	_ =	sdelay $0x1  }
0x35f: {  	v51 =	vld [tilespmem:s30+$0xC530]  }
0x360: {  	v0 =	vadd.f32 v49, v0  }
0x361: {  	v52 =	vld [tilespmem:s30+$0xC5B0]  }
0x362: {  	v0 =	vadd.f32 v50, v0  }
0x363: {  	v53 =	vld [tilespmem:s30+$0xC630]  }
0x364: {  	v0 =	vadd.f32 v51, v0  }
0x365: {  	v54 =	vld [tilespmem:s30+$0xC6B0]  }
0x366: {  	v0 =	vadd.f32 v52, v0  }
0x367: {  	v55 =	vld [tilespmem:s30+$0xC730]  }
0x368: {  	v0 =	vadd.f32 v53, v0  }
0x369: {  	v56 =	vld [tilespmem:s30+$0xC7B0]  }
0x36a: {  	v0 =	vadd.f32 v54, v0  }
0x36b: {  	v57 =	vld [tilespmem:s30+$0xC830]  }
0x36c: {  	v0 =	vadd.f32 v55, v0  }
0x36d: {  	v58 =	vld [tilespmem:s30+$0xC8B0]  }
0x36e: {  	v0 =	vadd.f32 v56, v0  }
0x36f: {  	v59 =	vld [tilespmem:s30+$0xC930]  }
0x370: {  	v0 =	vadd.f32 v57, v0  }
0x371: {  	v60 =	vld [tilespmem:s30+$0xC9B0]  }
0x372: {  	v0 =	vadd.f32 v58, v0  }
0x373: {  	v61 =	vld [tilespmem:s30+$0xCA30]  }
0x374: {  	v0 =	vadd.f32 v59, v0  }
0x375: {  	v62 =	vld [tilespmem:s30+$0xCAB0]  }
0x376: {  	v0 =	vadd.f32 v60, v0  }
0x377: {  	v63 =	vld [tilespmem:s30+$0xCB30]  }
0x378: {  	v0 =	vadd.f32 v61, v0;
	_ =	sdelay $0x1  }
0x379: {  	s0 =	smul.u32 $0x19, s24;
	p0 =	sne.s32 s26, $0x19;
	v0 =	vadd.f32 v62, v0  }
.Ltmp1:
0x37a: {  	_ = 	snop;
	(pc) =	sbr.rel @p0 .LBB2_2-.Ltmp1, $4  }
0x37b: {  	s0 =	sadd.s32 s9, s0;
	v0 =	vadd.f32 v63, v0  }
0x37c: {  	s0 =	sshll.u32 s0, $0x4  }
0x37d: {  	s24 =	smov.u32 s26;
	s0 =	sadd.s32 s2, s0;
	[tilespmem:s28+$0x19FB0] =	vst v0  }
0x37e: {  	[hbm4b:s0+s3] =	stream.linear.scatter [tilespmem:s29], [sflag:s25], $0xC80, $0x38;
	[tilespmem:$0x1AC40] =	vst v63  }
0x37f: {  	s23 =	sadd.s32 $0x1, s23  }
0x380: {  	_ =	swait.ge [sflag:s21], $0xC80;
	p0 =	sne.s32 s23, s10  }
.Ltmp2:
0x381: {  	[sflag:s21] =	ssyncset.done $0x0;
	(pc) =	sbr.rel @p0 .LBB2_1-.Ltmp2, $4  }
0x382: {  	[sflag:s21] =	ssyncadd.s32 $0xFFFFF380  }
0x383: {  	_ =	swait.ge [sflag:s22], $0xC80  }
0x384: {  	[sflag:s22] =	ssyncset.done $0x0  }
0x385: {  	[sflag:s22] =	ssyncadd.s32 $0xFFFFF380  }
0x386: {  	_ =	sfence.sel $0x180000  }
0x387: {  	[bflag:$0x0] =	sbarrier.arrive $0xFFFF  }
0x388: {  	_ =	strace $0x90000047  }
0x389: {  	s0 =	stileid.u32;
	[bflag:$0x2] =	sbarrier.arrive $0xFFFF  }
0x38a: {  	p0 =	sne.s32 s0, $0x0;
	s0 =	rddreg [dreg:$0x3]  }
0x38b: {  	s0 =	sadd.s32 @!p0 $0x100000, s0  }
0x38c: {  	[sflag:s0] =	ssyncadd.tile.s32 @!p0 $0x1;
	_ =	shalt  }
.Lfunc_end2:
_tile_overlayer_lowered:
.L_overlay_start_2:
0x38d: {  	(tag) =	ssettag $0x2  }
0x38e: {  	s0 =	rddreg [dreg:$0x0];
	s2 =	stileid.u32  }
0x38f: {  	s1 =	rddreg [dreg:$0x1];
	p0 =	sne.s32 s2, $0x0  }
0x390: {  	s3 =	rddreg [dreg:$0x2];
	[bflag:$0x3] =	sbarrier.arrive $0xFFFF;
	s2 =	simm.s32 @!p0 $0x1C07  }
0x391: {  	[timem:s3], [sflag:s2] =	dma.local @!p0 [hbm:s0], s1  }
0x392: {  	s0 =	simm.s32 @!p0 $0x7  }
0x393: {  	_ =	swait.ge @!p0 [sflag:s0], s1  }
0x394: {  	s1 =	ssub.s32 @!p0 $0x0, s1;
	[sflag:s0] =	ssyncset.done @!p0 $0x0  }
0x395: {  	[sflag:s0] =	ssyncadd.s32 @!p0 s1  }
0x396: {  	[bflag:$0x3] =	sbarrier.arrive $0xFFFF  }
0x397: {  	_ =	shalt  }

</sc_bundles>
